<compile_context>
chip_gen: v7x
topology: tpu7x:2x2x1
jax: 0.10.2.dev20260603
libtpu: 0.0.44.dev20260713+nightly
codegen_flags: <defaults>
</compile_context>

<pallas_src>
import functools

import jax
import jax.numpy as jnp
from jax import lax
from jax.experimental import pallas as pl
from jax.experimental.pallas import tpu as pltpu
from jax.experimental.pallas import tpu_sc as plsc

_NIMG = 16
_I_TC = 11
_I_SC = _NIMG - _I_TC
_NPATCH = 64
_NC = 2
_NS = 16
_NW = _NC * _NS
_R = 3 * 512
_RT = _R // _NW



def _sc_body(img_hbm, adv_hbm, bbox_hbm, out_hbm,
             bbox_v, acc_v, pbuf_v, tgt_s, order_s, start_s, cur_s,
             isem, psem, osem):
    wid = lax.axis_index("s") * _NC + lax.axis_index("c")
    r0 = wid * _RT

    pltpu.sync_copy(bbox_hbm, bbox_v)
    for g in range(_NPATCH // 16):
        vec = bbox_v[pl.ds(g * 16, 16)]
        for l in range(16):
            tgt_s[g * 16 + l] = vec[l]

    for i in range(_NIMG + 1):
        start_s[i] = 0
    for i in range(_NIMG):
        cur_s[i] = 0
    for b in range(_NPATCH):
        t = tgt_s[b]
        start_s[t + 1] = start_s[t + 1] + 1
    for i in range(_NIMG):
        start_s[i + 1] = start_s[i + 1] + start_s[i]
    for b in range(_NPATCH):
        t = tgt_s[b]
        p = start_s[t] + cur_s[t]
        order_s[p] = b
        cur_s[t] = cur_s[t] + 1

    def img_copy(i, slot):
        return pltpu.make_async_copy(
            img_hbm.at[_I_TC + i, pl.ds(r0, _RT), :], acc_v.at[slot],
            isem.at[slot])

    def patch_copy(j, slot):
        b = order_s[j]
        return pltpu.make_async_copy(
            adv_hbm.at[b, pl.ds(r0, _RT), :], pbuf_v.at[slot], psem.at[slot])

    def out_copy(i, slot):
        return pltpu.make_async_copy(
            acc_v.at[slot], out_hbm.at[i, pl.ds(r0, _RT), :], osem.at[slot])

    img_copy(0, 0).start()

    @pl.loop(0, _I_SC)
    def _img_loop(i):
        slot = i % 2
        other = 1 - slot

        @pl.when(i >= 1)
        def _():
            out_copy(i - 1, other).wait()

        @pl.when(i + 1 < _I_SC)
        def _():
            img_copy(i + 1, other).start()

        img_copy(i, slot).wait()

        s = start_s[_I_TC + i]
        n = start_s[_I_TC + i + 1] - s

        @pl.when(n > 0)
        def _():
            patch_copy(s, 0).start()

            @pl.loop(0, n)
            def _patch_loop(k):
                pslot = k % 2

                @pl.when(k + 1 < n)
                def _():
                    patch_copy(s + k + 1, 1 - pslot).start()

                patch_copy(s + k, pslot).wait()

                @pl.loop(0, _RT * 2)
                def _merge(q):
                    r = q // 2
                    c0 = (q % 2) * 256
                    avs = [pbuf_v[pslot, r, pl.ds(c0 + u * 16, 16)]
                           for u in range(16)]
                    cvs = [acc_v[slot, r, pl.ds(c0 + u * 16, 16)]
                           for u in range(16)]
                    outs = [jnp.where(a == 0.0, c, a)
                            for a, c in zip(avs, cvs)]
                    for u in range(16):
                        acc_v[slot, r, pl.ds(c0 + u * 16, 16)] = outs[u]

        out_copy(i, slot).start()

    out_copy(_I_SC - 1, (_I_SC - 1) % 2).wait()


def _sc_call(img3, adv3, bbox):
    run = pl.kernel(
        _sc_body,
        out_type=jax.ShapeDtypeStruct((_I_SC, _R, 512), jnp.float32),
        mesh=plsc.VectorSubcoreMesh(core_axis_name="c", subcore_axis_name="s"),
        compiler_params=pltpu.CompilerParams(use_tc_tiling_on_sc=True),
        scratch_types=[
            pltpu.VMEM((_NPATCH,), jnp.int32),
            pltpu.VMEM((2, _RT, 512), jnp.float32),
            pltpu.VMEM((2, _RT, 512), jnp.float32),
            pltpu.SMEM((_NPATCH,), jnp.int32),
            pltpu.SMEM((_NPATCH,), jnp.int32),
            pltpu.SMEM((_NIMG + 1,), jnp.int32),
            pltpu.SMEM((_NIMG,), jnp.int32),
            pltpu.SemaphoreType.DMA((2,)),
            pltpu.SemaphoreType.DMA((2,)),
            pltpu.SemaphoreType.DMA((2,)),
        ],
    )
    return run(img3, adv3, bbox)



def _tc_body(starts_ref, order_ref, img_ref, adv_any, out_ref,
             pbuf, psem):
    i = pl.program_id(0)
    out_ref[0] = img_ref[0]

    s = starts_ref[i]
    n = starts_ref[i + 1] - s

    def patch_copy(j, slot):
        b = order_ref[j]
        return pltpu.make_async_copy(
            adv_any.at[b], pbuf.at[slot], psem.at[slot])

    @pl.when(n > 0)
    def _():
        patch_copy(s, 0).start()

        def body(k, _):
            pslot = lax.rem(k, 2)

            @pl.when(k + 1 < n)
            def _():
                patch_copy(s + k + 1, 1 - pslot).start()

            patch_copy(s + k, pslot).wait()
            a = pbuf[pslot]
            out_ref[0] = jnp.where(a == 0.0, out_ref[0], a)
            return 0

        lax.fori_loop(0, n, body, 0)


def _tc_call(img3, adv3, starts, order):
    grid_spec = pltpu.PrefetchScalarGridSpec(
        num_scalar_prefetch=2,
        grid=(_I_TC,),
        in_specs=[
            pl.BlockSpec((1, _R, 512),
                         lambda i, starts, order: (i, 0, 0)),
            pl.BlockSpec(memory_space=pl.ANY),
        ],
        out_specs=pl.BlockSpec((1, _R, 512),
                               lambda i, starts, order: (i, 0, 0)),
        scratch_shapes=[
            pltpu.VMEM((2, _R, 512), jnp.float32),
            pltpu.SemaphoreType.DMA((2,)),
        ],
    )
    return pl.pallas_call(
        _tc_body,
        grid_spec=grid_spec,
        out_shape=jax.ShapeDtypeStruct((_I_TC, _R, 512), jnp.float32),
    )(starts, order, img3, adv3)



@jax.jit
def _patch_apply(img3, adv3, bbox):
    iota = jnp.arange(_NPATCH, dtype=jnp.int32)
    before = ((bbox[None, :] < bbox[:, None])
              | ((bbox[None, :] == bbox[:, None])
                 & (iota[None, :] < iota[:, None])))
    pos = before.sum(axis=1).astype(jnp.int32)
    order = ((pos[None, :] == iota[:, None]) * iota[None, :]).sum(
        axis=1).astype(jnp.int32)
    counts = (bbox[None, :] == jnp.arange(_NIMG)[:, None]).sum(axis=1)
    starts = jnp.concatenate(
        [jnp.zeros((1,), jnp.int32), jnp.cumsum(counts).astype(jnp.int32)])
    sc_out = _sc_call(img3, adv3, bbox)
    tc_out = _tc_call(img3, adv3, starts, order)
    return jnp.concatenate([tc_out, sc_out], axis=0)


def kernel(img_batch, adv_batch, bbox2img):
    img3 = img_batch.reshape(_NIMG, _R, 512)
    adv3 = adv_batch.reshape(_NPATCH, _R, 512)
    bbox = bbox2img.astype(jnp.int32)
    out = _patch_apply(img3, adv3, bbox)
    return out.reshape(img_batch.shape)

# --- scband reference (transcript-rebuilt; emitter-appended) ---
"""Pipeline reference for scband-patch-applier-85779086836096 (READ-ONLY COPY).

The authoritative reference and input builder live on the scoring server;
editing this copy changes nothing except your own understanding.
"""

import jax, jax.numpy as jnp
import numpy as np


def setup_inputs(seed: int = 0) -> dict:
    key = jax.random.key(seed)
    k1, k2, k3 = jax.random.split(key, 3)
    img_batch = jax.random.normal(k1, (16, 3, 512, 512), dtype=jnp.float32)
    adv_batch = jax.random.normal(k2, (64, 3, 512, 512), dtype=jnp.float32)
    bbox2img = jax.random.randint(k3, (64,), 0, 16)
    return {"img_batch": img_batch, "adv_batch": adv_batch, "bbox2img": bbox2img}


def reference(img_batch, adv_batch, bbox2img):
    # Faithful translation of PatchApplier.forward: sequential in-place
    # overwrite of images indexed by bbox2img, keeping original pixels
    # wherever the adversarial patch is exactly zero.
    n_bbox = adv_batch.shape[0]
    out = img_batch
    for b in range(n_bbox):
        adv = adv_batch[b]
        idx = bbox2img[b]
        merged = jnp.where(adv == 0, out[idx], adv)
        out = out.at[idx].set(merged)
    return out

if __name__ == "__main__":
    import jax
    _d = setup_inputs()
    print(jax.jit(kernel)(*tuple(_d.values())))

</pallas_src>

<mosaic_0001>
#map = affine_map<(d0, d1) -> (0, 0, 0)>
#map1 = affine_map<(d0, d1) -> (0)>
module attributes {stable_mosaic.version = 14 : i64} {
  func.func @_sc_body(%arg0: i32, %arg1: i32, %arg2: memref<16x1536x512xf32, #tpu.memory_space<hbm>>, %arg3: memref<64x1536x512xf32, #tpu.memory_space<hbm>>, %arg4: memref<64xi32, #tpu.memory_space<hbm>>, %arg5: memref<5x1536x512xf32, #tpu.memory_space<hbm>>, %arg6: memref<64xi32, #tpu.memory_space<vmem>>, %arg7: memref<2x48x512xf32, #tpu.memory_space<vmem>>, %arg8: memref<2x48x512xf32, #tpu.memory_space<vmem>>, %arg9: memref<64xi32, #tpu.memory_space<smem>>, %arg10: memref<64xi32, #tpu.memory_space<smem>>, %arg11: memref<17xi32, #tpu.memory_space<smem>>, %arg12: memref<16xi32, #tpu.memory_space<smem>>, %arg13: memref<2x!tpu.dma_semaphore, #tpu.memory_space<semaphore_mem>>, %arg14: memref<2x!tpu.dma_semaphore, #tpu.memory_space<semaphore_mem>>, %arg15: memref<2x!tpu.dma_semaphore, #tpu.memory_space<semaphore_mem>>) attributes {dimension_semantics = [#tpu.dimension_semantics<core_parallel>, #tpu.dimension_semantics<subcore_parallel>], iteration_bounds = array<i64: 2, 16>, scalar_prefetch = 0 : i64, scratch_operands = 10 : i64, tpu.core_type = #tpu.core_type<sc_vector_subcore>, window_params = [{transform_indices = #map}, {transform_indices = #map}, {transform_indices = #map1}, {transform_indices = #map}]} {
    %mul3A = arith.constant 2 : i32
    %mul3A_0 = arith.muli %arg1, %mul3A : i32
    %add3A = arith.addi %mul3A_0, %arg0 : i32
    %mul3A_1 = arith.constant 48 : i32
    %mul3A_2 = arith.muli %add3A, %mul3A_1 : i32
    "tpu.region"() ({
      %run_scoped3A = tpu.sem_alloc : memref<!tpu.dma_semaphore, #tpu.memory_space<semaphore_mem>>
      tpu.enqueue_dma source(%arg4 : memref<64xi32, #tpu.memory_space<hbm>>) target(%arg6 : memref<64xi32, #tpu.memory_space<vmem>>) target_semaphore(%run_scoped3A : memref<!tpu.dma_semaphore, #tpu.memory_space<semaphore_mem>>)
      tpu.wait_dma2 semaphore(%run_scoped3A : memref<!tpu.dma_semaphore, #tpu.memory_space<semaphore_mem>>) src(%arg4 : memref<64xi32, #tpu.memory_space<hbm>>) dst(%arg6 : memref<64xi32, #tpu.memory_space<vmem>>)
      tpu.yield
    }) : () -> ()
    %get3A = arith.constant 0 : index
    %get3A_3 = tpu.vector_load %arg6[%get3A] {strides = array<i32>} : memref<64xi32, #tpu.memory_space<vmem>>, vector<16xi32>,
    %get3A_4 = vector.shape_cast %get3A_3 : vector<16xi32> to vector<16xi32>
    %slice3A = vector.extract_strided_slice %get3A_4 {offsets = [0], sizes = [1], strides = [1]} : vector<16xi32> to vector<1xi32>
    %squeeze3A = vector.extract %slice3A[0] : i32 from vector<1xi32>
    %swap3A = arith.constant 0 : i32
    %swap3A_5 = arith.index_cast %swap3A : i32 to index
    %swap3A_6 = memref.load %arg9[%swap3A_5] : memref<64xi32, #tpu.memory_space<smem>>
    memref.store %squeeze3A, %arg9[%swap3A_5] : memref<64xi32, #tpu.memory_space<smem>>
    %slice3A_7 = vector.extract_strided_slice %get3A_4 {offsets = [1], sizes = [1], strides = [1]} : vector<16xi32> to vector<1xi32>
    %squeeze3A_8 = vector.extract %slice3A_7[0] : i32 from vector<1xi32>
    %swap3A_9 = arith.constant 1 : i32
    %swap3A_10 = arith.index_cast %swap3A_9 : i32 to index
    %swap3A_11 = memref.load %arg9[%swap3A_10] : memref<64xi32, #tpu.memory_space<smem>>
    memref.store %squeeze3A_8, %arg9[%swap3A_10] : memref<64xi32, #tpu.memory_space<smem>>
    %slice3A_12 = vector.extract_strided_slice %get3A_4 {offsets = [2], sizes = [1], strides = [1]} : vector<16xi32> to vector<1xi32>
    %squeeze3A_13 = vector.extract %slice3A_12[0] : i32 from vector<1xi32>
    %swap3A_14 = arith.constant 2 : i32
    %swap3A_15 = arith.index_cast %swap3A_14 : i32 to index
    %swap3A_16 = memref.load %arg9[%swap3A_15] : memref<64xi32, #tpu.memory_space<smem>>
    memref.store %squeeze3A_13, %arg9[%swap3A_15] : memref<64xi32, #tpu.memory_space<smem>>
    %slice3A_17 = vector.extract_strided_slice %get3A_4 {offsets = [3], sizes = [1], strides = [1]} : vector<16xi32> to vector<1xi32>
    %squeeze3A_18 = vector.extract %slice3A_17[0] : i32 from vector<1xi32>
    %swap3A_19 = arith.constant 3 : i32
    %swap3A_20 = arith.index_cast %swap3A_19 : i32 to index
    %swap3A_21 = memref.load %arg9[%swap3A_20] : memref<64xi32, #tpu.memory_space<smem>>
    memref.store %squeeze3A_18, %arg9[%swap3A_20] : memref<64xi32, #tpu.memory_space<smem>>
    %slice3A_22 = vector.extract_strided_slice %get3A_4 {offsets = [4], sizes = [1], strides = [1]} : vector<16xi32> to vector<1xi32>
    %squeeze3A_23 = vector.extract %slice3A_22[0] : i32 from vector<1xi32>
    %swap3A_24 = arith.constant 4 : i32
    %swap3A_25 = arith.index_cast %swap3A_24 : i32 to index
    %swap3A_26 = memref.load %arg9[%swap3A_25] : memref<64xi32, #tpu.memory_space<smem>>
    memref.store %squeeze3A_23, %arg9[%swap3A_25] : memref<64xi32, #tpu.memory_space<smem>>
    %slice3A_27 = vector.extract_strided_slice %get3A_4 {offsets = [5], sizes = [1], strides = [1]} : vector<16xi32> to vector<1xi32>
    %squeeze3A_28 = vector.extract %slice3A_27[0] : i32 from vector<1xi32>
    %swap3A_29 = arith.constant 5 : i32
    %swap3A_30 = arith.index_cast %swap3A_29 : i32 to index
    %swap3A_31 = memref.load %arg9[%swap3A_30] : memref<64xi32, #tpu.memory_space<smem>>
    memref.store %squeeze3A_28, %arg9[%swap3A_30] : memref<64xi32, #tpu.memory_space<smem>>
    %slice3A_32 = vector.extract_strided_slice %get3A_4 {offsets = [6], sizes = [1], strides = [1]} : vector<16xi32> to vector<1xi32>
    %squeeze3A_33 = vector.extract %slice3A_32[0] : i32 from vector<1xi32>
    %swap3A_34 = arith.constant 6 : i32
    %swap3A_35 = arith.index_cast %swap3A_34 : i32 to index
    %swap3A_36 = memref.load %arg9[%swap3A_35] : memref<64xi32, #tpu.memory_space<smem>>
    memref.store %squeeze3A_33, %arg9[%swap3A_35] : memref<64xi32, #tpu.memory_space<smem>>
    %slice3A_37 = vector.extract_strided_slice %get3A_4 {offsets = [7], sizes = [1], strides = [1]} : vector<16xi32> to vector<1xi32>
    %squeeze3A_38 = vector.extract %slice3A_37[0] : i32 from vector<1xi32>
    %swap3A_39 = arith.constant 7 : i32
    %swap3A_40 = arith.index_cast %swap3A_39 : i32 to index
    %swap3A_41 = memref.load %arg9[%swap3A_40] : memref<64xi32, #tpu.memory_space<smem>>
    memref.store %squeeze3A_38, %arg9[%swap3A_40] : memref<64xi32, #tpu.memory_space<smem>>
    %slice3A_42 = vector.extract_strided_slice %get3A_4 {offsets = [8], sizes = [1], strides = [1]} : vector<16xi32> to vector<1xi32>
    %squeeze3A_43 = vector.extract %slice3A_42[0] : i32 from vector<1xi32>
    %swap3A_44 = arith.constant 8 : i32
    %swap3A_45 = arith.index_cast %swap3A_44 : i32 to index
    %swap3A_46 = memref.load %arg9[%swap3A_45] : memref<64xi32, #tpu.memory_space<smem>>
    memref.store %squeeze3A_43, %arg9[%swap3A_45] : memref<64xi32, #tpu.memory_space<smem>>
    %slice3A_47 = vector.extract_strided_slice %get3A_4 {offsets = [9], sizes = [1], strides = [1]} : vector<16xi32> to vector<1xi32>
    %squeeze3A_48 = vector.extract %slice3A_47[0] : i32 from vector<1xi32>
    %swap3A_49 = arith.constant 9 : i32
    %swap3A_50 = arith.index_cast %swap3A_49 : i32 to index
    %swap3A_51 = memref.load %arg9[%swap3A_50] : memref<64xi32, #tpu.memory_space<smem>>
    memref.store %squeeze3A_48, %arg9[%swap3A_50] : memref<64xi32, #tpu.memory_space<smem>>
    %slice3A_52 = vector.extract_strided_slice %get3A_4 {offsets = [10], sizes = [1], strides = [1]} : vector<16xi32> to vector<1xi32>
    %squeeze3A_53 = vector.extract %slice3A_52[0] : i32 from vector<1xi32>
    %swap3A_54 = arith.constant 10 : i32
    %swap3A_55 = arith.index_cast %swap3A_54 : i32 to index
    %swap3A_56 = memref.load %arg9[%swap3A_55] : memref<64xi32, #tpu.memory_space<smem>>
    memref.store %squeeze3A_53, %arg9[%swap3A_55] : memref<64xi32, #tpu.memory_space<smem>>
    %slice3A_57 = vector.extract_strided_slice %get3A_4 {offsets = [11], sizes = [1], strides = [1]} : vector<16xi32> to vector<1xi32>
    %squeeze3A_58 = vector.extract %slice3A_57[0] : i32 from vector<1xi32>
    %swap3A_59 = arith.constant 11 : i32
    %swap3A_60 = arith.index_cast %swap3A_59 : i32 to index
    %swap3A_61 = memref.load %arg9[%swap3A_60] : memref<64xi32, #tpu.memory_space<smem>>
    memref.store %squeeze3A_58, %arg9[%swap3A_60] : memref<64xi32, #tpu.memory_space<smem>>
    %slice3A_62 = vector.extract_strided_slice %get3A_4 {offsets = [12], sizes = [1], strides = [1]} : vector<16xi32> to vector<1xi32>
    %squeeze3A_63 = vector.extract %slice3A_62[0] : i32 from vector<1xi32>
    %swap3A_64 = arith.constant 12 : i32
    %swap3A_65 = arith.index_cast %swap3A_64 : i32 to index
    %swap3A_66 = memref.load %arg9[%swap3A_65] : memref<64xi32, #tpu.memory_space<smem>>
    memref.store %squeeze3A_63, %arg9[%swap3A_65] : memref<64xi32, #tpu.memory_space<smem>>
    %slice3A_67 = vector.extract_strided_slice %get3A_4 {offsets = [13], sizes = [1], strides = [1]} : vector<16xi32> to vector<1xi32>
    %squeeze3A_68 = vector.extract %slice3A_67[0] : i32 from vector<1xi32>
    %swap3A_69 = arith.constant 13 : i32
    %swap3A_70 = arith.index_cast %swap3A_69 : i32 to index
    %swap3A_71 = memref.load %arg9[%swap3A_70] : memref<64xi32, #tpu.memory_space<smem>>
    memref.store %squeeze3A_68, %arg9[%swap3A_70] : memref<64xi32, #tpu.memory_space<smem>>
    %slice3A_72 = vector.extract_strided_slice %get3A_4 {offsets = [14], sizes = [1], strides = [1]} : vector<16xi32> to vector<1xi32>
    %squeeze3A_73 = vector.extract %slice3A_72[0] : i32 from vector<1xi32>
    %swap3A_74 = arith.constant 14 : i32
    %swap3A_75 = arith.index_cast %swap3A_74 : i32 to index
    %swap3A_76 = memref.load %arg9[%swap3A_75] : memref<64xi32, #tpu.memory_space<smem>>
    memref.store %squeeze3A_73, %arg9[%swap3A_75] : memref<64xi32, #tpu.memory_space<smem>>
    %slice3A_77 = vector.extract_strided_slice %get3A_4 {offsets = [15], sizes = [1], strides = [1]} : vector<16xi32> to vector<1xi32>
    %squeeze3A_78 = vector.extract %slice3A_77[0] : i32 from vector<1xi32>
    %swap3A_79 = arith.constant 15 : i32
    %swap3A_80 = arith.index_cast %swap3A_79 : i32 to index
    %swap3A_81 = memref.load %arg9[%swap3A_80] : memref<64xi32, #tpu.memory_space<smem>>
    memref.store %squeeze3A_78, %arg9[%swap3A_80] : memref<64xi32, #tpu.memory_space<smem>>
    %get3A_82 = arith.constant 16 : index
    %get3A_83 = tpu.vector_load %arg6[%get3A_82] {strides = array<i32>} : memref<64xi32, #tpu.memory_space<vmem>>, vector<16xi32>,
    %get3A_84 = vector.shape_cast %get3A_83 : vector<16xi32> to vector<16xi32>
    %slice3A_85 = vector.extract_strided_slice %get3A_84 {offsets = [0], sizes = [1], strides = [1]} : vector<16xi32> to vector<1xi32>
    %squeeze3A_86 = vector.extract %slice3A_85[0] : i32 from vector<1xi32>
    %swap3A_87 = arith.constant 16 : i32
    %swap3A_88 = arith.index_cast %swap3A_87 : i32 to index
    %swap3A_89 = memref.load %arg9[%swap3A_88] : memref<64xi32, #tpu.memory_space<smem>>
    memref.store %squeeze3A_86, %arg9[%swap3A_88] : memref<64xi32, #tpu.memory_space<smem>>
    %slice3A_90 = vector.extract_strided_slice %get3A_84 {offsets = [1], sizes = [1], strides = [1]} : vector<16xi32> to vector<1xi32>
    %squeeze3A_91 = vector.extract %slice3A_90[0] : i32 from vector<1xi32>
    %swap3A_92 = arith.constant 17 : i32
    %swap3A_93 = arith.index_cast %swap3A_92 : i32 to index
    %swap3A_94 = memref.load %arg9[%swap3A_93] : memref<64xi32, #tpu.memory_space<smem>>
    memref.store %squeeze3A_91, %arg9[%swap3A_93] : memref<64xi32, #tpu.memory_space<smem>>
    %slice3A_95 = vector.extract_strided_slice %get3A_84 {offsets = [2], sizes = [1], strides = [1]} : vector<16xi32> to vector<1xi32>
    %squeeze3A_96 = vector.extract %slice3A_95[0] : i32 from vector<1xi32>
    %swap3A_97 = arith.constant 18 : i32
    %swap3A_98 = arith.index_cast %swap3A_97 : i32 to index
    %swap3A_99 = memref.load %arg9[%swap3A_98] : memref<64xi32, #tpu.memory_space<smem>>
    memref.store %squeeze3A_96, %arg9[%swap3A_98] : memref<64xi32, #tpu.memory_space<smem>>
    %slice3A_100 = vector.extract_strided_slice %get3A_84 {offsets = [3], sizes = [1], strides = [1]} : vector<16xi32> to vector<1xi32>
    %squeeze3A_101 = vector.extract %slice3A_100[0] : i32 from vector<1xi32>
    %swap3A_102 = arith.constant 19 : i32
    %swap3A_103 = arith.index_cast %swap3A_102 : i32 to index
    %swap3A_104 = memref.load %arg9[%swap3A_103] : memref<64xi32, #tpu.memory_space<smem>>
    memref.store %squeeze3A_101, %arg9[%swap3A_103] : memref<64xi32, #tpu.memory_space<smem>>
    %slice3A_105 = vector.extract_strided_slice %get3A_84 {offsets = [4], sizes = [1], strides = [1]} : vector<16xi32> to vector<1xi32>
    %squeeze3A_106 = vector.extract %slice3A_105[0] : i32 from vector<1xi32>
    %swap3A_107 = arith.constant 20 : i32
    %swap3A_108 = arith.index_cast %swap3A_107 : i32 to index
    %swap3A_109 = memref.load %arg9[%swap3A_108] : memref<64xi32, #tpu.memory_space<smem>>
    memref.store %squeeze3A_106, %arg9[%swap3A_108] : memref<64xi32, #tpu.memory_space<smem>>
    %slice3A_110 = vector.extract_strided_slice %get3A_84 {offsets = [5], sizes = [1], strides = [1]} : vector<16xi32> to vector<1xi32>
    %squeeze3A_111 = vector.extract %slice3A_110[0] : i32 from vector<1xi32>
    %swap3A_112 = arith.constant 21 : i32
    %swap3A_113 = arith.index_cast %swap3A_112 : i32 to index
    %swap3A_114 = memref.load %arg9[%swap3A_113] : memref<64xi32, #tpu.memory_space<smem>>
    memref.store %squeeze3A_111, %arg9[%swap3A_113] : memref<64xi32, #tpu.memory_space<smem>>
    %slice3A_115 = vector.extract_strided_slice %get3A_84 {offsets = [6], sizes = [1], strides = [1]} : vector<16xi32> to vector<1xi32>
    %squeeze3A_116 = vector.extract %slice3A_115[0] : i32 from vector<1xi32>
    %swap3A_117 = arith.constant 22 : i32
    %swap3A_118 = arith.index_cast %swap3A_117 : i32 to index
    %swap3A_119 = memref.load %arg9[%swap3A_118] : memref<64xi32, #tpu.memory_space<smem>>
    memref.store %squeeze3A_116, %arg9[%swap3A_118] : memref<64xi32, #tpu.memory_space<smem>>
    %slice3A_120 = vector.extract_strided_slice %get3A_84 {offsets = [7], sizes = [1], strides = [1]} : vector<16xi32> to vector<1xi32>
    %squeeze3A_121 = vector.extract %slice3A_120[0] : i32 from vector<1xi32>
    %swap3A_122 = arith.constant 23 : i32
    %swap3A_123 = arith.index_cast %swap3A_122 : i32 to index
    %swap3A_124 = memref.load %arg9[%swap3A_123] : memref<64xi32, #tpu.memory_space<smem>>
    memref.store %squeeze3A_121, %arg9[%swap3A_123] : memref<64xi32, #tpu.memory_space<smem>>
    %slice3A_125 = vector.extract_strided_slice %get3A_84 {offsets = [8], sizes = [1], strides = [1]} : vector<16xi32> to vector<1xi32>
    %squeeze3A_126 = vector.extract %slice3A_125[0] : i32 from vector<1xi32>
    %swap3A_127 = arith.constant 24 : i32
    %swap3A_128 = arith.index_cast %swap3A_127 : i32 to index
    %swap3A_129 = memref.load %arg9[%swap3A_128] : memref<64xi32, #tpu.memory_space<smem>>
    memref.store %squeeze3A_126, %arg9[%swap3A_128] : memref<64xi32, #tpu.memory_space<smem>>
    %slice3A_130 = vector.extract_strided_slice %get3A_84 {offsets = [9], sizes = [1], strides = [1]} : vector<16xi32> to vector<1xi32>
    %squeeze3A_131 = vector.extract %slice3A_130[0] : i32 from vector<1xi32>
    %swap3A_132 = arith.constant 25 : i32
    %swap3A_133 = arith.index_cast %swap3A_132 : i32 to index
    %swap3A_134 = memref.load %arg9[%swap3A_133] : memref<64xi32, #tpu.memory_space<smem>>
    memref.store %squeeze3A_131, %arg9[%swap3A_133] : memref<64xi32, #tpu.memory_space<smem>>
    %slice3A_135 = vector.extract_strided_slice %get3A_84 {offsets = [10], sizes = [1], strides = [1]} : vector<16xi32> to vector<1xi32>
    %squeeze3A_136 = vector.extract %slice3A_135[0] : i32 from vector<1xi32>
    %swap3A_137 = arith.constant 26 : i32
    %swap3A_138 = arith.index_cast %swap3A_137 : i32 to index
    %swap3A_139 = memref.load %arg9[%swap3A_138] : memref<64xi32, #tpu.memory_space<smem>>
    memref.store %squeeze3A_136, %arg9[%swap3A_138] : memref<64xi32, #tpu.memory_space<smem>>
    %slice3A_140 = vector.extract_strided_slice %get3A_84 {offsets = [11], sizes = [1], strides = [1]} : vector<16xi32> to vector<1xi32>
    %squeeze3A_141 = vector.extract %slice3A_140[0] : i32 from vector<1xi32>
    %swap3A_142 = arith.constant 27 : i32
    %swap3A_143 = arith.index_cast %swap3A_142 : i32 to index
    %swap3A_144 = memref.load %arg9[%swap3A_143] : memref<64xi32, #tpu.memory_space<smem>>
    memref.store %squeeze3A_141, %arg9[%swap3A_143] : memref<64xi32, #tpu.memory_space<smem>>
    %slice3A_145 = vector.extract_strided_slice %get3A_84 {offsets = [12], sizes = [1], strides = [1]} : vector<16xi32> to vector<1xi32>
    %squeeze3A_146 = vector.extract %slice3A_145[0] : i32 from vector<1xi32>
    %swap3A_147 = arith.constant 28 : i32
    %swap3A_148 = arith.index_cast %swap3A_147 : i32 to index
    %swap3A_149 = memref.load %arg9[%swap3A_148] : memref<64xi32, #tpu.memory_space<smem>>
    memref.store %squeeze3A_146, %arg9[%swap3A_148] : memref<64xi32, #tpu.memory_space<smem>>
    %slice3A_150 = vector.extract_strided_slice %get3A_84 {offsets = [13], sizes = [1], strides = [1]} : vector<16xi32> to vector<1xi32>
    %squeeze3A_151 = vector.extract %slice3A_150[0] : i32 from vector<1xi32>
    %swap3A_152 = arith.constant 29 : i32
    %swap3A_153 = arith.index_cast %swap3A_152 : i32 to index
    %swap3A_154 = memref.load %arg9[%swap3A_153] : memref<64xi32, #tpu.memory_space<smem>>
    memref.store %squeeze3A_151, %arg9[%swap3A_153] : memref<64xi32, #tpu.memory_space<smem>>
    %slice3A_155 = vector.extract_strided_slice %get3A_84 {offsets = [14], sizes = [1], strides = [1]} : vector<16xi32> to vector<1xi32>
    %squeeze3A_156 = vector.extract %slice3A_155[0] : i32 from vector<1xi32>
    %swap3A_157 = arith.constant 30 : i32
    %swap3A_158 = arith.index_cast %swap3A_157 : i32 to index
    %swap3A_159 = memref.load %arg9[%swap3A_158] : memref<64xi32, #tpu.memory_space<smem>>
    memref.store %squeeze3A_156, %arg9[%swap3A_158] : memref<64xi32, #tpu.memory_space<smem>>
    %slice3A_160 = vector.extract_strided_slice %get3A_84 {offsets = [15], sizes = [1], strides = [1]} : vector<16xi32> to vector<1xi32>
    %squeeze3A_161 = vector.extract %slice3A_160[0] : i32 from vector<1xi32>
    %swap3A_162 = arith.constant 31 : i32
    %swap3A_163 = arith.index_cast %swap3A_162 : i32 to index
    %swap3A_164 = memref.load %arg9[%swap3A_163] : memref<64xi32, #tpu.memory_space<smem>>
    memref.store %squeeze3A_161, %arg9[%swap3A_163] : memref<64xi32, #tpu.memory_space<smem>>
    %get3A_165 = arith.constant 32 : index
    %get3A_166 = tpu.vector_load %arg6[%get3A_165] {strides = array<i32>} : memref<64xi32, #tpu.memory_space<vmem>>, vector<16xi32>,
    %get3A_167 = vector.shape_cast %get3A_166 : vector<16xi32> to vector<16xi32>
    %slice3A_168 = vector.extract_strided_slice %get3A_167 {offsets = [0], sizes = [1], strides = [1]} : vector<16xi32> to vector<1xi32>
    %squeeze3A_169 = vector.extract %slice3A_168[0] : i32 from vector<1xi32>
    %swap3A_170 = arith.constant 32 : i32
    %swap3A_171 = arith.index_cast %swap3A_170 : i32 to index
    %swap3A_172 = memref.load %arg9[%swap3A_171] : memref<64xi32, #tpu.memory_space<smem>>
    memref.store %squeeze3A_169, %arg9[%swap3A_171] : memref<64xi32, #tpu.memory_space<smem>>
    %slice3A_173 = vector.extract_strided_slice %get3A_167 {offsets = [1], sizes = [1], strides = [1]} : vector<16xi32> to vector<1xi32>
    %squeeze3A_174 = vector.extract %slice3A_173[0] : i32 from vector<1xi32>
    %swap3A_175 = arith.constant 33 : i32
    %swap3A_176 = arith.index_cast %swap3A_175 : i32 to index
    %swap3A_177 = memref.load %arg9[%swap3A_176] : memref<64xi32, #tpu.memory_space<smem>>
    memref.store %squeeze3A_174, %arg9[%swap3A_176] : memref<64xi32, #tpu.memory_space<smem>>
    %slice3A_178 = vector.extract_strided_slice %get3A_167 {offsets = [2], sizes = [1], strides = [1]} : vector<16xi32> to vector<1xi32>
    %squeeze3A_179 = vector.extract %slice3A_178[0] : i32 from vector<1xi32>
    %swap3A_180 = arith.constant 34 : i32
    %swap3A_181 = arith.index_cast %swap3A_180 : i32 to index
    %swap3A_182 = memref.load %arg9[%swap3A_181] : memref<64xi32, #tpu.memory_space<smem>>
    memref.store %squeeze3A_179, %arg9[%swap3A_181] : memref<64xi32, #tpu.memory_space<smem>>
    %slice3A_183 = vector.extract_strided_slice %get3A_167 {offsets = [3], sizes = [1], strides = [1]} : vector<16xi32> to vector<1xi32>
    %squeeze3A_184 = vector.extract %slice3A_183[0] : i32 from vector<1xi32>
    %swap3A_185 = arith.constant 35 : i32
    %swap3A_186 = arith.index_cast %swap3A_185 : i32 to index
    %swap3A_187 = memref.load %arg9[%swap3A_186] : memref<64xi32, #tpu.memory_space<smem>>
    memref.store %squeeze3A_184, %arg9[%swap3A_186] : memref<64xi32, #tpu.memory_space<smem>>
    %slice3A_188 = vector.extract_strided_slice %get3A_167 {offsets = [4], sizes = [1], strides = [1]} : vector<16xi32> to vector<1xi32>
    %squeeze3A_189 = vector.extract %slice3A_188[0] : i32 from vector<1xi32>
    %swap3A_190 = arith.constant 36 : i32
    %swap3A_191 = arith.index_cast %swap3A_190 : i32 to index
    %swap3A_192 = memref.load %arg9[%swap3A_191] : memref<64xi32, #tpu.memory_space<smem>>
    memref.store %squeeze3A_189, %arg9[%swap3A_191] : memref<64xi32, #tpu.memory_space<smem>>
    %slice3A_193 = vector.extract_strided_slice %get3A_167 {offsets = [5], sizes = [1], strides = [1]} : vector<16xi32> to vector<1xi32>
    %squeeze3A_194 = vector.extract %slice3A_193[0] : i32 from vector<1xi32>
    %swap3A_195 = arith.constant 37 : i32
    %swap3A_196 = arith.index_cast %swap3A_195 : i32 to index
    %swap3A_197 = memref.load %arg9[%swap3A_196] : memref<64xi32, #tpu.memory_space<smem>>
    memref.store %squeeze3A_194, %arg9[%swap3A_196] : memref<64xi32, #tpu.memory_space<smem>>
    %slice3A_198 = vector.extract_strided_slice %get3A_167 {offsets = [6], sizes = [1], strides = [1]} : vector<16xi32> to vector<1xi32>
    %squeeze3A_199 = vector.extract %slice3A_198[0] : i32 from vector<1xi32>
    %swap3A_200 = arith.constant 38 : i32
    %swap3A_201 = arith.index_cast %swap3A_200 : i32 to index
    %swap3A_202 = memref.load %arg9[%swap3A_201] : memref<64xi32, #tpu.memory_space<smem>>
    memref.store %squeeze3A_199, %arg9[%swap3A_201] : memref<64xi32, #tpu.memory_space<smem>>
    %slice3A_203 = vector.extract_strided_slice %get3A_167 {offsets = [7], sizes = [1], strides = [1]} : vector<16xi32> to vector<1xi32>
    %squeeze3A_204 = vector.extract %slice3A_203[0] : i32 from vector<1xi32>
    %swap3A_205 = arith.constant 39 : i32
    %swap3A_206 = arith.index_cast %swap3A_205 : i32 to index
    %swap3A_207 = memref.load %arg9[%swap3A_206] : memref<64xi32, #tpu.memory_space<smem>>
    memref.store %squeeze3A_204, %arg9[%swap3A_206] : memref<64xi32, #tpu.memory_space<smem>>
    %slice3A_208 = vector.extract_strided_slice %get3A_167 {offsets = [8], sizes = [1], strides = [1]} : vector<16xi32> to vector<1xi32>
    %squeeze3A_209 = vector.extract %slice3A_208[0] : i32 from vector<1xi32>
    %swap3A_210 = arith.constant 40 : i32
    %swap3A_211 = arith.index_cast %swap3A_210 : i32 to index
    %swap3A_212 = memref.load %arg9[%swap3A_211] : memref<64xi32, #tpu.memory_space<smem>>
    memref.store %squeeze3A_209, %arg9[%swap3A_211] : memref<64xi32, #tpu.memory_space<smem>>
    %slice3A_213 = vector.extract_strided_slice %get3A_167 {offsets = [9], sizes = [1], strides = [1]} : vector<16xi32> to vector<1xi32>
    %squeeze3A_214 = vector.extract %slice3A_213[0] : i32 from vector<1xi32>
    %swap3A_215 = arith.constant 41 : i32
    %swap3A_216 = arith.index_cast %swap3A_215 : i32 to index
    %swap3A_217 = memref.load %arg9[%swap3A_216] : memref<64xi32, #tpu.memory_space<smem>>
    memref.store %squeeze3A_214, %arg9[%swap3A_216] : memref<64xi32, #tpu.memory_space<smem>>
    %slice3A_218 = vector.extract_strided_slice %get3A_167 {offsets = [10], sizes = [1], strides = [1]} : vector<16xi32> to vector<1xi32>
    %squeeze3A_219 = vector.extract %slice3A_218[0] : i32 from vector<1xi32>
    %swap3A_220 = arith.constant 42 : i32
    %swap3A_221 = arith.index_cast %swap3A_220 : i32 to index
    %swap3A_222 = memref.load %arg9[%swap3A_221] : memref<64xi32, #tpu.memory_space<smem>>
    memref.store %squeeze3A_219, %arg9[%swap3A_221] : memref<64xi32, #tpu.memory_space<smem>>
    %slice3A_223 = vector.extract_strided_slice %get3A_167 {offsets = [11], sizes = [1], strides = [1]} : vector<16xi32> to vector<1xi32>
    %squeeze3A_224 = vector.extract %slice3A_223[0] : i32 from vector<1xi32>
    %swap3A_225 = arith.constant 43 : i32
    %swap3A_226 = arith.index_cast %swap3A_225 : i32 to index
    %swap3A_227 = memref.load %arg9[%swap3A_226] : memref<64xi32, #tpu.memory_space<smem>>
    memref.store %squeeze3A_224, %arg9[%swap3A_226] : memref<64xi32, #tpu.memory_space<smem>>
    %slice3A_228 = vector.extract_strided_slice %get3A_167 {offsets = [12], sizes = [1], strides = [1]} : vector<16xi32> to vector<1xi32>
    %squeeze3A_229 = vector.extract %slice3A_228[0] : i32 from vector<1xi32>
    %swap3A_230 = arith.constant 44 : i32
    %swap3A_231 = arith.index_cast %swap3A_230 : i32 to index
    %swap3A_232 = memref.load %arg9[%swap3A_231] : memref<64xi32, #tpu.memory_space<smem>>
    memref.store %squeeze3A_229, %arg9[%swap3A_231] : memref<64xi32, #tpu.memory_space<smem>>
    %slice3A_233 = vector.extract_strided_slice %get3A_167 {offsets = [13], sizes = [1], strides = [1]} : vector<16xi32> to vector<1xi32>
    %squeeze3A_234 = vector.extract %slice3A_233[0] : i32 from vector<1xi32>
    %swap3A_235 = arith.constant 45 : i32
    %swap3A_236 = arith.index_cast %swap3A_235 : i32 to index
    %swap3A_237 = memref.load %arg9[%swap3A_236] : memref<64xi32, #tpu.memory_space<smem>>
    memref.store %squeeze3A_234, %arg9[%swap3A_236] : memref<64xi32, #tpu.memory_space<smem>>
    %slice3A_238 = vector.extract_strided_slice %get3A_167 {offsets = [14], sizes = [1], strides = [1]} : vector<16xi32> to vector<1xi32>
    %squeeze3A_239 = vector.extract %slice3A_238[0] : i32 from vector<1xi32>
    %swap3A_240 = arith.constant 46 : i32
    %swap3A_241 = arith.index_cast %swap3A_240 : i32 to index
    %swap3A_242 = memref.load %arg9[%swap3A_241] : memref<64xi32, #tpu.memory_space<smem>>
    memref.store %squeeze3A_239, %arg9[%swap3A_241] : memref<64xi32, #tpu.memory_space<smem>>
    %slice3A_243 = vector.extract_strided_slice %get3A_167 {offsets = [15], sizes = [1], strides = [1]} : vector<16xi32> to vector<1xi32>
    %squeeze3A_244 = vector.extract %slice3A_243[0] : i32 from vector<1xi32>
    %swap3A_245 = arith.constant 47 : i32
    %swap3A_246 = arith.index_cast %swap3A_245 : i32 to index
    %swap3A_247 = memref.load %arg9[%swap3A_246] : memref<64xi32, #tpu.memory_space<smem>>
    memref.store %squeeze3A_244, %arg9[%swap3A_246] : memref<64xi32, #tpu.memory_space<smem>>
    %get3A_248 = arith.constant 48 : index
    %get3A_249 = tpu.vector_load %arg6[%get3A_248] {strides = array<i32>} : memref<64xi32, #tpu.memory_space<vmem>>, vector<16xi32>,
    %get3A_250 = vector.shape_cast %get3A_249 : vector<16xi32> to vector<16xi32>
    %slice3A_251 = vector.extract_strided_slice %get3A_250 {offsets = [0], sizes = [1], strides = [1]} : vector<16xi32> to vector<1xi32>
    %squeeze3A_252 = vector.extract %slice3A_251[0] : i32 from vector<1xi32>
    %swap3A_253 = arith.constant 48 : i32
    %swap3A_254 = arith.index_cast %swap3A_253 : i32 to index
    %swap3A_255 = memref.load %arg9[%swap3A_254] : memref<64xi32, #tpu.memory_space<smem>>
    memref.store %squeeze3A_252, %arg9[%swap3A_254] : memref<64xi32, #tpu.memory_space<smem>>
    %slice3A_256 = vector.extract_strided_slice %get3A_250 {offsets = [1], sizes = [1], strides = [1]} : vector<16xi32> to vector<1xi32>
    %squeeze3A_257 = vector.extract %slice3A_256[0] : i32 from vector<1xi32>
    %swap3A_258 = arith.constant 49 : i32
    %swap3A_259 = arith.index_cast %swap3A_258 : i32 to index
    %swap3A_260 = memref.load %arg9[%swap3A_259] : memref<64xi32, #tpu.memory_space<smem>>
    memref.store %squeeze3A_257, %arg9[%swap3A_259] : memref<64xi32, #tpu.memory_space<smem>>
    %slice3A_261 = vector.extract_strided_slice %get3A_250 {offsets = [2], sizes = [1], strides = [1]} : vector<16xi32> to vector<1xi32>
    %squeeze3A_262 = vector.extract %slice3A_261[0] : i32 from vector<1xi32>
    %swap3A_263 = arith.constant 50 : i32
    %swap3A_264 = arith.index_cast %swap3A_263 : i32 to index
    %swap3A_265 = memref.load %arg9[%swap3A_264] : memref<64xi32, #tpu.memory_space<smem>>
    memref.store %squeeze3A_262, %arg9[%swap3A_264] : memref<64xi32, #tpu.memory_space<smem>>
    %slice3A_266 = vector.extract_strided_slice %get3A_250 {offsets = [3], sizes = [1], strides = [1]} : vector<16xi32> to vector<1xi32>
    %squeeze3A_267 = vector.extract %slice3A_266[0] : i32 from vector<1xi32>
    %swap3A_268 = arith.constant 51 : i32
    %swap3A_269 = arith.index_cast %swap3A_268 : i32 to index
    %swap3A_270 = memref.load %arg9[%swap3A_269] : memref<64xi32, #tpu.memory_space<smem>>
    memref.store %squeeze3A_267, %arg9[%swap3A_269] : memref<64xi32, #tpu.memory_space<smem>>
    %slice3A_271 = vector.extract_strided_slice %get3A_250 {offsets = [4], sizes = [1], strides = [1]} : vector<16xi32> to vector<1xi32>
    %squeeze3A_272 = vector.extract %slice3A_271[0] : i32 from vector<1xi32>
    %swap3A_273 = arith.constant 52 : i32
    %swap3A_274 = arith.index_cast %swap3A_273 : i32 to index
    %swap3A_275 = memref.load %arg9[%swap3A_274] : memref<64xi32, #tpu.memory_space<smem>>
    memref.store %squeeze3A_272, %arg9[%swap3A_274] : memref<64xi32, #tpu.memory_space<smem>>
    %slice3A_276 = vector.extract_strided_slice %get3A_250 {offsets = [5], sizes = [1], strides = [1]} : vector<16xi32> to vector<1xi32>
    %squeeze3A_277 = vector.extract %slice3A_276[0] : i32 from vector<1xi32>
    %swap3A_278 = arith.constant 53 : i32
    %swap3A_279 = arith.index_cast %swap3A_278 : i32 to index
    %swap3A_280 = memref.load %arg9[%swap3A_279] : memref<64xi32, #tpu.memory_space<smem>>
    memref.store %squeeze3A_277, %arg9[%swap3A_279] : memref<64xi32, #tpu.memory_space<smem>>
    %slice3A_281 = vector.extract_strided_slice %get3A_250 {offsets = [6], sizes = [1], strides = [1]} : vector<16xi32> to vector<1xi32>
    %squeeze3A_282 = vector.extract %slice3A_281[0] : i32 from vector<1xi32>
    %swap3A_283 = arith.constant 54 : i32
    %swap3A_284 = arith.index_cast %swap3A_283 : i32 to index
    %swap3A_285 = memref.load %arg9[%swap3A_284] : memref<64xi32, #tpu.memory_space<smem>>
    memref.store %squeeze3A_282, %arg9[%swap3A_284] : memref<64xi32, #tpu.memory_space<smem>>
    %slice3A_286 = vector.extract_strided_slice %get3A_250 {offsets = [7], sizes = [1], strides = [1]} : vector<16xi32> to vector<1xi32>
    %squeeze3A_287 = vector.extract %slice3A_286[0] : i32 from vector<1xi32>
    %swap3A_288 = arith.constant 55 : i32
    %swap3A_289 = arith.index_cast %swap3A_288 : i32 to index
    %swap3A_290 = memref.load %arg9[%swap3A_289] : memref<64xi32, #tpu.memory_space<smem>>
    memref.store %squeeze3A_287, %arg9[%swap3A_289] : memref<64xi32, #tpu.memory_space<smem>>
    %slice3A_291 = vector.extract_strided_slice %get3A_250 {offsets = [8], sizes = [1], strides = [1]} : vector<16xi32> to vector<1xi32>
    %squeeze3A_292 = vector.extract %slice3A_291[0] : i32 from vector<1xi32>
    %swap3A_293 = arith.constant 56 : i32
    %swap3A_294 = arith.index_cast %swap3A_293 : i32 to index
    %swap3A_295 = memref.load %arg9[%swap3A_294] : memref<64xi32, #tpu.memory_space<smem>>
    memref.store %squeeze3A_292, %arg9[%swap3A_294] : memref<64xi32, #tpu.memory_space<smem>>
    %slice3A_296 = vector.extract_strided_slice %get3A_250 {offsets = [9], sizes = [1], strides = [1]} : vector<16xi32> to vector<1xi32>
    %squeeze3A_297 = vector.extract %slice3A_296[0] : i32 from vector<1xi32>
    %swap3A_298 = arith.constant 57 : i32
    %swap3A_299 = arith.index_cast %swap3A_298 : i32 to index
    %swap3A_300 = memref.load %arg9[%swap3A_299] : memref<64xi32, #tpu.memory_space<smem>>
    memref.store %squeeze3A_297, %arg9[%swap3A_299] : memref<64xi32, #tpu.memory_space<smem>>
    %slice3A_301 = vector.extract_strided_slice %get3A_250 {offsets = [10], sizes = [1], strides = [1]} : vector<16xi32> to vector<1xi32>
    %squeeze3A_302 = vector.extract %slice3A_301[0] : i32 from vector<1xi32>
    %swap3A_303 = arith.constant 58 : i32
    %swap3A_304 = arith.index_cast %swap3A_303 : i32 to index
    %swap3A_305 = memref.load %arg9[%swap3A_304] : memref<64xi32, #tpu.memory_space<smem>>
    memref.store %squeeze3A_302, %arg9[%swap3A_304] : memref<64xi32, #tpu.memory_space<smem>>
    %slice3A_306 = vector.extract_strided_slice %get3A_250 {offsets = [11], sizes = [1], strides = [1]} : vector<16xi32> to vector<1xi32>
    %squeeze3A_307 = vector.extract %slice3A_306[0] : i32 from vector<1xi32>
    %swap3A_308 = arith.constant 59 : i32
    %swap3A_309 = arith.index_cast %swap3A_308 : i32 to index
    %swap3A_310 = memref.load %arg9[%swap3A_309] : memref<64xi32, #tpu.memory_space<smem>>
    memref.store %squeeze3A_307, %arg9[%swap3A_309] : memref<64xi32, #tpu.memory_space<smem>>
    %slice3A_311 = vector.extract_strided_slice %get3A_250 {offsets = [12], sizes = [1], strides = [1]} : vector<16xi32> to vector<1xi32>
    %squeeze3A_312 = vector.extract %slice3A_311[0] : i32 from vector<1xi32>
    %swap3A_313 = arith.constant 60 : i32
    %swap3A_314 = arith.index_cast %swap3A_313 : i32 to index
    %swap3A_315 = memref.load %arg9[%swap3A_314] : memref<64xi32, #tpu.memory_space<smem>>
    memref.store %squeeze3A_312, %arg9[%swap3A_314] : memref<64xi32, #tpu.memory_space<smem>>
    %slice3A_316 = vector.extract_strided_slice %get3A_250 {offsets = [13], sizes = [1], strides = [1]} : vector<16xi32> to vector<1xi32>
    %squeeze3A_317 = vector.extract %slice3A_316[0] : i32 from vector<1xi32>
    %swap3A_318 = arith.constant 61 : i32
    %swap3A_319 = arith.index_cast %swap3A_318 : i32 to index
    %swap3A_320 = memref.load %arg9[%swap3A_319] : memref<64xi32, #tpu.memory_space<smem>>
    memref.store %squeeze3A_317, %arg9[%swap3A_319] : memref<64xi32, #tpu.memory_space<smem>>
    %slice3A_321 = vector.extract_strided_slice %get3A_250 {offsets = [14], sizes = [1], strides = [1]} : vector<16xi32> to vector<1xi32>
    %squeeze3A_322 = vector.extract %slice3A_321[0] : i32 from vector<1xi32>
    %swap3A_323 = arith.constant 62 : i32
    %swap3A_324 = arith.index_cast %swap3A_323 : i32 to index
    %swap3A_325 = memref.load %arg9[%swap3A_324] : memref<64xi32, #tpu.memory_space<smem>>
    memref.store %squeeze3A_322, %arg9[%swap3A_324] : memref<64xi32, #tpu.memory_space<smem>>
    %slice3A_326 = vector.extract_strided_slice %get3A_250 {offsets = [15], sizes = [1], strides = [1]} : vector<16xi32> to vector<1xi32>
    %squeeze3A_327 = vector.extract %slice3A_326[0] : i32 from vector<1xi32>
    %swap3A_328 = arith.constant 63 : i32
    %swap3A_329 = arith.index_cast %swap3A_328 : i32 to index
    %swap3A_330 = memref.load %arg9[%swap3A_329] : memref<64xi32, #tpu.memory_space<smem>>
    memref.store %squeeze3A_327, %arg9[%swap3A_329] : memref<64xi32, #tpu.memory_space<smem>>
    %swap3A_331 = arith.constant 0 : i32
    %swap3A_332 = arith.constant 0 : i32
    %swap3A_333 = arith.index_cast %swap3A_332 : i32 to index
    %swap3A_334 = memref.load %arg11[%swap3A_333] : memref<17xi32, #tpu.memory_space<smem>>
    memref.store %swap3A_331, %arg11[%swap3A_333] : memref<17xi32, #tpu.memory_space<smem>>
    %swap3A_335 = arith.constant 0 : i32
    %swap3A_336 = arith.constant 1 : i32
    %swap3A_337 = arith.index_cast %swap3A_336 : i32 to index
    %swap3A_338 = memref.load %arg11[%swap3A_337] : memref<17xi32, #tpu.memory_space<smem>>
    memref.store %swap3A_335, %arg11[%swap3A_337] : memref<17xi32, #tpu.memory_space<smem>>
    %swap3A_339 = arith.constant 0 : i32
    %swap3A_340 = arith.constant 2 : i32
    %swap3A_341 = arith.index_cast %swap3A_340 : i32 to index
    %swap3A_342 = memref.load %arg11[%swap3A_341] : memref<17xi32, #tpu.memory_space<smem>>
    memref.store %swap3A_339, %arg11[%swap3A_341] : memref<17xi32, #tpu.memory_space<smem>>
    %swap3A_343 = arith.constant 0 : i32
    %swap3A_344 = arith.constant 3 : i32
    %swap3A_345 = arith.index_cast %swap3A_344 : i32 to index
    %swap3A_346 = memref.load %arg11[%swap3A_345] : memref<17xi32, #tpu.memory_space<smem>>
    memref.store %swap3A_343, %arg11[%swap3A_345] : memref<17xi32, #tpu.memory_space<smem>>
    %swap3A_347 = arith.constant 0 : i32
    %swap3A_348 = arith.constant 4 : i32
    %swap3A_349 = arith.index_cast %swap3A_348 : i32 to index
    %swap3A_350 = memref.load %arg11[%swap3A_349] : memref<17xi32, #tpu.memory_space<smem>>
    memref.store %swap3A_347, %arg11[%swap3A_349] : memref<17xi32, #tpu.memory_space<smem>>
    %swap3A_351 = arith.constant 0 : i32
    %swap3A_352 = arith.constant 5 : i32
    %swap3A_353 = arith.index_cast %swap3A_352 : i32 to index
    %swap3A_354 = memref.load %arg11[%swap3A_353] : memref<17xi32, #tpu.memory_space<smem>>
    memref.store %swap3A_351, %arg11[%swap3A_353] : memref<17xi32, #tpu.memory_space<smem>>
    %swap3A_355 = arith.constant 0 : i32
    %swap3A_356 = arith.constant 6 : i32
    %swap3A_357 = arith.index_cast %swap3A_356 : i32 to index
    %swap3A_358 = memref.load %arg11[%swap3A_357] : memref<17xi32, #tpu.memory_space<smem>>
    memref.store %swap3A_355, %arg11[%swap3A_357] : memref<17xi32, #tpu.memory_space<smem>>
    %swap3A_359 = arith.constant 0 : i32
    %swap3A_360 = arith.constant 7 : i32
    %swap3A_361 = arith.index_cast %swap3A_360 : i32 to index
    %swap3A_362 = memref.load %arg11[%swap3A_361] : memref<17xi32, #tpu.memory_space<smem>>
    memref.store %swap3A_359, %arg11[%swap3A_361] : memref<17xi32, #tpu.memory_space<smem>>
    %swap3A_363 = arith.constant 0 : i32
    %swap3A_364 = arith.constant 8 : i32
    %swap3A_365 = arith.index_cast %swap3A_364 : i32 to index
    %swap3A_366 = memref.load %arg11[%swap3A_365] : memref<17xi32, #tpu.memory_space<smem>>
    memref.store %swap3A_363, %arg11[%swap3A_365] : memref<17xi32, #tpu.memory_space<smem>>
    %swap3A_367 = arith.constant 0 : i32
    %swap3A_368 = arith.constant 9 : i32
    %swap3A_369 = arith.index_cast %swap3A_368 : i32 to index
    %swap3A_370 = memref.load %arg11[%swap3A_369] : memref<17xi32, #tpu.memory_space<smem>>
    memref.store %swap3A_367, %arg11[%swap3A_369] : memref<17xi32, #tpu.memory_space<smem>>
    %swap3A_371 = arith.constant 0 : i32
    %swap3A_372 = arith.constant 10 : i32
    %swap3A_373 = arith.index_cast %swap3A_372 : i32 to index
    %swap3A_374 = memref.load %arg11[%swap3A_373] : memref<17xi32, #tpu.memory_space<smem>>
    memref.store %swap3A_371, %arg11[%swap3A_373] : memref<17xi32, #tpu.memory_space<smem>>
    %swap3A_375 = arith.constant 0 : i32
    %swap3A_376 = arith.constant 11 : i32
    %swap3A_377 = arith.index_cast %swap3A_376 : i32 to index
    %swap3A_378 = memref.load %arg11[%swap3A_377] : memref<17xi32, #tpu.memory_space<smem>>
    memref.store %swap3A_375, %arg11[%swap3A_377] : memref<17xi32, #tpu.memory_space<smem>>
    %swap3A_379 = arith.constant 0 : i32
    %swap3A_380 = arith.constant 12 : i32
    %swap3A_381 = arith.index_cast %swap3A_380 : i32 to index
    %swap3A_382 = memref.load %arg11[%swap3A_381] : memref<17xi32, #tpu.memory_space<smem>>
    memref.store %swap3A_379, %arg11[%swap3A_381] : memref<17xi32, #tpu.memory_space<smem>>
    %swap3A_383 = arith.constant 0 : i32
    %swap3A_384 = arith.constant 13 : i32
    %swap3A_385 = arith.index_cast %swap3A_384 : i32 to index
    %swap3A_386 = memref.load %arg11[%swap3A_385] : memref<17xi32, #tpu.memory_space<smem>>
    memref.store %swap3A_383, %arg11[%swap3A_385] : memref<17xi32, #tpu.memory_space<smem>>
    %swap3A_387 = arith.constant 0 : i32
    %swap3A_388 = arith.constant 14 : i32
    %swap3A_389 = arith.index_cast %swap3A_388 : i32 to index
    %swap3A_390 = memref.load %arg11[%swap3A_389] : memref<17xi32, #tpu.memory_space<smem>>
    memref.store %swap3A_387, %arg11[%swap3A_389] : memref<17xi32, #tpu.memory_space<smem>>
    %swap3A_391 = arith.constant 0 : i32
    %swap3A_392 = arith.constant 15 : i32
    %swap3A_393 = arith.index_cast %swap3A_392 : i32 to index
    %swap3A_394 = memref.load %arg11[%swap3A_393] : memref<17xi32, #tpu.memory_space<smem>>
    memref.store %swap3A_391, %arg11[%swap3A_393] : memref<17xi32, #tpu.memory_space<smem>>
    %swap3A_395 = arith.constant 0 : i32
    %swap3A_396 = arith.constant 16 : i32
    %swap3A_397 = arith.index_cast %swap3A_396 : i32 to index
    %swap3A_398 = memref.load %arg11[%swap3A_397] : memref<17xi32, #tpu.memory_space<smem>>
    memref.store %swap3A_395, %arg11[%swap3A_397] : memref<17xi32, #tpu.memory_space<smem>>
    %swap3A_399 = arith.constant 0 : i32
    %swap3A_400 = arith.constant 0 : i32
    %swap3A_401 = arith.index_cast %swap3A_400 : i32 to index
    %swap3A_402 = memref.load %arg12[%swap3A_401] : memref<16xi32, #tpu.memory_space<smem>>
    memref.store %swap3A_399, %arg12[%swap3A_401] : memref<16xi32, #tpu.memory_space<smem>>
    %swap3A_403 = arith.constant 0 : i32
    %swap3A_404 = arith.constant 1 : i32
    %swap3A_405 = arith.index_cast %swap3A_404 : i32 to index
    %swap3A_406 = memref.load %arg12[%swap3A_405] : memref<16xi32, #tpu.memory_space<smem>>
    memref.store %swap3A_403, %arg12[%swap3A_405] : memref<16xi32, #tpu.memory_space<smem>>
    %swap3A_407 = arith.constant 0 : i32
    %swap3A_408 = arith.constant 2 : i32
    %swap3A_409 = arith.index_cast %swap3A_408 : i32 to index
    %swap3A_410 = memref.load %arg12[%swap3A_409] : memref<16xi32, #tpu.memory_space<smem>>
    memref.store %swap3A_407, %arg12[%swap3A_409] : memref<16xi32, #tpu.memory_space<smem>>
    %swap3A_411 = arith.constant 0 : i32
    %swap3A_412 = arith.constant 3 : i32
    %swap3A_413 = arith.index_cast %swap3A_412 : i32 to index
    %swap3A_414 = memref.load %arg12[%swap3A_413] : memref<16xi32, #tpu.memory_space<smem>>
    memref.store %swap3A_411, %arg12[%swap3A_413] : memref<16xi32, #tpu.memory_space<smem>>
    %swap3A_415 = arith.constant 0 : i32
    %swap3A_416 = arith.constant 4 : i32
    %swap3A_417 = arith.index_cast %swap3A_416 : i32 to index
    %swap3A_418 = memref.load %arg12[%swap3A_417] : memref<16xi32, #tpu.memory_space<smem>>
    memref.store %swap3A_415, %arg12[%swap3A_417] : memref<16xi32, #tpu.memory_space<smem>>
    %swap3A_419 = arith.constant 0 : i32
    %swap3A_420 = arith.constant 5 : i32
    %swap3A_421 = arith.index_cast %swap3A_420 : i32 to index
    %swap3A_422 = memref.load %arg12[%swap3A_421] : memref<16xi32, #tpu.memory_space<smem>>
    memref.store %swap3A_419, %arg12[%swap3A_421] : memref<16xi32, #tpu.memory_space<smem>>
    %swap3A_423 = arith.constant 0 : i32
    %swap3A_424 = arith.constant 6 : i32
    %swap3A_425 = arith.index_cast %swap3A_424 : i32 to index
    %swap3A_426 = memref.load %arg12[%swap3A_425] : memref<16xi32, #tpu.memory_space<smem>>
    memref.store %swap3A_423, %arg12[%swap3A_425] : memref<16xi32, #tpu.memory_space<smem>>
    %swap3A_427 = arith.constant 0 : i32
    %swap3A_428 = arith.constant 7 : i32
    %swap3A_429 = arith.index_cast %swap3A_428 : i32 to index
    %swap3A_430 = memref.load %arg12[%swap3A_429] : memref<16xi32, #tpu.memory_space<smem>>
    memref.store %swap3A_427, %arg12[%swap3A_429] : memref<16xi32, #tpu.memory_space<smem>>
    %swap3A_431 = arith.constant 0 : i32
    %swap3A_432 = arith.constant 8 : i32
    %swap3A_433 = arith.index_cast %swap3A_432 : i32 to index
    %swap3A_434 = memref.load %arg12[%swap3A_433] : memref<16xi32, #tpu.memory_space<smem>>
    memref.store %swap3A_431, %arg12[%swap3A_433] : memref<16xi32, #tpu.memory_space<smem>>
    %swap3A_435 = arith.constant 0 : i32
    %swap3A_436 = arith.constant 9 : i32
    %swap3A_437 = arith.index_cast %swap3A_436 : i32 to index
    %swap3A_438 = memref.load %arg12[%swap3A_437] : memref<16xi32, #tpu.memory_space<smem>>
    memref.store %swap3A_435, %arg12[%swap3A_437] : memref<16xi32, #tpu.memory_space<smem>>
    %swap3A_439 = arith.constant 0 : i32
    %swap3A_440 = arith.constant 10 : i32
    %swap3A_441 = arith.index_cast %swap3A_440 : i32 to index
    %swap3A_442 = memref.load %arg12[%swap3A_441] : memref<16xi32, #tpu.memory_space<smem>>
    memref.store %swap3A_439, %arg12[%swap3A_441] : memref<16xi32, #tpu.memory_space<smem>>
    %swap3A_443 = arith.constant 0 : i32
    %swap3A_444 = arith.constant 11 : i32
    %swap3A_445 = arith.index_cast %swap3A_444 : i32 to index
    %swap3A_446 = memref.load %arg12[%swap3A_445] : memref<16xi32, #tpu.memory_space<smem>>
    memref.store %swap3A_443, %arg12[%swap3A_445] : memref<16xi32, #tpu.memory_space<smem>>
    %swap3A_447 = arith.constant 0 : i32
    %swap3A_448 = arith.constant 12 : i32
    %swap3A_449 = arith.index_cast %swap3A_448 : i32 to index
    %swap3A_450 = memref.load %arg12[%swap3A_449] : memref<16xi32, #tpu.memory_space<smem>>
    memref.store %swap3A_447, %arg12[%swap3A_449] : memref<16xi32, #tpu.memory_space<smem>>
    %swap3A_451 = arith.constant 0 : i32
    %swap3A_452 = arith.constant 13 : i32
    %swap3A_453 = arith.index_cast %swap3A_452 : i32 to index
    %swap3A_454 = memref.load %arg12[%swap3A_453] : memref<16xi32, #tpu.memory_space<smem>>
    memref.store %swap3A_451, %arg12[%swap3A_453] : memref<16xi32, #tpu.memory_space<smem>>
    %swap3A_455 = arith.constant 0 : i32
    %swap3A_456 = arith.constant 14 : i32
    %swap3A_457 = arith.index_cast %swap3A_456 : i32 to index
    %swap3A_458 = memref.load %arg12[%swap3A_457] : memref<16xi32, #tpu.memory_space<smem>>
    memref.store %swap3A_455, %arg12[%swap3A_457] : memref<16xi32, #tpu.memory_space<smem>>
    %swap3A_459 = arith.constant 0 : i32
    %swap3A_460 = arith.constant 15 : i32
    %swap3A_461 = arith.index_cast %swap3A_460 : i32 to index
    %swap3A_462 = memref.load %arg12[%swap3A_461] : memref<16xi32, #tpu.memory_space<smem>>
    memref.store %swap3A_459, %arg12[%swap3A_461] : memref<16xi32, #tpu.memory_space<smem>>
    %get3A_463 = arith.constant 0 : i32
    %get3A_464 = arith.index_cast %get3A_463 : i32 to index
    %get3A_465 = memref.load %arg9[%get3A_464] : memref<64xi32, #tpu.memory_space<smem>>
    %add3A_466 = arith.constant 1 : i32
    %add3A_467 = arith.addi %get3A_465, %add3A_466 : i32
    %get3A_468 = arith.index_cast %add3A_467 : i32 to index
    %get3A_469 = memref.load %arg11[%get3A_468] : memref<17xi32, #tpu.memory_space<smem>>
    %add3A_470 = arith.constant 1 : i32
    %add3A_471 = arith.addi %get3A_469, %add3A_470 : i32
    %add3A_472 = arith.constant 1 : i32
    %add3A_473 = arith.addi %get3A_465, %add3A_472 : i32
    %swap3A_474 = arith.index_cast %add3A_473 : i32 to index
    %swap3A_475 = memref.load %arg11[%swap3A_474] : memref<17xi32, #tpu.memory_space<smem>>
    memref.store %add3A_471, %arg11[%swap3A_474] : memref<17xi32, #tpu.memory_space<smem>>
    %get3A_476 = arith.constant 1 : i32
    %get3A_477 = arith.index_cast %get3A_476 : i32 to index
    %get3A_478 = memref.load %arg9[%get3A_477] : memref<64xi32, #tpu.memory_space<smem>>
    %add3A_479 = arith.constant 1 : i32
    %add3A_480 = arith.addi %get3A_478, %add3A_479 : i32
    %get3A_481 = arith.index_cast %add3A_480 : i32 to index
    %get3A_482 = memref.load %arg11[%get3A_481] : memref<17xi32, #tpu.memory_space<smem>>
    %add3A_483 = arith.constant 1 : i32
    %add3A_484 = arith.addi %get3A_482, %add3A_483 : i32
    %add3A_485 = arith.constant 1 : i32
    %add3A_486 = arith.addi %get3A_478, %add3A_485 : i32
    %swap3A_487 = arith.index_cast %add3A_486 : i32 to index
    %swap3A_488 = memref.load %arg11[%swap3A_487] : memref<17xi32, #tpu.memory_space<smem>>
    memref.store %add3A_484, %arg11[%swap3A_487] : memref<17xi32, #tpu.memory_space<smem>>
    %get3A_489 = arith.constant 2 : i32
    %get3A_490 = arith.index_cast %get3A_489 : i32 to index
    %get3A_491 = memref.load %arg9[%get3A_490] : memref<64xi32, #tpu.memory_space<smem>>
    %add3A_492 = arith.constant 1 : i32
    %add3A_493 = arith.addi %get3A_491, %add3A_492 : i32
    %get3A_494 = arith.index_cast %add3A_493 : i32 to index
    %get3A_495 = memref.load %arg11[%get3A_494] : memref<17xi32, #tpu.memory_space<smem>>
    %add3A_496 = arith.constant 1 : i32
    %add3A_497 = arith.addi %get3A_495, %add3A_496 : i32
    %add3A_498 = arith.constant 1 : i32
    %add3A_499 = arith.addi %get3A_491, %add3A_498 : i32
    %swap3A_500 = arith.index_cast %add3A_499 : i32 to index
    %swap3A_501 = memref.load %arg11[%swap3A_500] : memref<17xi32, #tpu.memory_space<smem>>
    memref.store %add3A_497, %arg11[%swap3A_500] : memref<17xi32, #tpu.memory_space<smem>>
    %get3A_502 = arith.constant 3 : i32
    %get3A_503 = arith.index_cast %get3A_502 : i32 to index
    %get3A_504 = memref.load %arg9[%get3A_503] : memref<64xi32, #tpu.memory_space<smem>>
    %add3A_505 = arith.constant 1 : i32
    %add3A_506 = arith.addi %get3A_504, %add3A_505 : i32
    %get3A_507 = arith.index_cast %add3A_506 : i32 to index
    %get3A_508 = memref.load %arg11[%get3A_507] : memref<17xi32, #tpu.memory_space<smem>>
    %add3A_509 = arith.constant 1 : i32
    %add3A_510 = arith.addi %get3A_508, %add3A_509 : i32
    %add3A_511 = arith.constant 1 : i32
    %add3A_512 = arith.addi %get3A_504, %add3A_511 : i32
    %swap3A_513 = arith.index_cast %add3A_512 : i32 to index
    %swap3A_514 = memref.load %arg11[%swap3A_513] : memref<17xi32, #tpu.memory_space<smem>>
    memref.store %add3A_510, %arg11[%swap3A_513] : memref<17xi32, #tpu.memory_space<smem>>
    %get3A_515 = arith.constant 4 : i32
    %get3A_516 = arith.index_cast %get3A_515 : i32 to index
    %get3A_517 = memref.load %arg9[%get3A_516] : memref<64xi32, #tpu.memory_space<smem>>
    %add3A_518 = arith.constant 1 : i32
    %add3A_519 = arith.addi %get3A_517, %add3A_518 : i32
    %get3A_520 = arith.index_cast %add3A_519 : i32 to index
    %get3A_521 = memref.load %arg11[%get3A_520] : memref<17xi32, #tpu.memory_space<smem>>
    %add3A_522 = arith.constant 1 : i32
    %add3A_523 = arith.addi %get3A_521, %add3A_522 : i32
    %add3A_524 = arith.constant 1 : i32
    %add3A_525 = arith.addi %get3A_517, %add3A_524 : i32
    %swap3A_526 = arith.index_cast %add3A_525 : i32 to index
    %swap3A_527 = memref.load %arg11[%swap3A_526] : memref<17xi32, #tpu.memory_space<smem>>
    memref.store %add3A_523, %arg11[%swap3A_526] : memref<17xi32, #tpu.memory_space<smem>>
    %get3A_528 = arith.constant 5 : i32
    %get3A_529 = arith.index_cast %get3A_528 : i32 to index
    %get3A_530 = memref.load %arg9[%get3A_529] : memref<64xi32, #tpu.memory_space<smem>>
    %add3A_531 = arith.constant 1 : i32
    %add3A_532 = arith.addi %get3A_530, %add3A_531 : i32
    %get3A_533 = arith.index_cast %add3A_532 : i32 to index
    %get3A_534 = memref.load %arg11[%get3A_533] : memref<17xi32, #tpu.memory_space<smem>>
    %add3A_535 = arith.constant 1 : i32
    %add3A_536 = arith.addi %get3A_534, %add3A_535 : i32
    %add3A_537 = arith.constant 1 : i32
    %add3A_538 = arith.addi %get3A_530, %add3A_537 : i32
    %swap3A_539 = arith.index_cast %add3A_538 : i32 to index
    %swap3A_540 = memref.load %arg11[%swap3A_539] : memref<17xi32, #tpu.memory_space<smem>>
    memref.store %add3A_536, %arg11[%swap3A_539] : memref<17xi32, #tpu.memory_space<smem>>
    %get3A_541 = arith.constant 6 : i32
    %get3A_542 = arith.index_cast %get3A_541 : i32 to index
    %get3A_543 = memref.load %arg9[%get3A_542] : memref<64xi32, #tpu.memory_space<smem>>
    %add3A_544 = arith.constant 1 : i32
    %add3A_545 = arith.addi %get3A_543, %add3A_544 : i32
    %get3A_546 = arith.index_cast %add3A_545 : i32 to index
    %get3A_547 = memref.load %arg11[%get3A_546] : memref<17xi32, #tpu.memory_space<smem>>
    %add3A_548 = arith.constant 1 : i32
    %add3A_549 = arith.addi %get3A_547, %add3A_548 : i32
    %add3A_550 = arith.constant 1 : i32
    %add3A_551 = arith.addi %get3A_543, %add3A_550 : i32
    %swap3A_552 = arith.index_cast %add3A_551 : i32 to index
    %swap3A_553 = memref.load %arg11[%swap3A_552] : memref<17xi32, #tpu.memory_space<smem>>
    memref.store %add3A_549, %arg11[%swap3A_552] : memref<17xi32, #tpu.memory_space<smem>>
    %get3A_554 = arith.constant 7 : i32
    %get3A_555 = arith.index_cast %get3A_554 : i32 to index
    %get3A_556 = memref.load %arg9[%get3A_555] : memref<64xi32, #tpu.memory_space<smem>>
    %add3A_557 = arith.constant 1 : i32
    %add3A_558 = arith.addi %get3A_556, %add3A_557 : i32
    %get3A_559 = arith.index_cast %add3A_558 : i32 to index
    %get3A_560 = memref.load %arg11[%get3A_559] : memref<17xi32, #tpu.memory_space<smem>>
    %add3A_561 = arith.constant 1 : i32
    %add3A_562 = arith.addi %get3A_560, %add3A_561 : i32
    %add3A_563 = arith.constant 1 : i32
    %add3A_564 = arith.addi %get3A_556, %add3A_563 : i32
    %swap3A_565 = arith.index_cast %add3A_564 : i32 to index
    %swap3A_566 = memref.load %arg11[%swap3A_565] : memref<17xi32, #tpu.memory_space<smem>>
    memref.store %add3A_562, %arg11[%swap3A_565] : memref<17xi32, #tpu.memory_space<smem>>
    %get3A_567 = arith.constant 8 : i32
    %get3A_568 = arith.index_cast %get3A_567 : i32 to index
    %get3A_569 = memref.load %arg9[%get3A_568] : memref<64xi32, #tpu.memory_space<smem>>
    %add3A_570 = arith.constant 1 : i32
    %add3A_571 = arith.addi %get3A_569, %add3A_570 : i32
    %get3A_572 = arith.index_cast %add3A_571 : i32 to index
    %get3A_573 = memref.load %arg11[%get3A_572] : memref<17xi32, #tpu.memory_space<smem>>
    %add3A_574 = arith.constant 1 : i32
    %add3A_575 = arith.addi %get3A_573, %add3A_574 : i32
    %add3A_576 = arith.constant 1 : i32
    %add3A_577 = arith.addi %get3A_569, %add3A_576 : i32
    %swap3A_578 = arith.index_cast %add3A_577 : i32 to index
    %swap3A_579 = memref.load %arg11[%swap3A_578] : memref<17xi32, #tpu.memory_space<smem>>
    memref.store %add3A_575, %arg11[%swap3A_578] : memref<17xi32, #tpu.memory_space<smem>>
    %get3A_580 = arith.constant 9 : i32
    %get3A_581 = arith.index_cast %get3A_580 : i32 to index
    %get3A_582 = memref.load %arg9[%get3A_581] : memref<64xi32, #tpu.memory_space<smem>>
    %add3A_583 = arith.constant 1 : i32
    %add3A_584 = arith.addi %get3A_582, %add3A_583 : i32
    %get3A_585 = arith.index_cast %add3A_584 : i32 to index
    %get3A_586 = memref.load %arg11[%get3A_585] : memref<17xi32, #tpu.memory_space<smem>>
    %add3A_587 = arith.constant 1 : i32
    %add3A_588 = arith.addi %get3A_586, %add3A_587 : i32
    %add3A_589 = arith.constant 1 : i32
    %add3A_590 = arith.addi %get3A_582, %add3A_589 : i32
    %swap3A_591 = arith.index_cast %add3A_590 : i32 to index
    %swap3A_592 = memref.load %arg11[%swap3A_591] : memref<17xi32, #tpu.memory_space<smem>>
    memref.store %add3A_588, %arg11[%swap3A_591] : memref<17xi32, #tpu.memory_space<smem>>
    %get3A_593 = arith.constant 10 : i32
    %get3A_594 = arith.index_cast %get3A_593 : i32 to index
    %get3A_595 = memref.load %arg9[%get3A_594] : memref<64xi32, #tpu.memory_space<smem>>
    %add3A_596 = arith.constant 1 : i32
    %add3A_597 = arith.addi %get3A_595, %add3A_596 : i32
    %get3A_598 = arith.index_cast %add3A_597 : i32 to index
    %get3A_599 = memref.load %arg11[%get3A_598] : memref<17xi32, #tpu.memory_space<smem>>
    %add3A_600 = arith.constant 1 : i32
    %add3A_601 = arith.addi %get3A_599, %add3A_600 : i32
    %add3A_602 = arith.constant 1 : i32
    %add3A_603 = arith.addi %get3A_595, %add3A_602 : i32
    %swap3A_604 = arith.index_cast %add3A_603 : i32 to index
    %swap3A_605 = memref.load %arg11[%swap3A_604] : memref<17xi32, #tpu.memory_space<smem>>
    memref.store %add3A_601, %arg11[%swap3A_604] : memref<17xi32, #tpu.memory_space<smem>>
    %get3A_606 = arith.constant 11 : i32
    %get3A_607 = arith.index_cast %get3A_606 : i32 to index
    %get3A_608 = memref.load %arg9[%get3A_607] : memref<64xi32, #tpu.memory_space<smem>>
    %add3A_609 = arith.constant 1 : i32
    %add3A_610 = arith.addi %get3A_608, %add3A_609 : i32
    %get3A_611 = arith.index_cast %add3A_610 : i32 to index
    %get3A_612 = memref.load %arg11[%get3A_611] : memref<17xi32, #tpu.memory_space<smem>>
    %add3A_613 = arith.constant 1 : i32
    %add3A_614 = arith.addi %get3A_612, %add3A_613 : i32
    %add3A_615 = arith.constant 1 : i32
    %add3A_616 = arith.addi %get3A_608, %add3A_615 : i32
    %swap3A_617 = arith.index_cast %add3A_616 : i32 to index
    %swap3A_618 = memref.load %arg11[%swap3A_617] : memref<17xi32, #tpu.memory_space<smem>>
    memref.store %add3A_614, %arg11[%swap3A_617] : memref<17xi32, #tpu.memory_space<smem>>
    %get3A_619 = arith.constant 12 : i32
    %get3A_620 = arith.index_cast %get3A_619 : i32 to index
    %get3A_621 = memref.load %arg9[%get3A_620] : memref<64xi32, #tpu.memory_space<smem>>
    %add3A_622 = arith.constant 1 : i32
    %add3A_623 = arith.addi %get3A_621, %add3A_622 : i32
    %get3A_624 = arith.index_cast %add3A_623 : i32 to index
    %get3A_625 = memref.load %arg11[%get3A_624] : memref<17xi32, #tpu.memory_space<smem>>
    %add3A_626 = arith.constant 1 : i32
    %add3A_627 = arith.addi %get3A_625, %add3A_626 : i32
    %add3A_628 = arith.constant 1 : i32
    %add3A_629 = arith.addi %get3A_621, %add3A_628 : i32
    %swap3A_630 = arith.index_cast %add3A_629 : i32 to index
    %swap3A_631 = memref.load %arg11[%swap3A_630] : memref<17xi32, #tpu.memory_space<smem>>
    memref.store %add3A_627, %arg11[%swap3A_630] : memref<17xi32, #tpu.memory_space<smem>>
    %get3A_632 = arith.constant 13 : i32
    %get3A_633 = arith.index_cast %get3A_632 : i32 to index
    %get3A_634 = memref.load %arg9[%get3A_633] : memref<64xi32, #tpu.memory_space<smem>>
    %add3A_635 = arith.constant 1 : i32
    %add3A_636 = arith.addi %get3A_634, %add3A_635 : i32
    %get3A_637 = arith.index_cast %add3A_636 : i32 to index
    %get3A_638 = memref.load %arg11[%get3A_637] : memref<17xi32, #tpu.memory_space<smem>>
    %add3A_639 = arith.constant 1 : i32
    %add3A_640 = arith.addi %get3A_638, %add3A_639 : i32
    %add3A_641 = arith.constant 1 : i32
    %add3A_642 = arith.addi %get3A_634, %add3A_641 : i32
    %swap3A_643 = arith.index_cast %add3A_642 : i32 to index
    %swap3A_644 = memref.load %arg11[%swap3A_643] : memref<17xi32, #tpu.memory_space<smem>>
    memref.store %add3A_640, %arg11[%swap3A_643] : memref<17xi32, #tpu.memory_space<smem>>
    %get3A_645 = arith.constant 14 : i32
    %get3A_646 = arith.index_cast %get3A_645 : i32 to index
    %get3A_647 = memref.load %arg9[%get3A_646] : memref<64xi32, #tpu.memory_space<smem>>
    %add3A_648 = arith.constant 1 : i32
    %add3A_649 = arith.addi %get3A_647, %add3A_648 : i32
    %get3A_650 = arith.index_cast %add3A_649 : i32 to index
    %get3A_651 = memref.load %arg11[%get3A_650] : memref<17xi32, #tpu.memory_space<smem>>
    %add3A_652 = arith.constant 1 : i32
    %add3A_653 = arith.addi %get3A_651, %add3A_652 : i32
    %add3A_654 = arith.constant 1 : i32
    %add3A_655 = arith.addi %get3A_647, %add3A_654 : i32
    %swap3A_656 = arith.index_cast %add3A_655 : i32 to index
    %swap3A_657 = memref.load %arg11[%swap3A_656] : memref<17xi32, #tpu.memory_space<smem>>
    memref.store %add3A_653, %arg11[%swap3A_656] : memref<17xi32, #tpu.memory_space<smem>>
    %get3A_658 = arith.constant 15 : i32
    %get3A_659 = arith.index_cast %get3A_658 : i32 to index
    %get3A_660 = memref.load %arg9[%get3A_659] : memref<64xi32, #tpu.memory_space<smem>>
    %add3A_661 = arith.constant 1 : i32
    %add3A_662 = arith.addi %get3A_660, %add3A_661 : i32
    %get3A_663 = arith.index_cast %add3A_662 : i32 to index
    %get3A_664 = memref.load %arg11[%get3A_663] : memref<17xi32, #tpu.memory_space<smem>>
    %add3A_665 = arith.constant 1 : i32
    %add3A_666 = arith.addi %get3A_664, %add3A_665 : i32
    %add3A_667 = arith.constant 1 : i32
    %add3A_668 = arith.addi %get3A_660, %add3A_667 : i32
    %swap3A_669 = arith.index_cast %add3A_668 : i32 to index
    %swap3A_670 = memref.load %arg11[%swap3A_669] : memref<17xi32, #tpu.memory_space<smem>>
    memref.store %add3A_666, %arg11[%swap3A_669] : memref<17xi32, #tpu.memory_space<smem>>
    %get3A_671 = arith.constant 16 : i32
    %get3A_672 = arith.index_cast %get3A_671 : i32 to index
    %get3A_673 = memref.load %arg9[%get3A_672] : memref<64xi32, #tpu.memory_space<smem>>
    %add3A_674 = arith.constant 1 : i32
    %add3A_675 = arith.addi %get3A_673, %add3A_674 : i32
    %get3A_676 = arith.index_cast %add3A_675 : i32 to index
    %get3A_677 = memref.load %arg11[%get3A_676] : memref<17xi32, #tpu.memory_space<smem>>
    %add3A_678 = arith.constant 1 : i32
    %add3A_679 = arith.addi %get3A_677, %add3A_678 : i32
    %add3A_680 = arith.constant 1 : i32
    %add3A_681 = arith.addi %get3A_673, %add3A_680 : i32
    %swap3A_682 = arith.index_cast %add3A_681 : i32 to index
    %swap3A_683 = memref.load %arg11[%swap3A_682] : memref<17xi32, #tpu.memory_space<smem>>
    memref.store %add3A_679, %arg11[%swap3A_682] : memref<17xi32, #tpu.memory_space<smem>>
    %get3A_684 = arith.constant 17 : i32
    %get3A_685 = arith.index_cast %get3A_684 : i32 to index
    %get3A_686 = memref.load %arg9[%get3A_685] : memref<64xi32, #tpu.memory_space<smem>>
    %add3A_687 = arith.constant 1 : i32
    %add3A_688 = arith.addi %get3A_686, %add3A_687 : i32
    %get3A_689 = arith.index_cast %add3A_688 : i32 to index
    %get3A_690 = memref.load %arg11[%get3A_689] : memref<17xi32, #tpu.memory_space<smem>>
    %add3A_691 = arith.constant 1 : i32
    %add3A_692 = arith.addi %get3A_690, %add3A_691 : i32
    %add3A_693 = arith.constant 1 : i32
    %add3A_694 = arith.addi %get3A_686, %add3A_693 : i32
    %swap3A_695 = arith.index_cast %add3A_694 : i32 to index
    %swap3A_696 = memref.load %arg11[%swap3A_695] : memref<17xi32, #tpu.memory_space<smem>>
    memref.store %add3A_692, %arg11[%swap3A_695] : memref<17xi32, #tpu.memory_space<smem>>
    %get3A_697 = arith.constant 18 : i32
    %get3A_698 = arith.index_cast %get3A_697 : i32 to index
    %get3A_699 = memref.load %arg9[%get3A_698] : memref<64xi32, #tpu.memory_space<smem>>
    %add3A_700 = arith.constant 1 : i32
    %add3A_701 = arith.addi %get3A_699, %add3A_700 : i32
    %get3A_702 = arith.index_cast %add3A_701 : i32 to index
    %get3A_703 = memref.load %arg11[%get3A_702] : memref<17xi32, #tpu.memory_space<smem>>
    %add3A_704 = arith.constant 1 : i32
    %add3A_705 = arith.addi %get3A_703, %add3A_704 : i32
    %add3A_706 = arith.constant 1 : i32
    %add3A_707 = arith.addi %get3A_699, %add3A_706 : i32
    %swap3A_708 = arith.index_cast %add3A_707 : i32 to index
    %swap3A_709 = memref.load %arg11[%swap3A_708] : memref<17xi32, #tpu.memory_space<smem>>
    memref.store %add3A_705, %arg11[%swap3A_708] : memref<17xi32, #tpu.memory_space<smem>>
    %get3A_710 = arith.constant 19 : i32
    %get3A_711 = arith.index_cast %get3A_710 : i32 to index
    %get3A_712 = memref.load %arg9[%get3A_711] : memref<64xi32, #tpu.memory_space<smem>>
    %add3A_713 = arith.constant 1 : i32
    %add3A_714 = arith.addi %get3A_712, %add3A_713 : i32
    %get3A_715 = arith.index_cast %add3A_714 : i32 to index
    %get3A_716 = memref.load %arg11[%get3A_715] : memref<17xi32, #tpu.memory_space<smem>>
    %add3A_717 = arith.constant 1 : i32
    %add3A_718 = arith.addi %get3A_716, %add3A_717 : i32
    %add3A_719 = arith.constant 1 : i32
    %add3A_720 = arith.addi %get3A_712, %add3A_719 : i32
    %swap3A_721 = arith.index_cast %add3A_720 : i32 to index
    %swap3A_722 = memref.load %arg11[%swap3A_721] : memref<17xi32, #tpu.memory_space<smem>>
    memref.store %add3A_718, %arg11[%swap3A_721] : memref<17xi32, #tpu.memory_space<smem>>
    %get3A_723 = arith.constant 20 : i32
    %get3A_724 = arith.index_cast %get3A_723 : i32 to index
    %get3A_725 = memref.load %arg9[%get3A_724] : memref<64xi32, #tpu.memory_space<smem>>
    %add3A_726 = arith.constant 1 : i32
    %add3A_727 = arith.addi %get3A_725, %add3A_726 : i32
    %get3A_728 = arith.index_cast %add3A_727 : i32 to index
    %get3A_729 = memref.load %arg11[%get3A_728] : memref<17xi32, #tpu.memory_space<smem>>
    %add3A_730 = arith.constant 1 : i32
    %add3A_731 = arith.addi %get3A_729, %add3A_730 : i32
    %add3A_732 = arith.constant 1 : i32
    %add3A_733 = arith.addi %get3A_725, %add3A_732 : i32
    %swap3A_734 = arith.index_cast %add3A_733 : i32 to index
    %swap3A_735 = memref.load %arg11[%swap3A_734] : memref<17xi32, #tpu.memory_space<smem>>
    memref.store %add3A_731, %arg11[%swap3A_734] : memref<17xi32, #tpu.memory_space<smem>>
    %get3A_736 = arith.constant 21 : i32
    %get3A_737 = arith.index_cast %get3A_736 : i32 to index
    %get3A_738 = memref.load %arg9[%get3A_737] : memref<64xi32, #tpu.memory_space<smem>>
    %add3A_739 = arith.constant 1 : i32
    %add3A_740 = arith.addi %get3A_738, %add3A_739 : i32
    %get3A_741 = arith.index_cast %add3A_740 : i32 to index
    %get3A_742 = memref.load %arg11[%get3A_741] : memref<17xi32, #tpu.memory_space<smem>>
    %add3A_743 = arith.constant 1 : i32
    %add3A_744 = arith.addi %get3A_742, %add3A_743 : i32
    %add3A_745 = arith.constant 1 : i32
    %add3A_746 = arith.addi %get3A_738, %add3A_745 : i32
    %swap3A_747 = arith.index_cast %add3A_746 : i32 to index
    %swap3A_748 = memref.load %arg11[%swap3A_747] : memref<17xi32, #tpu.memory_space<smem>>
    memref.store %add3A_744, %arg11[%swap3A_747] : memref<17xi32, #tpu.memory_space<smem>>
    %get3A_749 = arith.constant 22 : i32
    %get3A_750 = arith.index_cast %get3A_749 : i32 to index
    %get3A_751 = memref.load %arg9[%get3A_750] : memref<64xi32, #tpu.memory_space<smem>>
    %add3A_752 = arith.constant 1 : i32
    %add3A_753 = arith.addi %get3A_751, %add3A_752 : i32
    %get3A_754 = arith.index_cast %add3A_753 : i32 to index
    %get3A_755 = memref.load %arg11[%get3A_754] : memref<17xi32, #tpu.memory_space<smem>>
    %add3A_756 = arith.constant 1 : i32
    %add3A_757 = arith.addi %get3A_755, %add3A_756 : i32
    %add3A_758 = arith.constant 1 : i32
    %add3A_759 = arith.addi %get3A_751, %add3A_758 : i32
    %swap3A_760 = arith.index_cast %add3A_759 : i32 to index
    %swap3A_761 = memref.load %arg11[%swap3A_760] : memref<17xi32, #tpu.memory_space<smem>>
    memref.store %add3A_757, %arg11[%swap3A_760] : memref<17xi32, #tpu.memory_space<smem>>
    %get3A_762 = arith.constant 23 : i32
    %get3A_763 = arith.index_cast %get3A_762 : i32 to index
    %get3A_764 = memref.load %arg9[%get3A_763] : memref<64xi32, #tpu.memory_space<smem>>
    %add3A_765 = arith.constant 1 : i32
    %add3A_766 = arith.addi %get3A_764, %add3A_765 : i32
    %get3A_767 = arith.index_cast %add3A_766 : i32 to index
    %get3A_768 = memref.load %arg11[%get3A_767] : memref<17xi32, #tpu.memory_space<smem>>
    %add3A_769 = arith.constant 1 : i32
    %add3A_770 = arith.addi %get3A_768, %add3A_769 : i32
    %add3A_771 = arith.constant 1 : i32
    %add3A_772 = arith.addi %get3A_764, %add3A_771 : i32
    %swap3A_773 = arith.index_cast %add3A_772 : i32 to index
    %swap3A_774 = memref.load %arg11[%swap3A_773] : memref<17xi32, #tpu.memory_space<smem>>
    memref.store %add3A_770, %arg11[%swap3A_773] : memref<17xi32, #tpu.memory_space<smem>>
    %get3A_775 = arith.constant 24 : i32
    %get3A_776 = arith.index_cast %get3A_775 : i32 to index
    %get3A_777 = memref.load %arg9[%get3A_776] : memref<64xi32, #tpu.memory_space<smem>>
    %add3A_778 = arith.constant 1 : i32
    %add3A_779 = arith.addi %get3A_777, %add3A_778 : i32
    %get3A_780 = arith.index_cast %add3A_779 : i32 to index
    %get3A_781 = memref.load %arg11[%get3A_780] : memref<17xi32, #tpu.memory_space<smem>>
    %add3A_782 = arith.constant 1 : i32
    %add3A_783 = arith.addi %get3A_781, %add3A_782 : i32
    %add3A_784 = arith.constant 1 : i32
    %add3A_785 = arith.addi %get3A_777, %add3A_784 : i32
    %swap3A_786 = arith.index_cast %add3A_785 : i32 to index
    %swap3A_787 = memref.load %arg11[%swap3A_786] : memref<17xi32, #tpu.memory_space<smem>>
    memref.store %add3A_783, %arg11[%swap3A_786] : memref<17xi32, #tpu.memory_space<smem>>
    %get3A_788 = arith.constant 25 : i32
    %get3A_789 = arith.index_cast %get3A_788 : i32 to index
    %get3A_790 = memref.load %arg9[%get3A_789] : memref<64xi32, #tpu.memory_space<smem>>
    %add3A_791 = arith.constant 1 : i32
    %add3A_792 = arith.addi %get3A_790, %add3A_791 : i32
    %get3A_793 = arith.index_cast %add3A_792 : i32 to index
    %get3A_794 = memref.load %arg11[%get3A_793] : memref<17xi32, #tpu.memory_space<smem>>
    %add3A_795 = arith.constant 1 : i32
    %add3A_796 = arith.addi %get3A_794, %add3A_795 : i32
    %add3A_797 = arith.constant 1 : i32
    %add3A_798 = arith.addi %get3A_790, %add3A_797 : i32
    %swap3A_799 = arith.index_cast %add3A_798 : i32 to index
    %swap3A_800 = memref.load %arg11[%swap3A_799] : memref<17xi32, #tpu.memory_space<smem>>
    memref.store %add3A_796, %arg11[%swap3A_799] : memref<17xi32, #tpu.memory_space<smem>>
    %get3A_801 = arith.constant 26 : i32
    %get3A_802 = arith.index_cast %get3A_801 : i32 to index
    %get3A_803 = memref.load %arg9[%get3A_802] : memref<64xi32, #tpu.memory_space<smem>>
    %add3A_804 = arith.constant 1 : i32
    %add3A_805 = arith.addi %get3A_803, %add3A_804 : i32
    %get3A_806 = arith.index_cast %add3A_805 : i32 to index
    %get3A_807 = memref.load %arg11[%get3A_806] : memref<17xi32, #tpu.memory_space<smem>>
    %add3A_808 = arith.constant 1 : i32
    %add3A_809 = arith.addi %get3A_807, %add3A_808 : i32
    %add3A_810 = arith.constant 1 : i32
    %add3A_811 = arith.addi %get3A_803, %add3A_810 : i32
    %swap3A_812 = arith.index_cast %add3A_811 : i32 to index
    %swap3A_813 = memref.load %arg11[%swap3A_812] : memref<17xi32, #tpu.memory_space<smem>>
    memref.store %add3A_809, %arg11[%swap3A_812] : memref<17xi32, #tpu.memory_space<smem>>
    %get3A_814 = arith.constant 27 : i32
    %get3A_815 = arith.index_cast %get3A_814 : i32 to index
    %get3A_816 = memref.load %arg9[%get3A_815] : memref<64xi32, #tpu.memory_space<smem>>
    %add3A_817 = arith.constant 1 : i32
    %add3A_818 = arith.addi %get3A_816, %add3A_817 : i32
    %get3A_819 = arith.index_cast %add3A_818 : i32 to index
    %get3A_820 = memref.load %arg11[%get3A_819] : memref<17xi32, #tpu.memory_space<smem>>
    %add3A_821 = arith.constant 1 : i32
    %add3A_822 = arith.addi %get3A_820, %add3A_821 : i32
    %add3A_823 = arith.constant 1 : i32
    %add3A_824 = arith.addi %get3A_816, %add3A_823 : i32
    %swap3A_825 = arith.index_cast %add3A_824 : i32 to index
    %swap3A_826 = memref.load %arg11[%swap3A_825] : memref<17xi32, #tpu.memory_space<smem>>
    memref.store %add3A_822, %arg11[%swap3A_825] : memref<17xi32, #tpu.memory_space<smem>>
    %get3A_827 = arith.constant 28 : i32
    %get3A_828 = arith.index_cast %get3A_827 : i32 to index
    %get3A_829 = memref.load %arg9[%get3A_828] : memref<64xi32, #tpu.memory_space<smem>>
    %add3A_830 = arith.constant 1 : i32
    %add3A_831 = arith.addi %get3A_829, %add3A_830 : i32
    %get3A_832 = arith.index_cast %add3A_831 : i32 to index
    %get3A_833 = memref.load %arg11[%get3A_832] : memref<17xi32, #tpu.memory_space<smem>>
    %add3A_834 = arith.constant 1 : i32
    %add3A_835 = arith.addi %get3A_833, %add3A_834 : i32
    %add3A_836 = arith.constant 1 : i32
    %add3A_837 = arith.addi %get3A_829, %add3A_836 : i32
    %swap3A_838 = arith.index_cast %add3A_837 : i32 to index
    %swap3A_839 = memref.load %arg11[%swap3A_838] : memref<17xi32, #tpu.memory_space<smem>>
    memref.store %add3A_835, %arg11[%swap3A_838] : memref<17xi32, #tpu.memory_space<smem>>
    %get3A_840 = arith.constant 29 : i32
    %get3A_841 = arith.index_cast %get3A_840 : i32 to index
    %get3A_842 = memref.load %arg9[%get3A_841] : memref<64xi32, #tpu.memory_space<smem>>
    %add3A_843 = arith.constant 1 : i32
    %add3A_844 = arith.addi %get3A_842, %add3A_843 : i32
    %get3A_845 = arith.index_cast %add3A_844 : i32 to index
    %get3A_846 = memref.load %arg11[%get3A_845] : memref<17xi32, #tpu.memory_space<smem>>
    %add3A_847 = arith.constant 1 : i32
    %add3A_848 = arith.addi %get3A_846, %add3A_847 : i32
    %add3A_849 = arith.constant 1 : i32
    %add3A_850 = arith.addi %get3A_842, %add3A_849 : i32
    %swap3A_851 = arith.index_cast %add3A_850 : i32 to index
    %swap3A_852 = memref.load %arg11[%swap3A_851] : memref<17xi32, #tpu.memory_space<smem>>
    memref.store %add3A_848, %arg11[%swap3A_851] : memref<17xi32, #tpu.memory_space<smem>>
    %get3A_853 = arith.constant 30 : i32
    %get3A_854 = arith.index_cast %get3A_853 : i32 to index
    %get3A_855 = memref.load %arg9[%get3A_854] : memref<64xi32, #tpu.memory_space<smem>>
    %add3A_856 = arith.constant 1 : i32
    %add3A_857 = arith.addi %get3A_855, %add3A_856 : i32
    %get3A_858 = arith.index_cast %add3A_857 : i32 to index
    %get3A_859 = memref.load %arg11[%get3A_858] : memref<17xi32, #tpu.memory_space<smem>>
    %add3A_860 = arith.constant 1 : i32
    %add3A_861 = arith.addi %get3A_859, %add3A_860 : i32
    %add3A_862 = arith.constant 1 : i32
    %add3A_863 = arith.addi %get3A_855, %add3A_862 : i32
    %swap3A_864 = arith.index_cast %add3A_863 : i32 to index
    %swap3A_865 = memref.load %arg11[%swap3A_864] : memref<17xi32, #tpu.memory_space<smem>>
    memref.store %add3A_861, %arg11[%swap3A_864] : memref<17xi32, #tpu.memory_space<smem>>
    %get3A_866 = arith.constant 31 : i32
    %get3A_867 = arith.index_cast %get3A_866 : i32 to index
    %get3A_868 = memref.load %arg9[%get3A_867] : memref<64xi32, #tpu.memory_space<smem>>
    %add3A_869 = arith.constant 1 : i32
    %add3A_870 = arith.addi %get3A_868, %add3A_869 : i32
    %get3A_871 = arith.index_cast %add3A_870 : i32 to index
    %get3A_872 = memref.load %arg11[%get3A_871] : memref<17xi32, #tpu.memory_space<smem>>
    %add3A_873 = arith.constant 1 : i32
    %add3A_874 = arith.addi %get3A_872, %add3A_873 : i32
    %add3A_875 = arith.constant 1 : i32
    %add3A_876 = arith.addi %get3A_868, %add3A_875 : i32
    %swap3A_877 = arith.index_cast %add3A_876 : i32 to index
    %swap3A_878 = memref.load %arg11[%swap3A_877] : memref<17xi32, #tpu.memory_space<smem>>
    memref.store %add3A_874, %arg11[%swap3A_877] : memref<17xi32, #tpu.memory_space<smem>>
    %get3A_879 = arith.constant 32 : i32
    %get3A_880 = arith.index_cast %get3A_879 : i32 to index
    %get3A_881 = memref.load %arg9[%get3A_880] : memref<64xi32, #tpu.memory_space<smem>>
    %add3A_882 = arith.constant 1 : i32
    %add3A_883 = arith.addi %get3A_881, %add3A_882 : i32
    %get3A_884 = arith.index_cast %add3A_883 : i32 to index
    %get3A_885 = memref.load %arg11[%get3A_884] : memref<17xi32, #tpu.memory_space<smem>>
    %add3A_886 = arith.constant 1 : i32
    %add3A_887 = arith.addi %get3A_885, %add3A_886 : i32
    %add3A_888 = arith.constant 1 : i32
    %add3A_889 = arith.addi %get3A_881, %add3A_888 : i32
    %swap3A_890 = arith.index_cast %add3A_889 : i32 to index
    %swap3A_891 = memref.load %arg11[%swap3A_890] : memref<17xi32, #tpu.memory_space<smem>>
    memref.store %add3A_887, %arg11[%swap3A_890] : memref<17xi32, #tpu.memory_space<smem>>
    %get3A_892 = arith.constant 33 : i32
    %get3A_893 = arith.index_cast %get3A_892 : i32 to index
    %get3A_894 = memref.load %arg9[%get3A_893] : memref<64xi32, #tpu.memory_space<smem>>
    %add3A_895 = arith.constant 1 : i32
    %add3A_896 = arith.addi %get3A_894, %add3A_895 : i32
    %get3A_897 = arith.index_cast %add3A_896 : i32 to index
    %get3A_898 = memref.load %arg11[%get3A_897] : memref<17xi32, #tpu.memory_space<smem>>
    %add3A_899 = arith.constant 1 : i32
    %add3A_900 = arith.addi %get3A_898, %add3A_899 : i32
    %add3A_901 = arith.constant 1 : i32
    %add3A_902 = arith.addi %get3A_894, %add3A_901 : i32
    %swap3A_903 = arith.index_cast %add3A_902 : i32 to index
    %swap3A_904 = memref.load %arg11[%swap3A_903] : memref<17xi32, #tpu.memory_space<smem>>
    memref.store %add3A_900, %arg11[%swap3A_903] : memref<17xi32, #tpu.memory_space<smem>>
    %get3A_905 = arith.constant 34 : i32
    %get3A_906 = arith.index_cast %get3A_905 : i32 to index
    %get3A_907 = memref.load %arg9[%get3A_906] : memref<64xi32, #tpu.memory_space<smem>>
    %add3A_908 = arith.constant 1 : i32
    %add3A_909 = arith.addi %get3A_907, %add3A_908 : i32
    %get3A_910 = arith.index_cast %add3A_909 : i32 to index
    %get3A_911 = memref.load %arg11[%get3A_910] : memref<17xi32, #tpu.memory_space<smem>>
    %add3A_912 = arith.constant 1 : i32
    %add3A_913 = arith.addi %get3A_911, %add3A_912 : i32
    %add3A_914 = arith.constant 1 : i32
    %add3A_915 = arith.addi %get3A_907, %add3A_914 : i32
    %swap3A_916 = arith.index_cast %add3A_915 : i32 to index
    %swap3A_917 = memref.load %arg11[%swap3A_916] : memref<17xi32, #tpu.memory_space<smem>>
    memref.store %add3A_913, %arg11[%swap3A_916] : memref<17xi32, #tpu.memory_space<smem>>
    %get3A_918 = arith.constant 35 : i32
    %get3A_919 = arith.index_cast %get3A_918 : i32 to index
    %get3A_920 = memref.load %arg9[%get3A_919] : memref<64xi32, #tpu.memory_space<smem>>
    %add3A_921 = arith.constant 1 : i32
    %add3A_922 = arith.addi %get3A_920, %add3A_921 : i32
    %get3A_923 = arith.index_cast %add3A_922 : i32 to index
    %get3A_924 = memref.load %arg11[%get3A_923] : memref<17xi32, #tpu.memory_space<smem>>
    %add3A_925 = arith.constant 1 : i32
    %add3A_926 = arith.addi %get3A_924, %add3A_925 : i32
    %add3A_927 = arith.constant 1 : i32
    %add3A_928 = arith.addi %get3A_920, %add3A_927 : i32
    %swap3A_929 = arith.index_cast %add3A_928 : i32 to index
    %swap3A_930 = memref.load %arg11[%swap3A_929] : memref<17xi32, #tpu.memory_space<smem>>
    memref.store %add3A_926, %arg11[%swap3A_929] : memref<17xi32, #tpu.memory_space<smem>>
    %get3A_931 = arith.constant 36 : i32
    %get3A_932 = arith.index_cast %get3A_931 : i32 to index
    %get3A_933 = memref.load %arg9[%get3A_932] : memref<64xi32, #tpu.memory_space<smem>>
    %add3A_934 = arith.constant 1 : i32
    %add3A_935 = arith.addi %get3A_933, %add3A_934 : i32
    %get3A_936 = arith.index_cast %add3A_935 : i32 to index
    %get3A_937 = memref.load %arg11[%get3A_936] : memref<17xi32, #tpu.memory_space<smem>>
    %add3A_938 = arith.constant 1 : i32
    %add3A_939 = arith.addi %get3A_937, %add3A_938 : i32
    %add3A_940 = arith.constant 1 : i32
    %add3A_941 = arith.addi %get3A_933, %add3A_940 : i32
    %swap3A_942 = arith.index_cast %add3A_941 : i32 to index
    %swap3A_943 = memref.load %arg11[%swap3A_942] : memref<17xi32, #tpu.memory_space<smem>>
    memref.store %add3A_939, %arg11[%swap3A_942] : memref<17xi32, #tpu.memory_space<smem>>
    %get3A_944 = arith.constant 37 : i32
    %get3A_945 = arith.index_cast %get3A_944 : i32 to index
    %get3A_946 = memref.load %arg9[%get3A_945] : memref<64xi32, #tpu.memory_space<smem>>
    %add3A_947 = arith.constant 1 : i32
    %add3A_948 = arith.addi %get3A_946, %add3A_947 : i32
    %get3A_949 = arith.index_cast %add3A_948 : i32 to index
    %get3A_950 = memref.load %arg11[%get3A_949] : memref<17xi32, #tpu.memory_space<smem>>
    %add3A_951 = arith.constant 1 : i32
    %add3A_952 = arith.addi %get3A_950, %add3A_951 : i32
    %add3A_953 = arith.constant 1 : i32
    %add3A_954 = arith.addi %get3A_946, %add3A_953 : i32
    %swap3A_955 = arith.index_cast %add3A_954 : i32 to index
    %swap3A_956 = memref.load %arg11[%swap3A_955] : memref<17xi32, #tpu.memory_space<smem>>
    memref.store %add3A_952, %arg11[%swap3A_955] : memref<17xi32, #tpu.memory_space<smem>>
    %get3A_957 = arith.constant 38 : i32
    %get3A_958 = arith.index_cast %get3A_957 : i32 to index
    %get3A_959 = memref.load %arg9[%get3A_958] : memref<64xi32, #tpu.memory_space<smem>>
    %add3A_960 = arith.constant 1 : i32
    %add3A_961 = arith.addi %get3A_959, %add3A_960 : i32
    %get3A_962 = arith.index_cast %add3A_961 : i32 to index
    %get3A_963 = memref.load %arg11[%get3A_962] : memref<17xi32, #tpu.memory_space<smem>>
    %add3A_964 = arith.constant 1 : i32
    %add3A_965 = arith.addi %get3A_963, %add3A_964 : i32
    %add3A_966 = arith.constant 1 : i32
    %add3A_967 = arith.addi %get3A_959, %add3A_966 : i32
    %swap3A_968 = arith.index_cast %add3A_967 : i32 to index
    %swap3A_969 = memref.load %arg11[%swap3A_968] : memref<17xi32, #tpu.memory_space<smem>>
    memref.store %add3A_965, %arg11[%swap3A_968] : memref<17xi32, #tpu.memory_space<smem>>
    %get3A_970 = arith.constant 39 : i32
    %get3A_971 = arith.index_cast %get3A_970 : i32 to index
    %get3A_972 = memref.load %arg9[%get3A_971] : memref<64xi32, #tpu.memory_space<smem>>
    %add3A_973 = arith.constant 1 : i32
    %add3A_974 = arith.addi %get3A_972, %add3A_973 : i32
    %get3A_975 = arith.index_cast %add3A_974 : i32 to index
    %get3A_976 = memref.load %arg11[%get3A_975] : memref<17xi32, #tpu.memory_space<smem>>
    %add3A_977 = arith.constant 1 : i32
    %add3A_978 = arith.addi %get3A_976, %add3A_977 : i32
    %add3A_979 = arith.constant 1 : i32
    %add3A_980 = arith.addi %get3A_972, %add3A_979 : i32
    %swap3A_981 = arith.index_cast %add3A_980 : i32 to index
    %swap3A_982 = memref.load %arg11[%swap3A_981] : memref<17xi32, #tpu.memory_space<smem>>
    memref.store %add3A_978, %arg11[%swap3A_981] : memref<17xi32, #tpu.memory_space<smem>>
    %get3A_983 = arith.constant 40 : i32
    %get3A_984 = arith.index_cast %get3A_983 : i32 to index
    %get3A_985 = memref.load %arg9[%get3A_984] : memref<64xi32, #tpu.memory_space<smem>>
    %add3A_986 = arith.constant 1 : i32
    %add3A_987 = arith.addi %get3A_985, %add3A_986 : i32
    %get3A_988 = arith.index_cast %add3A_987 : i32 to index
    %get3A_989 = memref.load %arg11[%get3A_988] : memref<17xi32, #tpu.memory_space<smem>>
    %add3A_990 = arith.constant 1 : i32
    %add3A_991 = arith.addi %get3A_989, %add3A_990 : i32
    %add3A_992 = arith.constant 1 : i32
    %add3A_993 = arith.addi %get3A_985, %add3A_992 : i32
    %swap3A_994 = arith.index_cast %add3A_993 : i32 to index
    %swap3A_995 = memref.load %arg11[%swap3A_994] : memref<17xi32, #tpu.memory_space<smem>>
    memref.store %add3A_991, %arg11[%swap3A_994] : memref<17xi32, #tpu.memory_space<smem>>
    %get3A_996 = arith.constant 41 : i32
    %get3A_997 = arith.index_cast %get3A_996 : i32 to index
    %get3A_998 = memref.load %arg9[%get3A_997] : memref<64xi32, #tpu.memory_space<smem>>
    %add3A_999 = arith.constant 1 : i32
    %add3A_1000 = arith.addi %get3A_998, %add3A_999 : i32
    %get3A_1001 = arith.index_cast %add3A_1000 : i32 to index
    %get3A_1002 = memref.load %arg11[%get3A_1001] : memref<17xi32, #tpu.memory_space<smem>>
    %add3A_1003 = arith.constant 1 : i32
    %add3A_1004 = arith.addi %get3A_1002, %add3A_1003 : i32
    %add3A_1005 = arith.constant 1 : i32
    %add3A_1006 = arith.addi %get3A_998, %add3A_1005 : i32
    %swap3A_1007 = arith.index_cast %add3A_1006 : i32 to index
    %swap3A_1008 = memref.load %arg11[%swap3A_1007] : memref<17xi32, #tpu.memory_space<smem>>
    memref.store %add3A_1004, %arg11[%swap3A_1007] : memref<17xi32, #tpu.memory_space<smem>>
    %get3A_1009 = arith.constant 42 : i32
    %get3A_1010 = arith.index_cast %get3A_1009 : i32 to index
    %get3A_1011 = memref.load %arg9[%get3A_1010] : memref<64xi32, #tpu.memory_space<smem>>
    %add3A_1012 = arith.constant 1 : i32
    %add3A_1013 = arith.addi %get3A_1011, %add3A_1012 : i32
    %get3A_1014 = arith.index_cast %add3A_1013 : i32 to index
    %get3A_1015 = memref.load %arg11[%get3A_1014] : memref<17xi32, #tpu.memory_space<smem>>
    %add3A_1016 = arith.constant 1 : i32
    %add3A_1017 = arith.addi %get3A_1015, %add3A_1016 : i32
    %add3A_1018 = arith.constant 1 : i32
    %add3A_1019 = arith.addi %get3A_1011, %add3A_1018 : i32
    %swap3A_1020 = arith.index_cast %add3A_1019 : i32 to index
    %swap3A_1021 = memref.load %arg11[%swap3A_1020] : memref<17xi32, #tpu.memory_space<smem>>
    memref.store %add3A_1017, %arg11[%swap3A_1020] : memref<17xi32, #tpu.memory_space<smem>>
    %get3A_1022 = arith.constant 43 : i32
    %get3A_1023 = arith.index_cast %get3A_1022 : i32 to index
    %get3A_1024 = memref.load %arg9[%get3A_1023] : memref<64xi32, #tpu.memory_space<smem>>
    %add3A_1025 = arith.constant 1 : i32
    %add3A_1026 = arith.addi %get3A_1024, %add3A_1025 : i32
    %get3A_1027 = arith.index_cast %add3A_1026 : i32 to index
    %get3A_1028 = memref.load %arg11[%get3A_1027] : memref<17xi32, #tpu.memory_space<smem>>
    %add3A_1029 = arith.constant 1 : i32
    %add3A_1030 = arith.addi %get3A_1028, %add3A_1029 : i32
    %add3A_1031 = arith.constant 1 : i32
    %add3A_1032 = arith.addi %get3A_1024, %add3A_1031 : i32
    %swap3A_1033 = arith.index_cast %add3A_1032 : i32 to index
    %swap3A_1034 = memref.load %arg11[%swap3A_1033] : memref<17xi32, #tpu.memory_space<smem>>
    memref.store %add3A_1030, %arg11[%swap3A_1033] : memref<17xi32, #tpu.memory_space<smem>>
    %get3A_1035 = arith.constant 44 : i32
    %get3A_1036 = arith.index_cast %get3A_1035 : i32 to index
    %get3A_1037 = memref.load %arg9[%get3A_1036] : memref<64xi32, #tpu.memory_space<smem>>
    %add3A_1038 = arith.constant 1 : i32
    %add3A_1039 = arith.addi %get3A_1037, %add3A_1038 : i32
    %get3A_1040 = arith.index_cast %add3A_1039 : i32 to index
    %get3A_1041 = memref.load %arg11[%get3A_1040] : memref<17xi32, #tpu.memory_space<smem>>
    %add3A_1042 = arith.constant 1 : i32
    %add3A_1043 = arith.addi %get3A_1041, %add3A_1042 : i32
    %add3A_1044 = arith.constant 1 : i32
    %add3A_1045 = arith.addi %get3A_1037, %add3A_1044 : i32
    %swap3A_1046 = arith.index_cast %add3A_1045 : i32 to index
    %swap3A_1047 = memref.load %arg11[%swap3A_1046] : memref<17xi32, #tpu.memory_space<smem>>
    memref.store %add3A_1043, %arg11[%swap3A_1046] : memref<17xi32, #tpu.memory_space<smem>>
    %get3A_1048 = arith.constant 45 : i32
    %get3A_1049 = arith.index_cast %get3A_1048 : i32 to index
    %get3A_1050 = memref.load %arg9[%get3A_1049] : memref<64xi32, #tpu.memory_space<smem>>
    %add3A_1051 = arith.constant 1 : i32
    %add3A_1052 = arith.addi %get3A_1050, %add3A_1051 : i32
    %get3A_1053 = arith.index_cast %add3A_1052 : i32 to index
    %get3A_1054 = memref.load %arg11[%get3A_1053] : memref<17xi32, #tpu.memory_space<smem>>
    %add3A_1055 = arith.constant 1 : i32
    %add3A_1056 = arith.addi %get3A_1054, %add3A_1055 : i32
    %add3A_1057 = arith.constant 1 : i32
    %add3A_1058 = arith.addi %get3A_1050, %add3A_1057 : i32
    %swap3A_1059 = arith.index_cast %add3A_1058 : i32 to index
    %swap3A_1060 = memref.load %arg11[%swap3A_1059] : memref<17xi32, #tpu.memory_space<smem>>
    memref.store %add3A_1056, %arg11[%swap3A_1059] : memref<17xi32, #tpu.memory_space<smem>>
    %get3A_1061 = arith.constant 46 : i32
    %get3A_1062 = arith.index_cast %get3A_1061 : i32 to index
    %get3A_1063 = memref.load %arg9[%get3A_1062] : memref<64xi32, #tpu.memory_space<smem>>
    %add3A_1064 = arith.constant 1 : i32
    %add3A_1065 = arith.addi %get3A_1063, %add3A_1064 : i32
    %get3A_1066 = arith.index_cast %add3A_1065 : i32 to index
    %get3A_1067 = memref.load %arg11[%get3A_1066] : memref<17xi32, #tpu.memory_space<smem>>
    %add3A_1068 = arith.constant 1 : i32
    %add3A_1069 = arith.addi %get3A_1067, %add3A_1068 : i32
    %add3A_1070 = arith.constant 1 : i32
    %add3A_1071 = arith.addi %get3A_1063, %add3A_1070 : i32
    %swap3A_1072 = arith.index_cast %add3A_1071 : i32 to index
    %swap3A_1073 = memref.load %arg11[%swap3A_1072] : memref<17xi32, #tpu.memory_space<smem>>
    memref.store %add3A_1069, %arg11[%swap3A_1072] : memref<17xi32, #tpu.memory_space<smem>>
    %get3A_1074 = arith.constant 47 : i32
    %get3A_1075 = arith.index_cast %get3A_1074 : i32 to index
    %get3A_1076 = memref.load %arg9[%get3A_1075] : memref<64xi32, #tpu.memory_space<smem>>
    %add3A_1077 = arith.constant 1 : i32
    %add3A_1078 = arith.addi %get3A_1076, %add3A_1077 : i32
    %get3A_1079 = arith.index_cast %add3A_1078 : i32 to index
    %get3A_1080 = memref.load %arg11[%get3A_1079] : memref<17xi32, #tpu.memory_space<smem>>
    %add3A_1081 = arith.constant 1 : i32
    %add3A_1082 = arith.addi %get3A_1080, %add3A_1081 : i32
    %add3A_1083 = arith.constant 1 : i32
    %add3A_1084 = arith.addi %get3A_1076, %add3A_1083 : i32
    %swap3A_1085 = arith.index_cast %add3A_1084 : i32 to index
    %swap3A_1086 = memref.load %arg11[%swap3A_1085] : memref<17xi32, #tpu.memory_space<smem>>
    memref.store %add3A_1082, %arg11[%swap3A_1085] : memref<17xi32, #tpu.memory_space<smem>>
    %get3A_1087 = arith.constant 48 : i32
    %get3A_1088 = arith.index_cast %get3A_1087 : i32 to index
    %get3A_1089 = memref.load %arg9[%get3A_1088] : memref<64xi32, #tpu.memory_space<smem>>
    %add3A_1090 = arith.constant 1 : i32
    %add3A_1091 = arith.addi %get3A_1089, %add3A_1090 : i32
    %get3A_1092 = arith.index_cast %add3A_1091 : i32 to index
    %get3A_1093 = memref.load %arg11[%get3A_1092] : memref<17xi32, #tpu.memory_space<smem>>
    %add3A_1094 = arith.constant 1 : i32
    %add3A_1095 = arith.addi %get3A_1093, %add3A_1094 : i32
    %add3A_1096 = arith.constant 1 : i32
    %add3A_1097 = arith.addi %get3A_1089, %add3A_1096 : i32
    %swap3A_1098 = arith.index_cast %add3A_1097 : i32 to index
    %swap3A_1099 = memref.load %arg11[%swap3A_1098] : memref<17xi32, #tpu.memory_space<smem>>
    memref.store %add3A_1095, %arg11[%swap3A_1098] : memref<17xi32, #tpu.memory_space<smem>>
    %get3A_1100 = arith.constant 49 : i32
    %get3A_1101 = arith.index_cast %get3A_1100 : i32 to index
    %get3A_1102 = memref.load %arg9[%get3A_1101] : memref<64xi32, #tpu.memory_space<smem>>
    %add3A_1103 = arith.constant 1 : i32
    %add3A_1104 = arith.addi %get3A_1102, %add3A_1103 : i32
    %get3A_1105 = arith.index_cast %add3A_1104 : i32 to index
    %get3A_1106 = memref.load %arg11[%get3A_1105] : memref<17xi32, #tpu.memory_space<smem>>
    %add3A_1107 = arith.constant 1 : i32
    %add3A_1108 = arith.addi %get3A_1106, %add3A_1107 : i32
    %add3A_1109 = arith.constant 1 : i32
    %add3A_1110 = arith.addi %get3A_1102, %add3A_1109 : i32
    %swap3A_1111 = arith.index_cast %add3A_1110 : i32 to index
    %swap3A_1112 = memref.load %arg11[%swap3A_1111] : memref<17xi32, #tpu.memory_space<smem>>
    memref.store %add3A_1108, %arg11[%swap3A_1111] : memref<17xi32, #tpu.memory_space<smem>>
    %get3A_1113 = arith.constant 50 : i32
    %get3A_1114 = arith.index_cast %get3A_1113 : i32 to index
    %get3A_1115 = memref.load %arg9[%get3A_1114] : memref<64xi32, #tpu.memory_space<smem>>
    %add3A_1116 = arith.constant 1 : i32
    %add3A_1117 = arith.addi %get3A_1115, %add3A_1116 : i32
    %get3A_1118 = arith.index_cast %add3A_1117 : i32 to index
    %get3A_1119 = memref.load %arg11[%get3A_1118] : memref<17xi32, #tpu.memory_space<smem>>
    %add3A_1120 = arith.constant 1 : i32
    %add3A_1121 = arith.addi %get3A_1119, %add3A_1120 : i32
    %add3A_1122 = arith.constant 1 : i32
    %add3A_1123 = arith.addi %get3A_1115, %add3A_1122 : i32
    %swap3A_1124 = arith.index_cast %add3A_1123 : i32 to index
    %swap3A_1125 = memref.load %arg11[%swap3A_1124] : memref<17xi32, #tpu.memory_space<smem>>
    memref.store %add3A_1121, %arg11[%swap3A_1124] : memref<17xi32, #tpu.memory_space<smem>>
    %get3A_1126 = arith.constant 51 : i32
    %get3A_1127 = arith.index_cast %get3A_1126 : i32 to index
    %get3A_1128 = memref.load %arg9[%get3A_1127] : memref<64xi32, #tpu.memory_space<smem>>
    %add3A_1129 = arith.constant 1 : i32
    %add3A_1130 = arith.addi %get3A_1128, %add3A_1129 : i32
    %get3A_1131 = arith.index_cast %add3A_1130 : i32 to index
    %get3A_1132 = memref.load %arg11[%get3A_1131] : memref<17xi32, #tpu.memory_space<smem>>
    %add3A_1133 = arith.constant 1 : i32
    %add3A_1134 = arith.addi %get3A_1132, %add3A_1133 : i32
    %add3A_1135 = arith.constant 1 : i32
    %add3A_1136 = arith.addi %get3A_1128, %add3A_1135 : i32
    %swap3A_1137 = arith.index_cast %add3A_1136 : i32 to index
    %swap3A_1138 = memref.load %arg11[%swap3A_1137] : memref<17xi32, #tpu.memory_space<smem>>
    memref.store %add3A_1134, %arg11[%swap3A_1137] : memref<17xi32, #tpu.memory_space<smem>>
    %get3A_1139 = arith.constant 52 : i32
    %get3A_1140 = arith.index_cast %get3A_1139 : i32 to index
    %get3A_1141 = memref.load %arg9[%get3A_1140] : memref<64xi32, #tpu.memory_space<smem>>
    %add3A_1142 = arith.constant 1 : i32
    %add3A_1143 = arith.addi %get3A_1141, %add3A_1142 : i32
    %get3A_1144 = arith.index_cast %add3A_1143 : i32 to index
    %get3A_1145 = memref.load %arg11[%get3A_1144] : memref<17xi32, #tpu.memory_space<smem>>
    %add3A_1146 = arith.constant 1 : i32
    %add3A_1147 = arith.addi %get3A_1145, %add3A_1146 : i32
    %add3A_1148 = arith.constant 1 : i32
    %add3A_1149 = arith.addi %get3A_1141, %add3A_1148 : i32
    %swap3A_1150 = arith.index_cast %add3A_1149 : i32 to index
    %swap3A_1151 = memref.load %arg11[%swap3A_1150] : memref<17xi32, #tpu.memory_space<smem>>
    memref.store %add3A_1147, %arg11[%swap3A_1150] : memref<17xi32, #tpu.memory_space<smem>>
    %get3A_1152 = arith.constant 53 : i32
    %get3A_1153 = arith.index_cast %get3A_1152 : i32 to index
    %get3A_1154 = memref.load %arg9[%get3A_1153] : memref<64xi32, #tpu.memory_space<smem>>
    %add3A_1155 = arith.constant 1 : i32
    %add3A_1156 = arith.addi %get3A_1154, %add3A_1155 : i32
    %get3A_1157 = arith.index_cast %add3A_1156 : i32 to index
    %get3A_1158 = memref.load %arg11[%get3A_1157] : memref<17xi32, #tpu.memory_space<smem>>
    %add3A_1159 = arith.constant 1 : i32
    %add3A_1160 = arith.addi %get3A_1158, %add3A_1159 : i32
    %add3A_1161 = arith.constant 1 : i32
    %add3A_1162 = arith.addi %get3A_1154, %add3A_1161 : i32
    %swap3A_1163 = arith.index_cast %add3A_1162 : i32 to index
    %swap3A_1164 = memref.load %arg11[%swap3A_1163] : memref<17xi32, #tpu.memory_space<smem>>
    memref.store %add3A_1160, %arg11[%swap3A_1163] : memref<17xi32, #tpu.memory_space<smem>>
    %get3A_1165 = arith.constant 54 : i32
    %get3A_1166 = arith.index_cast %get3A_1165 : i32 to index
    %get3A_1167 = memref.load %arg9[%get3A_1166] : memref<64xi32, #tpu.memory_space<smem>>
    %add3A_1168 = arith.constant 1 : i32
    %add3A_1169 = arith.addi %get3A_1167, %add3A_1168 : i32
    %get3A_1170 = arith.index_cast %add3A_1169 : i32 to index
    %get3A_1171 = memref.load %arg11[%get3A_1170] : memref<17xi32, #tpu.memory_space<smem>>
    %add3A_1172 = arith.constant 1 : i32
    %add3A_1173 = arith.addi %get3A_1171, %add3A_1172 : i32
    %add3A_1174 = arith.constant 1 : i32
    %add3A_1175 = arith.addi %get3A_1167, %add3A_1174 : i32
    %swap3A_1176 = arith.index_cast %add3A_1175 : i32 to index
    %swap3A_1177 = memref.load %arg11[%swap3A_1176] : memref<17xi32, #tpu.memory_space<smem>>
    memref.store %add3A_1173, %arg11[%swap3A_1176] : memref<17xi32, #tpu.memory_space<smem>>
    %get3A_1178 = arith.constant 55 : i32
    %get3A_1179 = arith.index_cast %get3A_1178 : i32 to index
    %get3A_1180 = memref.load %arg9[%get3A_1179] : memref<64xi32, #tpu.memory_space<smem>>
    %add3A_1181 = arith.constant 1 : i32
    %add3A_1182 = arith.addi %get3A_1180, %add3A_1181 : i32
    %get3A_1183 = arith.index_cast %add3A_1182 : i32 to index
    %get3A_1184 = memref.load %arg11[%get3A_1183] : memref<17xi32, #tpu.memory_space<smem>>
    %add3A_1185 = arith.constant 1 : i32
    %add3A_1186 = arith.addi %get3A_1184, %add3A_1185 : i32
    %add3A_1187 = arith.constant 1 : i32
    %add3A_1188 = arith.addi %get3A_1180, %add3A_1187 : i32
    %swap3A_1189 = arith.index_cast %add3A_1188 : i32 to index
    %swap3A_1190 = memref.load %arg11[%swap3A_1189] : memref<17xi32, #tpu.memory_space<smem>>
    memref.store %add3A_1186, %arg11[%swap3A_1189] : memref<17xi32, #tpu.memory_space<smem>>
    %get3A_1191 = arith.constant 56 : i32
    %get3A_1192 = arith.index_cast %get3A_1191 : i32 to index
    %get3A_1193 = memref.load %arg9[%get3A_1192] : memref<64xi32, #tpu.memory_space<smem>>
    %add3A_1194 = arith.constant 1 : i32
    %add3A_1195 = arith.addi %get3A_1193, %add3A_1194 : i32
    %get3A_1196 = arith.index_cast %add3A_1195 : i32 to index
    %get3A_1197 = memref.load %arg11[%get3A_1196] : memref<17xi32, #tpu.memory_space<smem>>
    %add3A_1198 = arith.constant 1 : i32
    %add3A_1199 = arith.addi %get3A_1197, %add3A_1198 : i32
    %add3A_1200 = arith.constant 1 : i32
    %add3A_1201 = arith.addi %get3A_1193, %add3A_1200 : i32
    %swap3A_1202 = arith.index_cast %add3A_1201 : i32 to index
    %swap3A_1203 = memref.load %arg11[%swap3A_1202] : memref<17xi32, #tpu.memory_space<smem>>
    memref.store %add3A_1199, %arg11[%swap3A_1202] : memref<17xi32, #tpu.memory_space<smem>>
    %get3A_1204 = arith.constant 57 : i32
    %get3A_1205 = arith.index_cast %get3A_1204 : i32 to index
    %get3A_1206 = memref.load %arg9[%get3A_1205] : memref<64xi32, #tpu.memory_space<smem>>
    %add3A_1207 = arith.constant 1 : i32
    %add3A_1208 = arith.addi %get3A_1206, %add3A_1207 : i32
    %get3A_1209 = arith.index_cast %add3A_1208 : i32 to index
    %get3A_1210 = memref.load %arg11[%get3A_1209] : memref<17xi32, #tpu.memory_space<smem>>
    %add3A_1211 = arith.constant 1 : i32
    %add3A_1212 = arith.addi %get3A_1210, %add3A_1211 : i32
    %add3A_1213 = arith.constant 1 : i32
    %add3A_1214 = arith.addi %get3A_1206, %add3A_1213 : i32
    %swap3A_1215 = arith.index_cast %add3A_1214 : i32 to index
    %swap3A_1216 = memref.load %arg11[%swap3A_1215] : memref<17xi32, #tpu.memory_space<smem>>
    memref.store %add3A_1212, %arg11[%swap3A_1215] : memref<17xi32, #tpu.memory_space<smem>>
    %get3A_1217 = arith.constant 58 : i32
    %get3A_1218 = arith.index_cast %get3A_1217 : i32 to index
    %get3A_1219 = memref.load %arg9[%get3A_1218] : memref<64xi32, #tpu.memory_space<smem>>
    %add3A_1220 = arith.constant 1 : i32
    %add3A_1221 = arith.addi %get3A_1219, %add3A_1220 : i32
    %get3A_1222 = arith.index_cast %add3A_1221 : i32 to index
    %get3A_1223 = memref.load %arg11[%get3A_1222] : memref<17xi32, #tpu.memory_space<smem>>
    %add3A_1224 = arith.constant 1 : i32
    %add3A_1225 = arith.addi %get3A_1223, %add3A_1224 : i32
    %add3A_1226 = arith.constant 1 : i32
    %add3A_1227 = arith.addi %get3A_1219, %add3A_1226 : i32
    %swap3A_1228 = arith.index_cast %add3A_1227 : i32 to index
    %swap3A_1229 = memref.load %arg11[%swap3A_1228] : memref<17xi32, #tpu.memory_space<smem>>
    memref.store %add3A_1225, %arg11[%swap3A_1228] : memref<17xi32, #tpu.memory_space<smem>>
    %get3A_1230 = arith.constant 59 : i32
    %get3A_1231 = arith.index_cast %get3A_1230 : i32 to index
    %get3A_1232 = memref.load %arg9[%get3A_1231] : memref<64xi32, #tpu.memory_space<smem>>
    %add3A_1233 = arith.constant 1 : i32
    %add3A_1234 = arith.addi %get3A_1232, %add3A_1233 : i32
    %get3A_1235 = arith.index_cast %add3A_1234 : i32 to index
    %get3A_1236 = memref.load %arg11[%get3A_1235] : memref<17xi32, #tpu.memory_space<smem>>
    %add3A_1237 = arith.constant 1 : i32
    %add3A_1238 = arith.addi %get3A_1236, %add3A_1237 : i32
    %add3A_1239 = arith.constant 1 : i32
    %add3A_1240 = arith.addi %get3A_1232, %add3A_1239 : i32
    %swap3A_1241 = arith.index_cast %add3A_1240 : i32 to index
    %swap3A_1242 = memref.load %arg11[%swap3A_1241] : memref<17xi32, #tpu.memory_space<smem>>
    memref.store %add3A_1238, %arg11[%swap3A_1241] : memref<17xi32, #tpu.memory_space<smem>>
    %get3A_1243 = arith.constant 60 : i32
    %get3A_1244 = arith.index_cast %get3A_1243 : i32 to index
    %get3A_1245 = memref.load %arg9[%get3A_1244] : memref<64xi32, #tpu.memory_space<smem>>
    %add3A_1246 = arith.constant 1 : i32
    %add3A_1247 = arith.addi %get3A_1245, %add3A_1246 : i32
    %get3A_1248 = arith.index_cast %add3A_1247 : i32 to index
    %get3A_1249 = memref.load %arg11[%get3A_1248] : memref<17xi32, #tpu.memory_space<smem>>
    %add3A_1250 = arith.constant 1 : i32
    %add3A_1251 = arith.addi %get3A_1249, %add3A_1250 : i32
    %add3A_1252 = arith.constant 1 : i32
    %add3A_1253 = arith.addi %get3A_1245, %add3A_1252 : i32
    %swap3A_1254 = arith.index_cast %add3A_1253 : i32 to index
    %swap3A_1255 = memref.load %arg11[%swap3A_1254] : memref<17xi32, #tpu.memory_space<smem>>
    memref.store %add3A_1251, %arg11[%swap3A_1254] : memref<17xi32, #tpu.memory_space<smem>>
    %get3A_1256 = arith.constant 61 : i32
    %get3A_1257 = arith.index_cast %get3A_1256 : i32 to index
    %get3A_1258 = memref.load %arg9[%get3A_1257] : memref<64xi32, #tpu.memory_space<smem>>
    %add3A_1259 = arith.constant 1 : i32
    %add3A_1260 = arith.addi %get3A_1258, %add3A_1259 : i32
    %get3A_1261 = arith.index_cast %add3A_1260 : i32 to index
    %get3A_1262 = memref.load %arg11[%get3A_1261] : memref<17xi32, #tpu.memory_space<smem>>
    %add3A_1263 = arith.constant 1 : i32
    %add3A_1264 = arith.addi %get3A_1262, %add3A_1263 : i32
    %add3A_1265 = arith.constant 1 : i32
    %add3A_1266 = arith.addi %get3A_1258, %add3A_1265 : i32
    %swap3A_1267 = arith.index_cast %add3A_1266 : i32 to index
    %swap3A_1268 = memref.load %arg11[%swap3A_1267] : memref<17xi32, #tpu.memory_space<smem>>
    memref.store %add3A_1264, %arg11[%swap3A_1267] : memref<17xi32, #tpu.memory_space<smem>>
    %get3A_1269 = arith.constant 62 : i32
    %get3A_1270 = arith.index_cast %get3A_1269 : i32 to index
    %get3A_1271 = memref.load %arg9[%get3A_1270] : memref<64xi32, #tpu.memory_space<smem>>
    %add3A_1272 = arith.constant 1 : i32
    %add3A_1273 = arith.addi %get3A_1271, %add3A_1272 : i32
    %get3A_1274 = arith.index_cast %add3A_1273 : i32 to index
    %get3A_1275 = memref.load %arg11[%get3A_1274] : memref<17xi32, #tpu.memory_space<smem>>
    %add3A_1276 = arith.constant 1 : i32
    %add3A_1277 = arith.addi %get3A_1275, %add3A_1276 : i32
    %add3A_1278 = arith.constant 1 : i32
    %add3A_1279 = arith.addi %get3A_1271, %add3A_1278 : i32
    %swap3A_1280 = arith.index_cast %add3A_1279 : i32 to index
    %swap3A_1281 = memref.load %arg11[%swap3A_1280] : memref<17xi32, #tpu.memory_space<smem>>
    memref.store %add3A_1277, %arg11[%swap3A_1280] : memref<17xi32, #tpu.memory_space<smem>>
    %get3A_1282 = arith.constant 63 : i32
    %get3A_1283 = arith.index_cast %get3A_1282 : i32 to index
    %get3A_1284 = memref.load %arg9[%get3A_1283] : memref<64xi32, #tpu.memory_space<smem>>
    %add3A_1285 = arith.constant 1 : i32
    %add3A_1286 = arith.addi %get3A_1284, %add3A_1285 : i32
    %get3A_1287 = arith.index_cast %add3A_1286 : i32 to index
    %get3A_1288 = memref.load %arg11[%get3A_1287] : memref<17xi32, #tpu.memory_space<smem>>
    %add3A_1289 = arith.constant 1 : i32
    %add3A_1290 = arith.addi %get3A_1288, %add3A_1289 : i32
    %add3A_1291 = arith.constant 1 : i32
    %add3A_1292 = arith.addi %get3A_1284, %add3A_1291 : i32
    %swap3A_1293 = arith.index_cast %add3A_1292 : i32 to index
    %swap3A_1294 = memref.load %arg11[%swap3A_1293] : memref<17xi32, #tpu.memory_space<smem>>
    memref.store %add3A_1290, %arg11[%swap3A_1293] : memref<17xi32, #tpu.memory_space<smem>>
    %get3A_1295 = arith.constant 1 : i32
    %get3A_1296 = arith.index_cast %get3A_1295 : i32 to index
    %get3A_1297 = memref.load %arg11[%get3A_1296] : memref<17xi32, #tpu.memory_space<smem>>
    %get3A_1298 = arith.constant 0 : i32
    %get3A_1299 = arith.index_cast %get3A_1298 : i32 to index
    %get3A_1300 = memref.load %arg11[%get3A_1299] : memref<17xi32, #tpu.memory_space<smem>>
    %add3A_1301 = arith.addi %get3A_1297, %get3A_1300 : i32
    %swap3A_1302 = arith.constant 1 : i32
    %swap3A_1303 = arith.index_cast %swap3A_1302 : i32 to index
    %swap3A_1304 = memref.load %arg11[%swap3A_1303] : memref<17xi32, #tpu.memory_space<smem>>
    memref.store %add3A_1301, %arg11[%swap3A_1303] : memref<17xi32, #tpu.memory_space<smem>>
    %get3A_1305 = arith.constant 2 : i32
    %get3A_1306 = arith.index_cast %get3A_1305 : i32 to index
    %get3A_1307 = memref.load %arg11[%get3A_1306] : memref<17xi32, #tpu.memory_space<smem>>
    %get3A_1308 = arith.constant 1 : i32
    %get3A_1309 = arith.index_cast %get3A_1308 : i32 to index
    %get3A_1310 = memref.load %arg11[%get3A_1309] : memref<17xi32, #tpu.memory_space<smem>>
    %add3A_1311 = arith.addi %get3A_1307, %get3A_1310 : i32
    %swap3A_1312 = arith.constant 2 : i32
    %swap3A_1313 = arith.index_cast %swap3A_1312 : i32 to index
    %swap3A_1314 = memref.load %arg11[%swap3A_1313] : memref<17xi32, #tpu.memory_space<smem>>
    memref.store %add3A_1311, %arg11[%swap3A_1313] : memref<17xi32, #tpu.memory_space<smem>>
    %get3A_1315 = arith.constant 3 : i32
    %get3A_1316 = arith.index_cast %get3A_1315 : i32 to index
    %get3A_1317 = memref.load %arg11[%get3A_1316] : memref<17xi32, #tpu.memory_space<smem>>
    %get3A_1318 = arith.constant 2 : i32
    %get3A_1319 = arith.index_cast %get3A_1318 : i32 to index
    %get3A_1320 = memref.load %arg11[%get3A_1319] : memref<17xi32, #tpu.memory_space<smem>>
    %add3A_1321 = arith.addi %get3A_1317, %get3A_1320 : i32
    %swap3A_1322 = arith.constant 3 : i32
    %swap3A_1323 = arith.index_cast %swap3A_1322 : i32 to index
    %swap3A_1324 = memref.load %arg11[%swap3A_1323] : memref<17xi32, #tpu.memory_space<smem>>
    memref.store %add3A_1321, %arg11[%swap3A_1323] : memref<17xi32, #tpu.memory_space<smem>>
    %get3A_1325 = arith.constant 4 : i32
    %get3A_1326 = arith.index_cast %get3A_1325 : i32 to index
    %get3A_1327 = memref.load %arg11[%get3A_1326] : memref<17xi32, #tpu.memory_space<smem>>
    %get3A_1328 = arith.constant 3 : i32
    %get3A_1329 = arith.index_cast %get3A_1328 : i32 to index
    %get3A_1330 = memref.load %arg11[%get3A_1329] : memref<17xi32, #tpu.memory_space<smem>>
    %add3A_1331 = arith.addi %get3A_1327, %get3A_1330 : i32
    %swap3A_1332 = arith.constant 4 : i32
    %swap3A_1333 = arith.index_cast %swap3A_1332 : i32 to index
    %swap3A_1334 = memref.load %arg11[%swap3A_1333] : memref<17xi32, #tpu.memory_space<smem>>
    memref.store %add3A_1331, %arg11[%swap3A_1333] : memref<17xi32, #tpu.memory_space<smem>>
    %get3A_1335 = arith.constant 5 : i32
    %get3A_1336 = arith.index_cast %get3A_1335 : i32 to index
    %get3A_1337 = memref.load %arg11[%get3A_1336] : memref<17xi32, #tpu.memory_space<smem>>
    %get3A_1338 = arith.constant 4 : i32
    %get3A_1339 = arith.index_cast %get3A_1338 : i32 to index
    %get3A_1340 = memref.load %arg11[%get3A_1339] : memref<17xi32, #tpu.memory_space<smem>>
    %add3A_1341 = arith.addi %get3A_1337, %get3A_1340 : i32
    %swap3A_1342 = arith.constant 5 : i32
    %swap3A_1343 = arith.index_cast %swap3A_1342 : i32 to index
    %swap3A_1344 = memref.load %arg11[%swap3A_1343] : memref<17xi32, #tpu.memory_space<smem>>
    memref.store %add3A_1341, %arg11[%swap3A_1343] : memref<17xi32, #tpu.memory_space<smem>>
    %get3A_1345 = arith.constant 6 : i32
    %get3A_1346 = arith.index_cast %get3A_1345 : i32 to index
    %get3A_1347 = memref.load %arg11[%get3A_1346] : memref<17xi32, #tpu.memory_space<smem>>
    %get3A_1348 = arith.constant 5 : i32
    %get3A_1349 = arith.index_cast %get3A_1348 : i32 to index
    %get3A_1350 = memref.load %arg11[%get3A_1349] : memref<17xi32, #tpu.memory_space<smem>>
    %add3A_1351 = arith.addi %get3A_1347, %get3A_1350 : i32
    %swap3A_1352 = arith.constant 6 : i32
    %swap3A_1353 = arith.index_cast %swap3A_1352 : i32 to index
    %swap3A_1354 = memref.load %arg11[%swap3A_1353] : memref<17xi32, #tpu.memory_space<smem>>
    memref.store %add3A_1351, %arg11[%swap3A_1353] : memref<17xi32, #tpu.memory_space<smem>>
    %get3A_1355 = arith.constant 7 : i32
    %get3A_1356 = arith.index_cast %get3A_1355 : i32 to index
    %get3A_1357 = memref.load %arg11[%get3A_1356] : memref<17xi32, #tpu.memory_space<smem>>
    %get3A_1358 = arith.constant 6 : i32
    %get3A_1359 = arith.index_cast %get3A_1358 : i32 to index
    %get3A_1360 = memref.load %arg11[%get3A_1359] : memref<17xi32, #tpu.memory_space<smem>>
    %add3A_1361 = arith.addi %get3A_1357, %get3A_1360 : i32
    %swap3A_1362 = arith.constant 7 : i32
    %swap3A_1363 = arith.index_cast %swap3A_1362 : i32 to index
    %swap3A_1364 = memref.load %arg11[%swap3A_1363] : memref<17xi32, #tpu.memory_space<smem>>
    memref.store %add3A_1361, %arg11[%swap3A_1363] : memref<17xi32, #tpu.memory_space<smem>>
    %get3A_1365 = arith.constant 8 : i32
    %get3A_1366 = arith.index_cast %get3A_1365 : i32 to index
    %get3A_1367 = memref.load %arg11[%get3A_1366] : memref<17xi32, #tpu.memory_space<smem>>
    %get3A_1368 = arith.constant 7 : i32
    %get3A_1369 = arith.index_cast %get3A_1368 : i32 to index
    %get3A_1370 = memref.load %arg11[%get3A_1369] : memref<17xi32, #tpu.memory_space<smem>>
    %add3A_1371 = arith.addi %get3A_1367, %get3A_1370 : i32
    %swap3A_1372 = arith.constant 8 : i32
    %swap3A_1373 = arith.index_cast %swap3A_1372 : i32 to index
    %swap3A_1374 = memref.load %arg11[%swap3A_1373] : memref<17xi32, #tpu.memory_space<smem>>
    memref.store %add3A_1371, %arg11[%swap3A_1373] : memref<17xi32, #tpu.memory_space<smem>>
    %get3A_1375 = arith.constant 9 : i32
    %get3A_1376 = arith.index_cast %get3A_1375 : i32 to index
    %get3A_1377 = memref.load %arg11[%get3A_1376] : memref<17xi32, #tpu.memory_space<smem>>
    %get3A_1378 = arith.constant 8 : i32
    %get3A_1379 = arith.index_cast %get3A_1378 : i32 to index
    %get3A_1380 = memref.load %arg11[%get3A_1379] : memref<17xi32, #tpu.memory_space<smem>>
    %add3A_1381 = arith.addi %get3A_1377, %get3A_1380 : i32
    %swap3A_1382 = arith.constant 9 : i32
    %swap3A_1383 = arith.index_cast %swap3A_1382 : i32 to index
    %swap3A_1384 = memref.load %arg11[%swap3A_1383] : memref<17xi32, #tpu.memory_space<smem>>
    memref.store %add3A_1381, %arg11[%swap3A_1383] : memref<17xi32, #tpu.memory_space<smem>>
    %get3A_1385 = arith.constant 10 : i32
    %get3A_1386 = arith.index_cast %get3A_1385 : i32 to index
    %get3A_1387 = memref.load %arg11[%get3A_1386] : memref<17xi32, #tpu.memory_space<smem>>
    %get3A_1388 = arith.constant 9 : i32
    %get3A_1389 = arith.index_cast %get3A_1388 : i32 to index
    %get3A_1390 = memref.load %arg11[%get3A_1389] : memref<17xi32, #tpu.memory_space<smem>>
    %add3A_1391 = arith.addi %get3A_1387, %get3A_1390 : i32
    %swap3A_1392 = arith.constant 10 : i32
    %swap3A_1393 = arith.index_cast %swap3A_1392 : i32 to index
    %swap3A_1394 = memref.load %arg11[%swap3A_1393] : memref<17xi32, #tpu.memory_space<smem>>
    memref.store %add3A_1391, %arg11[%swap3A_1393] : memref<17xi32, #tpu.memory_space<smem>>
    %get3A_1395 = arith.constant 11 : i32
    %get3A_1396 = arith.index_cast %get3A_1395 : i32 to index
    %get3A_1397 = memref.load %arg11[%get3A_1396] : memref<17xi32, #tpu.memory_space<smem>>
    %get3A_1398 = arith.constant 10 : i32
    %get3A_1399 = arith.index_cast %get3A_1398 : i32 to index
    %get3A_1400 = memref.load %arg11[%get3A_1399] : memref<17xi32, #tpu.memory_space<smem>>
    %add3A_1401 = arith.addi %get3A_1397, %get3A_1400 : i32
    %swap3A_1402 = arith.constant 11 : i32
    %swap3A_1403 = arith.index_cast %swap3A_1402 : i32 to index
    %swap3A_1404 = memref.load %arg11[%swap3A_1403] : memref<17xi32, #tpu.memory_space<smem>>
    memref.store %add3A_1401, %arg11[%swap3A_1403] : memref<17xi32, #tpu.memory_space<smem>>
    %get3A_1405 = arith.constant 12 : i32
    %get3A_1406 = arith.index_cast %get3A_1405 : i32 to index
    %get3A_1407 = memref.load %arg11[%get3A_1406] : memref<17xi32, #tpu.memory_space<smem>>
    %get3A_1408 = arith.constant 11 : i32
    %get3A_1409 = arith.index_cast %get3A_1408 : i32 to index
    %get3A_1410 = memref.load %arg11[%get3A_1409] : memref<17xi32, #tpu.memory_space<smem>>
    %add3A_1411 = arith.addi %get3A_1407, %get3A_1410 : i32
    %swap3A_1412 = arith.constant 12 : i32
    %swap3A_1413 = arith.index_cast %swap3A_1412 : i32 to index
    %swap3A_1414 = memref.load %arg11[%swap3A_1413] : memref<17xi32, #tpu.memory_space<smem>>
    memref.store %add3A_1411, %arg11[%swap3A_1413] : memref<17xi32, #tpu.memory_space<smem>>
    %get3A_1415 = arith.constant 13 : i32
    %get3A_1416 = arith.index_cast %get3A_1415 : i32 to index
    %get3A_1417 = memref.load %arg11[%get3A_1416] : memref<17xi32, #tpu.memory_space<smem>>
    %get3A_1418 = arith.constant 12 : i32
    %get3A_1419 = arith.index_cast %get3A_1418 : i32 to index
    %get3A_1420 = memref.load %arg11[%get3A_1419] : memref<17xi32, #tpu.memory_space<smem>>
    %add3A_1421 = arith.addi %get3A_1417, %get3A_1420 : i32
    %swap3A_1422 = arith.constant 13 : i32
    %swap3A_1423 = arith.index_cast %swap3A_1422 : i32 to index
    %swap3A_1424 = memref.load %arg11[%swap3A_1423] : memref<17xi32, #tpu.memory_space<smem>>
    memref.store %add3A_1421, %arg11[%swap3A_1423] : memref<17xi32, #tpu.memory_space<smem>>
    %get3A_1425 = arith.constant 14 : i32
    %get3A_1426 = arith.index_cast %get3A_1425 : i32 to index
    %get3A_1427 = memref.load %arg11[%get3A_1426] : memref<17xi32, #tpu.memory_space<smem>>
    %get3A_1428 = arith.constant 13 : i32
    %get3A_1429 = arith.index_cast %get3A_1428 : i32 to index
    %get3A_1430 = memref.load %arg11[%get3A_1429] : memref<17xi32, #tpu.memory_space<smem>>
    %add3A_1431 = arith.addi %get3A_1427, %get3A_1430 : i32
    %swap3A_1432 = arith.constant 14 : i32
    %swap3A_1433 = arith.index_cast %swap3A_1432 : i32 to index
    %swap3A_1434 = memref.load %arg11[%swap3A_1433] : memref<17xi32, #tpu.memory_space<smem>>
    memref.store %add3A_1431, %arg11[%swap3A_1433] : memref<17xi32, #tpu.memory_space<smem>>
    %get3A_1435 = arith.constant 15 : i32
    %get3A_1436 = arith.index_cast %get3A_1435 : i32 to index
    %get3A_1437 = memref.load %arg11[%get3A_1436] : memref<17xi32, #tpu.memory_space<smem>>
    %get3A_1438 = arith.constant 14 : i32
    %get3A_1439 = arith.index_cast %get3A_1438 : i32 to index
    %get3A_1440 = memref.load %arg11[%get3A_1439] : memref<17xi32, #tpu.memory_space<smem>>
    %add3A_1441 = arith.addi %get3A_1437, %get3A_1440 : i32
    %swap3A_1442 = arith.constant 15 : i32
    %swap3A_1443 = arith.index_cast %swap3A_1442 : i32 to index
    %swap3A_1444 = memref.load %arg11[%swap3A_1443] : memref<17xi32, #tpu.memory_space<smem>>
    memref.store %add3A_1441, %arg11[%swap3A_1443] : memref<17xi32, #tpu.memory_space<smem>>
    %get3A_1445 = arith.constant 16 : i32
    %get3A_1446 = arith.index_cast %get3A_1445 : i32 to index
    %get3A_1447 = memref.load %arg11[%get3A_1446] : memref<17xi32, #tpu.memory_space<smem>>
    %get3A_1448 = arith.constant 15 : i32
    %get3A_1449 = arith.index_cast %get3A_1448 : i32 to index
    %get3A_1450 = memref.load %arg11[%get3A_1449] : memref<17xi32, #tpu.memory_space<smem>>
    %add3A_1451 = arith.addi %get3A_1447, %get3A_1450 : i32
    %swap3A_1452 = arith.constant 16 : i32
    %swap3A_1453 = arith.index_cast %swap3A_1452 : i32 to index
    %swap3A_1454 = memref.load %arg11[%swap3A_1453] : memref<17xi32, #tpu.memory_space<smem>>
    memref.store %add3A_1451, %arg11[%swap3A_1453] : memref<17xi32, #tpu.memory_space<smem>>
    %get3A_1455 = arith.constant 0 : i32
    %get3A_1456 = arith.index_cast %get3A_1455 : i32 to index
    %get3A_1457 = memref.load %arg9[%get3A_1456] : memref<64xi32, #tpu.memory_space<smem>>
    %get3A_1458 = arith.index_cast %get3A_1457 : i32 to index
    %get3A_1459 = memref.load %arg11[%get3A_1458] : memref<17xi32, #tpu.memory_space<smem>>
    %get3A_1460 = arith.index_cast %get3A_1457 : i32 to index
    %get3A_1461 = memref.load %arg12[%get3A_1460] : memref<16xi32, #tpu.memory_space<smem>>
    %add3A_1462 = arith.addi %get3A_1459, %get3A_1461 : i32
    %swap3A_1463 = arith.constant 0 : i32
    %swap3A_1464 = arith.index_cast %add3A_1462 : i32 to index
    %swap3A_1465 = memref.load %arg10[%swap3A_1464] : memref<64xi32, #tpu.memory_space<smem>>
    memref.store %swap3A_1463, %arg10[%swap3A_1464] : memref<64xi32, #tpu.memory_space<smem>>
    %get3A_1466 = arith.index_cast %get3A_1457 : i32 to index
    %get3A_1467 = memref.load %arg12[%get3A_1466] : memref<16xi32, #tpu.memory_space<smem>>
    %add3A_1468 = arith.constant 1 : i32
    %add3A_1469 = arith.addi %get3A_1467, %add3A_1468 : i32
    %swap3A_1470 = arith.index_cast %get3A_1457 : i32 to index
    %swap3A_1471 = memref.load %arg12[%swap3A_1470] : memref<16xi32, #tpu.memory_space<smem>>
    memref.store %add3A_1469, %arg12[%swap3A_1470] : memref<16xi32, #tpu.memory_space<smem>>
    %get3A_1472 = arith.constant 1 : i32
    %get3A_1473 = arith.index_cast %get3A_1472 : i32 to index
    %get3A_1474 = memref.load %arg9[%get3A_1473] : memref<64xi32, #tpu.memory_space<smem>>
    %get3A_1475 = arith.index_cast %get3A_1474 : i32 to index
    %get3A_1476 = memref.load %arg11[%get3A_1475] : memref<17xi32, #tpu.memory_space<smem>>
    %get3A_1477 = arith.index_cast %get3A_1474 : i32 to index
    %get3A_1478 = memref.load %arg12[%get3A_1477] : memref<16xi32, #tpu.memory_space<smem>>
    %add3A_1479 = arith.addi %get3A_1476, %get3A_1478 : i32
    %swap3A_1480 = arith.constant 1 : i32
    %swap3A_1481 = arith.index_cast %add3A_1479 : i32 to index
    %swap3A_1482 = memref.load %arg10[%swap3A_1481] : memref<64xi32, #tpu.memory_space<smem>>
    memref.store %swap3A_1480, %arg10[%swap3A_1481] : memref<64xi32, #tpu.memory_space<smem>>
    %get3A_1483 = arith.index_cast %get3A_1474 : i32 to index
    %get3A_1484 = memref.load %arg12[%get3A_1483] : memref<16xi32, #tpu.memory_space<smem>>
    %add3A_1485 = arith.constant 1 : i32
    %add3A_1486 = arith.addi %get3A_1484, %add3A_1485 : i32
    %swap3A_1487 = arith.index_cast %get3A_1474 : i32 to index
    %swap3A_1488 = memref.load %arg12[%swap3A_1487] : memref<16xi32, #tpu.memory_space<smem>>
    memref.store %add3A_1486, %arg12[%swap3A_1487] : memref<16xi32, #tpu.memory_space<smem>>
    %get3A_1489 = arith.constant 2 : i32
    %get3A_1490 = arith.index_cast %get3A_1489 : i32 to index
    %get3A_1491 = memref.load %arg9[%get3A_1490] : memref<64xi32, #tpu.memory_space<smem>>
    %get3A_1492 = arith.index_cast %get3A_1491 : i32 to index
    %get3A_1493 = memref.load %arg11[%get3A_1492] : memref<17xi32, #tpu.memory_space<smem>>
    %get3A_1494 = arith.index_cast %get3A_1491 : i32 to index
    %get3A_1495 = memref.load %arg12[%get3A_1494] : memref<16xi32, #tpu.memory_space<smem>>
    %add3A_1496 = arith.addi %get3A_1493, %get3A_1495 : i32
    %swap3A_1497 = arith.constant 2 : i32
    %swap3A_1498 = arith.index_cast %add3A_1496 : i32 to index
    %swap3A_1499 = memref.load %arg10[%swap3A_1498] : memref<64xi32, #tpu.memory_space<smem>>
    memref.store %swap3A_1497, %arg10[%swap3A_1498] : memref<64xi32, #tpu.memory_space<smem>>
    %get3A_1500 = arith.index_cast %get3A_1491 : i32 to index
    %get3A_1501 = memref.load %arg12[%get3A_1500] : memref<16xi32, #tpu.memory_space<smem>>
    %add3A_1502 = arith.constant 1 : i32
    %add3A_1503 = arith.addi %get3A_1501, %add3A_1502 : i32
    %swap3A_1504 = arith.index_cast %get3A_1491 : i32 to index
    %swap3A_1505 = memref.load %arg12[%swap3A_1504] : memref<16xi32, #tpu.memory_space<smem>>
    memref.store %add3A_1503, %arg12[%swap3A_1504] : memref<16xi32, #tpu.memory_space<smem>>
    %get3A_1506 = arith.constant 3 : i32
    %get3A_1507 = arith.index_cast %get3A_1506 : i32 to index
    %get3A_1508 = memref.load %arg9[%get3A_1507] : memref<64xi32, #tpu.memory_space<smem>>
    %get3A_1509 = arith.index_cast %get3A_1508 : i32 to index
    %get3A_1510 = memref.load %arg11[%get3A_1509] : memref<17xi32, #tpu.memory_space<smem>>
    %get3A_1511 = arith.index_cast %get3A_1508 : i32 to index
    %get3A_1512 = memref.load %arg12[%get3A_1511] : memref<16xi32, #tpu.memory_space<smem>>
    %add3A_1513 = arith.addi %get3A_1510, %get3A_1512 : i32
    %swap3A_1514 = arith.constant 3 : i32
    %swap3A_1515 = arith.index_cast %add3A_1513 : i32 to index
    %swap3A_1516 = memref.load %arg10[%swap3A_1515] : memref<64xi32, #tpu.memory_space<smem>>
    memref.store %swap3A_1514, %arg10[%swap3A_1515] : memref<64xi32, #tpu.memory_space<smem>>
    %get3A_1517 = arith.index_cast %get3A_1508 : i32 to index
    %get3A_1518 = memref.load %arg12[%get3A_1517] : memref<16xi32, #tpu.memory_space<smem>>
    %add3A_1519 = arith.constant 1 : i32
    %add3A_1520 = arith.addi %get3A_1518, %add3A_1519 : i32
    %swap3A_1521 = arith.index_cast %get3A_1508 : i32 to index
    %swap3A_1522 = memref.load %arg12[%swap3A_1521] : memref<16xi32, #tpu.memory_space<smem>>
    memref.store %add3A_1520, %arg12[%swap3A_1521] : memref<16xi32, #tpu.memory_space<smem>>
    %get3A_1523 = arith.constant 4 : i32
    %get3A_1524 = arith.index_cast %get3A_1523 : i32 to index
    %get3A_1525 = memref.load %arg9[%get3A_1524] : memref<64xi32, #tpu.memory_space<smem>>
    %get3A_1526 = arith.index_cast %get3A_1525 : i32 to index
    %get3A_1527 = memref.load %arg11[%get3A_1526] : memref<17xi32, #tpu.memory_space<smem>>
    %get3A_1528 = arith.index_cast %get3A_1525 : i32 to index
    %get3A_1529 = memref.load %arg12[%get3A_1528] : memref<16xi32, #tpu.memory_space<smem>>
    %add3A_1530 = arith.addi %get3A_1527, %get3A_1529 : i32
    %swap3A_1531 = arith.constant 4 : i32
    %swap3A_1532 = arith.index_cast %add3A_1530 : i32 to index
    %swap3A_1533 = memref.load %arg10[%swap3A_1532] : memref<64xi32, #tpu.memory_space<smem>>
    memref.store %swap3A_1531, %arg10[%swap3A_1532] : memref<64xi32, #tpu.memory_space<smem>>
    %get3A_1534 = arith.index_cast %get3A_1525 : i32 to index
    %get3A_1535 = memref.load %arg12[%get3A_1534] : memref<16xi32, #tpu.memory_space<smem>>
    %add3A_1536 = arith.constant 1 : i32
    %add3A_1537 = arith.addi %get3A_1535, %add3A_1536 : i32
    %swap3A_1538 = arith.index_cast %get3A_1525 : i32 to index
    %swap3A_1539 = memref.load %arg12[%swap3A_1538] : memref<16xi32, #tpu.memory_space<smem>>
    memref.store %add3A_1537, %arg12[%swap3A_1538] : memref<16xi32, #tpu.memory_space<smem>>
    %get3A_1540 = arith.constant 5 : i32
    %get3A_1541 = arith.index_cast %get3A_1540 : i32 to index
    %get3A_1542 = memref.load %arg9[%get3A_1541] : memref<64xi32, #tpu.memory_space<smem>>
    %get3A_1543 = arith.index_cast %get3A_1542 : i32 to index
    %get3A_1544 = memref.load %arg11[%get3A_1543] : memref<17xi32, #tpu.memory_space<smem>>
    %get3A_1545 = arith.index_cast %get3A_1542 : i32 to index
    %get3A_1546 = memref.load %arg12[%get3A_1545] : memref<16xi32, #tpu.memory_space<smem>>
    %add3A_1547 = arith.addi %get3A_1544, %get3A_1546 : i32
    %swap3A_1548 = arith.constant 5 : i32
    %swap3A_1549 = arith.index_cast %add3A_1547 : i32 to index
    %swap3A_1550 = memref.load %arg10[%swap3A_1549] : memref<64xi32, #tpu.memory_space<smem>>
    memref.store %swap3A_1548, %arg10[%swap3A_1549] : memref<64xi32, #tpu.memory_space<smem>>
    %get3A_1551 = arith.index_cast %get3A_1542 : i32 to index
    %get3A_1552 = memref.load %arg12[%get3A_1551] : memref<16xi32, #tpu.memory_space<smem>>
    %add3A_1553 = arith.constant 1 : i32
    %add3A_1554 = arith.addi %get3A_1552, %add3A_1553 : i32
    %swap3A_1555 = arith.index_cast %get3A_1542 : i32 to index
    %swap3A_1556 = memref.load %arg12[%swap3A_1555] : memref<16xi32, #tpu.memory_space<smem>>
    memref.store %add3A_1554, %arg12[%swap3A_1555] : memref<16xi32, #tpu.memory_space<smem>>
    %get3A_1557 = arith.constant 6 : i32
    %get3A_1558 = arith.index_cast %get3A_1557 : i32 to index
    %get3A_1559 = memref.load %arg9[%get3A_1558] : memref<64xi32, #tpu.memory_space<smem>>
    %get3A_1560 = arith.index_cast %get3A_1559 : i32 to index
    %get3A_1561 = memref.load %arg11[%get3A_1560] : memref<17xi32, #tpu.memory_space<smem>>
    %get3A_1562 = arith.index_cast %get3A_1559 : i32 to index
    %get3A_1563 = memref.load %arg12[%get3A_1562] : memref<16xi32, #tpu.memory_space<smem>>
    %add3A_1564 = arith.addi %get3A_1561, %get3A_1563 : i32
    %swap3A_1565 = arith.constant 6 : i32
    %swap3A_1566 = arith.index_cast %add3A_1564 : i32 to index
    %swap3A_1567 = memref.load %arg10[%swap3A_1566] : memref<64xi32, #tpu.memory_space<smem>>
    memref.store %swap3A_1565, %arg10[%swap3A_1566] : memref<64xi32, #tpu.memory_space<smem>>
    %get3A_1568 = arith.index_cast %get3A_1559 : i32 to index
    %get3A_1569 = memref.load %arg12[%get3A_1568] : memref<16xi32, #tpu.memory_space<smem>>
    %add3A_1570 = arith.constant 1 : i32
    %add3A_1571 = arith.addi %get3A_1569, %add3A_1570 : i32
    %swap3A_1572 = arith.index_cast %get3A_1559 : i32 to index
    %swap3A_1573 = memref.load %arg12[%swap3A_1572] : memref<16xi32, #tpu.memory_space<smem>>
    memref.store %add3A_1571, %arg12[%swap3A_1572] : memref<16xi32, #tpu.memory_space<smem>>
    %get3A_1574 = arith.constant 7 : i32
    %get3A_1575 = arith.index_cast %get3A_1574 : i32 to index
    %get3A_1576 = memref.load %arg9[%get3A_1575] : memref<64xi32, #tpu.memory_space<smem>>
    %get3A_1577 = arith.index_cast %get3A_1576 : i32 to index
    %get3A_1578 = memref.load %arg11[%get3A_1577] : memref<17xi32, #tpu.memory_space<smem>>
    %get3A_1579 = arith.index_cast %get3A_1576 : i32 to index
    %get3A_1580 = memref.load %arg12[%get3A_1579] : memref<16xi32, #tpu.memory_space<smem>>
    %add3A_1581 = arith.addi %get3A_1578, %get3A_1580 : i32
    %swap3A_1582 = arith.constant 7 : i32
    %swap3A_1583 = arith.index_cast %add3A_1581 : i32 to index
    %swap3A_1584 = memref.load %arg10[%swap3A_1583] : memref<64xi32, #tpu.memory_space<smem>>
    memref.store %swap3A_1582, %arg10[%swap3A_1583] : memref<64xi32, #tpu.memory_space<smem>>
    %get3A_1585 = arith.index_cast %get3A_1576 : i32 to index
    %get3A_1586 = memref.load %arg12[%get3A_1585] : memref<16xi32, #tpu.memory_space<smem>>
    %add3A_1587 = arith.constant 1 : i32
    %add3A_1588 = arith.addi %get3A_1586, %add3A_1587 : i32
    %swap3A_1589 = arith.index_cast %get3A_1576 : i32 to index
    %swap3A_1590 = memref.load %arg12[%swap3A_1589] : memref<16xi32, #tpu.memory_space<smem>>
    memref.store %add3A_1588, %arg12[%swap3A_1589] : memref<16xi32, #tpu.memory_space<smem>>
    %get3A_1591 = arith.constant 8 : i32
    %get3A_1592 = arith.index_cast %get3A_1591 : i32 to index
    %get3A_1593 = memref.load %arg9[%get3A_1592] : memref<64xi32, #tpu.memory_space<smem>>
    %get3A_1594 = arith.index_cast %get3A_1593 : i32 to index
    %get3A_1595 = memref.load %arg11[%get3A_1594] : memref<17xi32, #tpu.memory_space<smem>>
    %get3A_1596 = arith.index_cast %get3A_1593 : i32 to index
    %get3A_1597 = memref.load %arg12[%get3A_1596] : memref<16xi32, #tpu.memory_space<smem>>
    %add3A_1598 = arith.addi %get3A_1595, %get3A_1597 : i32
    %swap3A_1599 = arith.constant 8 : i32
    %swap3A_1600 = arith.index_cast %add3A_1598 : i32 to index
    %swap3A_1601 = memref.load %arg10[%swap3A_1600] : memref<64xi32, #tpu.memory_space<smem>>
    memref.store %swap3A_1599, %arg10[%swap3A_1600] : memref<64xi32, #tpu.memory_space<smem>>
    %get3A_1602 = arith.index_cast %get3A_1593 : i32 to index
    %get3A_1603 = memref.load %arg12[%get3A_1602] : memref<16xi32, #tpu.memory_space<smem>>
    %add3A_1604 = arith.constant 1 : i32
    %add3A_1605 = arith.addi %get3A_1603, %add3A_1604 : i32
    %swap3A_1606 = arith.index_cast %get3A_1593 : i32 to index
    %swap3A_1607 = memref.load %arg12[%swap3A_1606] : memref<16xi32, #tpu.memory_space<smem>>
    memref.store %add3A_1605, %arg12[%swap3A_1606] : memref<16xi32, #tpu.memory_space<smem>>
    %get3A_1608 = arith.constant 9 : i32
    %get3A_1609 = arith.index_cast %get3A_1608 : i32 to index
    %get3A_1610 = memref.load %arg9[%get3A_1609] : memref<64xi32, #tpu.memory_space<smem>>
    %get3A_1611 = arith.index_cast %get3A_1610 : i32 to index
    %get3A_1612 = memref.load %arg11[%get3A_1611] : memref<17xi32, #tpu.memory_space<smem>>
    %get3A_1613 = arith.index_cast %get3A_1610 : i32 to index
    %get3A_1614 = memref.load %arg12[%get3A_1613] : memref<16xi32, #tpu.memory_space<smem>>
    %add3A_1615 = arith.addi %get3A_1612, %get3A_1614 : i32
    %swap3A_1616 = arith.constant 9 : i32
    %swap3A_1617 = arith.index_cast %add3A_1615 : i32 to index
    %swap3A_1618 = memref.load %arg10[%swap3A_1617] : memref<64xi32, #tpu.memory_space<smem>>
    memref.store %swap3A_1616, %arg10[%swap3A_1617] : memref<64xi32, #tpu.memory_space<smem>>
    %get3A_1619 = arith.index_cast %get3A_1610 : i32 to index
    %get3A_1620 = memref.load %arg12[%get3A_1619] : memref<16xi32, #tpu.memory_space<smem>>
    %add3A_1621 = arith.constant 1 : i32
    %add3A_1622 = arith.addi %get3A_1620, %add3A_1621 : i32
    %swap3A_1623 = arith.index_cast %get3A_1610 : i32 to index
    %swap3A_1624 = memref.load %arg12[%swap3A_1623] : memref<16xi32, #tpu.memory_space<smem>>
    memref.store %add3A_1622, %arg12[%swap3A_1623] : memref<16xi32, #tpu.memory_space<smem>>
    %get3A_1625 = arith.constant 10 : i32
    %get3A_1626 = arith.index_cast %get3A_1625 : i32 to index
    %get3A_1627 = memref.load %arg9[%get3A_1626] : memref<64xi32, #tpu.memory_space<smem>>
    %get3A_1628 = arith.index_cast %get3A_1627 : i32 to index
    %get3A_1629 = memref.load %arg11[%get3A_1628] : memref<17xi32, #tpu.memory_space<smem>>
    %get3A_1630 = arith.index_cast %get3A_1627 : i32 to index
    %get3A_1631 = memref.load %arg12[%get3A_1630] : memref<16xi32, #tpu.memory_space<smem>>
    %add3A_1632 = arith.addi %get3A_1629, %get3A_1631 : i32
    %swap3A_1633 = arith.constant 10 : i32
    %swap3A_1634 = arith.index_cast %add3A_1632 : i32 to index
    %swap3A_1635 = memref.load %arg10[%swap3A_1634] : memref<64xi32, #tpu.memory_space<smem>>
    memref.store %swap3A_1633, %arg10[%swap3A_1634] : memref<64xi32, #tpu.memory_space<smem>>
    %get3A_1636 = arith.index_cast %get3A_1627 : i32 to index
    %get3A_1637 = memref.load %arg12[%get3A_1636] : memref<16xi32, #tpu.memory_space<smem>>
    %add3A_1638 = arith.constant 1 : i32
    %add3A_1639 = arith.addi %get3A_1637, %add3A_1638 : i32
    %swap3A_1640 = arith.index_cast %get3A_1627 : i32 to index
    %swap3A_1641 = memref.load %arg12[%swap3A_1640] : memref<16xi32, #tpu.memory_space<smem>>
    memref.store %add3A_1639, %arg12[%swap3A_1640] : memref<16xi32, #tpu.memory_space<smem>>
    %get3A_1642 = arith.constant 11 : i32
    %get3A_1643 = arith.index_cast %get3A_1642 : i32 to index
    %get3A_1644 = memref.load %arg9[%get3A_1643] : memref<64xi32, #tpu.memory_space<smem>>
    %get3A_1645 = arith.index_cast %get3A_1644 : i32 to index
    %get3A_1646 = memref.load %arg11[%get3A_1645] : memref<17xi32, #tpu.memory_space<smem>>
    %get3A_1647 = arith.index_cast %get3A_1644 : i32 to index
    %get3A_1648 = memref.load %arg12[%get3A_1647] : memref<16xi32, #tpu.memory_space<smem>>
    %add3A_1649 = arith.addi %get3A_1646, %get3A_1648 : i32
    %swap3A_1650 = arith.constant 11 : i32
    %swap3A_1651 = arith.index_cast %add3A_1649 : i32 to index
    %swap3A_1652 = memref.load %arg10[%swap3A_1651] : memref<64xi32, #tpu.memory_space<smem>>
    memref.store %swap3A_1650, %arg10[%swap3A_1651] : memref<64xi32, #tpu.memory_space<smem>>
    %get3A_1653 = arith.index_cast %get3A_1644 : i32 to index
    %get3A_1654 = memref.load %arg12[%get3A_1653] : memref<16xi32, #tpu.memory_space<smem>>
    %add3A_1655 = arith.constant 1 : i32
    %add3A_1656 = arith.addi %get3A_1654, %add3A_1655 : i32
    %swap3A_1657 = arith.index_cast %get3A_1644 : i32 to index
    %swap3A_1658 = memref.load %arg12[%swap3A_1657] : memref<16xi32, #tpu.memory_space<smem>>
    memref.store %add3A_1656, %arg12[%swap3A_1657] : memref<16xi32, #tpu.memory_space<smem>>
    %get3A_1659 = arith.constant 12 : i32
    %get3A_1660 = arith.index_cast %get3A_1659 : i32 to index
    %get3A_1661 = memref.load %arg9[%get3A_1660] : memref<64xi32, #tpu.memory_space<smem>>
    %get3A_1662 = arith.index_cast %get3A_1661 : i32 to index
    %get3A_1663 = memref.load %arg11[%get3A_1662] : memref<17xi32, #tpu.memory_space<smem>>
    %get3A_1664 = arith.index_cast %get3A_1661 : i32 to index
    %get3A_1665 = memref.load %arg12[%get3A_1664] : memref<16xi32, #tpu.memory_space<smem>>
    %add3A_1666 = arith.addi %get3A_1663, %get3A_1665 : i32
    %swap3A_1667 = arith.constant 12 : i32
    %swap3A_1668 = arith.index_cast %add3A_1666 : i32 to index
    %swap3A_1669 = memref.load %arg10[%swap3A_1668] : memref<64xi32, #tpu.memory_space<smem>>
    memref.store %swap3A_1667, %arg10[%swap3A_1668] : memref<64xi32, #tpu.memory_space<smem>>
    %get3A_1670 = arith.index_cast %get3A_1661 : i32 to index
    %get3A_1671 = memref.load %arg12[%get3A_1670] : memref<16xi32, #tpu.memory_space<smem>>
    %add3A_1672 = arith.constant 1 : i32
    %add3A_1673 = arith.addi %get3A_1671, %add3A_1672 : i32
    %swap3A_1674 = arith.index_cast %get3A_1661 : i32 to index
    %swap3A_1675 = memref.load %arg12[%swap3A_1674] : memref<16xi32, #tpu.memory_space<smem>>
    memref.store %add3A_1673, %arg12[%swap3A_1674] : memref<16xi32, #tpu.memory_space<smem>>
    %get3A_1676 = arith.constant 13 : i32
    %get3A_1677 = arith.index_cast %get3A_1676 : i32 to index
    %get3A_1678 = memref.load %arg9[%get3A_1677] : memref<64xi32, #tpu.memory_space<smem>>
    %get3A_1679 = arith.index_cast %get3A_1678 : i32 to index
    %get3A_1680 = memref.load %arg11[%get3A_1679] : memref<17xi32, #tpu.memory_space<smem>>
    %get3A_1681 = arith.index_cast %get3A_1678 : i32 to index
    %get3A_1682 = memref.load %arg12[%get3A_1681] : memref<16xi32, #tpu.memory_space<smem>>
    %add3A_1683 = arith.addi %get3A_1680, %get3A_1682 : i32
    %swap3A_1684 = arith.constant 13 : i32
    %swap3A_1685 = arith.index_cast %add3A_1683 : i32 to index
    %swap3A_1686 = memref.load %arg10[%swap3A_1685] : memref<64xi32, #tpu.memory_space<smem>>
    memref.store %swap3A_1684, %arg10[%swap3A_1685] : memref<64xi32, #tpu.memory_space<smem>>
    %get3A_1687 = arith.index_cast %get3A_1678 : i32 to index
    %get3A_1688 = memref.load %arg12[%get3A_1687] : memref<16xi32, #tpu.memory_space<smem>>
    %add3A_1689 = arith.constant 1 : i32
    %add3A_1690 = arith.addi %get3A_1688, %add3A_1689 : i32
    %swap3A_1691 = arith.index_cast %get3A_1678 : i32 to index
    %swap3A_1692 = memref.load %arg12[%swap3A_1691] : memref<16xi32, #tpu.memory_space<smem>>
    memref.store %add3A_1690, %arg12[%swap3A_1691] : memref<16xi32, #tpu.memory_space<smem>>
    %get3A_1693 = arith.constant 14 : i32
    %get3A_1694 = arith.index_cast %get3A_1693 : i32 to index
    %get3A_1695 = memref.load %arg9[%get3A_1694] : memref<64xi32, #tpu.memory_space<smem>>
    %get3A_1696 = arith.index_cast %get3A_1695 : i32 to index
    %get3A_1697 = memref.load %arg11[%get3A_1696] : memref<17xi32, #tpu.memory_space<smem>>
    %get3A_1698 = arith.index_cast %get3A_1695 : i32 to index
    %get3A_1699 = memref.load %arg12[%get3A_1698] : memref<16xi32, #tpu.memory_space<smem>>
    %add3A_1700 = arith.addi %get3A_1697, %get3A_1699 : i32
    %swap3A_1701 = arith.constant 14 : i32
    %swap3A_1702 = arith.index_cast %add3A_1700 : i32 to index
    %swap3A_1703 = memref.load %arg10[%swap3A_1702] : memref<64xi32, #tpu.memory_space<smem>>
    memref.store %swap3A_1701, %arg10[%swap3A_1702] : memref<64xi32, #tpu.memory_space<smem>>
    %get3A_1704 = arith.index_cast %get3A_1695 : i32 to index
    %get3A_1705 = memref.load %arg12[%get3A_1704] : memref<16xi32, #tpu.memory_space<smem>>
    %add3A_1706 = arith.constant 1 : i32
    %add3A_1707 = arith.addi %get3A_1705, %add3A_1706 : i32
    %swap3A_1708 = arith.index_cast %get3A_1695 : i32 to index
    %swap3A_1709 = memref.load %arg12[%swap3A_1708] : memref<16xi32, #tpu.memory_space<smem>>
    memref.store %add3A_1707, %arg12[%swap3A_1708] : memref<16xi32, #tpu.memory_space<smem>>
    %get3A_1710 = arith.constant 15 : i32
    %get3A_1711 = arith.index_cast %get3A_1710 : i32 to index
    %get3A_1712 = memref.load %arg9[%get3A_1711] : memref<64xi32, #tpu.memory_space<smem>>
    %get3A_1713 = arith.index_cast %get3A_1712 : i32 to index
    %get3A_1714 = memref.load %arg11[%get3A_1713] : memref<17xi32, #tpu.memory_space<smem>>
    %get3A_1715 = arith.index_cast %get3A_1712 : i32 to index
    %get3A_1716 = memref.load %arg12[%get3A_1715] : memref<16xi32, #tpu.memory_space<smem>>
    %add3A_1717 = arith.addi %get3A_1714, %get3A_1716 : i32
    %swap3A_1718 = arith.constant 15 : i32
    %swap3A_1719 = arith.index_cast %add3A_1717 : i32 to index
    %swap3A_1720 = memref.load %arg10[%swap3A_1719] : memref<64xi32, #tpu.memory_space<smem>>
    memref.store %swap3A_1718, %arg10[%swap3A_1719] : memref<64xi32, #tpu.memory_space<smem>>
    %get3A_1721 = arith.index_cast %get3A_1712 : i32 to index
    %get3A_1722 = memref.load %arg12[%get3A_1721] : memref<16xi32, #tpu.memory_space<smem>>
    %add3A_1723 = arith.constant 1 : i32
    %add3A_1724 = arith.addi %get3A_1722, %add3A_1723 : i32
    %swap3A_1725 = arith.index_cast %get3A_1712 : i32 to index
    %swap3A_1726 = memref.load %arg12[%swap3A_1725] : memref<16xi32, #tpu.memory_space<smem>>
    memref.store %add3A_1724, %arg12[%swap3A_1725] : memref<16xi32, #tpu.memory_space<smem>>
    %get3A_1727 = arith.constant 16 : i32
    %get3A_1728 = arith.index_cast %get3A_1727 : i32 to index
    %get3A_1729 = memref.load %arg9[%get3A_1728] : memref<64xi32, #tpu.memory_space<smem>>
    %get3A_1730 = arith.index_cast %get3A_1729 : i32 to index
    %get3A_1731 = memref.load %arg11[%get3A_1730] : memref<17xi32, #tpu.memory_space<smem>>
    %get3A_1732 = arith.index_cast %get3A_1729 : i32 to index
    %get3A_1733 = memref.load %arg12[%get3A_1732] : memref<16xi32, #tpu.memory_space<smem>>
    %add3A_1734 = arith.addi %get3A_1731, %get3A_1733 : i32
    %swap3A_1735 = arith.constant 16 : i32
    %swap3A_1736 = arith.index_cast %add3A_1734 : i32 to index
    %swap3A_1737 = memref.load %arg10[%swap3A_1736] : memref<64xi32, #tpu.memory_space<smem>>
    memref.store %swap3A_1735, %arg10[%swap3A_1736] : memref<64xi32, #tpu.memory_space<smem>>
    %get3A_1738 = arith.index_cast %get3A_1729 : i32 to index
    %get3A_1739 = memref.load %arg12[%get3A_1738] : memref<16xi32, #tpu.memory_space<smem>>
    %add3A_1740 = arith.constant 1 : i32
    %add3A_1741 = arith.addi %get3A_1739, %add3A_1740 : i32
    %swap3A_1742 = arith.index_cast %get3A_1729 : i32 to index
    %swap3A_1743 = memref.load %arg12[%swap3A_1742] : memref<16xi32, #tpu.memory_space<smem>>
    memref.store %add3A_1741, %arg12[%swap3A_1742] : memref<16xi32, #tpu.memory_space<smem>>
    %get3A_1744 = arith.constant 17 : i32
    %get3A_1745 = arith.index_cast %get3A_1744 : i32 to index
    %get3A_1746 = memref.load %arg9[%get3A_1745] : memref<64xi32, #tpu.memory_space<smem>>
    %get3A_1747 = arith.index_cast %get3A_1746 : i32 to index
    %get3A_1748 = memref.load %arg11[%get3A_1747] : memref<17xi32, #tpu.memory_space<smem>>
    %get3A_1749 = arith.index_cast %get3A_1746 : i32 to index
    %get3A_1750 = memref.load %arg12[%get3A_1749] : memref<16xi32, #tpu.memory_space<smem>>
    %add3A_1751 = arith.addi %get3A_1748, %get3A_1750 : i32
    %swap3A_1752 = arith.constant 17 : i32
    %swap3A_1753 = arith.index_cast %add3A_1751 : i32 to index
    %swap3A_1754 = memref.load %arg10[%swap3A_1753] : memref<64xi32, #tpu.memory_space<smem>>
    memref.store %swap3A_1752, %arg10[%swap3A_1753] : memref<64xi32, #tpu.memory_space<smem>>
    %get3A_1755 = arith.index_cast %get3A_1746 : i32 to index
    %get3A_1756 = memref.load %arg12[%get3A_1755] : memref<16xi32, #tpu.memory_space<smem>>
    %add3A_1757 = arith.constant 1 : i32
    %add3A_1758 = arith.addi %get3A_1756, %add3A_1757 : i32
    %swap3A_1759 = arith.index_cast %get3A_1746 : i32 to index
    %swap3A_1760 = memref.load %arg12[%swap3A_1759] : memref<16xi32, #tpu.memory_space<smem>>
    memref.store %add3A_1758, %arg12[%swap3A_1759] : memref<16xi32, #tpu.memory_space<smem>>
    %get3A_1761 = arith.constant 18 : i32
    %get3A_1762 = arith.index_cast %get3A_1761 : i32 to index
    %get3A_1763 = memref.load %arg9[%get3A_1762] : memref<64xi32, #tpu.memory_space<smem>>
    %get3A_1764 = arith.index_cast %get3A_1763 : i32 to index
    %get3A_1765 = memref.load %arg11[%get3A_1764] : memref<17xi32, #tpu.memory_space<smem>>
    %get3A_1766 = arith.index_cast %get3A_1763 : i32 to index
    %get3A_1767 = memref.load %arg12[%get3A_1766] : memref<16xi32, #tpu.memory_space<smem>>
    %add3A_1768 = arith.addi %get3A_1765, %get3A_1767 : i32
    %swap3A_1769 = arith.constant 18 : i32
    %swap3A_1770 = arith.index_cast %add3A_1768 : i32 to index
    %swap3A_1771 = memref.load %arg10[%swap3A_1770] : memref<64xi32, #tpu.memory_space<smem>>
    memref.store %swap3A_1769, %arg10[%swap3A_1770] : memref<64xi32, #tpu.memory_space<smem>>
    %get3A_1772 = arith.index_cast %get3A_1763 : i32 to index
    %get3A_1773 = memref.load %arg12[%get3A_1772] : memref<16xi32, #tpu.memory_space<smem>>
    %add3A_1774 = arith.constant 1 : i32
    %add3A_1775 = arith.addi %get3A_1773, %add3A_1774 : i32
    %swap3A_1776 = arith.index_cast %get3A_1763 : i32 to index
    %swap3A_1777 = memref.load %arg12[%swap3A_1776] : memref<16xi32, #tpu.memory_space<smem>>
    memref.store %add3A_1775, %arg12[%swap3A_1776] : memref<16xi32, #tpu.memory_space<smem>>
    %get3A_1778 = arith.constant 19 : i32
    %get3A_1779 = arith.index_cast %get3A_1778 : i32 to index
    %get3A_1780 = memref.load %arg9[%get3A_1779] : memref<64xi32, #tpu.memory_space<smem>>
    %get3A_1781 = arith.index_cast %get3A_1780 : i32 to index
    %get3A_1782 = memref.load %arg11[%get3A_1781] : memref<17xi32, #tpu.memory_space<smem>>
    %get3A_1783 = arith.index_cast %get3A_1780 : i32 to index
    %get3A_1784 = memref.load %arg12[%get3A_1783] : memref<16xi32, #tpu.memory_space<smem>>
    %add3A_1785 = arith.addi %get3A_1782, %get3A_1784 : i32
    %swap3A_1786 = arith.constant 19 : i32
    %swap3A_1787 = arith.index_cast %add3A_1785 : i32 to index
    %swap3A_1788 = memref.load %arg10[%swap3A_1787] : memref<64xi32, #tpu.memory_space<smem>>
    memref.store %swap3A_1786, %arg10[%swap3A_1787] : memref<64xi32, #tpu.memory_space<smem>>
    %get3A_1789 = arith.index_cast %get3A_1780 : i32 to index
    %get3A_1790 = memref.load %arg12[%get3A_1789] : memref<16xi32, #tpu.memory_space<smem>>
    %add3A_1791 = arith.constant 1 : i32
    %add3A_1792 = arith.addi %get3A_1790, %add3A_1791 : i32
    %swap3A_1793 = arith.index_cast %get3A_1780 : i32 to index
    %swap3A_1794 = memref.load %arg12[%swap3A_1793] : memref<16xi32, #tpu.memory_space<smem>>
    memref.store %add3A_1792, %arg12[%swap3A_1793] : memref<16xi32, #tpu.memory_space<smem>>
    %get3A_1795 = arith.constant 20 : i32
    %get3A_1796 = arith.index_cast %get3A_1795 : i32 to index
    %get3A_1797 = memref.load %arg9[%get3A_1796] : memref<64xi32, #tpu.memory_space<smem>>
    %get3A_1798 = arith.index_cast %get3A_1797 : i32 to index
    %get3A_1799 = memref.load %arg11[%get3A_1798] : memref<17xi32, #tpu.memory_space<smem>>
    %get3A_1800 = arith.index_cast %get3A_1797 : i32 to index
    %get3A_1801 = memref.load %arg12[%get3A_1800] : memref<16xi32, #tpu.memory_space<smem>>
    %add3A_1802 = arith.addi %get3A_1799, %get3A_1801 : i32
    %swap3A_1803 = arith.constant 20 : i32
    %swap3A_1804 = arith.index_cast %add3A_1802 : i32 to index
    %swap3A_1805 = memref.load %arg10[%swap3A_1804] : memref<64xi32, #tpu.memory_space<smem>>
    memref.store %swap3A_1803, %arg10[%swap3A_1804] : memref<64xi32, #tpu.memory_space<smem>>
    %get3A_1806 = arith.index_cast %get3A_1797 : i32 to index
    %get3A_1807 = memref.load %arg12[%get3A_1806] : memref<16xi32, #tpu.memory_space<smem>>
    %add3A_1808 = arith.constant 1 : i32
    %add3A_1809 = arith.addi %get3A_1807, %add3A_1808 : i32
    %swap3A_1810 = arith.index_cast %get3A_1797 : i32 to index
    %swap3A_1811 = memref.load %arg12[%swap3A_1810] : memref<16xi32, #tpu.memory_space<smem>>
    memref.store %add3A_1809, %arg12[%swap3A_1810] : memref<16xi32, #tpu.memory_space<smem>>
    %get3A_1812 = arith.constant 21 : i32
    %get3A_1813 = arith.index_cast %get3A_1812 : i32 to index
    %get3A_1814 = memref.load %arg9[%get3A_1813] : memref<64xi32, #tpu.memory_space<smem>>
    %get3A_1815 = arith.index_cast %get3A_1814 : i32 to index
    %get3A_1816 = memref.load %arg11[%get3A_1815] : memref<17xi32, #tpu.memory_space<smem>>
    %get3A_1817 = arith.index_cast %get3A_1814 : i32 to index
    %get3A_1818 = memref.load %arg12[%get3A_1817] : memref<16xi32, #tpu.memory_space<smem>>
    %add3A_1819 = arith.addi %get3A_1816, %get3A_1818 : i32
    %swap3A_1820 = arith.constant 21 : i32
    %swap3A_1821 = arith.index_cast %add3A_1819 : i32 to index
    %swap3A_1822 = memref.load %arg10[%swap3A_1821] : memref<64xi32, #tpu.memory_space<smem>>
    memref.store %swap3A_1820, %arg10[%swap3A_1821] : memref<64xi32, #tpu.memory_space<smem>>
    %get3A_1823 = arith.index_cast %get3A_1814 : i32 to index
    %get3A_1824 = memref.load %arg12[%get3A_1823] : memref<16xi32, #tpu.memory_space<smem>>
    %add3A_1825 = arith.constant 1 : i32
    %add3A_1826 = arith.addi %get3A_1824, %add3A_1825 : i32
    %swap3A_1827 = arith.index_cast %get3A_1814 : i32 to index
    %swap3A_1828 = memref.load %arg12[%swap3A_1827] : memref<16xi32, #tpu.memory_space<smem>>
    memref.store %add3A_1826, %arg12[%swap3A_1827] : memref<16xi32, #tpu.memory_space<smem>>
    %get3A_1829 = arith.constant 22 : i32
    %get3A_1830 = arith.index_cast %get3A_1829 : i32 to index
    %get3A_1831 = memref.load %arg9[%get3A_1830] : memref<64xi32, #tpu.memory_space<smem>>
    %get3A_1832 = arith.index_cast %get3A_1831 : i32 to index
    %get3A_1833 = memref.load %arg11[%get3A_1832] : memref<17xi32, #tpu.memory_space<smem>>
    %get3A_1834 = arith.index_cast %get3A_1831 : i32 to index
    %get3A_1835 = memref.load %arg12[%get3A_1834] : memref<16xi32, #tpu.memory_space<smem>>
    %add3A_1836 = arith.addi %get3A_1833, %get3A_1835 : i32
    %swap3A_1837 = arith.constant 22 : i32
    %swap3A_1838 = arith.index_cast %add3A_1836 : i32 to index
    %swap3A_1839 = memref.load %arg10[%swap3A_1838] : memref<64xi32, #tpu.memory_space<smem>>
    memref.store %swap3A_1837, %arg10[%swap3A_1838] : memref<64xi32, #tpu.memory_space<smem>>
    %get3A_1840 = arith.index_cast %get3A_1831 : i32 to index
    %get3A_1841 = memref.load %arg12[%get3A_1840] : memref<16xi32, #tpu.memory_space<smem>>
    %add3A_1842 = arith.constant 1 : i32
    %add3A_1843 = arith.addi %get3A_1841, %add3A_1842 : i32
    %swap3A_1844 = arith.index_cast %get3A_1831 : i32 to index
    %swap3A_1845 = memref.load %arg12[%swap3A_1844] : memref<16xi32, #tpu.memory_space<smem>>
    memref.store %add3A_1843, %arg12[%swap3A_1844] : memref<16xi32, #tpu.memory_space<smem>>
    %get3A_1846 = arith.constant 23 : i32
    %get3A_1847 = arith.index_cast %get3A_1846 : i32 to index
    %get3A_1848 = memref.load %arg9[%get3A_1847] : memref<64xi32, #tpu.memory_space<smem>>
    %get3A_1849 = arith.index_cast %get3A_1848 : i32 to index
    %get3A_1850 = memref.load %arg11[%get3A_1849] : memref<17xi32, #tpu.memory_space<smem>>
    %get3A_1851 = arith.index_cast %get3A_1848 : i32 to index
    %get3A_1852 = memref.load %arg12[%get3A_1851] : memref<16xi32, #tpu.memory_space<smem>>
    %add3A_1853 = arith.addi %get3A_1850, %get3A_1852 : i32
    %swap3A_1854 = arith.constant 23 : i32
    %swap3A_1855 = arith.index_cast %add3A_1853 : i32 to index
    %swap3A_1856 = memref.load %arg10[%swap3A_1855] : memref<64xi32, #tpu.memory_space<smem>>
    memref.store %swap3A_1854, %arg10[%swap3A_1855] : memref<64xi32, #tpu.memory_space<smem>>
    %get3A_1857 = arith.index_cast %get3A_1848 : i32 to index
    %get3A_1858 = memref.load %arg12[%get3A_1857] : memref<16xi32, #tpu.memory_space<smem>>
    %add3A_1859 = arith.constant 1 : i32
    %add3A_1860 = arith.addi %get3A_1858, %add3A_1859 : i32
    %swap3A_1861 = arith.index_cast %get3A_1848 : i32 to index
    %swap3A_1862 = memref.load %arg12[%swap3A_1861] : memref<16xi32, #tpu.memory_space<smem>>
    memref.store %add3A_1860, %arg12[%swap3A_1861] : memref<16xi32, #tpu.memory_space<smem>>
    %get3A_1863 = arith.constant 24 : i32
    %get3A_1864 = arith.index_cast %get3A_1863 : i32 to index
    %get3A_1865 = memref.load %arg9[%get3A_1864] : memref<64xi32, #tpu.memory_space<smem>>
    %get3A_1866 = arith.index_cast %get3A_1865 : i32 to index
    %get3A_1867 = memref.load %arg11[%get3A_1866] : memref<17xi32, #tpu.memory_space<smem>>
    %get3A_1868 = arith.index_cast %get3A_1865 : i32 to index
    %get3A_1869 = memref.load %arg12[%get3A_1868] : memref<16xi32, #tpu.memory_space<smem>>
    %add3A_1870 = arith.addi %get3A_1867, %get3A_1869 : i32
    %swap3A_1871 = arith.constant 24 : i32
    %swap3A_1872 = arith.index_cast %add3A_1870 : i32 to index
    %swap3A_1873 = memref.load %arg10[%swap3A_1872] : memref<64xi32, #tpu.memory_space<smem>>
    memref.store %swap3A_1871, %arg10[%swap3A_1872] : memref<64xi32, #tpu.memory_space<smem>>
    %get3A_1874 = arith.index_cast %get3A_1865 : i32 to index
    %get3A_1875 = memref.load %arg12[%get3A_1874] : memref<16xi32, #tpu.memory_space<smem>>
    %add3A_1876 = arith.constant 1 : i32
    %add3A_1877 = arith.addi %get3A_1875, %add3A_1876 : i32
    %swap3A_1878 = arith.index_cast %get3A_1865 : i32 to index
    %swap3A_1879 = memref.load %arg12[%swap3A_1878] : memref<16xi32, #tpu.memory_space<smem>>
    memref.store %add3A_1877, %arg12[%swap3A_1878] : memref<16xi32, #tpu.memory_space<smem>>
    %get3A_1880 = arith.constant 25 : i32
    %get3A_1881 = arith.index_cast %get3A_1880 : i32 to index
    %get3A_1882 = memref.load %arg9[%get3A_1881] : memref<64xi32, #tpu.memory_space<smem>>
    %get3A_1883 = arith.index_cast %get3A_1882 : i32 to index
    %get3A_1884 = memref.load %arg11[%get3A_1883] : memref<17xi32, #tpu.memory_space<smem>>
    %get3A_1885 = arith.index_cast %get3A_1882 : i32 to index
    %get3A_1886 = memref.load %arg12[%get3A_1885] : memref<16xi32, #tpu.memory_space<smem>>
    %add3A_1887 = arith.addi %get3A_1884, %get3A_1886 : i32
    %swap3A_1888 = arith.constant 25 : i32
    %swap3A_1889 = arith.index_cast %add3A_1887 : i32 to index
    %swap3A_1890 = memref.load %arg10[%swap3A_1889] : memref<64xi32, #tpu.memory_space<smem>>
    memref.store %swap3A_1888, %arg10[%swap3A_1889] : memref<64xi32, #tpu.memory_space<smem>>
    %get3A_1891 = arith.index_cast %get3A_1882 : i32 to index
    %get3A_1892 = memref.load %arg12[%get3A_1891] : memref<16xi32, #tpu.memory_space<smem>>
    %add3A_1893 = arith.constant 1 : i32
    %add3A_1894 = arith.addi %get3A_1892, %add3A_1893 : i32
    %swap3A_1895 = arith.index_cast %get3A_1882 : i32 to index
    %swap3A_1896 = memref.load %arg12[%swap3A_1895] : memref<16xi32, #tpu.memory_space<smem>>
    memref.store %add3A_1894, %arg12[%swap3A_1895] : memref<16xi32, #tpu.memory_space<smem>>
    %get3A_1897 = arith.constant 26 : i32
    %get3A_1898 = arith.index_cast %get3A_1897 : i32 to index
    %get3A_1899 = memref.load %arg9[%get3A_1898] : memref<64xi32, #tpu.memory_space<smem>>
    %get3A_1900 = arith.index_cast %get3A_1899 : i32 to index
    %get3A_1901 = memref.load %arg11[%get3A_1900] : memref<17xi32, #tpu.memory_space<smem>>
    %get3A_1902 = arith.index_cast %get3A_1899 : i32 to index
    %get3A_1903 = memref.load %arg12[%get3A_1902] : memref<16xi32, #tpu.memory_space<smem>>
    %add3A_1904 = arith.addi %get3A_1901, %get3A_1903 : i32
    %swap3A_1905 = arith.constant 26 : i32
    %swap3A_1906 = arith.index_cast %add3A_1904 : i32 to index
    %swap3A_1907 = memref.load %arg10[%swap3A_1906] : memref<64xi32, #tpu.memory_space<smem>>
    memref.store %swap3A_1905, %arg10[%swap3A_1906] : memref<64xi32, #tpu.memory_space<smem>>
    %get3A_1908 = arith.index_cast %get3A_1899 : i32 to index
    %get3A_1909 = memref.load %arg12[%get3A_1908] : memref<16xi32, #tpu.memory_space<smem>>
    %add3A_1910 = arith.constant 1 : i32
    %add3A_1911 = arith.addi %get3A_1909, %add3A_1910 : i32
    %swap3A_1912 = arith.index_cast %get3A_1899 : i32 to index
    %swap3A_1913 = memref.load %arg12[%swap3A_1912] : memref<16xi32, #tpu.memory_space<smem>>
    memref.store %add3A_1911, %arg12[%swap3A_1912] : memref<16xi32, #tpu.memory_space<smem>>
    %get3A_1914 = arith.constant 27 : i32
    %get3A_1915 = arith.index_cast %get3A_1914 : i32 to index
    %get3A_1916 = memref.load %arg9[%get3A_1915] : memref<64xi32, #tpu.memory_space<smem>>
    %get3A_1917 = arith.index_cast %get3A_1916 : i32 to index
    %get3A_1918 = memref.load %arg11[%get3A_1917] : memref<17xi32, #tpu.memory_space<smem>>
    %get3A_1919 = arith.index_cast %get3A_1916 : i32 to index
    %get3A_1920 = memref.load %arg12[%get3A_1919] : memref<16xi32, #tpu.memory_space<smem>>
    %add3A_1921 = arith.addi %get3A_1918, %get3A_1920 : i32
    %swap3A_1922 = arith.constant 27 : i32
    %swap3A_1923 = arith.index_cast %add3A_1921 : i32 to index
    %swap3A_1924 = memref.load %arg10[%swap3A_1923] : memref<64xi32, #tpu.memory_space<smem>>
    memref.store %swap3A_1922, %arg10[%swap3A_1923] : memref<64xi32, #tpu.memory_space<smem>>
    %get3A_1925 = arith.index_cast %get3A_1916 : i32 to index
    %get3A_1926 = memref.load %arg12[%get3A_1925] : memref<16xi32, #tpu.memory_space<smem>>
    %add3A_1927 = arith.constant 1 : i32
    %add3A_1928 = arith.addi %get3A_1926, %add3A_1927 : i32
    %swap3A_1929 = arith.index_cast %get3A_1916 : i32 to index
    %swap3A_1930 = memref.load %arg12[%swap3A_1929] : memref<16xi32, #tpu.memory_space<smem>>
    memref.store %add3A_1928, %arg12[%swap3A_1929] : memref<16xi32, #tpu.memory_space<smem>>
    %get3A_1931 = arith.constant 28 : i32
    %get3A_1932 = arith.index_cast %get3A_1931 : i32 to index
    %get3A_1933 = memref.load %arg9[%get3A_1932] : memref<64xi32, #tpu.memory_space<smem>>
    %get3A_1934 = arith.index_cast %get3A_1933 : i32 to index
    %get3A_1935 = memref.load %arg11[%get3A_1934] : memref<17xi32, #tpu.memory_space<smem>>
    %get3A_1936 = arith.index_cast %get3A_1933 : i32 to index
    %get3A_1937 = memref.load %arg12[%get3A_1936] : memref<16xi32, #tpu.memory_space<smem>>
    %add3A_1938 = arith.addi %get3A_1935, %get3A_1937 : i32
    %swap3A_1939 = arith.constant 28 : i32
    %swap3A_1940 = arith.index_cast %add3A_1938 : i32 to index
    %swap3A_1941 = memref.load %arg10[%swap3A_1940] : memref<64xi32, #tpu.memory_space<smem>>
    memref.store %swap3A_1939, %arg10[%swap3A_1940] : memref<64xi32, #tpu.memory_space<smem>>
    %get3A_1942 = arith.index_cast %get3A_1933 : i32 to index
    %get3A_1943 = memref.load %arg12[%get3A_1942] : memref<16xi32, #tpu.memory_space<smem>>
    %add3A_1944 = arith.constant 1 : i32
    %add3A_1945 = arith.addi %get3A_1943, %add3A_1944 : i32
    %swap3A_1946 = arith.index_cast %get3A_1933 : i32 to index
    %swap3A_1947 = memref.load %arg12[%swap3A_1946] : memref<16xi32, #tpu.memory_space<smem>>
    memref.store %add3A_1945, %arg12[%swap3A_1946] : memref<16xi32, #tpu.memory_space<smem>>
    %get3A_1948 = arith.constant 29 : i32
    %get3A_1949 = arith.index_cast %get3A_1948 : i32 to index
    %get3A_1950 = memref.load %arg9[%get3A_1949] : memref<64xi32, #tpu.memory_space<smem>>
    %get3A_1951 = arith.index_cast %get3A_1950 : i32 to index
    %get3A_1952 = memref.load %arg11[%get3A_1951] : memref<17xi32, #tpu.memory_space<smem>>
    %get3A_1953 = arith.index_cast %get3A_1950 : i32 to index
    %get3A_1954 = memref.load %arg12[%get3A_1953] : memref<16xi32, #tpu.memory_space<smem>>
    %add3A_1955 = arith.addi %get3A_1952, %get3A_1954 : i32
    %swap3A_1956 = arith.constant 29 : i32
    %swap3A_1957 = arith.index_cast %add3A_1955 : i32 to index
    %swap3A_1958 = memref.load %arg10[%swap3A_1957] : memref<64xi32, #tpu.memory_space<smem>>
    memref.store %swap3A_1956, %arg10[%swap3A_1957] : memref<64xi32, #tpu.memory_space<smem>>
    %get3A_1959 = arith.index_cast %get3A_1950 : i32 to index
    %get3A_1960 = memref.load %arg12[%get3A_1959] : memref<16xi32, #tpu.memory_space<smem>>
    %add3A_1961 = arith.constant 1 : i32
    %add3A_1962 = arith.addi %get3A_1960, %add3A_1961 : i32
    %swap3A_1963 = arith.index_cast %get3A_1950 : i32 to index
    %swap3A_1964 = memref.load %arg12[%swap3A_1963] : memref<16xi32, #tpu.memory_space<smem>>
    memref.store %add3A_1962, %arg12[%swap3A_1963] : memref<16xi32, #tpu.memory_space<smem>>
    %get3A_1965 = arith.constant 30 : i32
    %get3A_1966 = arith.index_cast %get3A_1965 : i32 to index
    %get3A_1967 = memref.load %arg9[%get3A_1966] : memref<64xi32, #tpu.memory_space<smem>>
    %get3A_1968 = arith.index_cast %get3A_1967 : i32 to index
    %get3A_1969 = memref.load %arg11[%get3A_1968] : memref<17xi32, #tpu.memory_space<smem>>
    %get3A_1970 = arith.index_cast %get3A_1967 : i32 to index
    %get3A_1971 = memref.load %arg12[%get3A_1970] : memref<16xi32, #tpu.memory_space<smem>>
    %add3A_1972 = arith.addi %get3A_1969, %get3A_1971 : i32
    %swap3A_1973 = arith.constant 30 : i32
    %swap3A_1974 = arith.index_cast %add3A_1972 : i32 to index
    %swap3A_1975 = memref.load %arg10[%swap3A_1974] : memref<64xi32, #tpu.memory_space<smem>>
    memref.store %swap3A_1973, %arg10[%swap3A_1974] : memref<64xi32, #tpu.memory_space<smem>>
    %get3A_1976 = arith.index_cast %get3A_1967 : i32 to index
    %get3A_1977 = memref.load %arg12[%get3A_1976] : memref<16xi32, #tpu.memory_space<smem>>
    %add3A_1978 = arith.constant 1 : i32
    %add3A_1979 = arith.addi %get3A_1977, %add3A_1978 : i32
    %swap3A_1980 = arith.index_cast %get3A_1967 : i32 to index
    %swap3A_1981 = memref.load %arg12[%swap3A_1980] : memref<16xi32, #tpu.memory_space<smem>>
    memref.store %add3A_1979, %arg12[%swap3A_1980] : memref<16xi32, #tpu.memory_space<smem>>
    %get3A_1982 = arith.constant 31 : i32
    %get3A_1983 = arith.index_cast %get3A_1982 : i32 to index
    %get3A_1984 = memref.load %arg9[%get3A_1983] : memref<64xi32, #tpu.memory_space<smem>>
    %get3A_1985 = arith.index_cast %get3A_1984 : i32 to index
    %get3A_1986 = memref.load %arg11[%get3A_1985] : memref<17xi32, #tpu.memory_space<smem>>
    %get3A_1987 = arith.index_cast %get3A_1984 : i32 to index
    %get3A_1988 = memref.load %arg12[%get3A_1987] : memref<16xi32, #tpu.memory_space<smem>>
    %add3A_1989 = arith.addi %get3A_1986, %get3A_1988 : i32
    %swap3A_1990 = arith.constant 31 : i32
    %swap3A_1991 = arith.index_cast %add3A_1989 : i32 to index
    %swap3A_1992 = memref.load %arg10[%swap3A_1991] : memref<64xi32, #tpu.memory_space<smem>>
    memref.store %swap3A_1990, %arg10[%swap3A_1991] : memref<64xi32, #tpu.memory_space<smem>>
    %get3A_1993 = arith.index_cast %get3A_1984 : i32 to index
    %get3A_1994 = memref.load %arg12[%get3A_1993] : memref<16xi32, #tpu.memory_space<smem>>
    %add3A_1995 = arith.constant 1 : i32
    %add3A_1996 = arith.addi %get3A_1994, %add3A_1995 : i32
    %swap3A_1997 = arith.index_cast %get3A_1984 : i32 to index
    %swap3A_1998 = memref.load %arg12[%swap3A_1997] : memref<16xi32, #tpu.memory_space<smem>>
    memref.store %add3A_1996, %arg12[%swap3A_1997] : memref<16xi32, #tpu.memory_space<smem>>
    %get3A_1999 = arith.constant 32 : i32
    %get3A_2000 = arith.index_cast %get3A_1999 : i32 to index
    %get3A_2001 = memref.load %arg9[%get3A_2000] : memref<64xi32, #tpu.memory_space<smem>>
    %get3A_2002 = arith.index_cast %get3A_2001 : i32 to index
    %get3A_2003 = memref.load %arg11[%get3A_2002] : memref<17xi32, #tpu.memory_space<smem>>
    %get3A_2004 = arith.index_cast %get3A_2001 : i32 to index
    %get3A_2005 = memref.load %arg12[%get3A_2004] : memref<16xi32, #tpu.memory_space<smem>>
    %add3A_2006 = arith.addi %get3A_2003, %get3A_2005 : i32
    %swap3A_2007 = arith.constant 32 : i32
    %swap3A_2008 = arith.index_cast %add3A_2006 : i32 to index
    %swap3A_2009 = memref.load %arg10[%swap3A_2008] : memref<64xi32, #tpu.memory_space<smem>>
    memref.store %swap3A_2007, %arg10[%swap3A_2008] : memref<64xi32, #tpu.memory_space<smem>>
    %get3A_2010 = arith.index_cast %get3A_2001 : i32 to index
    %get3A_2011 = memref.load %arg12[%get3A_2010] : memref<16xi32, #tpu.memory_space<smem>>
    %add3A_2012 = arith.constant 1 : i32
    %add3A_2013 = arith.addi %get3A_2011, %add3A_2012 : i32
    %swap3A_2014 = arith.index_cast %get3A_2001 : i32 to index
    %swap3A_2015 = memref.load %arg12[%swap3A_2014] : memref<16xi32, #tpu.memory_space<smem>>
    memref.store %add3A_2013, %arg12[%swap3A_2014] : memref<16xi32, #tpu.memory_space<smem>>
    %get3A_2016 = arith.constant 33 : i32
    %get3A_2017 = arith.index_cast %get3A_2016 : i32 to index
    %get3A_2018 = memref.load %arg9[%get3A_2017] : memref<64xi32, #tpu.memory_space<smem>>
    %get3A_2019 = arith.index_cast %get3A_2018 : i32 to index
    %get3A_2020 = memref.load %arg11[%get3A_2019] : memref<17xi32, #tpu.memory_space<smem>>
    %get3A_2021 = arith.index_cast %get3A_2018 : i32 to index
    %get3A_2022 = memref.load %arg12[%get3A_2021] : memref<16xi32, #tpu.memory_space<smem>>
    %add3A_2023 = arith.addi %get3A_2020, %get3A_2022 : i32
    %swap3A_2024 = arith.constant 33 : i32
    %swap3A_2025 = arith.index_cast %add3A_2023 : i32 to index
    %swap3A_2026 = memref.load %arg10[%swap3A_2025] : memref<64xi32, #tpu.memory_space<smem>>
    memref.store %swap3A_2024, %arg10[%swap3A_2025] : memref<64xi32, #tpu.memory_space<smem>>
    %get3A_2027 = arith.index_cast %get3A_2018 : i32 to index
    %get3A_2028 = memref.load %arg12[%get3A_2027] : memref<16xi32, #tpu.memory_space<smem>>
    %add3A_2029 = arith.constant 1 : i32
    %add3A_2030 = arith.addi %get3A_2028, %add3A_2029 : i32
    %swap3A_2031 = arith.index_cast %get3A_2018 : i32 to index
    %swap3A_2032 = memref.load %arg12[%swap3A_2031] : memref<16xi32, #tpu.memory_space<smem>>
    memref.store %add3A_2030, %arg12[%swap3A_2031] : memref<16xi32, #tpu.memory_space<smem>>
    %get3A_2033 = arith.constant 34 : i32
    %get3A_2034 = arith.index_cast %get3A_2033 : i32 to index
    %get3A_2035 = memref.load %arg9[%get3A_2034] : memref<64xi32, #tpu.memory_space<smem>>
    %get3A_2036 = arith.index_cast %get3A_2035 : i32 to index
    %get3A_2037 = memref.load %arg11[%get3A_2036] : memref<17xi32, #tpu.memory_space<smem>>
    %get3A_2038 = arith.index_cast %get3A_2035 : i32 to index
    %get3A_2039 = memref.load %arg12[%get3A_2038] : memref<16xi32, #tpu.memory_space<smem>>
    %add3A_2040 = arith.addi %get3A_2037, %get3A_2039 : i32
    %swap3A_2041 = arith.constant 34 : i32
    %swap3A_2042 = arith.index_cast %add3A_2040 : i32 to index
    %swap3A_2043 = memref.load %arg10[%swap3A_2042] : memref<64xi32, #tpu.memory_space<smem>>
    memref.store %swap3A_2041, %arg10[%swap3A_2042] : memref<64xi32, #tpu.memory_space<smem>>
    %get3A_2044 = arith.index_cast %get3A_2035 : i32 to index
    %get3A_2045 = memref.load %arg12[%get3A_2044] : memref<16xi32, #tpu.memory_space<smem>>
    %add3A_2046 = arith.constant 1 : i32
    %add3A_2047 = arith.addi %get3A_2045, %add3A_2046 : i32
    %swap3A_2048 = arith.index_cast %get3A_2035 : i32 to index
    %swap3A_2049 = memref.load %arg12[%swap3A_2048] : memref<16xi32, #tpu.memory_space<smem>>
    memref.store %add3A_2047, %arg12[%swap3A_2048] : memref<16xi32, #tpu.memory_space<smem>>
    %get3A_2050 = arith.constant 35 : i32
    %get3A_2051 = arith.index_cast %get3A_2050 : i32 to index
    %get3A_2052 = memref.load %arg9[%get3A_2051] : memref<64xi32, #tpu.memory_space<smem>>
    %get3A_2053 = arith.index_cast %get3A_2052 : i32 to index
    %get3A_2054 = memref.load %arg11[%get3A_2053] : memref<17xi32, #tpu.memory_space<smem>>
    %get3A_2055 = arith.index_cast %get3A_2052 : i32 to index
    %get3A_2056 = memref.load %arg12[%get3A_2055] : memref<16xi32, #tpu.memory_space<smem>>
    %add3A_2057 = arith.addi %get3A_2054, %get3A_2056 : i32
    %swap3A_2058 = arith.constant 35 : i32
    %swap3A_2059 = arith.index_cast %add3A_2057 : i32 to index
    %swap3A_2060 = memref.load %arg10[%swap3A_2059] : memref<64xi32, #tpu.memory_space<smem>>
    memref.store %swap3A_2058, %arg10[%swap3A_2059] : memref<64xi32, #tpu.memory_space<smem>>
    %get3A_2061 = arith.index_cast %get3A_2052 : i32 to index
    %get3A_2062 = memref.load %arg12[%get3A_2061] : memref<16xi32, #tpu.memory_space<smem>>
    %add3A_2063 = arith.constant 1 : i32
    %add3A_2064 = arith.addi %get3A_2062, %add3A_2063 : i32
    %swap3A_2065 = arith.index_cast %get3A_2052 : i32 to index
    %swap3A_2066 = memref.load %arg12[%swap3A_2065] : memref<16xi32, #tpu.memory_space<smem>>
    memref.store %add3A_2064, %arg12[%swap3A_2065] : memref<16xi32, #tpu.memory_space<smem>>
    %get3A_2067 = arith.constant 36 : i32
    %get3A_2068 = arith.index_cast %get3A_2067 : i32 to index
    %get3A_2069 = memref.load %arg9[%get3A_2068] : memref<64xi32, #tpu.memory_space<smem>>
    %get3A_2070 = arith.index_cast %get3A_2069 : i32 to index
    %get3A_2071 = memref.load %arg11[%get3A_2070] : memref<17xi32, #tpu.memory_space<smem>>
    %get3A_2072 = arith.index_cast %get3A_2069 : i32 to index
    %get3A_2073 = memref.load %arg12[%get3A_2072] : memref<16xi32, #tpu.memory_space<smem>>
    %add3A_2074 = arith.addi %get3A_2071, %get3A_2073 : i32
    %swap3A_2075 = arith.constant 36 : i32
    %swap3A_2076 = arith.index_cast %add3A_2074 : i32 to index
    %swap3A_2077 = memref.load %arg10[%swap3A_2076] : memref<64xi32, #tpu.memory_space<smem>>
    memref.store %swap3A_2075, %arg10[%swap3A_2076] : memref<64xi32, #tpu.memory_space<smem>>
    %get3A_2078 = arith.index_cast %get3A_2069 : i32 to index
    %get3A_2079 = memref.load %arg12[%get3A_2078] : memref<16xi32, #tpu.memory_space<smem>>
    %add3A_2080 = arith.constant 1 : i32
    %add3A_2081 = arith.addi %get3A_2079, %add3A_2080 : i32
    %swap3A_2082 = arith.index_cast %get3A_2069 : i32 to index
    %swap3A_2083 = memref.load %arg12[%swap3A_2082] : memref<16xi32, #tpu.memory_space<smem>>
    memref.store %add3A_2081, %arg12[%swap3A_2082] : memref<16xi32, #tpu.memory_space<smem>>
    %get3A_2084 = arith.constant 37 : i32
    %get3A_2085 = arith.index_cast %get3A_2084 : i32 to index
    %get3A_2086 = memref.load %arg9[%get3A_2085] : memref<64xi32, #tpu.memory_space<smem>>
    %get3A_2087 = arith.index_cast %get3A_2086 : i32 to index
    %get3A_2088 = memref.load %arg11[%get3A_2087] : memref<17xi32, #tpu.memory_space<smem>>
    %get3A_2089 = arith.index_cast %get3A_2086 : i32 to index
    %get3A_2090 = memref.load %arg12[%get3A_2089] : memref<16xi32, #tpu.memory_space<smem>>
    %add3A_2091 = arith.addi %get3A_2088, %get3A_2090 : i32
    %swap3A_2092 = arith.constant 37 : i32
    %swap3A_2093 = arith.index_cast %add3A_2091 : i32 to index
    %swap3A_2094 = memref.load %arg10[%swap3A_2093] : memref<64xi32, #tpu.memory_space<smem>>
    memref.store %swap3A_2092, %arg10[%swap3A_2093] : memref<64xi32, #tpu.memory_space<smem>>
    %get3A_2095 = arith.index_cast %get3A_2086 : i32 to index
    %get3A_2096 = memref.load %arg12[%get3A_2095] : memref<16xi32, #tpu.memory_space<smem>>
    %add3A_2097 = arith.constant 1 : i32
    %add3A_2098 = arith.addi %get3A_2096, %add3A_2097 : i32
    %swap3A_2099 = arith.index_cast %get3A_2086 : i32 to index
    %swap3A_2100 = memref.load %arg12[%swap3A_2099] : memref<16xi32, #tpu.memory_space<smem>>
    memref.store %add3A_2098, %arg12[%swap3A_2099] : memref<16xi32, #tpu.memory_space<smem>>
    %get3A_2101 = arith.constant 38 : i32
    %get3A_2102 = arith.index_cast %get3A_2101 : i32 to index
    %get3A_2103 = memref.load %arg9[%get3A_2102] : memref<64xi32, #tpu.memory_space<smem>>
    %get3A_2104 = arith.index_cast %get3A_2103 : i32 to index
    %get3A_2105 = memref.load %arg11[%get3A_2104] : memref<17xi32, #tpu.memory_space<smem>>
    %get3A_2106 = arith.index_cast %get3A_2103 : i32 to index
    %get3A_2107 = memref.load %arg12[%get3A_2106] : memref<16xi32, #tpu.memory_space<smem>>
    %add3A_2108 = arith.addi %get3A_2105, %get3A_2107 : i32
    %swap3A_2109 = arith.constant 38 : i32
    %swap3A_2110 = arith.index_cast %add3A_2108 : i32 to index
    %swap3A_2111 = memref.load %arg10[%swap3A_2110] : memref<64xi32, #tpu.memory_space<smem>>
    memref.store %swap3A_2109, %arg10[%swap3A_2110] : memref<64xi32, #tpu.memory_space<smem>>
    %get3A_2112 = arith.index_cast %get3A_2103 : i32 to index
    %get3A_2113 = memref.load %arg12[%get3A_2112] : memref<16xi32, #tpu.memory_space<smem>>
    %add3A_2114 = arith.constant 1 : i32
    %add3A_2115 = arith.addi %get3A_2113, %add3A_2114 : i32
    %swap3A_2116 = arith.index_cast %get3A_2103 : i32 to index
    %swap3A_2117 = memref.load %arg12[%swap3A_2116] : memref<16xi32, #tpu.memory_space<smem>>
    memref.store %add3A_2115, %arg12[%swap3A_2116] : memref<16xi32, #tpu.memory_space<smem>>
    %get3A_2118 = arith.constant 39 : i32
    %get3A_2119 = arith.index_cast %get3A_2118 : i32 to index
    %get3A_2120 = memref.load %arg9[%get3A_2119] : memref<64xi32, #tpu.memory_space<smem>>
    %get3A_2121 = arith.index_cast %get3A_2120 : i32 to index
    %get3A_2122 = memref.load %arg11[%get3A_2121] : memref<17xi32, #tpu.memory_space<smem>>
    %get3A_2123 = arith.index_cast %get3A_2120 : i32 to index
    %get3A_2124 = memref.load %arg12[%get3A_2123] : memref<16xi32, #tpu.memory_space<smem>>
    %add3A_2125 = arith.addi %get3A_2122, %get3A_2124 : i32
    %swap3A_2126 = arith.constant 39 : i32
    %swap3A_2127 = arith.index_cast %add3A_2125 : i32 to index
    %swap3A_2128 = memref.load %arg10[%swap3A_2127] : memref<64xi32, #tpu.memory_space<smem>>
    memref.store %swap3A_2126, %arg10[%swap3A_2127] : memref<64xi32, #tpu.memory_space<smem>>
    %get3A_2129 = arith.index_cast %get3A_2120 : i32 to index
    %get3A_2130 = memref.load %arg12[%get3A_2129] : memref<16xi32, #tpu.memory_space<smem>>
    %add3A_2131 = arith.constant 1 : i32
    %add3A_2132 = arith.addi %get3A_2130, %add3A_2131 : i32
    %swap3A_2133 = arith.index_cast %get3A_2120 : i32 to index
    %swap3A_2134 = memref.load %arg12[%swap3A_2133] : memref<16xi32, #tpu.memory_space<smem>>
    memref.store %add3A_2132, %arg12[%swap3A_2133] : memref<16xi32, #tpu.memory_space<smem>>
    %get3A_2135 = arith.constant 40 : i32
    %get3A_2136 = arith.index_cast %get3A_2135 : i32 to index
    %get3A_2137 = memref.load %arg9[%get3A_2136] : memref<64xi32, #tpu.memory_space<smem>>
    %get3A_2138 = arith.index_cast %get3A_2137 : i32 to index
    %get3A_2139 = memref.load %arg11[%get3A_2138] : memref<17xi32, #tpu.memory_space<smem>>
    %get3A_2140 = arith.index_cast %get3A_2137 : i32 to index
    %get3A_2141 = memref.load %arg12[%get3A_2140] : memref<16xi32, #tpu.memory_space<smem>>
    %add3A_2142 = arith.addi %get3A_2139, %get3A_2141 : i32
    %swap3A_2143 = arith.constant 40 : i32
    %swap3A_2144 = arith.index_cast %add3A_2142 : i32 to index
    %swap3A_2145 = memref.load %arg10[%swap3A_2144] : memref<64xi32, #tpu.memory_space<smem>>
    memref.store %swap3A_2143, %arg10[%swap3A_2144] : memref<64xi32, #tpu.memory_space<smem>>
    %get3A_2146 = arith.index_cast %get3A_2137 : i32 to index
    %get3A_2147 = memref.load %arg12[%get3A_2146] : memref<16xi32, #tpu.memory_space<smem>>
    %add3A_2148 = arith.constant 1 : i32
    %add3A_2149 = arith.addi %get3A_2147, %add3A_2148 : i32
    %swap3A_2150 = arith.index_cast %get3A_2137 : i32 to index
    %swap3A_2151 = memref.load %arg12[%swap3A_2150] : memref<16xi32, #tpu.memory_space<smem>>
    memref.store %add3A_2149, %arg12[%swap3A_2150] : memref<16xi32, #tpu.memory_space<smem>>
    %get3A_2152 = arith.constant 41 : i32
    %get3A_2153 = arith.index_cast %get3A_2152 : i32 to index
    %get3A_2154 = memref.load %arg9[%get3A_2153] : memref<64xi32, #tpu.memory_space<smem>>
    %get3A_2155 = arith.index_cast %get3A_2154 : i32 to index
    %get3A_2156 = memref.load %arg11[%get3A_2155] : memref<17xi32, #tpu.memory_space<smem>>
    %get3A_2157 = arith.index_cast %get3A_2154 : i32 to index
    %get3A_2158 = memref.load %arg12[%get3A_2157] : memref<16xi32, #tpu.memory_space<smem>>
    %add3A_2159 = arith.addi %get3A_2156, %get3A_2158 : i32
    %swap3A_2160 = arith.constant 41 : i32
    %swap3A_2161 = arith.index_cast %add3A_2159 : i32 to index
    %swap3A_2162 = memref.load %arg10[%swap3A_2161] : memref<64xi32, #tpu.memory_space<smem>>
    memref.store %swap3A_2160, %arg10[%swap3A_2161] : memref<64xi32, #tpu.memory_space<smem>>
    %get3A_2163 = arith.index_cast %get3A_2154 : i32 to index
    %get3A_2164 = memref.load %arg12[%get3A_2163] : memref<16xi32, #tpu.memory_space<smem>>
    %add3A_2165 = arith.constant 1 : i32
    %add3A_2166 = arith.addi %get3A_2164, %add3A_2165 : i32
    %swap3A_2167 = arith.index_cast %get3A_2154 : i32 to index
    %swap3A_2168 = memref.load %arg12[%swap3A_2167] : memref<16xi32, #tpu.memory_space<smem>>
    memref.store %add3A_2166, %arg12[%swap3A_2167] : memref<16xi32, #tpu.memory_space<smem>>
    %get3A_2169 = arith.constant 42 : i32
    %get3A_2170 = arith.index_cast %get3A_2169 : i32 to index
    %get3A_2171 = memref.load %arg9[%get3A_2170] : memref<64xi32, #tpu.memory_space<smem>>
    %get3A_2172 = arith.index_cast %get3A_2171 : i32 to index
    %get3A_2173 = memref.load %arg11[%get3A_2172] : memref<17xi32, #tpu.memory_space<smem>>
    %get3A_2174 = arith.index_cast %get3A_2171 : i32 to index
    %get3A_2175 = memref.load %arg12[%get3A_2174] : memref<16xi32, #tpu.memory_space<smem>>
    %add3A_2176 = arith.addi %get3A_2173, %get3A_2175 : i32
    %swap3A_2177 = arith.constant 42 : i32
    %swap3A_2178 = arith.index_cast %add3A_2176 : i32 to index
    %swap3A_2179 = memref.load %arg10[%swap3A_2178] : memref<64xi32, #tpu.memory_space<smem>>
    memref.store %swap3A_2177, %arg10[%swap3A_2178] : memref<64xi32, #tpu.memory_space<smem>>
    %get3A_2180 = arith.index_cast %get3A_2171 : i32 to index
    %get3A_2181 = memref.load %arg12[%get3A_2180] : memref<16xi32, #tpu.memory_space<smem>>
    %add3A_2182 = arith.constant 1 : i32
    %add3A_2183 = arith.addi %get3A_2181, %add3A_2182 : i32
    %swap3A_2184 = arith.index_cast %get3A_2171 : i32 to index
    %swap3A_2185 = memref.load %arg12[%swap3A_2184] : memref<16xi32, #tpu.memory_space<smem>>
    memref.store %add3A_2183, %arg12[%swap3A_2184] : memref<16xi32, #tpu.memory_space<smem>>
    %get3A_2186 = arith.constant 43 : i32
    %get3A_2187 = arith.index_cast %get3A_2186 : i32 to index
    %get3A_2188 = memref.load %arg9[%get3A_2187] : memref<64xi32, #tpu.memory_space<smem>>
    %get3A_2189 = arith.index_cast %get3A_2188 : i32 to index
    %get3A_2190 = memref.load %arg11[%get3A_2189] : memref<17xi32, #tpu.memory_space<smem>>
    %get3A_2191 = arith.index_cast %get3A_2188 : i32 to index
    %get3A_2192 = memref.load %arg12[%get3A_2191] : memref<16xi32, #tpu.memory_space<smem>>
    %add3A_2193 = arith.addi %get3A_2190, %get3A_2192 : i32
    %swap3A_2194 = arith.constant 43 : i32
    %swap3A_2195 = arith.index_cast %add3A_2193 : i32 to index
    %swap3A_2196 = memref.load %arg10[%swap3A_2195] : memref<64xi32, #tpu.memory_space<smem>>
    memref.store %swap3A_2194, %arg10[%swap3A_2195] : memref<64xi32, #tpu.memory_space<smem>>
    %get3A_2197 = arith.index_cast %get3A_2188 : i32 to index
    %get3A_2198 = memref.load %arg12[%get3A_2197] : memref<16xi32, #tpu.memory_space<smem>>
    %add3A_2199 = arith.constant 1 : i32
    %add3A_2200 = arith.addi %get3A_2198, %add3A_2199 : i32
    %swap3A_2201 = arith.index_cast %get3A_2188 : i32 to index
    %swap3A_2202 = memref.load %arg12[%swap3A_2201] : memref<16xi32, #tpu.memory_space<smem>>
    memref.store %add3A_2200, %arg12[%swap3A_2201] : memref<16xi32, #tpu.memory_space<smem>>
    %get3A_2203 = arith.constant 44 : i32
    %get3A_2204 = arith.index_cast %get3A_2203 : i32 to index
    %get3A_2205 = memref.load %arg9[%get3A_2204] : memref<64xi32, #tpu.memory_space<smem>>
    %get3A_2206 = arith.index_cast %get3A_2205 : i32 to index
    %get3A_2207 = memref.load %arg11[%get3A_2206] : memref<17xi32, #tpu.memory_space<smem>>
    %get3A_2208 = arith.index_cast %get3A_2205 : i32 to index
    %get3A_2209 = memref.load %arg12[%get3A_2208] : memref<16xi32, #tpu.memory_space<smem>>
    %add3A_2210 = arith.addi %get3A_2207, %get3A_2209 : i32
    %swap3A_2211 = arith.constant 44 : i32
    %swap3A_2212 = arith.index_cast %add3A_2210 : i32 to index
    %swap3A_2213 = memref.load %arg10[%swap3A_2212] : memref<64xi32, #tpu.memory_space<smem>>
    memref.store %swap3A_2211, %arg10[%swap3A_2212] : memref<64xi32, #tpu.memory_space<smem>>
    %get3A_2214 = arith.index_cast %get3A_2205 : i32 to index
    %get3A_2215 = memref.load %arg12[%get3A_2214] : memref<16xi32, #tpu.memory_space<smem>>
    %add3A_2216 = arith.constant 1 : i32
    %add3A_2217 = arith.addi %get3A_2215, %add3A_2216 : i32
    %swap3A_2218 = arith.index_cast %get3A_2205 : i32 to index
    %swap3A_2219 = memref.load %arg12[%swap3A_2218] : memref<16xi32, #tpu.memory_space<smem>>
    memref.store %add3A_2217, %arg12[%swap3A_2218] : memref<16xi32, #tpu.memory_space<smem>>
    %get3A_2220 = arith.constant 45 : i32
    %get3A_2221 = arith.index_cast %get3A_2220 : i32 to index
    %get3A_2222 = memref.load %arg9[%get3A_2221] : memref<64xi32, #tpu.memory_space<smem>>
    %get3A_2223 = arith.index_cast %get3A_2222 : i32 to index
    %get3A_2224 = memref.load %arg11[%get3A_2223] : memref<17xi32, #tpu.memory_space<smem>>
    %get3A_2225 = arith.index_cast %get3A_2222 : i32 to index
    %get3A_2226 = memref.load %arg12[%get3A_2225] : memref<16xi32, #tpu.memory_space<smem>>
    %add3A_2227 = arith.addi %get3A_2224, %get3A_2226 : i32
    %swap3A_2228 = arith.constant 45 : i32
    %swap3A_2229 = arith.index_cast %add3A_2227 : i32 to index
    %swap3A_2230 = memref.load %arg10[%swap3A_2229] : memref<64xi32, #tpu.memory_space<smem>>
    memref.store %swap3A_2228, %arg10[%swap3A_2229] : memref<64xi32, #tpu.memory_space<smem>>
    %get3A_2231 = arith.index_cast %get3A_2222 : i32 to index
    %get3A_2232 = memref.load %arg12[%get3A_2231] : memref<16xi32, #tpu.memory_space<smem>>
    %add3A_2233 = arith.constant 1 : i32
    %add3A_2234 = arith.addi %get3A_2232, %add3A_2233 : i32
    %swap3A_2235 = arith.index_cast %get3A_2222 : i32 to index
    %swap3A_2236 = memref.load %arg12[%swap3A_2235] : memref<16xi32, #tpu.memory_space<smem>>
    memref.store %add3A_2234, %arg12[%swap3A_2235] : memref<16xi32, #tpu.memory_space<smem>>
    %get3A_2237 = arith.constant 46 : i32
    %get3A_2238 = arith.index_cast %get3A_2237 : i32 to index
    %get3A_2239 = memref.load %arg9[%get3A_2238] : memref<64xi32, #tpu.memory_space<smem>>
    %get3A_2240 = arith.index_cast %get3A_2239 : i32 to index
    %get3A_2241 = memref.load %arg11[%get3A_2240] : memref<17xi32, #tpu.memory_space<smem>>
    %get3A_2242 = arith.index_cast %get3A_2239 : i32 to index
    %get3A_2243 = memref.load %arg12[%get3A_2242] : memref<16xi32, #tpu.memory_space<smem>>
    %add3A_2244 = arith.addi %get3A_2241, %get3A_2243 : i32
    %swap3A_2245 = arith.constant 46 : i32
    %swap3A_2246 = arith.index_cast %add3A_2244 : i32 to index
    %swap3A_2247 = memref.load %arg10[%swap3A_2246] : memref<64xi32, #tpu.memory_space<smem>>
    memref.store %swap3A_2245, %arg10[%swap3A_2246] : memref<64xi32, #tpu.memory_space<smem>>
    %get3A_2248 = arith.index_cast %get3A_2239 : i32 to index
    %get3A_2249 = memref.load %arg12[%get3A_2248] : memref<16xi32, #tpu.memory_space<smem>>
    %add3A_2250 = arith.constant 1 : i32
    %add3A_2251 = arith.addi %get3A_2249, %add3A_2250 : i32
    %swap3A_2252 = arith.index_cast %get3A_2239 : i32 to index
    %swap3A_2253 = memref.load %arg12[%swap3A_2252] : memref<16xi32, #tpu.memory_space<smem>>
    memref.store %add3A_2251, %arg12[%swap3A_2252] : memref<16xi32, #tpu.memory_space<smem>>
    %get3A_2254 = arith.constant 47 : i32
    %get3A_2255 = arith.index_cast %get3A_2254 : i32 to index
    %get3A_2256 = memref.load %arg9[%get3A_2255] : memref<64xi32, #tpu.memory_space<smem>>
    %get3A_2257 = arith.index_cast %get3A_2256 : i32 to index
    %get3A_2258 = memref.load %arg11[%get3A_2257] : memref<17xi32, #tpu.memory_space<smem>>
    %get3A_2259 = arith.index_cast %get3A_2256 : i32 to index
    %get3A_2260 = memref.load %arg12[%get3A_2259] : memref<16xi32, #tpu.memory_space<smem>>
    %add3A_2261 = arith.addi %get3A_2258, %get3A_2260 : i32
    %swap3A_2262 = arith.constant 47 : i32
    %swap3A_2263 = arith.index_cast %add3A_2261 : i32 to index
    %swap3A_2264 = memref.load %arg10[%swap3A_2263] : memref<64xi32, #tpu.memory_space<smem>>
    memref.store %swap3A_2262, %arg10[%swap3A_2263] : memref<64xi32, #tpu.memory_space<smem>>
    %get3A_2265 = arith.index_cast %get3A_2256 : i32 to index
    %get3A_2266 = memref.load %arg12[%get3A_2265] : memref<16xi32, #tpu.memory_space<smem>>
    %add3A_2267 = arith.constant 1 : i32
    %add3A_2268 = arith.addi %get3A_2266, %add3A_2267 : i32
    %swap3A_2269 = arith.index_cast %get3A_2256 : i32 to index
    %swap3A_2270 = memref.load %arg12[%swap3A_2269] : memref<16xi32, #tpu.memory_space<smem>>
    memref.store %add3A_2268, %arg12[%swap3A_2269] : memref<16xi32, #tpu.memory_space<smem>>
    %get3A_2271 = arith.constant 48 : i32
    %get3A_2272 = arith.index_cast %get3A_2271 : i32 to index
    %get3A_2273 = memref.load %arg9[%get3A_2272] : memref<64xi32, #tpu.memory_space<smem>>
    %get3A_2274 = arith.index_cast %get3A_2273 : i32 to index
    %get3A_2275 = memref.load %arg11[%get3A_2274] : memref<17xi32, #tpu.memory_space<smem>>
    %get3A_2276 = arith.index_cast %get3A_2273 : i32 to index
    %get3A_2277 = memref.load %arg12[%get3A_2276] : memref<16xi32, #tpu.memory_space<smem>>
    %add3A_2278 = arith.addi %get3A_2275, %get3A_2277 : i32
    %swap3A_2279 = arith.constant 48 : i32
    %swap3A_2280 = arith.index_cast %add3A_2278 : i32 to index
    %swap3A_2281 = memref.load %arg10[%swap3A_2280] : memref<64xi32, #tpu.memory_space<smem>>
    memref.store %swap3A_2279, %arg10[%swap3A_2280] : memref<64xi32, #tpu.memory_space<smem>>
    %get3A_2282 = arith.index_cast %get3A_2273 : i32 to index
    %get3A_2283 = memref.load %arg12[%get3A_2282] : memref<16xi32, #tpu.memory_space<smem>>
    %add3A_2284 = arith.constant 1 : i32
    %add3A_2285 = arith.addi %get3A_2283, %add3A_2284 : i32
    %swap3A_2286 = arith.index_cast %get3A_2273 : i32 to index
    %swap3A_2287 = memref.load %arg12[%swap3A_2286] : memref<16xi32, #tpu.memory_space<smem>>
    memref.store %add3A_2285, %arg12[%swap3A_2286] : memref<16xi32, #tpu.memory_space<smem>>
    %get3A_2288 = arith.constant 49 : i32
    %get3A_2289 = arith.index_cast %get3A_2288 : i32 to index
    %get3A_2290 = memref.load %arg9[%get3A_2289] : memref<64xi32, #tpu.memory_space<smem>>
    %get3A_2291 = arith.index_cast %get3A_2290 : i32 to index
    %get3A_2292 = memref.load %arg11[%get3A_2291] : memref<17xi32, #tpu.memory_space<smem>>
    %get3A_2293 = arith.index_cast %get3A_2290 : i32 to index
    %get3A_2294 = memref.load %arg12[%get3A_2293] : memref<16xi32, #tpu.memory_space<smem>>
    %add3A_2295 = arith.addi %get3A_2292, %get3A_2294 : i32
    %swap3A_2296 = arith.constant 49 : i32
    %swap3A_2297 = arith.index_cast %add3A_2295 : i32 to index
    %swap3A_2298 = memref.load %arg10[%swap3A_2297] : memref<64xi32, #tpu.memory_space<smem>>
    memref.store %swap3A_2296, %arg10[%swap3A_2297] : memref<64xi32, #tpu.memory_space<smem>>
    %get3A_2299 = arith.index_cast %get3A_2290 : i32 to index
    %get3A_2300 = memref.load %arg12[%get3A_2299] : memref<16xi32, #tpu.memory_space<smem>>
    %add3A_2301 = arith.constant 1 : i32
    %add3A_2302 = arith.addi %get3A_2300, %add3A_2301 : i32
    %swap3A_2303 = arith.index_cast %get3A_2290 : i32 to index
    %swap3A_2304 = memref.load %arg12[%swap3A_2303] : memref<16xi32, #tpu.memory_space<smem>>
    memref.store %add3A_2302, %arg12[%swap3A_2303] : memref<16xi32, #tpu.memory_space<smem>>
    %get3A_2305 = arith.constant 50 : i32
    %get3A_2306 = arith.index_cast %get3A_2305 : i32 to index
    %get3A_2307 = memref.load %arg9[%get3A_2306] : memref<64xi32, #tpu.memory_space<smem>>
    %get3A_2308 = arith.index_cast %get3A_2307 : i32 to index
    %get3A_2309 = memref.load %arg11[%get3A_2308] : memref<17xi32, #tpu.memory_space<smem>>
    %get3A_2310 = arith.index_cast %get3A_2307 : i32 to index
    %get3A_2311 = memref.load %arg12[%get3A_2310] : memref<16xi32, #tpu.memory_space<smem>>
    %add3A_2312 = arith.addi %get3A_2309, %get3A_2311 : i32
    %swap3A_2313 = arith.constant 50 : i32
    %swap3A_2314 = arith.index_cast %add3A_2312 : i32 to index
    %swap3A_2315 = memref.load %arg10[%swap3A_2314] : memref<64xi32, #tpu.memory_space<smem>>
    memref.store %swap3A_2313, %arg10[%swap3A_2314] : memref<64xi32, #tpu.memory_space<smem>>
    %get3A_2316 = arith.index_cast %get3A_2307 : i32 to index
    %get3A_2317 = memref.load %arg12[%get3A_2316] : memref<16xi32, #tpu.memory_space<smem>>
    %add3A_2318 = arith.constant 1 : i32
    %add3A_2319 = arith.addi %get3A_2317, %add3A_2318 : i32
    %swap3A_2320 = arith.index_cast %get3A_2307 : i32 to index
    %swap3A_2321 = memref.load %arg12[%swap3A_2320] : memref<16xi32, #tpu.memory_space<smem>>
    memref.store %add3A_2319, %arg12[%swap3A_2320] : memref<16xi32, #tpu.memory_space<smem>>
    %get3A_2322 = arith.constant 51 : i32
    %get3A_2323 = arith.index_cast %get3A_2322 : i32 to index
    %get3A_2324 = memref.load %arg9[%get3A_2323] : memref<64xi32, #tpu.memory_space<smem>>
    %get3A_2325 = arith.index_cast %get3A_2324 : i32 to index
    %get3A_2326 = memref.load %arg11[%get3A_2325] : memref<17xi32, #tpu.memory_space<smem>>
    %get3A_2327 = arith.index_cast %get3A_2324 : i32 to index
    %get3A_2328 = memref.load %arg12[%get3A_2327] : memref<16xi32, #tpu.memory_space<smem>>
    %add3A_2329 = arith.addi %get3A_2326, %get3A_2328 : i32
    %swap3A_2330 = arith.constant 51 : i32
    %swap3A_2331 = arith.index_cast %add3A_2329 : i32 to index
    %swap3A_2332 = memref.load %arg10[%swap3A_2331] : memref<64xi32, #tpu.memory_space<smem>>
    memref.store %swap3A_2330, %arg10[%swap3A_2331] : memref<64xi32, #tpu.memory_space<smem>>
    %get3A_2333 = arith.index_cast %get3A_2324 : i32 to index
    %get3A_2334 = memref.load %arg12[%get3A_2333] : memref<16xi32, #tpu.memory_space<smem>>
    %add3A_2335 = arith.constant 1 : i32
    %add3A_2336 = arith.addi %get3A_2334, %add3A_2335 : i32
    %swap3A_2337 = arith.index_cast %get3A_2324 : i32 to index
    %swap3A_2338 = memref.load %arg12[%swap3A_2337] : memref<16xi32, #tpu.memory_space<smem>>
    memref.store %add3A_2336, %arg12[%swap3A_2337] : memref<16xi32, #tpu.memory_space<smem>>
    %get3A_2339 = arith.constant 52 : i32
    %get3A_2340 = arith.index_cast %get3A_2339 : i32 to index
    %get3A_2341 = memref.load %arg9[%get3A_2340] : memref<64xi32, #tpu.memory_space<smem>>
    %get3A_2342 = arith.index_cast %get3A_2341 : i32 to index
    %get3A_2343 = memref.load %arg11[%get3A_2342] : memref<17xi32, #tpu.memory_space<smem>>
    %get3A_2344 = arith.index_cast %get3A_2341 : i32 to index
    %get3A_2345 = memref.load %arg12[%get3A_2344] : memref<16xi32, #tpu.memory_space<smem>>
    %add3A_2346 = arith.addi %get3A_2343, %get3A_2345 : i32
    %swap3A_2347 = arith.constant 52 : i32
    %swap3A_2348 = arith.index_cast %add3A_2346 : i32 to index
    %swap3A_2349 = memref.load %arg10[%swap3A_2348] : memref<64xi32, #tpu.memory_space<smem>>
    memref.store %swap3A_2347, %arg10[%swap3A_2348] : memref<64xi32, #tpu.memory_space<smem>>
    %get3A_2350 = arith.index_cast %get3A_2341 : i32 to index
    %get3A_2351 = memref.load %arg12[%get3A_2350] : memref<16xi32, #tpu.memory_space<smem>>
    %add3A_2352 = arith.constant 1 : i32
    %add3A_2353 = arith.addi %get3A_2351, %add3A_2352 : i32
    %swap3A_2354 = arith.index_cast %get3A_2341 : i32 to index
    %swap3A_2355 = memref.load %arg12[%swap3A_2354] : memref<16xi32, #tpu.memory_space<smem>>
    memref.store %add3A_2353, %arg12[%swap3A_2354] : memref<16xi32, #tpu.memory_space<smem>>
    %get3A_2356 = arith.constant 53 : i32
    %get3A_2357 = arith.index_cast %get3A_2356 : i32 to index
    %get3A_2358 = memref.load %arg9[%get3A_2357] : memref<64xi32, #tpu.memory_space<smem>>
    %get3A_2359 = arith.index_cast %get3A_2358 : i32 to index
    %get3A_2360 = memref.load %arg11[%get3A_2359] : memref<17xi32, #tpu.memory_space<smem>>
    %get3A_2361 = arith.index_cast %get3A_2358 : i32 to index
    %get3A_2362 = memref.load %arg12[%get3A_2361] : memref<16xi32, #tpu.memory_space<smem>>
    %add3A_2363 = arith.addi %get3A_2360, %get3A_2362 : i32
    %swap3A_2364 = arith.constant 53 : i32
    %swap3A_2365 = arith.index_cast %add3A_2363 : i32 to index
    %swap3A_2366 = memref.load %arg10[%swap3A_2365] : memref<64xi32, #tpu.memory_space<smem>>
    memref.store %swap3A_2364, %arg10[%swap3A_2365] : memref<64xi32, #tpu.memory_space<smem>>
    %get3A_2367 = arith.index_cast %get3A_2358 : i32 to index
    %get3A_2368 = memref.load %arg12[%get3A_2367] : memref<16xi32, #tpu.memory_space<smem>>
    %add3A_2369 = arith.constant 1 : i32
    %add3A_2370 = arith.addi %get3A_2368, %add3A_2369 : i32
    %swap3A_2371 = arith.index_cast %get3A_2358 : i32 to index
    %swap3A_2372 = memref.load %arg12[%swap3A_2371] : memref<16xi32, #tpu.memory_space<smem>>
    memref.store %add3A_2370, %arg12[%swap3A_2371] : memref<16xi32, #tpu.memory_space<smem>>
    %get3A_2373 = arith.constant 54 : i32
    %get3A_2374 = arith.index_cast %get3A_2373 : i32 to index
    %get3A_2375 = memref.load %arg9[%get3A_2374] : memref<64xi32, #tpu.memory_space<smem>>
    %get3A_2376 = arith.index_cast %get3A_2375 : i32 to index
    %get3A_2377 = memref.load %arg11[%get3A_2376] : memref<17xi32, #tpu.memory_space<smem>>
    %get3A_2378 = arith.index_cast %get3A_2375 : i32 to index
    %get3A_2379 = memref.load %arg12[%get3A_2378] : memref<16xi32, #tpu.memory_space<smem>>
    %add3A_2380 = arith.addi %get3A_2377, %get3A_2379 : i32
    %swap3A_2381 = arith.constant 54 : i32
    %swap3A_2382 = arith.index_cast %add3A_2380 : i32 to index
    %swap3A_2383 = memref.load %arg10[%swap3A_2382] : memref<64xi32, #tpu.memory_space<smem>>
    memref.store %swap3A_2381, %arg10[%swap3A_2382] : memref<64xi32, #tpu.memory_space<smem>>
    %get3A_2384 = arith.index_cast %get3A_2375 : i32 to index
    %get3A_2385 = memref.load %arg12[%get3A_2384] : memref<16xi32, #tpu.memory_space<smem>>
    %add3A_2386 = arith.constant 1 : i32
    %add3A_2387 = arith.addi %get3A_2385, %add3A_2386 : i32
    %swap3A_2388 = arith.index_cast %get3A_2375 : i32 to index
    %swap3A_2389 = memref.load %arg12[%swap3A_2388] : memref<16xi32, #tpu.memory_space<smem>>
    memref.store %add3A_2387, %arg12[%swap3A_2388] : memref<16xi32, #tpu.memory_space<smem>>
    %get3A_2390 = arith.constant 55 : i32
    %get3A_2391 = arith.index_cast %get3A_2390 : i32 to index
    %get3A_2392 = memref.load %arg9[%get3A_2391] : memref<64xi32, #tpu.memory_space<smem>>
    %get3A_2393 = arith.index_cast %get3A_2392 : i32 to index
    %get3A_2394 = memref.load %arg11[%get3A_2393] : memref<17xi32, #tpu.memory_space<smem>>
    %get3A_2395 = arith.index_cast %get3A_2392 : i32 to index
    %get3A_2396 = memref.load %arg12[%get3A_2395] : memref<16xi32, #tpu.memory_space<smem>>
    %add3A_2397 = arith.addi %get3A_2394, %get3A_2396 : i32
    %swap3A_2398 = arith.constant 55 : i32
    %swap3A_2399 = arith.index_cast %add3A_2397 : i32 to index
    %swap3A_2400 = memref.load %arg10[%swap3A_2399] : memref<64xi32, #tpu.memory_space<smem>>
    memref.store %swap3A_2398, %arg10[%swap3A_2399] : memref<64xi32, #tpu.memory_space<smem>>
    %get3A_2401 = arith.index_cast %get3A_2392 : i32 to index
    %get3A_2402 = memref.load %arg12[%get3A_2401] : memref<16xi32, #tpu.memory_space<smem>>
    %add3A_2403 = arith.constant 1 : i32
    %add3A_2404 = arith.addi %get3A_2402, %add3A_2403 : i32
    %swap3A_2405 = arith.index_cast %get3A_2392 : i32 to index
    %swap3A_2406 = memref.load %arg12[%swap3A_2405] : memref<16xi32, #tpu.memory_space<smem>>
    memref.store %add3A_2404, %arg12[%swap3A_2405] : memref<16xi32, #tpu.memory_space<smem>>
    %get3A_2407 = arith.constant 56 : i32
    %get3A_2408 = arith.index_cast %get3A_2407 : i32 to index
    %get3A_2409 = memref.load %arg9[%get3A_2408] : memref<64xi32, #tpu.memory_space<smem>>
    %get3A_2410 = arith.index_cast %get3A_2409 : i32 to index
    %get3A_2411 = memref.load %arg11[%get3A_2410] : memref<17xi32, #tpu.memory_space<smem>>
    %get3A_2412 = arith.index_cast %get3A_2409 : i32 to index
    %get3A_2413 = memref.load %arg12[%get3A_2412] : memref<16xi32, #tpu.memory_space<smem>>
    %add3A_2414 = arith.addi %get3A_2411, %get3A_2413 : i32
    %swap3A_2415 = arith.constant 56 : i32
    %swap3A_2416 = arith.index_cast %add3A_2414 : i32 to index
    %swap3A_2417 = memref.load %arg10[%swap3A_2416] : memref<64xi32, #tpu.memory_space<smem>>
    memref.store %swap3A_2415, %arg10[%swap3A_2416] : memref<64xi32, #tpu.memory_space<smem>>
    %get3A_2418 = arith.index_cast %get3A_2409 : i32 to index
    %get3A_2419 = memref.load %arg12[%get3A_2418] : memref<16xi32, #tpu.memory_space<smem>>
    %add3A_2420 = arith.constant 1 : i32
    %add3A_2421 = arith.addi %get3A_2419, %add3A_2420 : i32
    %swap3A_2422 = arith.index_cast %get3A_2409 : i32 to index
    %swap3A_2423 = memref.load %arg12[%swap3A_2422] : memref<16xi32, #tpu.memory_space<smem>>
    memref.store %add3A_2421, %arg12[%swap3A_2422] : memref<16xi32, #tpu.memory_space<smem>>
    %get3A_2424 = arith.constant 57 : i32
    %get3A_2425 = arith.index_cast %get3A_2424 : i32 to index
    %get3A_2426 = memref.load %arg9[%get3A_2425] : memref<64xi32, #tpu.memory_space<smem>>
    %get3A_2427 = arith.index_cast %get3A_2426 : i32 to index
    %get3A_2428 = memref.load %arg11[%get3A_2427] : memref<17xi32, #tpu.memory_space<smem>>
    %get3A_2429 = arith.index_cast %get3A_2426 : i32 to index
    %get3A_2430 = memref.load %arg12[%get3A_2429] : memref<16xi32, #tpu.memory_space<smem>>
    %add3A_2431 = arith.addi %get3A_2428, %get3A_2430 : i32
    %swap3A_2432 = arith.constant 57 : i32
    %swap3A_2433 = arith.index_cast %add3A_2431 : i32 to index
    %swap3A_2434 = memref.load %arg10[%swap3A_2433] : memref<64xi32, #tpu.memory_space<smem>>
    memref.store %swap3A_2432, %arg10[%swap3A_2433] : memref<64xi32, #tpu.memory_space<smem>>
    %get3A_2435 = arith.index_cast %get3A_2426 : i32 to index
    %get3A_2436 = memref.load %arg12[%get3A_2435] : memref<16xi32, #tpu.memory_space<smem>>
    %add3A_2437 = arith.constant 1 : i32
    %add3A_2438 = arith.addi %get3A_2436, %add3A_2437 : i32
    %swap3A_2439 = arith.index_cast %get3A_2426 : i32 to index
    %swap3A_2440 = memref.load %arg12[%swap3A_2439] : memref<16xi32, #tpu.memory_space<smem>>
    memref.store %add3A_2438, %arg12[%swap3A_2439] : memref<16xi32, #tpu.memory_space<smem>>
    %get3A_2441 = arith.constant 58 : i32
    %get3A_2442 = arith.index_cast %get3A_2441 : i32 to index
    %get3A_2443 = memref.load %arg9[%get3A_2442] : memref<64xi32, #tpu.memory_space<smem>>
    %get3A_2444 = arith.index_cast %get3A_2443 : i32 to index
    %get3A_2445 = memref.load %arg11[%get3A_2444] : memref<17xi32, #tpu.memory_space<smem>>
    %get3A_2446 = arith.index_cast %get3A_2443 : i32 to index
    %get3A_2447 = memref.load %arg12[%get3A_2446] : memref<16xi32, #tpu.memory_space<smem>>
    %add3A_2448 = arith.addi %get3A_2445, %get3A_2447 : i32
    %swap3A_2449 = arith.constant 58 : i32
    %swap3A_2450 = arith.index_cast %add3A_2448 : i32 to index
    %swap3A_2451 = memref.load %arg10[%swap3A_2450] : memref<64xi32, #tpu.memory_space<smem>>
    memref.store %swap3A_2449, %arg10[%swap3A_2450] : memref<64xi32, #tpu.memory_space<smem>>
    %get3A_2452 = arith.index_cast %get3A_2443 : i32 to index
    %get3A_2453 = memref.load %arg12[%get3A_2452] : memref<16xi32, #tpu.memory_space<smem>>
    %add3A_2454 = arith.constant 1 : i32
    %add3A_2455 = arith.addi %get3A_2453, %add3A_2454 : i32
    %swap3A_2456 = arith.index_cast %get3A_2443 : i32 to index
    %swap3A_2457 = memref.load %arg12[%swap3A_2456] : memref<16xi32, #tpu.memory_space<smem>>
    memref.store %add3A_2455, %arg12[%swap3A_2456] : memref<16xi32, #tpu.memory_space<smem>>
    %get3A_2458 = arith.constant 59 : i32
    %get3A_2459 = arith.index_cast %get3A_2458 : i32 to index
    %get3A_2460 = memref.load %arg9[%get3A_2459] : memref<64xi32, #tpu.memory_space<smem>>
    %get3A_2461 = arith.index_cast %get3A_2460 : i32 to index
    %get3A_2462 = memref.load %arg11[%get3A_2461] : memref<17xi32, #tpu.memory_space<smem>>
    %get3A_2463 = arith.index_cast %get3A_2460 : i32 to index
    %get3A_2464 = memref.load %arg12[%get3A_2463] : memref<16xi32, #tpu.memory_space<smem>>
    %add3A_2465 = arith.addi %get3A_2462, %get3A_2464 : i32
    %swap3A_2466 = arith.constant 59 : i32
    %swap3A_2467 = arith.index_cast %add3A_2465 : i32 to index
    %swap3A_2468 = memref.load %arg10[%swap3A_2467] : memref<64xi32, #tpu.memory_space<smem>>
    memref.store %swap3A_2466, %arg10[%swap3A_2467] : memref<64xi32, #tpu.memory_space<smem>>
    %get3A_2469 = arith.index_cast %get3A_2460 : i32 to index
    %get3A_2470 = memref.load %arg12[%get3A_2469] : memref<16xi32, #tpu.memory_space<smem>>
    %add3A_2471 = arith.constant 1 : i32
    %add3A_2472 = arith.addi %get3A_2470, %add3A_2471 : i32
    %swap3A_2473 = arith.index_cast %get3A_2460 : i32 to index
    %swap3A_2474 = memref.load %arg12[%swap3A_2473] : memref<16xi32, #tpu.memory_space<smem>>
    memref.store %add3A_2472, %arg12[%swap3A_2473] : memref<16xi32, #tpu.memory_space<smem>>
    %get3A_2475 = arith.constant 60 : i32
    %get3A_2476 = arith.index_cast %get3A_2475 : i32 to index
    %get3A_2477 = memref.load %arg9[%get3A_2476] : memref<64xi32, #tpu.memory_space<smem>>
    %get3A_2478 = arith.index_cast %get3A_2477 : i32 to index
    %get3A_2479 = memref.load %arg11[%get3A_2478] : memref<17xi32, #tpu.memory_space<smem>>
    %get3A_2480 = arith.index_cast %get3A_2477 : i32 to index
    %get3A_2481 = memref.load %arg12[%get3A_2480] : memref<16xi32, #tpu.memory_space<smem>>
    %add3A_2482 = arith.addi %get3A_2479, %get3A_2481 : i32
    %swap3A_2483 = arith.constant 60 : i32
    %swap3A_2484 = arith.index_cast %add3A_2482 : i32 to index
    %swap3A_2485 = memref.load %arg10[%swap3A_2484] : memref<64xi32, #tpu.memory_space<smem>>
    memref.store %swap3A_2483, %arg10[%swap3A_2484] : memref<64xi32, #tpu.memory_space<smem>>
    %get3A_2486 = arith.index_cast %get3A_2477 : i32 to index
    %get3A_2487 = memref.load %arg12[%get3A_2486] : memref<16xi32, #tpu.memory_space<smem>>
    %add3A_2488 = arith.constant 1 : i32
    %add3A_2489 = arith.addi %get3A_2487, %add3A_2488 : i32
    %swap3A_2490 = arith.index_cast %get3A_2477 : i32 to index
    %swap3A_2491 = memref.load %arg12[%swap3A_2490] : memref<16xi32, #tpu.memory_space<smem>>
    memref.store %add3A_2489, %arg12[%swap3A_2490] : memref<16xi32, #tpu.memory_space<smem>>
    %get3A_2492 = arith.constant 61 : i32
    %get3A_2493 = arith.index_cast %get3A_2492 : i32 to index
    %get3A_2494 = memref.load %arg9[%get3A_2493] : memref<64xi32, #tpu.memory_space<smem>>
    %get3A_2495 = arith.index_cast %get3A_2494 : i32 to index
    %get3A_2496 = memref.load %arg11[%get3A_2495] : memref<17xi32, #tpu.memory_space<smem>>
    %get3A_2497 = arith.index_cast %get3A_2494 : i32 to index
    %get3A_2498 = memref.load %arg12[%get3A_2497] : memref<16xi32, #tpu.memory_space<smem>>
    %add3A_2499 = arith.addi %get3A_2496, %get3A_2498 : i32
    %swap3A_2500 = arith.constant 61 : i32
    %swap3A_2501 = arith.index_cast %add3A_2499 : i32 to index
    %swap3A_2502 = memref.load %arg10[%swap3A_2501] : memref<64xi32, #tpu.memory_space<smem>>
    memref.store %swap3A_2500, %arg10[%swap3A_2501] : memref<64xi32, #tpu.memory_space<smem>>
    %get3A_2503 = arith.index_cast %get3A_2494 : i32 to index
    %get3A_2504 = memref.load %arg12[%get3A_2503] : memref<16xi32, #tpu.memory_space<smem>>
    %add3A_2505 = arith.constant 1 : i32
    %add3A_2506 = arith.addi %get3A_2504, %add3A_2505 : i32
    %swap3A_2507 = arith.index_cast %get3A_2494 : i32 to index
    %swap3A_2508 = memref.load %arg12[%swap3A_2507] : memref<16xi32, #tpu.memory_space<smem>>
    memref.store %add3A_2506, %arg12[%swap3A_2507] : memref<16xi32, #tpu.memory_space<smem>>
    %get3A_2509 = arith.constant 62 : i32
    %get3A_2510 = arith.index_cast %get3A_2509 : i32 to index
    %get3A_2511 = memref.load %arg9[%get3A_2510] : memref<64xi32, #tpu.memory_space<smem>>
    %get3A_2512 = arith.index_cast %get3A_2511 : i32 to index
    %get3A_2513 = memref.load %arg11[%get3A_2512] : memref<17xi32, #tpu.memory_space<smem>>
    %get3A_2514 = arith.index_cast %get3A_2511 : i32 to index
    %get3A_2515 = memref.load %arg12[%get3A_2514] : memref<16xi32, #tpu.memory_space<smem>>
    %add3A_2516 = arith.addi %get3A_2513, %get3A_2515 : i32
    %swap3A_2517 = arith.constant 62 : i32
    %swap3A_2518 = arith.index_cast %add3A_2516 : i32 to index
    %swap3A_2519 = memref.load %arg10[%swap3A_2518] : memref<64xi32, #tpu.memory_space<smem>>
    memref.store %swap3A_2517, %arg10[%swap3A_2518] : memref<64xi32, #tpu.memory_space<smem>>
    %get3A_2520 = arith.index_cast %get3A_2511 : i32 to index
    %get3A_2521 = memref.load %arg12[%get3A_2520] : memref<16xi32, #tpu.memory_space<smem>>
    %add3A_2522 = arith.constant 1 : i32
    %add3A_2523 = arith.addi %get3A_2521, %add3A_2522 : i32
    %swap3A_2524 = arith.index_cast %get3A_2511 : i32 to index
    %swap3A_2525 = memref.load %arg12[%swap3A_2524] : memref<16xi32, #tpu.memory_space<smem>>
    memref.store %add3A_2523, %arg12[%swap3A_2524] : memref<16xi32, #tpu.memory_space<smem>>
    %get3A_2526 = arith.constant 63 : i32
    %get3A_2527 = arith.index_cast %get3A_2526 : i32 to index
    %get3A_2528 = memref.load %arg9[%get3A_2527] : memref<64xi32, #tpu.memory_space<smem>>
    %get3A_2529 = arith.index_cast %get3A_2528 : i32 to index
    %get3A_2530 = memref.load %arg11[%get3A_2529] : memref<17xi32, #tpu.memory_space<smem>>
    %get3A_2531 = arith.index_cast %get3A_2528 : i32 to index
    %get3A_2532 = memref.load %arg12[%get3A_2531] : memref<16xi32, #tpu.memory_space<smem>>
    %add3A_2533 = arith.addi %get3A_2530, %get3A_2532 : i32
    %swap3A_2534 = arith.constant 63 : i32
    %swap3A_2535 = arith.index_cast %add3A_2533 : i32 to index
    %swap3A_2536 = memref.load %arg10[%swap3A_2535] : memref<64xi32, #tpu.memory_space<smem>>
    memref.store %swap3A_2534, %arg10[%swap3A_2535] : memref<64xi32, #tpu.memory_space<smem>>
    %get3A_2537 = arith.index_cast %get3A_2528 : i32 to index
    %get3A_2538 = memref.load %arg12[%get3A_2537] : memref<16xi32, #tpu.memory_space<smem>>
    %add3A_2539 = arith.constant 1 : i32
    %add3A_2540 = arith.addi %get3A_2538, %add3A_2539 : i32
    %swap3A_2541 = arith.index_cast %get3A_2528 : i32 to index
    %swap3A_2542 = memref.load %arg12[%swap3A_2541] : memref<16xi32, #tpu.memory_space<smem>>
    memref.store %add3A_2540, %arg12[%swap3A_2541] : memref<16xi32, #tpu.memory_space<smem>>
    %dma_start3A = arith.constant 11 : i32
    %dma_start3A_2543 = arith.constant 0 : i32
    %dma_start3A_2544 = arith.constant 0 : i32
    %dma_start3A_2545 = arith.constant 0 : i32
    %dma_start3A_2546 = arith.constant 0 : i32
    %dma_start3A_2547 = tpu.memref_slice %arg7[%dma_start3A_2543, %dma_start3A_2545, %dma_start3A_2546] : memref<2x48x512xf32, #tpu.memory_space<vmem>> -> memref<1x48x512xf32, #tpu.memory_space<vmem>>
    %dma_start3A_2548 = tpu.memref_squeeze %dma_start3A_2547 : memref<1x48x512xf32, #tpu.memory_space<vmem>> -> memref<48x512xf32, #tpu.memory_space<vmem>>
    %dma_start3A_2549 = arith.constant 0 : i32
    %dma_start3A_2550 = tpu.memref_slice %arg2[%dma_start3A, %mul3A_2, %dma_start3A_2549] : memref<16x1536x512xf32, #tpu.memory_space<hbm>> -> memref<1x48x512xf32, #tpu.memory_space<hbm>>
    %dma_start3A_2551 = tpu.memref_squeeze %dma_start3A_2550 : memref<1x48x512xf32, #tpu.memory_space<hbm>> -> memref<48x512xf32, #tpu.memory_space<hbm>>
    %dma_start3A_2552 = tpu.memref_slice %arg13[%dma_start3A_2544] : memref<2x!tpu.dma_semaphore, #tpu.memory_space<semaphore_mem>> -> memref<1x!tpu.dma_semaphore, #tpu.memory_space<semaphore_mem>>
    %dma_start3A_2553 = tpu.memref_squeeze %dma_start3A_2552 : memref<1x!tpu.dma_semaphore, #tpu.memory_space<semaphore_mem>> -> memref<!tpu.dma_semaphore, #tpu.memory_space<semaphore_mem>>
    %dma_start3A_2554 = arith.constant 0 : i32
    %dma_start3A_2555 = arith.constant 0 : i32
    %dma_start3A_2556 = tpu.memref_slice %arg7[%dma_start3A_2543, %dma_start3A_2554, %dma_start3A_2555] : memref<2x48x512xf32, #tpu.memory_space<vmem>> -> memref<1x48x512xf32, #tpu.memory_space<vmem>>
    %dma_start3A_2557 = tpu.memref_squeeze %dma_start3A_2556 : memref<1x48x512xf32, #tpu.memory_space<vmem>> -> memref<48x512xf32, #tpu.memory_space<vmem>>
    %dma_start3A_2558 = arith.constant 0 : i32
    %dma_start3A_2559 = tpu.memref_slice %arg2[%dma_start3A, %mul3A_2, %dma_start3A_2558] : memref<16x1536x512xf32, #tpu.memory_space<hbm>> -> memref<1x48x512xf32, #tpu.memory_space<hbm>>
    %dma_start3A_2560 = tpu.memref_squeeze %dma_start3A_2559 : memref<1x48x512xf32, #tpu.memory_space<hbm>> -> memref<48x512xf32, #tpu.memory_space<hbm>>
    tpu.enqueue_dma source(%dma_start3A_2560 : memref<48x512xf32, #tpu.memory_space<hbm>>) target(%dma_start3A_2557 : memref<48x512xf32, #tpu.memory_space<vmem>>) target_semaphore(%dma_start3A_2553 : memref<!tpu.dma_semaphore, #tpu.memory_space<semaphore_mem>>)
    %scan3A = arith.constant 0 : i32
    %scan3A_2561 = arith.constant 5 : i32
    %scan3A_2562 = arith.addi %scan3A, %scan3A_2561 : i32
    %scan3A_2563 = arith.constant 1 : i32
    scf.for %scan3A_2583 = %scan3A to %scan3A_2562 step %scan3A_2563  : i32 {
      %mul3A_2584 = arith.constant 1 : i32
      %mul3A_2585 = arith.muli %scan3A_2583, %mul3A_2584 : i32
      %add3A_2586 = arith.constant 0 : i32
      %add3A_2587 = arith.addi %add3A_2586, %mul3A_2585 : i32
      %jit3A = arith.constant 2 : i32
      %eq3A = arith.constant 0 : i32
      %eq3A_2588 = arith.cmpi eq, %jit3A, %eq3A : i32
      %jit3A_2589 = arith.constant 1 : i32
      %select_n3A = arith.select %eq3A_2588, %jit3A_2589, %jit3A : i32
      %rem3A = arith.remsi %add3A_2587, %select_n3A : i32
      %ne3A = arith.constant 0 : i32
      %ne3A_2590 = arith.cmpi ne, %rem3A, %ne3A : i32
      %lt3A = arith.constant 0 : i32
      %lt3A_2591 = arith.cmpi slt, %rem3A, %lt3A : i32
      %lt3A_2592 = arith.constant 0 : i32
      %lt3A_2593 = arith.cmpi slt, %select_n3A, %lt3A_2592 : i32
      %ne3A_2594 = arith.xori %lt3A_2591, %lt3A_2593 : i1
      %and3A = arith.andi %ne3A_2594, %ne3A_2590 : i1
      %add3A_2595 = arith.addi %rem3A, %select_n3A : i32
      %select_n3A_2596 = arith.select %and3A, %add3A_2595, %rem3A : i32
      %sub3A = arith.constant 1 : i32
      %sub3A_2597 = arith.subi %sub3A, %select_n3A_2596 : i32
      %ge3A = arith.constant 1 : i32
      %ge3A_2598 = arith.cmpi sge, %add3A_2587, %ge3A : i32
      %convert_element_type3A = arith.extui %ge3A_2598 : i1 to i32
      %cond3A = arith.constant 0 : i32
      %cond3A_2599 = arith.cmpi ne, %convert_element_type3A, %cond3A : i32
      scf.if %cond3A_2599 {
        %sub3A_2656 = arith.constant 1 : i32
        %sub3A_2657 = arith.subi %add3A_2587, %sub3A_2656 : i32
        %dma_wait3A_2658 = arith.constant 0 : i32
        %dma_wait3A_2659 = arith.constant 0 : i32
        %dma_wait3A_2660 = tpu.memref_slice %arg7[%sub3A_2597, %dma_wait3A_2658, %dma_wait3A_2659] : memref<2x48x512xf32, #tpu.memory_space<vmem>> -> memref<1x48x512xf32, #tpu.memory_space<vmem>>
        %dma_wait3A_2661 = tpu.memref_squeeze %dma_wait3A_2660 : memref<1x48x512xf32, #tpu.memory_space<vmem>> -> memref<48x512xf32, #tpu.memory_space<vmem>>
        %dma_wait3A_2662 = arith.constant 0 : i32
        %dma_wait3A_2663 = tpu.memref_slice %arg5[%sub3A_2657, %mul3A_2, %dma_wait3A_2662] : memref<5x1536x512xf32, #tpu.memory_space<hbm>> -> memref<1x48x512xf32, #tpu.memory_space<hbm>>
        %dma_wait3A_2664 = tpu.memref_squeeze %dma_wait3A_2663 : memref<1x48x512xf32, #tpu.memory_space<hbm>> -> memref<48x512xf32, #tpu.memory_space<hbm>>
        %dma_wait3A_2665 = tpu.memref_slice %arg15[%sub3A_2597] : memref<2x!tpu.dma_semaphore, #tpu.memory_space<semaphore_mem>> -> memref<1x!tpu.dma_semaphore, #tpu.memory_space<semaphore_mem>>
        %dma_wait3A_2666 = tpu.memref_squeeze %dma_wait3A_2665 : memref<1x!tpu.dma_semaphore, #tpu.memory_space<semaphore_mem>> -> memref<!tpu.dma_semaphore, #tpu.memory_space<semaphore_mem>>
        %dma_wait3A_2667 = arith.constant 0 : i32
        %dma_wait3A_2668 = tpu.memref_slice %arg5[%sub3A_2657, %mul3A_2, %dma_wait3A_2667] : memref<5x1536x512xf32, #tpu.memory_space<hbm>> -> memref<1x48x512xf32, #tpu.memory_space<hbm>>
        %dma_wait3A_2669 = tpu.memref_squeeze %dma_wait3A_2668 : memref<1x48x512xf32, #tpu.memory_space<hbm>> -> memref<48x512xf32, #tpu.memory_space<hbm>>
        %dma_wait3A_2670 = arith.constant 0 : i32
        %dma_wait3A_2671 = arith.constant 0 : i32
        %dma_wait3A_2672 = tpu.memref_slice %arg7[%sub3A_2597, %dma_wait3A_2670, %dma_wait3A_2671] : memref<2x48x512xf32, #tpu.memory_space<vmem>> -> memref<1x48x512xf32, #tpu.memory_space<vmem>>
        %dma_wait3A_2673 = tpu.memref_squeeze %dma_wait3A_2672 : memref<1x48x512xf32, #tpu.memory_space<vmem>> -> memref<48x512xf32, #tpu.memory_space<vmem>>
        tpu.wait_dma2 semaphore(%dma_wait3A_2666 : memref<!tpu.dma_semaphore, #tpu.memory_space<semaphore_mem>>) src(%dma_wait3A_2673 : memref<48x512xf32, #tpu.memory_space<vmem>>) dst(%dma_wait3A_2669 : memref<48x512xf32, #tpu.memory_space<hbm>>)
      } else {
      }
      %add3A_2600 = arith.constant 1 : i32
      %add3A_2601 = arith.addi %add3A_2587, %add3A_2600 : i32
      %lt3A_2602 = arith.constant 5 : i32
      %lt3A_2603 = arith.cmpi slt, %add3A_2601, %lt3A_2602 : i32
      %convert_element_type3A_2604 = arith.extui %lt3A_2603 : i1 to i32
      %cond3A_2605 = arith.constant 0 : i32
      %cond3A_2606 = arith.cmpi ne, %convert_element_type3A_2604, %cond3A_2605 : i32
      scf.if %cond3A_2606 {
        %add3A_2656 = arith.constant 1 : i32
        %add3A_2657 = arith.addi %add3A_2587, %add3A_2656 : i32
        %add3A_2658 = arith.constant 11 : i32
        %add3A_2659 = arith.addi %add3A_2658, %add3A_2657 : i32
        %dma_start3A_2660 = arith.constant 0 : i32
        %dma_start3A_2661 = arith.constant 0 : i32
        %dma_start3A_2662 = tpu.memref_slice %arg7[%sub3A_2597, %dma_start3A_2660, %dma_start3A_2661] : memref<2x48x512xf32, #tpu.memory_space<vmem>> -> memref<1x48x512xf32, #tpu.memory_space<vmem>>
        %dma_start3A_2663 = tpu.memref_squeeze %dma_start3A_2662 : memref<1x48x512xf32, #tpu.memory_space<vmem>> -> memref<48x512xf32, #tpu.memory_space<vmem>>
        %dma_start3A_2664 = arith.constant 0 : i32
        %dma_start3A_2665 = tpu.memref_slice %arg2[%add3A_2659, %mul3A_2, %dma_start3A_2664] : memref<16x1536x512xf32, #tpu.memory_space<hbm>> -> memref<1x48x512xf32, #tpu.memory_space<hbm>>
        %dma_start3A_2666 = tpu.memref_squeeze %dma_start3A_2665 : memref<1x48x512xf32, #tpu.memory_space<hbm>> -> memref<48x512xf32, #tpu.memory_space<hbm>>
        %dma_start3A_2667 = tpu.memref_slice %arg13[%sub3A_2597] : memref<2x!tpu.dma_semaphore, #tpu.memory_space<semaphore_mem>> -> memref<1x!tpu.dma_semaphore, #tpu.memory_space<semaphore_mem>>
        %dma_start3A_2668 = tpu.memref_squeeze %dma_start3A_2667 : memref<1x!tpu.dma_semaphore, #tpu.memory_space<semaphore_mem>> -> memref<!tpu.dma_semaphore, #tpu.memory_space<semaphore_mem>>
        %dma_start3A_2669 = arith.constant 0 : i32
        %dma_start3A_2670 = arith.constant 0 : i32
        %dma_start3A_2671 = tpu.memref_slice %arg7[%sub3A_2597, %dma_start3A_2669, %dma_start3A_2670] : memref<2x48x512xf32, #tpu.memory_space<vmem>> -> memref<1x48x512xf32, #tpu.memory_space<vmem>>
        %dma_start3A_2672 = tpu.memref_squeeze %dma_start3A_2671 : memref<1x48x512xf32, #tpu.memory_space<vmem>> -> memref<48x512xf32, #tpu.memory_space<vmem>>
        %dma_start3A_2673 = arith.constant 0 : i32
        %dma_start3A_2674 = tpu.memref_slice %arg2[%add3A_2659, %mul3A_2, %dma_start3A_2673] : memref<16x1536x512xf32, #tpu.memory_space<hbm>> -> memref<1x48x512xf32, #tpu.memory_space<hbm>>
        %dma_start3A_2675 = tpu.memref_squeeze %dma_start3A_2674 : memref<1x48x512xf32, #tpu.memory_space<hbm>> -> memref<48x512xf32, #tpu.memory_space<hbm>>
        tpu.enqueue_dma source(%dma_start3A_2675 : memref<48x512xf32, #tpu.memory_space<hbm>>) target(%dma_start3A_2672 : memref<48x512xf32, #tpu.memory_space<vmem>>) target_semaphore(%dma_start3A_2668 : memref<!tpu.dma_semaphore, #tpu.memory_space<semaphore_mem>>)
      } else {
      }
      %add3A_2607 = arith.constant 11 : i32
      %add3A_2608 = arith.addi %add3A_2607, %add3A_2587 : i32
      %dma_wait3A_2609 = arith.constant 0 : i32
      %dma_wait3A_2610 = arith.constant 0 : i32
      %dma_wait3A_2611 = tpu.memref_slice %arg7[%select_n3A_2596, %dma_wait3A_2609, %dma_wait3A_2610] : memref<2x48x512xf32, #tpu.memory_space<vmem>> -> memref<1x48x512xf32, #tpu.memory_space<vmem>>
      %dma_wait3A_2612 = tpu.memref_squeeze %dma_wait3A_2611 : memref<1x48x512xf32, #tpu.memory_space<vmem>> -> memref<48x512xf32, #tpu.memory_space<vmem>>
      %dma_wait3A_2613 = arith.constant 0 : i32
      %dma_wait3A_2614 = tpu.memref_slice %arg2[%add3A_2608, %mul3A_2, %dma_wait3A_2613] : memref<16x1536x512xf32, #tpu.memory_space<hbm>> -> memref<1x48x512xf32, #tpu.memory_space<hbm>>
      %dma_wait3A_2615 = tpu.memref_squeeze %dma_wait3A_2614 : memref<1x48x512xf32, #tpu.memory_space<hbm>> -> memref<48x512xf32, #tpu.memory_space<hbm>>
      %dma_wait3A_2616 = tpu.memref_slice %arg13[%select_n3A_2596] : memref<2x!tpu.dma_semaphore, #tpu.memory_space<semaphore_mem>> -> memref<1x!tpu.dma_semaphore, #tpu.memory_space<semaphore_mem>>
      %dma_wait3A_2617 = tpu.memref_squeeze %dma_wait3A_2616 : memref<1x!tpu.dma_semaphore, #tpu.memory_space<semaphore_mem>> -> memref<!tpu.dma_semaphore, #tpu.memory_space<semaphore_mem>>
      %dma_wait3A_2618 = arith.constant 0 : i32
      %dma_wait3A_2619 = arith.constant 0 : i32
      %dma_wait3A_2620 = tpu.memref_slice %arg7[%select_n3A_2596, %dma_wait3A_2618, %dma_wait3A_2619] : memref<2x48x512xf32, #tpu.memory_space<vmem>> -> memref<1x48x512xf32, #tpu.memory_space<vmem>>
      %dma_wait3A_2621 = tpu.memref_squeeze %dma_wait3A_2620 : memref<1x48x512xf32, #tpu.memory_space<vmem>> -> memref<48x512xf32, #tpu.memory_space<vmem>>
      %dma_wait3A_2622 = arith.constant 0 : i32
      %dma_wait3A_2623 = tpu.memref_slice %arg2[%add3A_2608, %mul3A_2, %dma_wait3A_2622] : memref<16x1536x512xf32, #tpu.memory_space<hbm>> -> memref<1x48x512xf32, #tpu.memory_space<hbm>>
      %dma_wait3A_2624 = tpu.memref_squeeze %dma_wait3A_2623 : memref<1x48x512xf32, #tpu.memory_space<hbm>> -> memref<48x512xf32, #tpu.memory_space<hbm>>
      tpu.wait_dma2 semaphore(%dma_wait3A_2617 : memref<!tpu.dma_semaphore, #tpu.memory_space<semaphore_mem>>) src(%dma_wait3A_2624 : memref<48x512xf32, #tpu.memory_space<hbm>>) dst(%dma_wait3A_2621 : memref<48x512xf32, #tpu.memory_space<vmem>>)
      %add3A_2625 = arith.constant 11 : i32
      %add3A_2626 = arith.addi %add3A_2625, %add3A_2587 : i32
      %get3A_2627 = arith.index_cast %add3A_2626 : i32 to index
      %get3A_2628 = memref.load %arg11[%get3A_2627] : memref<17xi32, #tpu.memory_space<smem>>
      %add3A_2629 = arith.constant 11 : i32
      %add3A_2630 = arith.addi %add3A_2629, %add3A_2587 : i32
      %add3A_2631 = arith.constant 1 : i32
      %add3A_2632 = arith.addi %add3A_2630, %add3A_2631 : i32
      %get3A_2633 = arith.index_cast %add3A_2632 : i32 to index
      %get3A_2634 = memref.load %arg11[%get3A_2633] : memref<17xi32, #tpu.memory_space<smem>>
      %sub3A_2635 = arith.subi %get3A_2634, %get3A_2628 : i32
      %gt3A = arith.constant 0 : i32
      %gt3A_2636 = arith.cmpi sgt, %sub3A_2635, %gt3A : i32
      %convert_element_type3A_2637 = arith.extui %gt3A_2636 : i1 to i32
      %cond3A_2638 = arith.constant 0 : i32
      %cond3A_2639 = arith.cmpi ne, %convert_element_type3A_2637, %cond3A_2638 : i32
      scf.if %cond3A_2639 {
        %get3A_2656 = arith.index_cast %get3A_2628 : i32 to index
        %get3A_2657 = memref.load %arg10[%get3A_2656] : memref<64xi32, #tpu.memory_space<smem>>
        %dma_start3A_2658 = arith.constant 0 : i32
        %dma_start3A_2659 = arith.constant 0 : i32
        %dma_start3A_2660 = arith.constant 0 : i32
        %dma_start3A_2661 = arith.constant 0 : i32
        %dma_start3A_2662 = tpu.memref_slice %arg8[%dma_start3A_2658, %dma_start3A_2660, %dma_start3A_2661] : memref<2x48x512xf32, #tpu.memory_space<vmem>> -> memref<1x48x512xf32, #tpu.memory_space<vmem>>
        %dma_start3A_2663 = tpu.memref_squeeze %dma_start3A_2662 : memref<1x48x512xf32, #tpu.memory_space<vmem>> -> memref<48x512xf32, #tpu.memory_space<vmem>>
        %dma_start3A_2664 = arith.constant 0 : i32
        %dma_start3A_2665 = tpu.memref_slice %arg3[%get3A_2657, %mul3A_2, %dma_start3A_2664] : memref<64x1536x512xf32, #tpu.memory_space<hbm>> -> memref<1x48x512xf32, #tpu.memory_space<hbm>>
        %dma_start3A_2666 = tpu.memref_squeeze %dma_start3A_2665 : memref<1x48x512xf32, #tpu.memory_space<hbm>> -> memref<48x512xf32, #tpu.memory_space<hbm>>
        %dma_start3A_2667 = tpu.memref_slice %arg14[%dma_start3A_2659] : memref<2x!tpu.dma_semaphore, #tpu.memory_space<semaphore_mem>> -> memref<1x!tpu.dma_semaphore, #tpu.memory_space<semaphore_mem>>
        %dma_start3A_2668 = tpu.memref_squeeze %dma_start3A_2667 : memref<1x!tpu.dma_semaphore, #tpu.memory_space<semaphore_mem>> -> memref<!tpu.dma_semaphore, #tpu.memory_space<semaphore_mem>>
        %dma_start3A_2669 = arith.constant 0 : i32
        %dma_start3A_2670 = arith.constant 0 : i32
        %dma_start3A_2671 = tpu.memref_slice %arg8[%dma_start3A_2658, %dma_start3A_2669, %dma_start3A_2670] : memref<2x48x512xf32, #tpu.memory_space<vmem>> -> memref<1x48x512xf32, #tpu.memory_space<vmem>>
        %dma_start3A_2672 = tpu.memref_squeeze %dma_start3A_2671 : memref<1x48x512xf32, #tpu.memory_space<vmem>> -> memref<48x512xf32, #tpu.memory_space<vmem>>
        %dma_start3A_2673 = arith.constant 0 : i32
        %dma_start3A_2674 = tpu.memref_slice %arg3[%get3A_2657, %mul3A_2, %dma_start3A_2673] : memref<64x1536x512xf32, #tpu.memory_space<hbm>> -> memref<1x48x512xf32, #tpu.memory_space<hbm>>
        %dma_start3A_2675 = tpu.memref_squeeze %dma_start3A_2674 : memref<1x48x512xf32, #tpu.memory_space<hbm>> -> memref<48x512xf32, #tpu.memory_space<hbm>>
        tpu.enqueue_dma source(%dma_start3A_2675 : memref<48x512xf32, #tpu.memory_space<hbm>>) target(%dma_start3A_2672 : memref<48x512xf32, #tpu.memory_space<vmem>>) target_semaphore(%dma_start3A_2668 : memref<!tpu.dma_semaphore, #tpu.memory_space<semaphore_mem>>)
        %sub3A_2676 = arith.constant 0 : i32
        %sub3A_2677 = arith.subi %sub3A_2635, %sub3A_2676 : i32
        %sub3A_2678 = arith.constant 1 : i32
        %sub3A_2679 = arith.constant 1 : i32
        %sub3A_2680 = arith.subi %sub3A_2678, %sub3A_2679 : i32
        %add3A_2681 = arith.addi %sub3A_2677, %sub3A_2680 : i32
        %div3A = arith.constant 1 : i32
        %div3A_2682 = arith.divsi %add3A_2681, %div3A : i32
        %while3A = arith.constant 1 : i32
        %while3A_2683 = arith.constant 0 : i32
        %while3A_2684 = arith.constant 0 : i32
        %while3A_2685 = arith.subi %div3A_2682, %while3A_2684 : i32
        %while3A_2686 = arith.addi %while3A_2684, %while3A_2685 : i32
        %while3A_2687 = arith.constant 1 : i32
        %while3A_2688 = arith.divsi %while3A_2685, %while3A_2687 : i32
        %while3A_2689 = arith.muli %while3A_2688, %while3A_2687 : i32
        %while3A_2690 = arith.addi %while3A_2684, %while3A_2689 : i32
        %while3A_2691 = arith.constant 1 : i32
        scf.for %while3A_2693 = %while3A_2684 to %while3A_2690 step %while3A_2691  : i32 {
          %mul3A_2694 = arith.muli %while3A_2693, %while3A : i32
          %add3A_2695 = arith.addi %while3A_2683, %mul3A_2694 : i32
          %jit3A_2696 = arith.constant 2 : i32
          %eq3A_2697 = arith.constant 0 : i32
          %eq3A_2698 = arith.cmpi eq, %jit3A_2696, %eq3A_2697 : i32
          %jit3A_2699 = arith.constant 1 : i32
          %select_n3A_2700 = arith.select %eq3A_2698, %jit3A_2699, %jit3A_2696 : i32
          %rem3A_2701 = arith.remsi %add3A_2695, %select_n3A_2700 : i32
          %ne3A_2702 = arith.constant 0 : i32
          %ne3A_2703 = arith.cmpi ne, %rem3A_2701, %ne3A_2702 : i32
          %lt3A_2704 = arith.constant 0 : i32
          %lt3A_2705 = arith.cmpi slt, %rem3A_2701, %lt3A_2704 : i32
          %lt3A_2706 = arith.constant 0 : i32
          %lt3A_2707 = arith.cmpi slt, %select_n3A_2700, %lt3A_2706 : i32
          %ne3A_2708 = arith.xori %lt3A_2705, %lt3A_2707 : i1
          %and3A_2709 = arith.andi %ne3A_2708, %ne3A_2703 : i1
          %add3A_2710 = arith.addi %rem3A_2701, %select_n3A_2700 : i32
          %select_n3A_2711 = arith.select %and3A_2709, %add3A_2710, %rem3A_2701 : i32
          %add3A_2712 = arith.constant 1 : i32
          %add3A_2713 = arith.addi %add3A_2695, %add3A_2712 : i32
          %lt3A_2714 = arith.cmpi slt, %add3A_2713, %sub3A_2635 : i32
          %convert_element_type3A_2715 = arith.extui %lt3A_2714 : i1 to i32
          %cond3A_2716 = arith.constant 0 : i32
          %cond3A_2717 = arith.cmpi ne, %convert_element_type3A_2715, %cond3A_2716 : i32
          scf.if %cond3A_2717 {
            %add3A_2742 = arith.addi %get3A_2628, %add3A_2695 : i32
            %add3A_2743 = arith.constant 1 : i32
            %add3A_2744 = arith.addi %add3A_2742, %add3A_2743 : i32
            %sub3A_2745 = arith.constant 1 : i32
            %sub3A_2746 = arith.subi %sub3A_2745, %select_n3A_2711 : i32
            %get3A_2747 = arith.index_cast %add3A_2744 : i32 to index
            %get3A_2748 = memref.load %arg10[%get3A_2747] : memref<64xi32, #tpu.memory_space<smem>>
            %dma_start3A_2749 = arith.constant 0 : i32
            %dma_start3A_2750 = arith.constant 0 : i32
            %dma_start3A_2751 = tpu.memref_slice %arg8[%sub3A_2746, %dma_start3A_2749, %dma_start3A_2750] : memref<2x48x512xf32, #tpu.memory_space<vmem>> -> memref<1x48x512xf32, #tpu.memory_space<vmem>>
            %dma_start3A_2752 = tpu.memref_squeeze %dma_start3A_2751 : memref<1x48x512xf32, #tpu.memory_space<vmem>> -> memref<48x512xf32, #tpu.memory_space<vmem>>
            %dma_start3A_2753 = arith.constant 0 : i32
            %dma_start3A_2754 = tpu.memref_slice %arg3[%get3A_2748, %mul3A_2, %dma_start3A_2753] : memref<64x1536x512xf32, #tpu.memory_space<hbm>> -> memref<1x48x512xf32, #tpu.memory_space<hbm>>
            %dma_start3A_2755 = tpu.memref_squeeze %dma_start3A_2754 : memref<1x48x512xf32, #tpu.memory_space<hbm>> -> memref<48x512xf32, #tpu.memory_space<hbm>>
            %dma_start3A_2756 = tpu.memref_slice %arg14[%sub3A_2746] : memref<2x!tpu.dma_semaphore, #tpu.memory_space<semaphore_mem>> -> memref<1x!tpu.dma_semaphore, #tpu.memory_space<semaphore_mem>>
            %dma_start3A_2757 = tpu.memref_squeeze %dma_start3A_2756 : memref<1x!tpu.dma_semaphore, #tpu.memory_space<semaphore_mem>> -> memref<!tpu.dma_semaphore, #tpu.memory_space<semaphore_mem>>
            %dma_start3A_2758 = arith.constant 0 : i32
            %dma_start3A_2759 = arith.constant 0 : i32
            %dma_start3A_2760 = tpu.memref_slice %arg8[%sub3A_2746, %dma_start3A_2758, %dma_start3A_2759] : memref<2x48x512xf32, #tpu.memory_space<vmem>> -> memref<1x48x512xf32, #tpu.memory_space<vmem>>
            %dma_start3A_2761 = tpu.memref_squeeze %dma_start3A_2760 : memref<1x48x512xf32, #tpu.memory_space<vmem>> -> memref<48x512xf32, #tpu.memory_space<vmem>>
            %dma_start3A_2762 = arith.constant 0 : i32
            %dma_start3A_2763 = tpu.memref_slice %arg3[%get3A_2748, %mul3A_2, %dma_start3A_2762] : memref<64x1536x512xf32, #tpu.memory_space<hbm>> -> memref<1x48x512xf32, #tpu.memory_space<hbm>>
            %dma_start3A_2764 = tpu.memref_squeeze %dma_start3A_2763 : memref<1x48x512xf32, #tpu.memory_space<hbm>> -> memref<48x512xf32, #tpu.memory_space<hbm>>
            tpu.enqueue_dma source(%dma_start3A_2764 : memref<48x512xf32, #tpu.memory_space<hbm>>) target(%dma_start3A_2761 : memref<48x512xf32, #tpu.memory_space<vmem>>) target_semaphore(%dma_start3A_2757 : memref<!tpu.dma_semaphore, #tpu.memory_space<semaphore_mem>>)
          } else {
          }
          %add3A_2718 = arith.addi %get3A_2628, %add3A_2695 : i32
          %get3A_2719 = arith.index_cast %add3A_2718 : i32 to index
          %get3A_2720 = memref.load %arg10[%get3A_2719] : memref<64xi32, #tpu.memory_space<smem>>
          %dma_wait3A_2721 = arith.constant 0 : i32
          %dma_wait3A_2722 = arith.constant 0 : i32
          %dma_wait3A_2723 = tpu.memref_slice %arg8[%select_n3A_2711, %dma_wait3A_2721, %dma_wait3A_2722] : memref<2x48x512xf32, #tpu.memory_space<vmem>> -> memref<1x48x512xf32, #tpu.memory_space<vmem>>
          %dma_wait3A_2724 = tpu.memref_squeeze %dma_wait3A_2723 : memref<1x48x512xf32, #tpu.memory_space<vmem>> -> memref<48x512xf32, #tpu.memory_space<vmem>>
          %dma_wait3A_2725 = arith.constant 0 : i32
          %dma_wait3A_2726 = tpu.memref_slice %arg3[%get3A_2720, %mul3A_2, %dma_wait3A_2725] : memref<64x1536x512xf32, #tpu.memory_space<hbm>> -> memref<1x48x512xf32, #tpu.memory_space<hbm>>
          %dma_wait3A_2727 = tpu.memref_squeeze %dma_wait3A_2726 : memref<1x48x512xf32, #tpu.memory_space<hbm>> -> memref<48x512xf32, #tpu.memory_space<hbm>>
          %dma_wait3A_2728 = tpu.memref_slice %arg14[%select_n3A_2711] : memref<2x!tpu.dma_semaphore, #tpu.memory_space<semaphore_mem>> -> memref<1x!tpu.dma_semaphore, #tpu.memory_space<semaphore_mem>>
          %dma_wait3A_2729 = tpu.memref_squeeze %dma_wait3A_2728 : memref<1x!tpu.dma_semaphore, #tpu.memory_space<semaphore_mem>> -> memref<!tpu.dma_semaphore, #tpu.memory_space<semaphore_mem>>
          %dma_wait3A_2730 = arith.constant 0 : i32
          %dma_wait3A_2731 = arith.constant 0 : i32
          %dma_wait3A_2732 = tpu.memref_slice %arg8[%select_n3A_2711, %dma_wait3A_2730, %dma_wait3A_2731] : memref<2x48x512xf32, #tpu.memory_space<vmem>> -> memref<1x48x512xf32, #tpu.memory_space<vmem>>
          %dma_wait3A_2733 = tpu.memref_squeeze %dma_wait3A_2732 : memref<1x48x512xf32, #tpu.memory_space<vmem>> -> memref<48x512xf32, #tpu.memory_space<vmem>>
          %dma_wait3A_2734 = arith.constant 0 : i32
          %dma_wait3A_2735 = tpu.memref_slice %arg3[%get3A_2720, %mul3A_2, %dma_wait3A_2734] : memref<64x1536x512xf32, #tpu.memory_space<hbm>> -> memref<1x48x512xf32, #tpu.memory_space<hbm>>
          %dma_wait3A_2736 = tpu.memref_squeeze %dma_wait3A_2735 : memref<1x48x512xf32, #tpu.memory_space<hbm>> -> memref<48x512xf32, #tpu.memory_space<hbm>>
          tpu.wait_dma2 semaphore(%dma_wait3A_2729 : memref<!tpu.dma_semaphore, #tpu.memory_space<semaphore_mem>>) src(%dma_wait3A_2736 : memref<48x512xf32, #tpu.memory_space<hbm>>) dst(%dma_wait3A_2733 : memref<48x512xf32, #tpu.memory_space<vmem>>)
          %scan3A_2737 = arith.constant 0 : i32
          %scan3A_2738 = arith.constant 96 : i32
          %scan3A_2739 = arith.addi %scan3A_2737, %scan3A_2738 : i32
          %scan3A_2740 = arith.constant 1 : i32
          scf.for %scan3A_2742 = %scan3A_2737 to %scan3A_2739 step %scan3A_2740  : i32 {
            %mul3A_2743 = arith.constant 1 : i32
            %mul3A_2744 = arith.muli %scan3A_2742, %mul3A_2743 : i32
            %add3A_2745 = arith.constant 0 : i32
            %add3A_2746 = arith.addi %add3A_2745, %mul3A_2744 : i32
            %jit3A_2747 = arith.constant 2 : i32
            %div3A_2748 = arith.divsi %add3A_2746, %jit3A_2747 : i32
            %sign3A = arith.constant 0 : i32
            %sign3A_2749 = arith.cmpi sgt, %add3A_2746, %sign3A : i32
            %sign3A_2750 = arith.extui %sign3A_2749 : i1 to i32
            %sign3A_2751 = arith.constant 0 : i32
            %sign3A_2752 = arith.cmpi slt, %add3A_2746, %sign3A_2751 : i32
            %sign3A_2753 = arith.extui %sign3A_2752 : i1 to i32
            %sign3A_2754 = arith.subi %sign3A_2750, %sign3A_2753 : i32
            %sign3A_2755 = arith.constant 0 : i32
            %sign3A_2756 = arith.cmpi sgt, %jit3A_2747, %sign3A_2755 : i32
            %sign3A_2757 = arith.extui %sign3A_2756 : i1 to i32
            %sign3A_2758 = arith.constant 0 : i32
            %sign3A_2759 = arith.cmpi slt, %jit3A_2747, %sign3A_2758 : i32
            %sign3A_2760 = arith.extui %sign3A_2759 : i1 to i32
            %sign3A_2761 = arith.subi %sign3A_2757, %sign3A_2760 : i32
            %ne3A_2762 = arith.cmpi ne, %sign3A_2754, %sign3A_2761 : i32
            %rem3A_2763 = arith.remsi %add3A_2746, %jit3A_2747 : i32
            %ne3A_2764 = arith.constant 0 : i32
            %ne3A_2765 = arith.cmpi ne, %rem3A_2763, %ne3A_2764 : i32
            %and3A_2766 = arith.andi %ne3A_2762, %ne3A_2765 : i1
            %sub3A_2767 = arith.constant 1 : i32
            %sub3A_2768 = arith.subi %div3A_2748, %sub3A_2767 : i32
            %select_n3A_2769 = arith.select %and3A_2766, %sub3A_2768, %div3A_2748 : i32
            %jit3A_2770 = arith.constant 2 : i32
            %eq3A_2771 = arith.constant 0 : i32
            %eq3A_2772 = arith.cmpi eq, %jit3A_2770, %eq3A_2771 : i32
            %jit3A_2773 = arith.constant 1 : i32
            %select_n3A_2774 = arith.select %eq3A_2772, %jit3A_2773, %jit3A_2770 : i32
            %rem3A_2775 = arith.remsi %add3A_2746, %select_n3A_2774 : i32
            %ne3A_2776 = arith.constant 0 : i32
            %ne3A_2777 = arith.cmpi ne, %rem3A_2775, %ne3A_2776 : i32
            %lt3A_2778 = arith.constant 0 : i32
            %lt3A_2779 = arith.cmpi slt, %rem3A_2775, %lt3A_2778 : i32
            %lt3A_2780 = arith.constant 0 : i32
            %lt3A_2781 = arith.cmpi slt, %select_n3A_2774, %lt3A_2780 : i32
            %ne3A_2782 = arith.xori %lt3A_2779, %lt3A_2781 : i1
            %and3A_2783 = arith.andi %ne3A_2782, %ne3A_2777 : i1
            %add3A_2784 = arith.addi %rem3A_2775, %select_n3A_2774 : i32
            %select_n3A_2785 = arith.select %and3A_2783, %add3A_2784, %rem3A_2775 : i32
            %mul3A_2786 = arith.constant 256 : i32
            %mul3A_2787 = arith.muli %select_n3A_2785, %mul3A_2786 : i32
            %add3A_2788 = arith.constant 0 : i32
            %add3A_2789 = arith.addi %mul3A_2787, %add3A_2788 : i32
            %get3A_2790 = arith.index_cast %select_n3A_2711 : i32 to index
            %get3A_2791 = arith.index_cast %select_n3A_2769 : i32 to index
            %get3A_2792 = arith.index_cast %add3A_2789 : i32 to index
            %get3A_2793 = tpu.vector_load %arg8[%get3A_2790, %get3A_2791, %get3A_2792] {strides = array<i32>} : memref<2x48x512xf32, #tpu.memory_space<vmem>>, vector<1x1x16xf32>,
            %get3A_2794 = vector.shape_cast %get3A_2793 : vector<1x1x16xf32> to vector<16xf32>
            %add3A_2795 = arith.constant 16 : i32
            %add3A_2796 = arith.addi %mul3A_2787, %add3A_2795 : i32
            %get3A_2797 = arith.index_cast %select_n3A_2711 : i32 to index
            %get3A_2798 = arith.index_cast %select_n3A_2769 : i32 to index
            %get3A_2799 = arith.index_cast %add3A_2796 : i32 to index
            %get3A_2800 = tpu.vector_load %arg8[%get3A_2797, %get3A_2798, %get3A_2799] {strides = array<i32>} : memref<2x48x512xf32, #tpu.memory_space<vmem>>, vector<1x1x16xf32>,
            %get3A_2801 = vector.shape_cast %get3A_2800 : vector<1x1x16xf32> to vector<16xf32>
            %add3A_2802 = arith.constant 32 : i32
            %add3A_2803 = arith.addi %mul3A_2787, %add3A_2802 : i32
            %get3A_2804 = arith.index_cast %select_n3A_2711 : i32 to index
            %get3A_2805 = arith.index_cast %select_n3A_2769 : i32 to index
            %get3A_2806 = arith.index_cast %add3A_2803 : i32 to index
            %get3A_2807 = tpu.vector_load %arg8[%get3A_2804, %get3A_2805, %get3A_2806] {strides = array<i32>} : memref<2x48x512xf32, #tpu.memory_space<vmem>>, vector<1x1x16xf32>,
            %get3A_2808 = vector.shape_cast %get3A_2807 : vector<1x1x16xf32> to vector<16xf32>
            %add3A_2809 = arith.constant 48 : i32
            %add3A_2810 = arith.addi %mul3A_2787, %add3A_2809 : i32
            %get3A_2811 = arith.index_cast %select_n3A_2711 : i32 to index
            %get3A_2812 = arith.index_cast %select_n3A_2769 : i32 to index
            %get3A_2813 = arith.index_cast %add3A_2810 : i32 to index
            %get3A_2814 = tpu.vector_load %arg8[%get3A_2811, %get3A_2812, %get3A_2813] {strides = array<i32>} : memref<2x48x512xf32, #tpu.memory_space<vmem>>, vector<1x1x16xf32>,
            %get3A_2815 = vector.shape_cast %get3A_2814 : vector<1x1x16xf32> to vector<16xf32>
            %add3A_2816 = arith.constant 64 : i32
            %add3A_2817 = arith.addi %mul3A_2787, %add3A_2816 : i32
            %get3A_2818 = arith.index_cast %select_n3A_2711 : i32 to index
            %get3A_2819 = arith.index_cast %select_n3A_2769 : i32 to index
            %get3A_2820 = arith.index_cast %add3A_2817 : i32 to index
            %get3A_2821 = tpu.vector_load %arg8[%get3A_2818, %get3A_2819, %get3A_2820] {strides = array<i32>} : memref<2x48x512xf32, #tpu.memory_space<vmem>>, vector<1x1x16xf32>,
            %get3A_2822 = vector.shape_cast %get3A_2821 : vector<1x1x16xf32> to vector<16xf32>
            %add3A_2823 = arith.constant 80 : i32
            %add3A_2824 = arith.addi %mul3A_2787, %add3A_2823 : i32
            %get3A_2825 = arith.index_cast %select_n3A_2711 : i32 to index
            %get3A_2826 = arith.index_cast %select_n3A_2769 : i32 to index
            %get3A_2827 = arith.index_cast %add3A_2824 : i32 to index
            %get3A_2828 = tpu.vector_load %arg8[%get3A_2825, %get3A_2826, %get3A_2827] {strides = array<i32>} : memref<2x48x512xf32, #tpu.memory_space<vmem>>, vector<1x1x16xf32>,
            %get3A_2829 = vector.shape_cast %get3A_2828 : vector<1x1x16xf32> to vector<16xf32>
            %add3A_2830 = arith.constant 96 : i32
            %add3A_2831 = arith.addi %mul3A_2787, %add3A_2830 : i32
            %get3A_2832 = arith.index_cast %select_n3A_2711 : i32 to index
            %get3A_2833 = arith.index_cast %select_n3A_2769 : i32 to index
            %get3A_2834 = arith.index_cast %add3A_2831 : i32 to index
            %get3A_2835 = tpu.vector_load %arg8[%get3A_2832, %get3A_2833, %get3A_2834] {strides = array<i32>} : memref<2x48x512xf32, #tpu.memory_space<vmem>>, vector<1x1x16xf32>,
            %get3A_2836 = vector.shape_cast %get3A_2835 : vector<1x1x16xf32> to vector<16xf32>
            %add3A_2837 = arith.constant 112 : i32
            %add3A_2838 = arith.addi %mul3A_2787, %add3A_2837 : i32
            %get3A_2839 = arith.index_cast %select_n3A_2711 : i32 to index
            %get3A_2840 = arith.index_cast %select_n3A_2769 : i32 to index
            %get3A_2841 = arith.index_cast %add3A_2838 : i32 to index
            %get3A_2842 = tpu.vector_load %arg8[%get3A_2839, %get3A_2840, %get3A_2841] {strides = array<i32>} : memref<2x48x512xf32, #tpu.memory_space<vmem>>, vector<1x1x16xf32>,
            %get3A_2843 = vector.shape_cast %get3A_2842 : vector<1x1x16xf32> to vector<16xf32>
            %add3A_2844 = arith.constant 128 : i32
            %add3A_2845 = arith.addi %mul3A_2787, %add3A_2844 : i32
            %get3A_2846 = arith.index_cast %select_n3A_2711 : i32 to index
            %get3A_2847 = arith.index_cast %select_n3A_2769 : i32 to index
            %get3A_2848 = arith.index_cast %add3A_2845 : i32 to index
            %get3A_2849 = tpu.vector_load %arg8[%get3A_2846, %get3A_2847, %get3A_2848] {strides = array<i32>} : memref<2x48x512xf32, #tpu.memory_space<vmem>>, vector<1x1x16xf32>,
            %get3A_2850 = vector.shape_cast %get3A_2849 : vector<1x1x16xf32> to vector<16xf32>
            %add3A_2851 = arith.constant 144 : i32
            %add3A_2852 = arith.addi %mul3A_2787, %add3A_2851 : i32
            %get3A_2853 = arith.index_cast %select_n3A_2711 : i32 to index
            %get3A_2854 = arith.index_cast %select_n3A_2769 : i32 to index
            %get3A_2855 = arith.index_cast %add3A_2852 : i32 to index
            %get3A_2856 = tpu.vector_load %arg8[%get3A_2853, %get3A_2854, %get3A_2855] {strides = array<i32>} : memref<2x48x512xf32, #tpu.memory_space<vmem>>, vector<1x1x16xf32>,
            %get3A_2857 = vector.shape_cast %get3A_2856 : vector<1x1x16xf32> to vector<16xf32>
            %add3A_2858 = arith.constant 160 : i32
            %add3A_2859 = arith.addi %mul3A_2787, %add3A_2858 : i32
            %get3A_2860 = arith.index_cast %select_n3A_2711 : i32 to index
            %get3A_2861 = arith.index_cast %select_n3A_2769 : i32 to index
            %get3A_2862 = arith.index_cast %add3A_2859 : i32 to index
            %get3A_2863 = tpu.vector_load %arg8[%get3A_2860, %get3A_2861, %get3A_2862] {strides = array<i32>} : memref<2x48x512xf32, #tpu.memory_space<vmem>>, vector<1x1x16xf32>,
            %get3A_2864 = vector.shape_cast %get3A_2863 : vector<1x1x16xf32> to vector<16xf32>
            %add3A_2865 = arith.constant 176 : i32
            %add3A_2866 = arith.addi %mul3A_2787, %add3A_2865 : i32
            %get3A_2867 = arith.index_cast %select_n3A_2711 : i32 to index
            %get3A_2868 = arith.index_cast %select_n3A_2769 : i32 to index
            %get3A_2869 = arith.index_cast %add3A_2866 : i32 to index
            %get3A_2870 = tpu.vector_load %arg8[%get3A_2867, %get3A_2868, %get3A_2869] {strides = array<i32>} : memref<2x48x512xf32, #tpu.memory_space<vmem>>, vector<1x1x16xf32>,
            %get3A_2871 = vector.shape_cast %get3A_2870 : vector<1x1x16xf32> to vector<16xf32>
            %add3A_2872 = arith.constant 192 : i32
            %add3A_2873 = arith.addi %mul3A_2787, %add3A_2872 : i32
            %get3A_2874 = arith.index_cast %select_n3A_2711 : i32 to index
            %get3A_2875 = arith.index_cast %select_n3A_2769 : i32 to index
            %get3A_2876 = arith.index_cast %add3A_2873 : i32 to index
            %get3A_2877 = tpu.vector_load %arg8[%get3A_2874, %get3A_2875, %get3A_2876] {strides = array<i32>} : memref<2x48x512xf32, #tpu.memory_space<vmem>>, vector<1x1x16xf32>,
            %get3A_2878 = vector.shape_cast %get3A_2877 : vector<1x1x16xf32> to vector<16xf32>
            %add3A_2879 = arith.constant 208 : i32
            %add3A_2880 = arith.addi %mul3A_2787, %add3A_2879 : i32
            %get3A_2881 = arith.index_cast %select_n3A_2711 : i32 to index
            %get3A_2882 = arith.index_cast %select_n3A_2769 : i32 to index
            %get3A_2883 = arith.index_cast %add3A_2880 : i32 to index
            %get3A_2884 = tpu.vector_load %arg8[%get3A_2881, %get3A_2882, %get3A_2883] {strides = array<i32>} : memref<2x48x512xf32, #tpu.memory_space<vmem>>, vector<1x1x16xf32>,
            %get3A_2885 = vector.shape_cast %get3A_2884 : vector<1x1x16xf32> to vector<16xf32>
            %add3A_2886 = arith.constant 224 : i32
            %add3A_2887 = arith.addi %mul3A_2787, %add3A_2886 : i32
            %get3A_2888 = arith.index_cast %select_n3A_2711 : i32 to index
            %get3A_2889 = arith.index_cast %select_n3A_2769 : i32 to index
            %get3A_2890 = arith.index_cast %add3A_2887 : i32 to index
            %get3A_2891 = tpu.vector_load %arg8[%get3A_2888, %get3A_2889, %get3A_2890] {strides = array<i32>} : memref<2x48x512xf32, #tpu.memory_space<vmem>>, vector<1x1x16xf32>,
            %get3A_2892 = vector.shape_cast %get3A_2891 : vector<1x1x16xf32> to vector<16xf32>
            %add3A_2893 = arith.constant 240 : i32
            %add3A_2894 = arith.addi %mul3A_2787, %add3A_2893 : i32
            %get3A_2895 = arith.index_cast %select_n3A_2711 : i32 to index
            %get3A_2896 = arith.index_cast %select_n3A_2769 : i32 to index
            %get3A_2897 = arith.index_cast %add3A_2894 : i32 to index
            %get3A_2898 = tpu.vector_load %arg8[%get3A_2895, %get3A_2896, %get3A_2897] {strides = array<i32>} : memref<2x48x512xf32, #tpu.memory_space<vmem>>, vector<1x1x16xf32>,
            %get3A_2899 = vector.shape_cast %get3A_2898 : vector<1x1x16xf32> to vector<16xf32>
            %add3A_2900 = arith.constant 0 : i32
            %add3A_2901 = arith.addi %mul3A_2787, %add3A_2900 : i32
            %get3A_2902 = arith.index_cast %select_n3A_2596 : i32 to index
            %get3A_2903 = arith.index_cast %select_n3A_2769 : i32 to index
            %get3A_2904 = arith.index_cast %add3A_2901 : i32 to index
            %get3A_2905 = tpu.vector_load %arg7[%get3A_2902, %get3A_2903, %get3A_2904] {strides = array<i32>} : memref<2x48x512xf32, #tpu.memory_space<vmem>>, vector<1x1x16xf32>,
            %get3A_2906 = vector.shape_cast %get3A_2905 : vector<1x1x16xf32> to vector<16xf32>
            %add3A_2907 = arith.constant 16 : i32
            %add3A_2908 = arith.addi %mul3A_2787, %add3A_2907 : i32
            %get3A_2909 = arith.index_cast %select_n3A_2596 : i32 to index
            %get3A_2910 = arith.index_cast %select_n3A_2769 : i32 to index
            %get3A_2911 = arith.index_cast %add3A_2908 : i32 to index
            %get3A_2912 = tpu.vector_load %arg7[%get3A_2909, %get3A_2910, %get3A_2911] {strides = array<i32>} : memref<2x48x512xf32, #tpu.memory_space<vmem>>, vector<1x1x16xf32>,
            %get3A_2913 = vector.shape_cast %get3A_2912 : vector<1x1x16xf32> to vector<16xf32>
            %add3A_2914 = arith.constant 32 : i32
            %add3A_2915 = arith.addi %mul3A_2787, %add3A_2914 : i32
            %get3A_2916 = arith.index_cast %select_n3A_2596 : i32 to index
            %get3A_2917 = arith.index_cast %select_n3A_2769 : i32 to index
            %get3A_2918 = arith.index_cast %add3A_2915 : i32 to index
            %get3A_2919 = tpu.vector_load %arg7[%get3A_2916, %get3A_2917, %get3A_2918] {strides = array<i32>} : memref<2x48x512xf32, #tpu.memory_space<vmem>>, vector<1x1x16xf32>,
            %get3A_2920 = vector.shape_cast %get3A_2919 : vector<1x1x16xf32> to vector<16xf32>
            %add3A_2921 = arith.constant 48 : i32
            %add3A_2922 = arith.addi %mul3A_2787, %add3A_2921 : i32
            %get3A_2923 = arith.index_cast %select_n3A_2596 : i32 to index
            %get3A_2924 = arith.index_cast %select_n3A_2769 : i32 to index
            %get3A_2925 = arith.index_cast %add3A_2922 : i32 to index
            %get3A_2926 = tpu.vector_load %arg7[%get3A_2923, %get3A_2924, %get3A_2925] {strides = array<i32>} : memref<2x48x512xf32, #tpu.memory_space<vmem>>, vector<1x1x16xf32>,
            %get3A_2927 = vector.shape_cast %get3A_2926 : vector<1x1x16xf32> to vector<16xf32>
            %add3A_2928 = arith.constant 64 : i32
            %add3A_2929 = arith.addi %mul3A_2787, %add3A_2928 : i32
            %get3A_2930 = arith.index_cast %select_n3A_2596 : i32 to index
            %get3A_2931 = arith.index_cast %select_n3A_2769 : i32 to index
            %get3A_2932 = arith.index_cast %add3A_2929 : i32 to index
            %get3A_2933 = tpu.vector_load %arg7[%get3A_2930, %get3A_2931, %get3A_2932] {strides = array<i32>} : memref<2x48x512xf32, #tpu.memory_space<vmem>>, vector<1x1x16xf32>,
            %get3A_2934 = vector.shape_cast %get3A_2933 : vector<1x1x16xf32> to vector<16xf32>
            %add3A_2935 = arith.constant 80 : i32
            %add3A_2936 = arith.addi %mul3A_2787, %add3A_2935 : i32
            %get3A_2937 = arith.index_cast %select_n3A_2596 : i32 to index
            %get3A_2938 = arith.index_cast %select_n3A_2769 : i32 to index
            %get3A_2939 = arith.index_cast %add3A_2936 : i32 to index
            %get3A_2940 = tpu.vector_load %arg7[%get3A_2937, %get3A_2938, %get3A_2939] {strides = array<i32>} : memref<2x48x512xf32, #tpu.memory_space<vmem>>, vector<1x1x16xf32>,
            %get3A_2941 = vector.shape_cast %get3A_2940 : vector<1x1x16xf32> to vector<16xf32>
            %add3A_2942 = arith.constant 96 : i32
            %add3A_2943 = arith.addi %mul3A_2787, %add3A_2942 : i32
            %get3A_2944 = arith.index_cast %select_n3A_2596 : i32 to index
            %get3A_2945 = arith.index_cast %select_n3A_2769 : i32 to index
            %get3A_2946 = arith.index_cast %add3A_2943 : i32 to index
            %get3A_2947 = tpu.vector_load %arg7[%get3A_2944, %get3A_2945, %get3A_2946] {strides = array<i32>} : memref<2x48x512xf32, #tpu.memory_space<vmem>>, vector<1x1x16xf32>,
            %get3A_2948 = vector.shape_cast %get3A_2947 : vector<1x1x16xf32> to vector<16xf32>
            %add3A_2949 = arith.constant 112 : i32
            %add3A_2950 = arith.addi %mul3A_2787, %add3A_2949 : i32
            %get3A_2951 = arith.index_cast %select_n3A_2596 : i32 to index
            %get3A_2952 = arith.index_cast %select_n3A_2769 : i32 to index
            %get3A_2953 = arith.index_cast %add3A_2950 : i32 to index
            %get3A_2954 = tpu.vector_load %arg7[%get3A_2951, %get3A_2952, %get3A_2953] {strides = array<i32>} : memref<2x48x512xf32, #tpu.memory_space<vmem>>, vector<1x1x16xf32>,
            %get3A_2955 = vector.shape_cast %get3A_2954 : vector<1x1x16xf32> to vector<16xf32>
            %add3A_2956 = arith.constant 128 : i32
            %add3A_2957 = arith.addi %mul3A_2787, %add3A_2956 : i32
            %get3A_2958 = arith.index_cast %select_n3A_2596 : i32 to index
            %get3A_2959 = arith.index_cast %select_n3A_2769 : i32 to index
            %get3A_2960 = arith.index_cast %add3A_2957 : i32 to index
            %get3A_2961 = tpu.vector_load %arg7[%get3A_2958, %get3A_2959, %get3A_2960] {strides = array<i32>} : memref<2x48x512xf32, #tpu.memory_space<vmem>>, vector<1x1x16xf32>,
            %get3A_2962 = vector.shape_cast %get3A_2961 : vector<1x1x16xf32> to vector<16xf32>
            %add3A_2963 = arith.constant 144 : i32
            %add3A_2964 = arith.addi %mul3A_2787, %add3A_2963 : i32
            %get3A_2965 = arith.index_cast %select_n3A_2596 : i32 to index
            %get3A_2966 = arith.index_cast %select_n3A_2769 : i32 to index
            %get3A_2967 = arith.index_cast %add3A_2964 : i32 to index
            %get3A_2968 = tpu.vector_load %arg7[%get3A_2965, %get3A_2966, %get3A_2967] {strides = array<i32>} : memref<2x48x512xf32, #tpu.memory_space<vmem>>, vector<1x1x16xf32>,
            %get3A_2969 = vector.shape_cast %get3A_2968 : vector<1x1x16xf32> to vector<16xf32>
            %add3A_2970 = arith.constant 160 : i32
            %add3A_2971 = arith.addi %mul3A_2787, %add3A_2970 : i32
            %get3A_2972 = arith.index_cast %select_n3A_2596 : i32 to index
            %get3A_2973 = arith.index_cast %select_n3A_2769 : i32 to index
            %get3A_2974 = arith.index_cast %add3A_2971 : i32 to index
            %get3A_2975 = tpu.vector_load %arg7[%get3A_2972, %get3A_2973, %get3A_2974] {strides = array<i32>} : memref<2x48x512xf32, #tpu.memory_space<vmem>>, vector<1x1x16xf32>,
            %get3A_2976 = vector.shape_cast %get3A_2975 : vector<1x1x16xf32> to vector<16xf32>
            %add3A_2977 = arith.constant 176 : i32
            %add3A_2978 = arith.addi %mul3A_2787, %add3A_2977 : i32
            %get3A_2979 = arith.index_cast %select_n3A_2596 : i32 to index
            %get3A_2980 = arith.index_cast %select_n3A_2769 : i32 to index
            %get3A_2981 = arith.index_cast %add3A_2978 : i32 to index
            %get3A_2982 = tpu.vector_load %arg7[%get3A_2979, %get3A_2980, %get3A_2981] {strides = array<i32>} : memref<2x48x512xf32, #tpu.memory_space<vmem>>, vector<1x1x16xf32>,
            %get3A_2983 = vector.shape_cast %get3A_2982 : vector<1x1x16xf32> to vector<16xf32>
            %add3A_2984 = arith.constant 192 : i32
            %add3A_2985 = arith.addi %mul3A_2787, %add3A_2984 : i32
            %get3A_2986 = arith.index_cast %select_n3A_2596 : i32 to index
            %get3A_2987 = arith.index_cast %select_n3A_2769 : i32 to index
            %get3A_2988 = arith.index_cast %add3A_2985 : i32 to index
            %get3A_2989 = tpu.vector_load %arg7[%get3A_2986, %get3A_2987, %get3A_2988] {strides = array<i32>} : memref<2x48x512xf32, #tpu.memory_space<vmem>>, vector<1x1x16xf32>,
            %get3A_2990 = vector.shape_cast %get3A_2989 : vector<1x1x16xf32> to vector<16xf32>
            %add3A_2991 = arith.constant 208 : i32
            %add3A_2992 = arith.addi %mul3A_2787, %add3A_2991 : i32
            %get3A_2993 = arith.index_cast %select_n3A_2596 : i32 to index
            %get3A_2994 = arith.index_cast %select_n3A_2769 : i32 to index
            %get3A_2995 = arith.index_cast %add3A_2992 : i32 to index
            %get3A_2996 = tpu.vector_load %arg7[%get3A_2993, %get3A_2994, %get3A_2995] {strides = array<i32>} : memref<2x48x512xf32, #tpu.memory_space<vmem>>, vector<1x1x16xf32>,
            %get3A_2997 = vector.shape_cast %get3A_2996 : vector<1x1x16xf32> to vector<16xf32>
            %add3A_2998 = arith.constant 224 : i32
            %add3A_2999 = arith.addi %mul3A_2787, %add3A_2998 : i32
            %get3A_3000 = arith.index_cast %select_n3A_2596 : i32 to index
            %get3A_3001 = arith.index_cast %select_n3A_2769 : i32 to index
            %get3A_3002 = arith.index_cast %add3A_2999 : i32 to index
            %get3A_3003 = tpu.vector_load %arg7[%get3A_3000, %get3A_3001, %get3A_3002] {strides = array<i32>} : memref<2x48x512xf32, #tpu.memory_space<vmem>>, vector<1x1x16xf32>,
            %get3A_3004 = vector.shape_cast %get3A_3003 : vector<1x1x16xf32> to vector<16xf32>
            %add3A_3005 = arith.constant 240 : i32
            %add3A_3006 = arith.addi %mul3A_2787, %add3A_3005 : i32
            %get3A_3007 = arith.index_cast %select_n3A_2596 : i32 to index
            %get3A_3008 = arith.index_cast %select_n3A_2769 : i32 to index
            %get3A_3009 = arith.index_cast %add3A_3006 : i32 to index
            %get3A_3010 = tpu.vector_load %arg7[%get3A_3007, %get3A_3008, %get3A_3009] {strides = array<i32>} : memref<2x48x512xf32, #tpu.memory_space<vmem>>, vector<1x1x16xf32>,
            %get3A_3011 = vector.shape_cast %get3A_3010 : vector<1x1x16xf32> to vector<16xf32>
            %eq3A_3012 = arith.constant 0.000000e+00 : f32
            %eq3A_3013 = vector.broadcast %eq3A_3012 : f32 to vector<16xf32>
            %eq3A_3014 = arith.cmpf oeq, %get3A_2794, %eq3A_3013 : vector<16xf32>
            %select_n3A_3015 = arith.select %eq3A_3014, %get3A_2906, %get3A_2794 : vector<16xi1>, vector<16xf32>
            %eq3A_3016 = arith.constant 0.000000e+00 : f32
            %eq3A_3017 = vector.broadcast %eq3A_3016 : f32 to vector<16xf32>
            %eq3A_3018 = arith.cmpf oeq, %get3A_2801, %eq3A_3017 : vector<16xf32>
            %select_n3A_3019 = arith.select %eq3A_3018, %get3A_2913, %get3A_2801 : vector<16xi1>, vector<16xf32>
            %eq3A_3020 = arith.constant 0.000000e+00 : f32
            %eq3A_3021 = vector.broadcast %eq3A_3020 : f32 to vector<16xf32>
            %eq3A_3022 = arith.cmpf oeq, %get3A_2808, %eq3A_3021 : vector<16xf32>
            %select_n3A_3023 = arith.select %eq3A_3022, %get3A_2920, %get3A_2808 : vector<16xi1>, vector<16xf32>
            %eq3A_3024 = arith.constant 0.000000e+00 : f32
            %eq3A_3025 = vector.broadcast %eq3A_3024 : f32 to vector<16xf32>
            %eq3A_3026 = arith.cmpf oeq, %get3A_2815, %eq3A_3025 : vector<16xf32>
            %select_n3A_3027 = arith.select %eq3A_3026, %get3A_2927, %get3A_2815 : vector<16xi1>, vector<16xf32>
            %eq3A_3028 = arith.constant 0.000000e+00 : f32
            %eq3A_3029 = vector.broadcast %eq3A_3028 : f32 to vector<16xf32>
            %eq3A_3030 = arith.cmpf oeq, %get3A_2822, %eq3A_3029 : vector<16xf32>
            %select_n3A_3031 = arith.select %eq3A_3030, %get3A_2934, %get3A_2822 : vector<16xi1>, vector<16xf32>
            %eq3A_3032 = arith.constant 0.000000e+00 : f32
            %eq3A_3033 = vector.broadcast %eq3A_3032 : f32 to vector<16xf32>
            %eq3A_3034 = arith.cmpf oeq, %get3A_2829, %eq3A_3033 : vector<16xf32>
            %select_n3A_3035 = arith.select %eq3A_3034, %get3A_2941, %get3A_2829 : vector<16xi1>, vector<16xf32>
            %eq3A_3036 = arith.constant 0.000000e+00 : f32
            %eq3A_3037 = vector.broadcast %eq3A_3036 : f32 to vector<16xf32>
            %eq3A_3038 = arith.cmpf oeq, %get3A_2836, %eq3A_3037 : vector<16xf32>
            %select_n3A_3039 = arith.select %eq3A_3038, %get3A_2948, %get3A_2836 : vector<16xi1>, vector<16xf32>
            %eq3A_3040 = arith.constant 0.000000e+00 : f32
            %eq3A_3041 = vector.broadcast %eq3A_3040 : f32 to vector<16xf32>
            %eq3A_3042 = arith.cmpf oeq, %get3A_2843, %eq3A_3041 : vector<16xf32>
            %select_n3A_3043 = arith.select %eq3A_3042, %get3A_2955, %get3A_2843 : vector<16xi1>, vector<16xf32>
            %eq3A_3044 = arith.constant 0.000000e+00 : f32
            %eq3A_3045 = vector.broadcast %eq3A_3044 : f32 to vector<16xf32>
            %eq3A_3046 = arith.cmpf oeq, %get3A_2850, %eq3A_3045 : vector<16xf32>
            %select_n3A_3047 = arith.select %eq3A_3046, %get3A_2962, %get3A_2850 : vector<16xi1>, vector<16xf32>
            %eq3A_3048 = arith.constant 0.000000e+00 : f32
            %eq3A_3049 = vector.broadcast %eq3A_3048 : f32 to vector<16xf32>
            %eq3A_3050 = arith.cmpf oeq, %get3A_2857, %eq3A_3049 : vector<16xf32>
            %select_n3A_3051 = arith.select %eq3A_3050, %get3A_2969, %get3A_2857 : vector<16xi1>, vector<16xf32>
            %eq3A_3052 = arith.constant 0.000000e+00 : f32
            %eq3A_3053 = vector.broadcast %eq3A_3052 : f32 to vector<16xf32>
            %eq3A_3054 = arith.cmpf oeq, %get3A_2864, %eq3A_3053 : vector<16xf32>
            %select_n3A_3055 = arith.select %eq3A_3054, %get3A_2976, %get3A_2864 : vector<16xi1>, vector<16xf32>
            %eq3A_3056 = arith.constant 0.000000e+00 : f32
            %eq3A_3057 = vector.broadcast %eq3A_3056 : f32 to vector<16xf32>
            %eq3A_3058 = arith.cmpf oeq, %get3A_2871, %eq3A_3057 : vector<16xf32>
            %select_n3A_3059 = arith.select %eq3A_3058, %get3A_2983, %get3A_2871 : vector<16xi1>, vector<16xf32>
            %eq3A_3060 = arith.constant 0.000000e+00 : f32
            %eq3A_3061 = vector.broadcast %eq3A_3060 : f32 to vector<16xf32>
            %eq3A_3062 = arith.cmpf oeq, %get3A_2878, %eq3A_3061 : vector<16xf32>
            %select_n3A_3063 = arith.select %eq3A_3062, %get3A_2990, %get3A_2878 : vector<16xi1>, vector<16xf32>
            %eq3A_3064 = arith.constant 0.000000e+00 : f32
            %eq3A_3065 = vector.broadcast %eq3A_3064 : f32 to vector<16xf32>
            %eq3A_3066 = arith.cmpf oeq, %get3A_2885, %eq3A_3065 : vector<16xf32>
            %select_n3A_3067 = arith.select %eq3A_3066, %get3A_2997, %get3A_2885 : vector<16xi1>, vector<16xf32>
            %eq3A_3068 = arith.constant 0.000000e+00 : f32
            %eq3A_3069 = vector.broadcast %eq3A_3068 : f32 to vector<16xf32>
            %eq3A_3070 = arith.cmpf oeq, %get3A_2892, %eq3A_3069 : vector<16xf32>
            %select_n3A_3071 = arith.select %eq3A_3070, %get3A_3004, %get3A_2892 : vector<16xi1>, vector<16xf32>
            %eq3A_3072 = arith.constant 0.000000e+00 : f32
            %eq3A_3073 = vector.broadcast %eq3A_3072 : f32 to vector<16xf32>
            %eq3A_3074 = arith.cmpf oeq, %get3A_2899, %eq3A_3073 : vector<16xf32>
            %select_n3A_3075 = arith.select %eq3A_3074, %get3A_3011, %get3A_2899 : vector<16xi1>, vector<16xf32>
            %add3A_3076 = arith.constant 0 : i32
            %add3A_3077 = arith.addi %mul3A_2787, %add3A_3076 : i32
            %swap3A_3078 = arith.index_cast %select_n3A_2596 : i32 to index
            %swap3A_3079 = arith.index_cast %select_n3A_2769 : i32 to index
            %swap3A_3080 = arith.index_cast %add3A_3077 : i32 to index
            %swap3A_3081 = tpu.vector_load %arg7[%swap3A_3078, %swap3A_3079, %swap3A_3080] {strides = array<i32>} : memref<2x48x512xf32, #tpu.memory_space<vmem>>, vector<1x1x16xf32>,
            %swap3A_3082 = vector.shape_cast %swap3A_3081 : vector<1x1x16xf32> to vector<16xf32>
            %swap3A_3083 = vector.shape_cast %select_n3A_3015 : vector<16xf32> to vector<1x1x16xf32>
            tpu.vector_store %arg7[%swap3A_3078, %swap3A_3079, %swap3A_3080], %swap3A_3083 {strides = array<i32>} : memref<2x48x512xf32, #tpu.memory_space<vmem>>, vector<1x1x16xf32>,
            %add3A_3084 = arith.constant 16 : i32
            %add3A_3085 = arith.addi %mul3A_2787, %add3A_3084 : i32
            %swap3A_3086 = arith.index_cast %select_n3A_2596 : i32 to index
            %swap3A_3087 = arith.index_cast %select_n3A_2769 : i32 to index
            %swap3A_3088 = arith.index_cast %add3A_3085 : i32 to index
            %swap3A_3089 = tpu.vector_load %arg7[%swap3A_3086, %swap3A_3087, %swap3A_3088] {strides = array<i32>} : memref<2x48x512xf32, #tpu.memory_space<vmem>>, vector<1x1x16xf32>,
            %swap3A_3090 = vector.shape_cast %swap3A_3089 : vector<1x1x16xf32> to vector<16xf32>
            %swap3A_3091 = vector.shape_cast %select_n3A_3019 : vector<16xf32> to vector<1x1x16xf32>
            tpu.vector_store %arg7[%swap3A_3086, %swap3A_3087, %swap3A_3088], %swap3A_3091 {strides = array<i32>} : memref<2x48x512xf32, #tpu.memory_space<vmem>>, vector<1x1x16xf32>,
            %add3A_3092 = arith.constant 32 : i32
            %add3A_3093 = arith.addi %mul3A_2787, %add3A_3092 : i32
            %swap3A_3094 = arith.index_cast %select_n3A_2596 : i32 to index
            %swap3A_3095 = arith.index_cast %select_n3A_2769 : i32 to index
            %swap3A_3096 = arith.index_cast %add3A_3093 : i32 to index
            %swap3A_3097 = tpu.vector_load %arg7[%swap3A_3094, %swap3A_3095, %swap3A_3096] {strides = array<i32>} : memref<2x48x512xf32, #tpu.memory_space<vmem>>, vector<1x1x16xf32>,
            %swap3A_3098 = vector.shape_cast %swap3A_3097 : vector<1x1x16xf32> to vector<16xf32>
            %swap3A_3099 = vector.shape_cast %select_n3A_3023 : vector<16xf32> to vector<1x1x16xf32>
            tpu.vector_store %arg7[%swap3A_3094, %swap3A_3095, %swap3A_3096], %swap3A_3099 {strides = array<i32>} : memref<2x48x512xf32, #tpu.memory_space<vmem>>, vector<1x1x16xf32>,
            %add3A_3100 = arith.constant 48 : i32
            %add3A_3101 = arith.addi %mul3A_2787, %add3A_3100 : i32
            %swap3A_3102 = arith.index_cast %select_n3A_2596 : i32 to index
            %swap3A_3103 = arith.index_cast %select_n3A_2769 : i32 to index
            %swap3A_3104 = arith.index_cast %add3A_3101 : i32 to index
            %swap3A_3105 = tpu.vector_load %arg7[%swap3A_3102, %swap3A_3103, %swap3A_3104] {strides = array<i32>} : memref<2x48x512xf32, #tpu.memory_space<vmem>>, vector<1x1x16xf32>,
            %swap3A_3106 = vector.shape_cast %swap3A_3105 : vector<1x1x16xf32> to vector<16xf32>
            %swap3A_3107 = vector.shape_cast %select_n3A_3027 : vector<16xf32> to vector<1x1x16xf32>
            tpu.vector_store %arg7[%swap3A_3102, %swap3A_3103, %swap3A_3104], %swap3A_3107 {strides = array<i32>} : memref<2x48x512xf32, #tpu.memory_space<vmem>>, vector<1x1x16xf32>,
            %add3A_3108 = arith.constant 64 : i32
            %add3A_3109 = arith.addi %mul3A_2787, %add3A_3108 : i32
            %swap3A_3110 = arith.index_cast %select_n3A_2596 : i32 to index
            %swap3A_3111 = arith.index_cast %select_n3A_2769 : i32 to index
            %swap3A_3112 = arith.index_cast %add3A_3109 : i32 to index
            %swap3A_3113 = tpu.vector_load %arg7[%swap3A_3110, %swap3A_3111, %swap3A_3112] {strides = array<i32>} : memref<2x48x512xf32, #tpu.memory_space<vmem>>, vector<1x1x16xf32>,
            %swap3A_3114 = vector.shape_cast %swap3A_3113 : vector<1x1x16xf32> to vector<16xf32>
            %swap3A_3115 = vector.shape_cast %select_n3A_3031 : vector<16xf32> to vector<1x1x16xf32>
            tpu.vector_store %arg7[%swap3A_3110, %swap3A_3111, %swap3A_3112], %swap3A_3115 {strides = array<i32>} : memref<2x48x512xf32, #tpu.memory_space<vmem>>, vector<1x1x16xf32>,
            %add3A_3116 = arith.constant 80 : i32
            %add3A_3117 = arith.addi %mul3A_2787, %add3A_3116 : i32
            %swap3A_3118 = arith.index_cast %select_n3A_2596 : i32 to index
            %swap3A_3119 = arith.index_cast %select_n3A_2769 : i32 to index
            %swap3A_3120 = arith.index_cast %add3A_3117 : i32 to index
            %swap3A_3121 = tpu.vector_load %arg7[%swap3A_3118, %swap3A_3119, %swap3A_3120] {strides = array<i32>} : memref<2x48x512xf32, #tpu.memory_space<vmem>>, vector<1x1x16xf32>,
            %swap3A_3122 = vector.shape_cast %swap3A_3121 : vector<1x1x16xf32> to vector<16xf32>
            %swap3A_3123 = vector.shape_cast %select_n3A_3035 : vector<16xf32> to vector<1x1x16xf32>
            tpu.vector_store %arg7[%swap3A_3118, %swap3A_3119, %swap3A_3120], %swap3A_3123 {strides = array<i32>} : memref<2x48x512xf32, #tpu.memory_space<vmem>>, vector<1x1x16xf32>,
            %add3A_3124 = arith.constant 96 : i32
            %add3A_3125 = arith.addi %mul3A_2787, %add3A_3124 : i32
            %swap3A_3126 = arith.index_cast %select_n3A_2596 : i32 to index
            %swap3A_3127 = arith.index_cast %select_n3A_2769 : i32 to index
            %swap3A_3128 = arith.index_cast %add3A_3125 : i32 to index
            %swap3A_3129 = tpu.vector_load %arg7[%swap3A_3126, %swap3A_3127, %swap3A_3128] {strides = array<i32>} : memref<2x48x512xf32, #tpu.memory_space<vmem>>, vector<1x1x16xf32>,
            %swap3A_3130 = vector.shape_cast %swap3A_3129 : vector<1x1x16xf32> to vector<16xf32>
            %swap3A_3131 = vector.shape_cast %select_n3A_3039 : vector<16xf32> to vector<1x1x16xf32>
            tpu.vector_store %arg7[%swap3A_3126, %swap3A_3127, %swap3A_3128], %swap3A_3131 {strides = array<i32>} : memref<2x48x512xf32, #tpu.memory_space<vmem>>, vector<1x1x16xf32>,
            %add3A_3132 = arith.constant 112 : i32
            %add3A_3133 = arith.addi %mul3A_2787, %add3A_3132 : i32
            %swap3A_3134 = arith.index_cast %select_n3A_2596 : i32 to index
            %swap3A_3135 = arith.index_cast %select_n3A_2769 : i32 to index
            %swap3A_3136 = arith.index_cast %add3A_3133 : i32 to index
            %swap3A_3137 = tpu.vector_load %arg7[%swap3A_3134, %swap3A_3135, %swap3A_3136] {strides = array<i32>} : memref<2x48x512xf32, #tpu.memory_space<vmem>>, vector<1x1x16xf32>,
            %swap3A_3138 = vector.shape_cast %swap3A_3137 : vector<1x1x16xf32> to vector<16xf32>
            %swap3A_3139 = vector.shape_cast %select_n3A_3043 : vector<16xf32> to vector<1x1x16xf32>
            tpu.vector_store %arg7[%swap3A_3134, %swap3A_3135, %swap3A_3136], %swap3A_3139 {strides = array<i32>} : memref<2x48x512xf32, #tpu.memory_space<vmem>>, vector<1x1x16xf32>,
            %add3A_3140 = arith.constant 128 : i32
            %add3A_3141 = arith.addi %mul3A_2787, %add3A_3140 : i32
            %swap3A_3142 = arith.index_cast %select_n3A_2596 : i32 to index
            %swap3A_3143 = arith.index_cast %select_n3A_2769 : i32 to index
            %swap3A_3144 = arith.index_cast %add3A_3141 : i32 to index
            %swap3A_3145 = tpu.vector_load %arg7[%swap3A_3142, %swap3A_3143, %swap3A_3144] {strides = array<i32>} : memref<2x48x512xf32, #tpu.memory_space<vmem>>, vector<1x1x16xf32>,
            %swap3A_3146 = vector.shape_cast %swap3A_3145 : vector<1x1x16xf32> to vector<16xf32>
            %swap3A_3147 = vector.shape_cast %select_n3A_3047 : vector<16xf32> to vector<1x1x16xf32>
            tpu.vector_store %arg7[%swap3A_3142, %swap3A_3143, %swap3A_3144], %swap3A_3147 {strides = array<i32>} : memref<2x48x512xf32, #tpu.memory_space<vmem>>, vector<1x1x16xf32>,
            %add3A_3148 = arith.constant 144 : i32
            %add3A_3149 = arith.addi %mul3A_2787, %add3A_3148 : i32
            %swap3A_3150 = arith.index_cast %select_n3A_2596 : i32 to index
            %swap3A_3151 = arith.index_cast %select_n3A_2769 : i32 to index
            %swap3A_3152 = arith.index_cast %add3A_3149 : i32 to index
            %swap3A_3153 = tpu.vector_load %arg7[%swap3A_3150, %swap3A_3151, %swap3A_3152] {strides = array<i32>} : memref<2x48x512xf32, #tpu.memory_space<vmem>>, vector<1x1x16xf32>,
            %swap3A_3154 = vector.shape_cast %swap3A_3153 : vector<1x1x16xf32> to vector<16xf32>
            %swap3A_3155 = vector.shape_cast %select_n3A_3051 : vector<16xf32> to vector<1x1x16xf32>
            tpu.vector_store %arg7[%swap3A_3150, %swap3A_3151, %swap3A_3152], %swap3A_3155 {strides = array<i32>} : memref<2x48x512xf32, #tpu.memory_space<vmem>>, vector<1x1x16xf32>,
            %add3A_3156 = arith.constant 160 : i32
            %add3A_3157 = arith.addi %mul3A_2787, %add3A_3156 : i32
            %swap3A_3158 = arith.index_cast %select_n3A_2596 : i32 to index
            %swap3A_3159 = arith.index_cast %select_n3A_2769 : i32 to index
            %swap3A_3160 = arith.index_cast %add3A_3157 : i32 to index
            %swap3A_3161 = tpu.vector_load %arg7[%swap3A_3158, %swap3A_3159, %swap3A_3160] {strides = array<i32>} : memref<2x48x512xf32, #tpu.memory_space<vmem>>, vector<1x1x16xf32>,
            %swap3A_3162 = vector.shape_cast %swap3A_3161 : vector<1x1x16xf32> to vector<16xf32>
            %swap3A_3163 = vector.shape_cast %select_n3A_3055 : vector<16xf32> to vector<1x1x16xf32>
            tpu.vector_store %arg7[%swap3A_3158, %swap3A_3159, %swap3A_3160], %swap3A_3163 {strides = array<i32>} : memref<2x48x512xf32, #tpu.memory_space<vmem>>, vector<1x1x16xf32>,
            %add3A_3164 = arith.constant 176 : i32
            %add3A_3165 = arith.addi %mul3A_2787, %add3A_3164 : i32
            %swap3A_3166 = arith.index_cast %select_n3A_2596 : i32 to index
            %swap3A_3167 = arith.index_cast %select_n3A_2769 : i32 to index
            %swap3A_3168 = arith.index_cast %add3A_3165 : i32 to index
            %swap3A_3169 = tpu.vector_load %arg7[%swap3A_3166, %swap3A_3167, %swap3A_3168] {strides = array<i32>} : memref<2x48x512xf32, #tpu.memory_space<vmem>>, vector<1x1x16xf32>,
            %swap3A_3170 = vector.shape_cast %swap3A_3169 : vector<1x1x16xf32> to vector<16xf32>
            %swap3A_3171 = vector.shape_cast %select_n3A_3059 : vector<16xf32> to vector<1x1x16xf32>
            tpu.vector_store %arg7[%swap3A_3166, %swap3A_3167, %swap3A_3168], %swap3A_3171 {strides = array<i32>} : memref<2x48x512xf32, #tpu.memory_space<vmem>>, vector<1x1x16xf32>,
            %add3A_3172 = arith.constant 192 : i32
            %add3A_3173 = arith.addi %mul3A_2787, %add3A_3172 : i32
            %swap3A_3174 = arith.index_cast %select_n3A_2596 : i32 to index
            %swap3A_3175 = arith.index_cast %select_n3A_2769 : i32 to index
            %swap3A_3176 = arith.index_cast %add3A_3173 : i32 to index
            %swap3A_3177 = tpu.vector_load %arg7[%swap3A_3174, %swap3A_3175, %swap3A_3176] {strides = array<i32>} : memref<2x48x512xf32, #tpu.memory_space<vmem>>, vector<1x1x16xf32>,
            %swap3A_3178 = vector.shape_cast %swap3A_3177 : vector<1x1x16xf32> to vector<16xf32>
            %swap3A_3179 = vector.shape_cast %select_n3A_3063 : vector<16xf32> to vector<1x1x16xf32>
            tpu.vector_store %arg7[%swap3A_3174, %swap3A_3175, %swap3A_3176], %swap3A_3179 {strides = array<i32>} : memref<2x48x512xf32, #tpu.memory_space<vmem>>, vector<1x1x16xf32>,
            %add3A_3180 = arith.constant 208 : i32
            %add3A_3181 = arith.addi %mul3A_2787, %add3A_3180 : i32
            %swap3A_3182 = arith.index_cast %select_n3A_2596 : i32 to index
            %swap3A_3183 = arith.index_cast %select_n3A_2769 : i32 to index
            %swap3A_3184 = arith.index_cast %add3A_3181 : i32 to index
            %swap3A_3185 = tpu.vector_load %arg7[%swap3A_3182, %swap3A_3183, %swap3A_3184] {strides = array<i32>} : memref<2x48x512xf32, #tpu.memory_space<vmem>>, vector<1x1x16xf32>,
            %swap3A_3186 = vector.shape_cast %swap3A_3185 : vector<1x1x16xf32> to vector<16xf32>
            %swap3A_3187 = vector.shape_cast %select_n3A_3067 : vector<16xf32> to vector<1x1x16xf32>
            tpu.vector_store %arg7[%swap3A_3182, %swap3A_3183, %swap3A_3184], %swap3A_3187 {strides = array<i32>} : memref<2x48x512xf32, #tpu.memory_space<vmem>>, vector<1x1x16xf32>,
            %add3A_3188 = arith.constant 224 : i32
            %add3A_3189 = arith.addi %mul3A_2787, %add3A_3188 : i32
            %swap3A_3190 = arith.index_cast %select_n3A_2596 : i32 to index
            %swap3A_3191 = arith.index_cast %select_n3A_2769 : i32 to index
            %swap3A_3192 = arith.index_cast %add3A_3189 : i32 to index
            %swap3A_3193 = tpu.vector_load %arg7[%swap3A_3190, %swap3A_3191, %swap3A_3192] {strides = array<i32>} : memref<2x48x512xf32, #tpu.memory_space<vmem>>, vector<1x1x16xf32>,
            %swap3A_3194 = vector.shape_cast %swap3A_3193 : vector<1x1x16xf32> to vector<16xf32>
            %swap3A_3195 = vector.shape_cast %select_n3A_3071 : vector<16xf32> to vector<1x1x16xf32>
            tpu.vector_store %arg7[%swap3A_3190, %swap3A_3191, %swap3A_3192], %swap3A_3195 {strides = array<i32>} : memref<2x48x512xf32, #tpu.memory_space<vmem>>, vector<1x1x16xf32>,
            %add3A_3196 = arith.constant 240 : i32
            %add3A_3197 = arith.addi %mul3A_2787, %add3A_3196 : i32
            %swap3A_3198 = arith.index_cast %select_n3A_2596 : i32 to index
            %swap3A_3199 = arith.index_cast %select_n3A_2769 : i32 to index
            %swap3A_3200 = arith.index_cast %add3A_3197 : i32 to index
            %swap3A_3201 = tpu.vector_load %arg7[%swap3A_3198, %swap3A_3199, %swap3A_3200] {strides = array<i32>} : memref<2x48x512xf32, #tpu.memory_space<vmem>>, vector<1x1x16xf32>,
            %swap3A_3202 = vector.shape_cast %swap3A_3201 : vector<1x1x16xf32> to vector<16xf32>
            %swap3A_3203 = vector.shape_cast %select_n3A_3075 : vector<16xf32> to vector<1x1x16xf32>
            tpu.vector_store %arg7[%swap3A_3198, %swap3A_3199, %swap3A_3200], %swap3A_3203 {strides = array<i32>} : memref<2x48x512xf32, #tpu.memory_space<vmem>>, vector<1x1x16xf32>,
          }
          %scan3A_2741 = arith.constant 96 : i32
        }
        %while3A_2692 = arith.constant 1 : i32
        scf.for %while3A_2693 = %while3A_2690 to %while3A_2686 step %while3A_2692  : i32 {
          %mul3A_2694 = arith.muli %while3A_2693, %while3A : i32
          %add3A_2695 = arith.addi %while3A_2683, %mul3A_2694 : i32
          %jit3A_2696 = arith.constant 2 : i32
          %eq3A_2697 = arith.constant 0 : i32
          %eq3A_2698 = arith.cmpi eq, %jit3A_2696, %eq3A_2697 : i32
          %jit3A_2699 = arith.constant 1 : i32
          %select_n3A_2700 = arith.select %eq3A_2698, %jit3A_2699, %jit3A_2696 : i32
          %rem3A_2701 = arith.remsi %add3A_2695, %select_n3A_2700 : i32
          %ne3A_2702 = arith.constant 0 : i32
          %ne3A_2703 = arith.cmpi ne, %rem3A_2701, %ne3A_2702 : i32
          %lt3A_2704 = arith.constant 0 : i32
          %lt3A_2705 = arith.cmpi slt, %rem3A_2701, %lt3A_2704 : i32
          %lt3A_2706 = arith.constant 0 : i32
          %lt3A_2707 = arith.cmpi slt, %select_n3A_2700, %lt3A_2706 : i32
          %ne3A_2708 = arith.xori %lt3A_2705, %lt3A_2707 : i1
          %and3A_2709 = arith.andi %ne3A_2708, %ne3A_2703 : i1
          %add3A_2710 = arith.addi %rem3A_2701, %select_n3A_2700 : i32
          %select_n3A_2711 = arith.select %and3A_2709, %add3A_2710, %rem3A_2701 : i32
          %add3A_2712 = arith.constant 1 : i32
          %add3A_2713 = arith.addi %add3A_2695, %add3A_2712 : i32
          %lt3A_2714 = arith.cmpi slt, %add3A_2713, %sub3A_2635 : i32
          %convert_element_type3A_2715 = arith.extui %lt3A_2714 : i1 to i32
          %cond3A_2716 = arith.constant 0 : i32
          %cond3A_2717 = arith.cmpi ne, %convert_element_type3A_2715, %cond3A_2716 : i32
          scf.if %cond3A_2717 {
            %add3A_2742 = arith.addi %get3A_2628, %add3A_2695 : i32
            %add3A_2743 = arith.constant 1 : i32
            %add3A_2744 = arith.addi %add3A_2742, %add3A_2743 : i32
            %sub3A_2745 = arith.constant 1 : i32
            %sub3A_2746 = arith.subi %sub3A_2745, %select_n3A_2711 : i32
            %get3A_2747 = arith.index_cast %add3A_2744 : i32 to index
            %get3A_2748 = memref.load %arg10[%get3A_2747] : memref<64xi32, #tpu.memory_space<smem>>
            %dma_start3A_2749 = arith.constant 0 : i32
            %dma_start3A_2750 = arith.constant 0 : i32
            %dma_start3A_2751 = tpu.memref_slice %arg8[%sub3A_2746, %dma_start3A_2749, %dma_start3A_2750] : memref<2x48x512xf32, #tpu.memory_space<vmem>> -> memref<1x48x512xf32, #tpu.memory_space<vmem>>
            %dma_start3A_2752 = tpu.memref_squeeze %dma_start3A_2751 : memref<1x48x512xf32, #tpu.memory_space<vmem>> -> memref<48x512xf32, #tpu.memory_space<vmem>>
            %dma_start3A_2753 = arith.constant 0 : i32
            %dma_start3A_2754 = tpu.memref_slice %arg3[%get3A_2748, %mul3A_2, %dma_start3A_2753] : memref<64x1536x512xf32, #tpu.memory_space<hbm>> -> memref<1x48x512xf32, #tpu.memory_space<hbm>>
            %dma_start3A_2755 = tpu.memref_squeeze %dma_start3A_2754 : memref<1x48x512xf32, #tpu.memory_space<hbm>> -> memref<48x512xf32, #tpu.memory_space<hbm>>
            %dma_start3A_2756 = tpu.memref_slice %arg14[%sub3A_2746] : memref<2x!tpu.dma_semaphore, #tpu.memory_space<semaphore_mem>> -> memref<1x!tpu.dma_semaphore, #tpu.memory_space<semaphore_mem>>
            %dma_start3A_2757 = tpu.memref_squeeze %dma_start3A_2756 : memref<1x!tpu.dma_semaphore, #tpu.memory_space<semaphore_mem>> -> memref<!tpu.dma_semaphore, #tpu.memory_space<semaphore_mem>>
            %dma_start3A_2758 = arith.constant 0 : i32
            %dma_start3A_2759 = arith.constant 0 : i32
            %dma_start3A_2760 = tpu.memref_slice %arg8[%sub3A_2746, %dma_start3A_2758, %dma_start3A_2759] : memref<2x48x512xf32, #tpu.memory_space<vmem>> -> memref<1x48x512xf32, #tpu.memory_space<vmem>>
            %dma_start3A_2761 = tpu.memref_squeeze %dma_start3A_2760 : memref<1x48x512xf32, #tpu.memory_space<vmem>> -> memref<48x512xf32, #tpu.memory_space<vmem>>
            %dma_start3A_2762 = arith.constant 0 : i32
            %dma_start3A_2763 = tpu.memref_slice %arg3[%get3A_2748, %mul3A_2, %dma_start3A_2762] : memref<64x1536x512xf32, #tpu.memory_space<hbm>> -> memref<1x48x512xf32, #tpu.memory_space<hbm>>
            %dma_start3A_2764 = tpu.memref_squeeze %dma_start3A_2763 : memref<1x48x512xf32, #tpu.memory_space<hbm>> -> memref<48x512xf32, #tpu.memory_space<hbm>>
            tpu.enqueue_dma source(%dma_start3A_2764 : memref<48x512xf32, #tpu.memory_space<hbm>>) target(%dma_start3A_2761 : memref<48x512xf32, #tpu.memory_space<vmem>>) target_semaphore(%dma_start3A_2757 : memref<!tpu.dma_semaphore, #tpu.memory_space<semaphore_mem>>)
          } else {
          }
          %add3A_2718 = arith.addi %get3A_2628, %add3A_2695 : i32
          %get3A_2719 = arith.index_cast %add3A_2718 : i32 to index
          %get3A_2720 = memref.load %arg10[%get3A_2719] : memref<64xi32, #tpu.memory_space<smem>>
          %dma_wait3A_2721 = arith.constant 0 : i32
          %dma_wait3A_2722 = arith.constant 0 : i32
          %dma_wait3A_2723 = tpu.memref_slice %arg8[%select_n3A_2711, %dma_wait3A_2721, %dma_wait3A_2722] : memref<2x48x512xf32, #tpu.memory_space<vmem>> -> memref<1x48x512xf32, #tpu.memory_space<vmem>>
          %dma_wait3A_2724 = tpu.memref_squeeze %dma_wait3A_2723 : memref<1x48x512xf32, #tpu.memory_space<vmem>> -> memref<48x512xf32, #tpu.memory_space<vmem>>
          %dma_wait3A_2725 = arith.constant 0 : i32
          %dma_wait3A_2726 = tpu.memref_slice %arg3[%get3A_2720, %mul3A_2, %dma_wait3A_2725] : memref<64x1536x512xf32, #tpu.memory_space<hbm>> -> memref<1x48x512xf32, #tpu.memory_space<hbm>>
          %dma_wait3A_2727 = tpu.memref_squeeze %dma_wait3A_2726 : memref<1x48x512xf32, #tpu.memory_space<hbm>> -> memref<48x512xf32, #tpu.memory_space<hbm>>
          %dma_wait3A_2728 = tpu.memref_slice %arg14[%select_n3A_2711] : memref<2x!tpu.dma_semaphore, #tpu.memory_space<semaphore_mem>> -> memref<1x!tpu.dma_semaphore, #tpu.memory_space<semaphore_mem>>
          %dma_wait3A_2729 = tpu.memref_squeeze %dma_wait3A_2728 : memref<1x!tpu.dma_semaphore, #tpu.memory_space<semaphore_mem>> -> memref<!tpu.dma_semaphore, #tpu.memory_space<semaphore_mem>>
          %dma_wait3A_2730 = arith.constant 0 : i32
          %dma_wait3A_2731 = arith.constant 0 : i32
          %dma_wait3A_2732 = tpu.memref_slice %arg8[%select_n3A_2711, %dma_wait3A_2730, %dma_wait3A_2731] : memref<2x48x512xf32, #tpu.memory_space<vmem>> -> memref<1x48x512xf32, #tpu.memory_space<vmem>>
          %dma_wait3A_2733 = tpu.memref_squeeze %dma_wait3A_2732 : memref<1x48x512xf32, #tpu.memory_space<vmem>> -> memref<48x512xf32, #tpu.memory_space<vmem>>
          %dma_wait3A_2734 = arith.constant 0 : i32
          %dma_wait3A_2735 = tpu.memref_slice %arg3[%get3A_2720, %mul3A_2, %dma_wait3A_2734] : memref<64x1536x512xf32, #tpu.memory_space<hbm>> -> memref<1x48x512xf32, #tpu.memory_space<hbm>>
          %dma_wait3A_2736 = tpu.memref_squeeze %dma_wait3A_2735 : memref<1x48x512xf32, #tpu.memory_space<hbm>> -> memref<48x512xf32, #tpu.memory_space<hbm>>
          tpu.wait_dma2 semaphore(%dma_wait3A_2729 : memref<!tpu.dma_semaphore, #tpu.memory_space<semaphore_mem>>) src(%dma_wait3A_2736 : memref<48x512xf32, #tpu.memory_space<hbm>>) dst(%dma_wait3A_2733 : memref<48x512xf32, #tpu.memory_space<vmem>>)
          %scan3A_2737 = arith.constant 0 : i32
          %scan3A_2738 = arith.constant 96 : i32
          %scan3A_2739 = arith.addi %scan3A_2737, %scan3A_2738 : i32
          %scan3A_2740 = arith.constant 1 : i32
          scf.for %scan3A_2742 = %scan3A_2737 to %scan3A_2739 step %scan3A_2740  : i32 {
            %mul3A_2743 = arith.constant 1 : i32
            %mul3A_2744 = arith.muli %scan3A_2742, %mul3A_2743 : i32
            %add3A_2745 = arith.constant 0 : i32
            %add3A_2746 = arith.addi %add3A_2745, %mul3A_2744 : i32
            %jit3A_2747 = arith.constant 2 : i32
            %div3A_2748 = arith.divsi %add3A_2746, %jit3A_2747 : i32
            %sign3A = arith.constant 0 : i32
            %sign3A_2749 = arith.cmpi sgt, %add3A_2746, %sign3A : i32
            %sign3A_2750 = arith.extui %sign3A_2749 : i1 to i32
            %sign3A_2751 = arith.constant 0 : i32
            %sign3A_2752 = arith.cmpi slt, %add3A_2746, %sign3A_2751 : i32
            %sign3A_2753 = arith.extui %sign3A_2752 : i1 to i32
            %sign3A_2754 = arith.subi %sign3A_2750, %sign3A_2753 : i32
            %sign3A_2755 = arith.constant 0 : i32
            %sign3A_2756 = arith.cmpi sgt, %jit3A_2747, %sign3A_2755 : i32
            %sign3A_2757 = arith.extui %sign3A_2756 : i1 to i32
            %sign3A_2758 = arith.constant 0 : i32
            %sign3A_2759 = arith.cmpi slt, %jit3A_2747, %sign3A_2758 : i32
            %sign3A_2760 = arith.extui %sign3A_2759 : i1 to i32
            %sign3A_2761 = arith.subi %sign3A_2757, %sign3A_2760 : i32
            %ne3A_2762 = arith.cmpi ne, %sign3A_2754, %sign3A_2761 : i32
            %rem3A_2763 = arith.remsi %add3A_2746, %jit3A_2747 : i32
            %ne3A_2764 = arith.constant 0 : i32
            %ne3A_2765 = arith.cmpi ne, %rem3A_2763, %ne3A_2764 : i32
            %and3A_2766 = arith.andi %ne3A_2762, %ne3A_2765 : i1
            %sub3A_2767 = arith.constant 1 : i32
            %sub3A_2768 = arith.subi %div3A_2748, %sub3A_2767 : i32
            %select_n3A_2769 = arith.select %and3A_2766, %sub3A_2768, %div3A_2748 : i32
            %jit3A_2770 = arith.constant 2 : i32
            %eq3A_2771 = arith.constant 0 : i32
            %eq3A_2772 = arith.cmpi eq, %jit3A_2770, %eq3A_2771 : i32
            %jit3A_2773 = arith.constant 1 : i32
            %select_n3A_2774 = arith.select %eq3A_2772, %jit3A_2773, %jit3A_2770 : i32
            %rem3A_2775 = arith.remsi %add3A_2746, %select_n3A_2774 : i32
            %ne3A_2776 = arith.constant 0 : i32
            %ne3A_2777 = arith.cmpi ne, %rem3A_2775, %ne3A_2776 : i32
            %lt3A_2778 = arith.constant 0 : i32
            %lt3A_2779 = arith.cmpi slt, %rem3A_2775, %lt3A_2778 : i32
            %lt3A_2780 = arith.constant 0 : i32
            %lt3A_2781 = arith.cmpi slt, %select_n3A_2774, %lt3A_2780 : i32
            %ne3A_2782 = arith.xori %lt3A_2779, %lt3A_2781 : i1
            %and3A_2783 = arith.andi %ne3A_2782, %ne3A_2777 : i1
            %add3A_2784 = arith.addi %rem3A_2775, %select_n3A_2774 : i32
            %select_n3A_2785 = arith.select %and3A_2783, %add3A_2784, %rem3A_2775 : i32
            %mul3A_2786 = arith.constant 256 : i32
            %mul3A_2787 = arith.muli %select_n3A_2785, %mul3A_2786 : i32
            %add3A_2788 = arith.constant 0 : i32
            %add3A_2789 = arith.addi %mul3A_2787, %add3A_2788 : i32
            %get3A_2790 = arith.index_cast %select_n3A_2711 : i32 to index
            %get3A_2791 = arith.index_cast %select_n3A_2769 : i32 to index
            %get3A_2792 = arith.index_cast %add3A_2789 : i32 to index
            %get3A_2793 = tpu.vector_load %arg8[%get3A_2790, %get3A_2791, %get3A_2792] {strides = array<i32>} : memref<2x48x512xf32, #tpu.memory_space<vmem>>, vector<1x1x16xf32>,
            %get3A_2794 = vector.shape_cast %get3A_2793 : vector<1x1x16xf32> to vector<16xf32>
            %add3A_2795 = arith.constant 16 : i32
            %add3A_2796 = arith.addi %mul3A_2787, %add3A_2795 : i32
            %get3A_2797 = arith.index_cast %select_n3A_2711 : i32 to index
            %get3A_2798 = arith.index_cast %select_n3A_2769 : i32 to index
            %get3A_2799 = arith.index_cast %add3A_2796 : i32 to index
            %get3A_2800 = tpu.vector_load %arg8[%get3A_2797, %get3A_2798, %get3A_2799] {strides = array<i32>} : memref<2x48x512xf32, #tpu.memory_space<vmem>>, vector<1x1x16xf32>,
            %get3A_2801 = vector.shape_cast %get3A_2800 : vector<1x1x16xf32> to vector<16xf32>
            %add3A_2802 = arith.constant 32 : i32
            %add3A_2803 = arith.addi %mul3A_2787, %add3A_2802 : i32
            %get3A_2804 = arith.index_cast %select_n3A_2711 : i32 to index
            %get3A_2805 = arith.index_cast %select_n3A_2769 : i32 to index
            %get3A_2806 = arith.index_cast %add3A_2803 : i32 to index
            %get3A_2807 = tpu.vector_load %arg8[%get3A_2804, %get3A_2805, %get3A_2806] {strides = array<i32>} : memref<2x48x512xf32, #tpu.memory_space<vmem>>, vector<1x1x16xf32>,
            %get3A_2808 = vector.shape_cast %get3A_2807 : vector<1x1x16xf32> to vector<16xf32>
            %add3A_2809 = arith.constant 48 : i32
            %add3A_2810 = arith.addi %mul3A_2787, %add3A_2809 : i32
            %get3A_2811 = arith.index_cast %select_n3A_2711 : i32 to index
            %get3A_2812 = arith.index_cast %select_n3A_2769 : i32 to index
            %get3A_2813 = arith.index_cast %add3A_2810 : i32 to index
            %get3A_2814 = tpu.vector_load %arg8[%get3A_2811, %get3A_2812, %get3A_2813] {strides = array<i32>} : memref<2x48x512xf32, #tpu.memory_space<vmem>>, vector<1x1x16xf32>,
            %get3A_2815 = vector.shape_cast %get3A_2814 : vector<1x1x16xf32> to vector<16xf32>
            %add3A_2816 = arith.constant 64 : i32
            %add3A_2817 = arith.addi %mul3A_2787, %add3A_2816 : i32
            %get3A_2818 = arith.index_cast %select_n3A_2711 : i32 to index
            %get3A_2819 = arith.index_cast %select_n3A_2769 : i32 to index
            %get3A_2820 = arith.index_cast %add3A_2817 : i32 to index
            %get3A_2821 = tpu.vector_load %arg8[%get3A_2818, %get3A_2819, %get3A_2820] {strides = array<i32>} : memref<2x48x512xf32, #tpu.memory_space<vmem>>, vector<1x1x16xf32>,
            %get3A_2822 = vector.shape_cast %get3A_2821 : vector<1x1x16xf32> to vector<16xf32>
            %add3A_2823 = arith.constant 80 : i32
            %add3A_2824 = arith.addi %mul3A_2787, %add3A_2823 : i32
            %get3A_2825 = arith.index_cast %select_n3A_2711 : i32 to index
            %get3A_2826 = arith.index_cast %select_n3A_2769 : i32 to index
            %get3A_2827 = arith.index_cast %add3A_2824 : i32 to index
            %get3A_2828 = tpu.vector_load %arg8[%get3A_2825, %get3A_2826, %get3A_2827] {strides = array<i32>} : memref<2x48x512xf32, #tpu.memory_space<vmem>>, vector<1x1x16xf32>,
            %get3A_2829 = vector.shape_cast %get3A_2828 : vector<1x1x16xf32> to vector<16xf32>
            %add3A_2830 = arith.constant 96 : i32
            %add3A_2831 = arith.addi %mul3A_2787, %add3A_2830 : i32
            %get3A_2832 = arith.index_cast %select_n3A_2711 : i32 to index
            %get3A_2833 = arith.index_cast %select_n3A_2769 : i32 to index
            %get3A_2834 = arith.index_cast %add3A_2831 : i32 to index
            %get3A_2835 = tpu.vector_load %arg8[%get3A_2832, %get3A_2833, %get3A_2834] {strides = array<i32>} : memref<2x48x512xf32, #tpu.memory_space<vmem>>, vector<1x1x16xf32>,
            %get3A_2836 = vector.shape_cast %get3A_2835 : vector<1x1x16xf32> to vector<16xf32>
            %add3A_2837 = arith.constant 112 : i32
            %add3A_2838 = arith.addi %mul3A_2787, %add3A_2837 : i32
            %get3A_2839 = arith.index_cast %select_n3A_2711 : i32 to index
            %get3A_2840 = arith.index_cast %select_n3A_2769 : i32 to index
            %get3A_2841 = arith.index_cast %add3A_2838 : i32 to index
            %get3A_2842 = tpu.vector_load %arg8[%get3A_2839, %get3A_2840, %get3A_2841] {strides = array<i32>} : memref<2x48x512xf32, #tpu.memory_space<vmem>>, vector<1x1x16xf32>,
            %get3A_2843 = vector.shape_cast %get3A_2842 : vector<1x1x16xf32> to vector<16xf32>
            %add3A_2844 = arith.constant 128 : i32
            %add3A_2845 = arith.addi %mul3A_2787, %add3A_2844 : i32
            %get3A_2846 = arith.index_cast %select_n3A_2711 : i32 to index
            %get3A_2847 = arith.index_cast %select_n3A_2769 : i32 to index
            %get3A_2848 = arith.index_cast %add3A_2845 : i32 to index
            %get3A_2849 = tpu.vector_load %arg8[%get3A_2846, %get3A_2847, %get3A_2848] {strides = array<i32>} : memref<2x48x512xf32, #tpu.memory_space<vmem>>, vector<1x1x16xf32>,
            %get3A_2850 = vector.shape_cast %get3A_2849 : vector<1x1x16xf32> to vector<16xf32>
            %add3A_2851 = arith.constant 144 : i32
            %add3A_2852 = arith.addi %mul3A_2787, %add3A_2851 : i32
            %get3A_2853 = arith.index_cast %select_n3A_2711 : i32 to index
            %get3A_2854 = arith.index_cast %select_n3A_2769 : i32 to index
            %get3A_2855 = arith.index_cast %add3A_2852 : i32 to index
            %get3A_2856 = tpu.vector_load %arg8[%get3A_2853, %get3A_2854, %get3A_2855] {strides = array<i32>} : memref<2x48x512xf32, #tpu.memory_space<vmem>>, vector<1x1x16xf32>,
            %get3A_2857 = vector.shape_cast %get3A_2856 : vector<1x1x16xf32> to vector<16xf32>
            %add3A_2858 = arith.constant 160 : i32
            %add3A_2859 = arith.addi %mul3A_2787, %add3A_2858 : i32
            %get3A_2860 = arith.index_cast %select_n3A_2711 : i32 to index
            %get3A_2861 = arith.index_cast %select_n3A_2769 : i32 to index
            %get3A_2862 = arith.index_cast %add3A_2859 : i32 to index
            %get3A_2863 = tpu.vector_load %arg8[%get3A_2860, %get3A_2861, %get3A_2862] {strides = array<i32>} : memref<2x48x512xf32, #tpu.memory_space<vmem>>, vector<1x1x16xf32>,
            %get3A_2864 = vector.shape_cast %get3A_2863 : vector<1x1x16xf32> to vector<16xf32>
            %add3A_2865 = arith.constant 176 : i32
            %add3A_2866 = arith.addi %mul3A_2787, %add3A_2865 : i32
            %get3A_2867 = arith.index_cast %select_n3A_2711 : i32 to index
            %get3A_2868 = arith.index_cast %select_n3A_2769 : i32 to index
            %get3A_2869 = arith.index_cast %add3A_2866 : i32 to index
            %get3A_2870 = tpu.vector_load %arg8[%get3A_2867, %get3A_2868, %get3A_2869] {strides = array<i32>} : memref<2x48x512xf32, #tpu.memory_space<vmem>>, vector<1x1x16xf32>,
            %get3A_2871 = vector.shape_cast %get3A_2870 : vector<1x1x16xf32> to vector<16xf32>
            %add3A_2872 = arith.constant 192 : i32
            %add3A_2873 = arith.addi %mul3A_2787, %add3A_2872 : i32
            %get3A_2874 = arith.index_cast %select_n3A_2711 : i32 to index
            %get3A_2875 = arith.index_cast %select_n3A_2769 : i32 to index
            %get3A_2876 = arith.index_cast %add3A_2873 : i32 to index
            %get3A_2877 = tpu.vector_load %arg8[%get3A_2874, %get3A_2875, %get3A_2876] {strides = array<i32>} : memref<2x48x512xf32, #tpu.memory_space<vmem>>, vector<1x1x16xf32>,
            %get3A_2878 = vector.shape_cast %get3A_2877 : vector<1x1x16xf32> to vector<16xf32>
            %add3A_2879 = arith.constant 208 : i32
            %add3A_2880 = arith.addi %mul3A_2787, %add3A_2879 : i32
            %get3A_2881 = arith.index_cast %select_n3A_2711 : i32 to index
            %get3A_2882 = arith.index_cast %select_n3A_2769 : i32 to index
            %get3A_2883 = arith.index_cast %add3A_2880 : i32 to index
            %get3A_2884 = tpu.vector_load %arg8[%get3A_2881, %get3A_2882, %get3A_2883] {strides = array<i32>} : memref<2x48x512xf32, #tpu.memory_space<vmem>>, vector<1x1x16xf32>,
            %get3A_2885 = vector.shape_cast %get3A_2884 : vector<1x1x16xf32> to vector<16xf32>
            %add3A_2886 = arith.constant 224 : i32
            %add3A_2887 = arith.addi %mul3A_2787, %add3A_2886 : i32
            %get3A_2888 = arith.index_cast %select_n3A_2711 : i32 to index
            %get3A_2889 = arith.index_cast %select_n3A_2769 : i32 to index
            %get3A_2890 = arith.index_cast %add3A_2887 : i32 to index
            %get3A_2891 = tpu.vector_load %arg8[%get3A_2888, %get3A_2889, %get3A_2890] {strides = array<i32>} : memref<2x48x512xf32, #tpu.memory_space<vmem>>, vector<1x1x16xf32>,
            %get3A_2892 = vector.shape_cast %get3A_2891 : vector<1x1x16xf32> to vector<16xf32>
            %add3A_2893 = arith.constant 240 : i32
            %add3A_2894 = arith.addi %mul3A_2787, %add3A_2893 : i32
            %get3A_2895 = arith.index_cast %select_n3A_2711 : i32 to index
            %get3A_2896 = arith.index_cast %select_n3A_2769 : i32 to index
            %get3A_2897 = arith.index_cast %add3A_2894 : i32 to index
            %get3A_2898 = tpu.vector_load %arg8[%get3A_2895, %get3A_2896, %get3A_2897] {strides = array<i32>} : memref<2x48x512xf32, #tpu.memory_space<vmem>>, vector<1x1x16xf32>,
            %get3A_2899 = vector.shape_cast %get3A_2898 : vector<1x1x16xf32> to vector<16xf32>
            %add3A_2900 = arith.constant 0 : i32
            %add3A_2901 = arith.addi %mul3A_2787, %add3A_2900 : i32
            %get3A_2902 = arith.index_cast %select_n3A_2596 : i32 to index
            %get3A_2903 = arith.index_cast %select_n3A_2769 : i32 to index
            %get3A_2904 = arith.index_cast %add3A_2901 : i32 to index
            %get3A_2905 = tpu.vector_load %arg7[%get3A_2902, %get3A_2903, %get3A_2904] {strides = array<i32>} : memref<2x48x512xf32, #tpu.memory_space<vmem>>, vector<1x1x16xf32>,
            %get3A_2906 = vector.shape_cast %get3A_2905 : vector<1x1x16xf32> to vector<16xf32>
            %add3A_2907 = arith.constant 16 : i32
            %add3A_2908 = arith.addi %mul3A_2787, %add3A_2907 : i32
            %get3A_2909 = arith.index_cast %select_n3A_2596 : i32 to index
            %get3A_2910 = arith.index_cast %select_n3A_2769 : i32 to index
            %get3A_2911 = arith.index_cast %add3A_2908 : i32 to index
            %get3A_2912 = tpu.vector_load %arg7[%get3A_2909, %get3A_2910, %get3A_2911] {strides = array<i32>} : memref<2x48x512xf32, #tpu.memory_space<vmem>>, vector<1x1x16xf32>,
            %get3A_2913 = vector.shape_cast %get3A_2912 : vector<1x1x16xf32> to vector<16xf32>
            %add3A_2914 = arith.constant 32 : i32
            %add3A_2915 = arith.addi %mul3A_2787, %add3A_2914 : i32
            %get3A_2916 = arith.index_cast %select_n3A_2596 : i32 to index
            %get3A_2917 = arith.index_cast %select_n3A_2769 : i32 to index
            %get3A_2918 = arith.index_cast %add3A_2915 : i32 to index
            %get3A_2919 = tpu.vector_load %arg7[%get3A_2916, %get3A_2917, %get3A_2918] {strides = array<i32>} : memref<2x48x512xf32, #tpu.memory_space<vmem>>, vector<1x1x16xf32>,
            %get3A_2920 = vector.shape_cast %get3A_2919 : vector<1x1x16xf32> to vector<16xf32>
            %add3A_2921 = arith.constant 48 : i32
            %add3A_2922 = arith.addi %mul3A_2787, %add3A_2921 : i32
            %get3A_2923 = arith.index_cast %select_n3A_2596 : i32 to index
            %get3A_2924 = arith.index_cast %select_n3A_2769 : i32 to index
            %get3A_2925 = arith.index_cast %add3A_2922 : i32 to index
            %get3A_2926 = tpu.vector_load %arg7[%get3A_2923, %get3A_2924, %get3A_2925] {strides = array<i32>} : memref<2x48x512xf32, #tpu.memory_space<vmem>>, vector<1x1x16xf32>,
            %get3A_2927 = vector.shape_cast %get3A_2926 : vector<1x1x16xf32> to vector<16xf32>
            %add3A_2928 = arith.constant 64 : i32
            %add3A_2929 = arith.addi %mul3A_2787, %add3A_2928 : i32
            %get3A_2930 = arith.index_cast %select_n3A_2596 : i32 to index
            %get3A_2931 = arith.index_cast %select_n3A_2769 : i32 to index
            %get3A_2932 = arith.index_cast %add3A_2929 : i32 to index
            %get3A_2933 = tpu.vector_load %arg7[%get3A_2930, %get3A_2931, %get3A_2932] {strides = array<i32>} : memref<2x48x512xf32, #tpu.memory_space<vmem>>, vector<1x1x16xf32>,
            %get3A_2934 = vector.shape_cast %get3A_2933 : vector<1x1x16xf32> to vector<16xf32>
            %add3A_2935 = arith.constant 80 : i32
            %add3A_2936 = arith.addi %mul3A_2787, %add3A_2935 : i32
            %get3A_2937 = arith.index_cast %select_n3A_2596 : i32 to index
            %get3A_2938 = arith.index_cast %select_n3A_2769 : i32 to index
            %get3A_2939 = arith.index_cast %add3A_2936 : i32 to index
            %get3A_2940 = tpu.vector_load %arg7[%get3A_2937, %get3A_2938, %get3A_2939] {strides = array<i32>} : memref<2x48x512xf32, #tpu.memory_space<vmem>>, vector<1x1x16xf32>,
            %get3A_2941 = vector.shape_cast %get3A_2940 : vector<1x1x16xf32> to vector<16xf32>
            %add3A_2942 = arith.constant 96 : i32
            %add3A_2943 = arith.addi %mul3A_2787, %add3A_2942 : i32
            %get3A_2944 = arith.index_cast %select_n3A_2596 : i32 to index
            %get3A_2945 = arith.index_cast %select_n3A_2769 : i32 to index
            %get3A_2946 = arith.index_cast %add3A_2943 : i32 to index
            %get3A_2947 = tpu.vector_load %arg7[%get3A_2944, %get3A_2945, %get3A_2946] {strides = array<i32>} : memref<2x48x512xf32, #tpu.memory_space<vmem>>, vector<1x1x16xf32>,
            %get3A_2948 = vector.shape_cast %get3A_2947 : vector<1x1x16xf32> to vector<16xf32>
            %add3A_2949 = arith.constant 112 : i32
            %add3A_2950 = arith.addi %mul3A_2787, %add3A_2949 : i32
            %get3A_2951 = arith.index_cast %select_n3A_2596 : i32 to index
            %get3A_2952 = arith.index_cast %select_n3A_2769 : i32 to index
            %get3A_2953 = arith.index_cast %add3A_2950 : i32 to index
            %get3A_2954 = tpu.vector_load %arg7[%get3A_2951, %get3A_2952, %get3A_2953] {strides = array<i32>} : memref<2x48x512xf32, #tpu.memory_space<vmem>>, vector<1x1x16xf32>,
            %get3A_2955 = vector.shape_cast %get3A_2954 : vector<1x1x16xf32> to vector<16xf32>
            %add3A_2956 = arith.constant 128 : i32
            %add3A_2957 = arith.addi %mul3A_2787, %add3A_2956 : i32
            %get3A_2958 = arith.index_cast %select_n3A_2596 : i32 to index
            %get3A_2959 = arith.index_cast %select_n3A_2769 : i32 to index
            %get3A_2960 = arith.index_cast %add3A_2957 : i32 to index
            %get3A_2961 = tpu.vector_load %arg7[%get3A_2958, %get3A_2959, %get3A_2960] {strides = array<i32>} : memref<2x48x512xf32, #tpu.memory_space<vmem>>, vector<1x1x16xf32>,
            %get3A_2962 = vector.shape_cast %get3A_2961 : vector<1x1x16xf32> to vector<16xf32>
            %add3A_2963 = arith.constant 144 : i32
            %add3A_2964 = arith.addi %mul3A_2787, %add3A_2963 : i32
            %get3A_2965 = arith.index_cast %select_n3A_2596 : i32 to index
            %get3A_2966 = arith.index_cast %select_n3A_2769 : i32 to index
            %get3A_2967 = arith.index_cast %add3A_2964 : i32 to index
            %get3A_2968 = tpu.vector_load %arg7[%get3A_2965, %get3A_2966, %get3A_2967] {strides = array<i32>} : memref<2x48x512xf32, #tpu.memory_space<vmem>>, vector<1x1x16xf32>,
            %get3A_2969 = vector.shape_cast %get3A_2968 : vector<1x1x16xf32> to vector<16xf32>
            %add3A_2970 = arith.constant 160 : i32
            %add3A_2971 = arith.addi %mul3A_2787, %add3A_2970 : i32
            %get3A_2972 = arith.index_cast %select_n3A_2596 : i32 to index
            %get3A_2973 = arith.index_cast %select_n3A_2769 : i32 to index
            %get3A_2974 = arith.index_cast %add3A_2971 : i32 to index
            %get3A_2975 = tpu.vector_load %arg7[%get3A_2972, %get3A_2973, %get3A_2974] {strides = array<i32>} : memref<2x48x512xf32, #tpu.memory_space<vmem>>, vector<1x1x16xf32>,
            %get3A_2976 = vector.shape_cast %get3A_2975 : vector<1x1x16xf32> to vector<16xf32>
            %add3A_2977 = arith.constant 176 : i32
            %add3A_2978 = arith.addi %mul3A_2787, %add3A_2977 : i32
            %get3A_2979 = arith.index_cast %select_n3A_2596 : i32 to index
            %get3A_2980 = arith.index_cast %select_n3A_2769 : i32 to index
            %get3A_2981 = arith.index_cast %add3A_2978 : i32 to index
            %get3A_2982 = tpu.vector_load %arg7[%get3A_2979, %get3A_2980, %get3A_2981] {strides = array<i32>} : memref<2x48x512xf32, #tpu.memory_space<vmem>>, vector<1x1x16xf32>,
            %get3A_2983 = vector.shape_cast %get3A_2982 : vector<1x1x16xf32> to vector<16xf32>
            %add3A_2984 = arith.constant 192 : i32
            %add3A_2985 = arith.addi %mul3A_2787, %add3A_2984 : i32
            %get3A_2986 = arith.index_cast %select_n3A_2596 : i32 to index
            %get3A_2987 = arith.index_cast %select_n3A_2769 : i32 to index
            %get3A_2988 = arith.index_cast %add3A_2985 : i32 to index
            %get3A_2989 = tpu.vector_load %arg7[%get3A_2986, %get3A_2987, %get3A_2988] {strides = array<i32>} : memref<2x48x512xf32, #tpu.memory_space<vmem>>, vector<1x1x16xf32>,
            %get3A_2990 = vector.shape_cast %get3A_2989 : vector<1x1x16xf32> to vector<16xf32>
            %add3A_2991 = arith.constant 208 : i32
            %add3A_2992 = arith.addi %mul3A_2787, %add3A_2991 : i32
            %get3A_2993 = arith.index_cast %select_n3A_2596 : i32 to index
            %get3A_2994 = arith.index_cast %select_n3A_2769 : i32 to index
            %get3A_2995 = arith.index_cast %add3A_2992 : i32 to index
            %get3A_2996 = tpu.vector_load %arg7[%get3A_2993, %get3A_2994, %get3A_2995] {strides = array<i32>} : memref<2x48x512xf32, #tpu.memory_space<vmem>>, vector<1x1x16xf32>,
            %get3A_2997 = vector.shape_cast %get3A_2996 : vector<1x1x16xf32> to vector<16xf32>
            %add3A_2998 = arith.constant 224 : i32
            %add3A_2999 = arith.addi %mul3A_2787, %add3A_2998 : i32
            %get3A_3000 = arith.index_cast %select_n3A_2596 : i32 to index
            %get3A_3001 = arith.index_cast %select_n3A_2769 : i32 to index
            %get3A_3002 = arith.index_cast %add3A_2999 : i32 to index
            %get3A_3003 = tpu.vector_load %arg7[%get3A_3000, %get3A_3001, %get3A_3002] {strides = array<i32>} : memref<2x48x512xf32, #tpu.memory_space<vmem>>, vector<1x1x16xf32>,
            %get3A_3004 = vector.shape_cast %get3A_3003 : vector<1x1x16xf32> to vector<16xf32>
            %add3A_3005 = arith.constant 240 : i32
            %add3A_3006 = arith.addi %mul3A_2787, %add3A_3005 : i32
            %get3A_3007 = arith.index_cast %select_n3A_2596 : i32 to index
            %get3A_3008 = arith.index_cast %select_n3A_2769 : i32 to index
            %get3A_3009 = arith.index_cast %add3A_3006 : i32 to index
            %get3A_3010 = tpu.vector_load %arg7[%get3A_3007, %get3A_3008, %get3A_3009] {strides = array<i32>} : memref<2x48x512xf32, #tpu.memory_space<vmem>>, vector<1x1x16xf32>,
            %get3A_3011 = vector.shape_cast %get3A_3010 : vector<1x1x16xf32> to vector<16xf32>
            %eq3A_3012 = arith.constant 0.000000e+00 : f32
            %eq3A_3013 = vector.broadcast %eq3A_3012 : f32 to vector<16xf32>
            %eq3A_3014 = arith.cmpf oeq, %get3A_2794, %eq3A_3013 : vector<16xf32>
            %select_n3A_3015 = arith.select %eq3A_3014, %get3A_2906, %get3A_2794 : vector<16xi1>, vector<16xf32>
            %eq3A_3016 = arith.constant 0.000000e+00 : f32
            %eq3A_3017 = vector.broadcast %eq3A_3016 : f32 to vector<16xf32>
            %eq3A_3018 = arith.cmpf oeq, %get3A_2801, %eq3A_3017 : vector<16xf32>
            %select_n3A_3019 = arith.select %eq3A_3018, %get3A_2913, %get3A_2801 : vector<16xi1>, vector<16xf32>
            %eq3A_3020 = arith.constant 0.000000e+00 : f32
            %eq3A_3021 = vector.broadcast %eq3A_3020 : f32 to vector<16xf32>
            %eq3A_3022 = arith.cmpf oeq, %get3A_2808, %eq3A_3021 : vector<16xf32>
            %select_n3A_3023 = arith.select %eq3A_3022, %get3A_2920, %get3A_2808 : vector<16xi1>, vector<16xf32>
            %eq3A_3024 = arith.constant 0.000000e+00 : f32
            %eq3A_3025 = vector.broadcast %eq3A_3024 : f32 to vector<16xf32>
            %eq3A_3026 = arith.cmpf oeq, %get3A_2815, %eq3A_3025 : vector<16xf32>
            %select_n3A_3027 = arith.select %eq3A_3026, %get3A_2927, %get3A_2815 : vector<16xi1>, vector<16xf32>
            %eq3A_3028 = arith.constant 0.000000e+00 : f32
            %eq3A_3029 = vector.broadcast %eq3A_3028 : f32 to vector<16xf32>
            %eq3A_3030 = arith.cmpf oeq, %get3A_2822, %eq3A_3029 : vector<16xf32>
            %select_n3A_3031 = arith.select %eq3A_3030, %get3A_2934, %get3A_2822 : vector<16xi1>, vector<16xf32>
            %eq3A_3032 = arith.constant 0.000000e+00 : f32
            %eq3A_3033 = vector.broadcast %eq3A_3032 : f32 to vector<16xf32>
            %eq3A_3034 = arith.cmpf oeq, %get3A_2829, %eq3A_3033 : vector<16xf32>
            %select_n3A_3035 = arith.select %eq3A_3034, %get3A_2941, %get3A_2829 : vector<16xi1>, vector<16xf32>
            %eq3A_3036 = arith.constant 0.000000e+00 : f32
            %eq3A_3037 = vector.broadcast %eq3A_3036 : f32 to vector<16xf32>
            %eq3A_3038 = arith.cmpf oeq, %get3A_2836, %eq3A_3037 : vector<16xf32>
            %select_n3A_3039 = arith.select %eq3A_3038, %get3A_2948, %get3A_2836 : vector<16xi1>, vector<16xf32>
            %eq3A_3040 = arith.constant 0.000000e+00 : f32
            %eq3A_3041 = vector.broadcast %eq3A_3040 : f32 to vector<16xf32>
            %eq3A_3042 = arith.cmpf oeq, %get3A_2843, %eq3A_3041 : vector<16xf32>
            %select_n3A_3043 = arith.select %eq3A_3042, %get3A_2955, %get3A_2843 : vector<16xi1>, vector<16xf32>
            %eq3A_3044 = arith.constant 0.000000e+00 : f32
            %eq3A_3045 = vector.broadcast %eq3A_3044 : f32 to vector<16xf32>
            %eq3A_3046 = arith.cmpf oeq, %get3A_2850, %eq3A_3045 : vector<16xf32>
            %select_n3A_3047 = arith.select %eq3A_3046, %get3A_2962, %get3A_2850 : vector<16xi1>, vector<16xf32>
            %eq3A_3048 = arith.constant 0.000000e+00 : f32
            %eq3A_3049 = vector.broadcast %eq3A_3048 : f32 to vector<16xf32>
            %eq3A_3050 = arith.cmpf oeq, %get3A_2857, %eq3A_3049 : vector<16xf32>
            %select_n3A_3051 = arith.select %eq3A_3050, %get3A_2969, %get3A_2857 : vector<16xi1>, vector<16xf32>
            %eq3A_3052 = arith.constant 0.000000e+00 : f32
            %eq3A_3053 = vector.broadcast %eq3A_3052 : f32 to vector<16xf32>
            %eq3A_3054 = arith.cmpf oeq, %get3A_2864, %eq3A_3053 : vector<16xf32>
            %select_n3A_3055 = arith.select %eq3A_3054, %get3A_2976, %get3A_2864 : vector<16xi1>, vector<16xf32>
            %eq3A_3056 = arith.constant 0.000000e+00 : f32
            %eq3A_3057 = vector.broadcast %eq3A_3056 : f32 to vector<16xf32>
            %eq3A_3058 = arith.cmpf oeq, %get3A_2871, %eq3A_3057 : vector<16xf32>
            %select_n3A_3059 = arith.select %eq3A_3058, %get3A_2983, %get3A_2871 : vector<16xi1>, vector<16xf32>
            %eq3A_3060 = arith.constant 0.000000e+00 : f32
            %eq3A_3061 = vector.broadcast %eq3A_3060 : f32 to vector<16xf32>
            %eq3A_3062 = arith.cmpf oeq, %get3A_2878, %eq3A_3061 : vector<16xf32>
            %select_n3A_3063 = arith.select %eq3A_3062, %get3A_2990, %get3A_2878 : vector<16xi1>, vector<16xf32>
            %eq3A_3064 = arith.constant 0.000000e+00 : f32
            %eq3A_3065 = vector.broadcast %eq3A_3064 : f32 to vector<16xf32>
            %eq3A_3066 = arith.cmpf oeq, %get3A_2885, %eq3A_3065 : vector<16xf32>
            %select_n3A_3067 = arith.select %eq3A_3066, %get3A_2997, %get3A_2885 : vector<16xi1>, vector<16xf32>
            %eq3A_3068 = arith.constant 0.000000e+00 : f32
            %eq3A_3069 = vector.broadcast %eq3A_3068 : f32 to vector<16xf32>
            %eq3A_3070 = arith.cmpf oeq, %get3A_2892, %eq3A_3069 : vector<16xf32>
            %select_n3A_3071 = arith.select %eq3A_3070, %get3A_3004, %get3A_2892 : vector<16xi1>, vector<16xf32>
            %eq3A_3072 = arith.constant 0.000000e+00 : f32
            %eq3A_3073 = vector.broadcast %eq3A_3072 : f32 to vector<16xf32>
            %eq3A_3074 = arith.cmpf oeq, %get3A_2899, %eq3A_3073 : vector<16xf32>
            %select_n3A_3075 = arith.select %eq3A_3074, %get3A_3011, %get3A_2899 : vector<16xi1>, vector<16xf32>
            %add3A_3076 = arith.constant 0 : i32
            %add3A_3077 = arith.addi %mul3A_2787, %add3A_3076 : i32
            %swap3A_3078 = arith.index_cast %select_n3A_2596 : i32 to index
            %swap3A_3079 = arith.index_cast %select_n3A_2769 : i32 to index
            %swap3A_3080 = arith.index_cast %add3A_3077 : i32 to index
            %swap3A_3081 = tpu.vector_load %arg7[%swap3A_3078, %swap3A_3079, %swap3A_3080] {strides = array<i32>} : memref<2x48x512xf32, #tpu.memory_space<vmem>>, vector<1x1x16xf32>,
            %swap3A_3082 = vector.shape_cast %swap3A_3081 : vector<1x1x16xf32> to vector<16xf32>
            %swap3A_3083 = vector.shape_cast %select_n3A_3015 : vector<16xf32> to vector<1x1x16xf32>
            tpu.vector_store %arg7[%swap3A_3078, %swap3A_3079, %swap3A_3080], %swap3A_3083 {strides = array<i32>} : memref<2x48x512xf32, #tpu.memory_space<vmem>>, vector<1x1x16xf32>,
            %add3A_3084 = arith.constant 16 : i32
            %add3A_3085 = arith.addi %mul3A_2787, %add3A_3084 : i32
            %swap3A_3086 = arith.index_cast %select_n3A_2596 : i32 to index
            %swap3A_3087 = arith.index_cast %select_n3A_2769 : i32 to index
            %swap3A_3088 = arith.index_cast %add3A_3085 : i32 to index
            %swap3A_3089 = tpu.vector_load %arg7[%swap3A_3086, %swap3A_3087, %swap3A_3088] {strides = array<i32>} : memref<2x48x512xf32, #tpu.memory_space<vmem>>, vector<1x1x16xf32>,
            %swap3A_3090 = vector.shape_cast %swap3A_3089 : vector<1x1x16xf32> to vector<16xf32>
            %swap3A_3091 = vector.shape_cast %select_n3A_3019 : vector<16xf32> to vector<1x1x16xf32>
            tpu.vector_store %arg7[%swap3A_3086, %swap3A_3087, %swap3A_3088], %swap3A_3091 {strides = array<i32>} : memref<2x48x512xf32, #tpu.memory_space<vmem>>, vector<1x1x16xf32>,
            %add3A_3092 = arith.constant 32 : i32
            %add3A_3093 = arith.addi %mul3A_2787, %add3A_3092 : i32
            %swap3A_3094 = arith.index_cast %select_n3A_2596 : i32 to index
            %swap3A_3095 = arith.index_cast %select_n3A_2769 : i32 to index
            %swap3A_3096 = arith.index_cast %add3A_3093 : i32 to index
            %swap3A_3097 = tpu.vector_load %arg7[%swap3A_3094, %swap3A_3095, %swap3A_3096] {strides = array<i32>} : memref<2x48x512xf32, #tpu.memory_space<vmem>>, vector<1x1x16xf32>,
            %swap3A_3098 = vector.shape_cast %swap3A_3097 : vector<1x1x16xf32> to vector<16xf32>
            %swap3A_3099 = vector.shape_cast %select_n3A_3023 : vector<16xf32> to vector<1x1x16xf32>
            tpu.vector_store %arg7[%swap3A_3094, %swap3A_3095, %swap3A_3096], %swap3A_3099 {strides = array<i32>} : memref<2x48x512xf32, #tpu.memory_space<vmem>>, vector<1x1x16xf32>,
            %add3A_3100 = arith.constant 48 : i32
            %add3A_3101 = arith.addi %mul3A_2787, %add3A_3100 : i32
            %swap3A_3102 = arith.index_cast %select_n3A_2596 : i32 to index
            %swap3A_3103 = arith.index_cast %select_n3A_2769 : i32 to index
            %swap3A_3104 = arith.index_cast %add3A_3101 : i32 to index
            %swap3A_3105 = tpu.vector_load %arg7[%swap3A_3102, %swap3A_3103, %swap3A_3104] {strides = array<i32>} : memref<2x48x512xf32, #tpu.memory_space<vmem>>, vector<1x1x16xf32>,
            %swap3A_3106 = vector.shape_cast %swap3A_3105 : vector<1x1x16xf32> to vector<16xf32>
            %swap3A_3107 = vector.shape_cast %select_n3A_3027 : vector<16xf32> to vector<1x1x16xf32>
            tpu.vector_store %arg7[%swap3A_3102, %swap3A_3103, %swap3A_3104], %swap3A_3107 {strides = array<i32>} : memref<2x48x512xf32, #tpu.memory_space<vmem>>, vector<1x1x16xf32>,
            %add3A_3108 = arith.constant 64 : i32
            %add3A_3109 = arith.addi %mul3A_2787, %add3A_3108 : i32
            %swap3A_3110 = arith.index_cast %select_n3A_2596 : i32 to index
            %swap3A_3111 = arith.index_cast %select_n3A_2769 : i32 to index
            %swap3A_3112 = arith.index_cast %add3A_3109 : i32 to index
            %swap3A_3113 = tpu.vector_load %arg7[%swap3A_3110, %swap3A_3111, %swap3A_3112] {strides = array<i32>} : memref<2x48x512xf32, #tpu.memory_space<vmem>>, vector<1x1x16xf32>,
            %swap3A_3114 = vector.shape_cast %swap3A_3113 : vector<1x1x16xf32> to vector<16xf32>
            %swap3A_3115 = vector.shape_cast %select_n3A_3031 : vector<16xf32> to vector<1x1x16xf32>
            tpu.vector_store %arg7[%swap3A_3110, %swap3A_3111, %swap3A_3112], %swap3A_3115 {strides = array<i32>} : memref<2x48x512xf32, #tpu.memory_space<vmem>>, vector<1x1x16xf32>,
            %add3A_3116 = arith.constant 80 : i32
            %add3A_3117 = arith.addi %mul3A_2787, %add3A_3116 : i32
            %swap3A_3118 = arith.index_cast %select_n3A_2596 : i32 to index
            %swap3A_3119 = arith.index_cast %select_n3A_2769 : i32 to index
            %swap3A_3120 = arith.index_cast %add3A_3117 : i32 to index
            %swap3A_3121 = tpu.vector_load %arg7[%swap3A_3118, %swap3A_3119, %swap3A_3120] {strides = array<i32>} : memref<2x48x512xf32, #tpu.memory_space<vmem>>, vector<1x1x16xf32>,
            %swap3A_3122 = vector.shape_cast %swap3A_3121 : vector<1x1x16xf32> to vector<16xf32>
            %swap3A_3123 = vector.shape_cast %select_n3A_3035 : vector<16xf32> to vector<1x1x16xf32>
            tpu.vector_store %arg7[%swap3A_3118, %swap3A_3119, %swap3A_3120], %swap3A_3123 {strides = array<i32>} : memref<2x48x512xf32, #tpu.memory_space<vmem>>, vector<1x1x16xf32>,
            %add3A_3124 = arith.constant 96 : i32
            %add3A_3125 = arith.addi %mul3A_2787, %add3A_3124 : i32
            %swap3A_3126 = arith.index_cast %select_n3A_2596 : i32 to index
            %swap3A_3127 = arith.index_cast %select_n3A_2769 : i32 to index
            %swap3A_3128 = arith.index_cast %add3A_3125 : i32 to index
            %swap3A_3129 = tpu.vector_load %arg7[%swap3A_3126, %swap3A_3127, %swap3A_3128] {strides = array<i32>} : memref<2x48x512xf32, #tpu.memory_space<vmem>>, vector<1x1x16xf32>,
            %swap3A_3130 = vector.shape_cast %swap3A_3129 : vector<1x1x16xf32> to vector<16xf32>
            %swap3A_3131 = vector.shape_cast %select_n3A_3039 : vector<16xf32> to vector<1x1x16xf32>
            tpu.vector_store %arg7[%swap3A_3126, %swap3A_3127, %swap3A_3128], %swap3A_3131 {strides = array<i32>} : memref<2x48x512xf32, #tpu.memory_space<vmem>>, vector<1x1x16xf32>,
            %add3A_3132 = arith.constant 112 : i32
            %add3A_3133 = arith.addi %mul3A_2787, %add3A_3132 : i32
            %swap3A_3134 = arith.index_cast %select_n3A_2596 : i32 to index
            %swap3A_3135 = arith.index_cast %select_n3A_2769 : i32 to index
            %swap3A_3136 = arith.index_cast %add3A_3133 : i32 to index
            %swap3A_3137 = tpu.vector_load %arg7[%swap3A_3134, %swap3A_3135, %swap3A_3136] {strides = array<i32>} : memref<2x48x512xf32, #tpu.memory_space<vmem>>, vector<1x1x16xf32>,
            %swap3A_3138 = vector.shape_cast %swap3A_3137 : vector<1x1x16xf32> to vector<16xf32>
            %swap3A_3139 = vector.shape_cast %select_n3A_3043 : vector<16xf32> to vector<1x1x16xf32>
            tpu.vector_store %arg7[%swap3A_3134, %swap3A_3135, %swap3A_3136], %swap3A_3139 {strides = array<i32>} : memref<2x48x512xf32, #tpu.memory_space<vmem>>, vector<1x1x16xf32>,
            %add3A_3140 = arith.constant 128 : i32
            %add3A_3141 = arith.addi %mul3A_2787, %add3A_3140 : i32
            %swap3A_3142 = arith.index_cast %select_n3A_2596 : i32 to index
            %swap3A_3143 = arith.index_cast %select_n3A_2769 : i32 to index
            %swap3A_3144 = arith.index_cast %add3A_3141 : i32 to index
            %swap3A_3145 = tpu.vector_load %arg7[%swap3A_3142, %swap3A_3143, %swap3A_3144] {strides = array<i32>} : memref<2x48x512xf32, #tpu.memory_space<vmem>>, vector<1x1x16xf32>,
            %swap3A_3146 = vector.shape_cast %swap3A_3145 : vector<1x1x16xf32> to vector<16xf32>
            %swap3A_3147 = vector.shape_cast %select_n3A_3047 : vector<16xf32> to vector<1x1x16xf32>
            tpu.vector_store %arg7[%swap3A_3142, %swap3A_3143, %swap3A_3144], %swap3A_3147 {strides = array<i32>} : memref<2x48x512xf32, #tpu.memory_space<vmem>>, vector<1x1x16xf32>,
            %add3A_3148 = arith.constant 144 : i32
            %add3A_3149 = arith.addi %mul3A_2787, %add3A_3148 : i32
            %swap3A_3150 = arith.index_cast %select_n3A_2596 : i32 to index
            %swap3A_3151 = arith.index_cast %select_n3A_2769 : i32 to index
            %swap3A_3152 = arith.index_cast %add3A_3149 : i32 to index
            %swap3A_3153 = tpu.vector_load %arg7[%swap3A_3150, %swap3A_3151, %swap3A_3152] {strides = array<i32>} : memref<2x48x512xf32, #tpu.memory_space<vmem>>, vector<1x1x16xf32>,
            %swap3A_3154 = vector.shape_cast %swap3A_3153 : vector<1x1x16xf32> to vector<16xf32>
            %swap3A_3155 = vector.shape_cast %select_n3A_3051 : vector<16xf32> to vector<1x1x16xf32>
            tpu.vector_store %arg7[%swap3A_3150, %swap3A_3151, %swap3A_3152], %swap3A_3155 {strides = array<i32>} : memref<2x48x512xf32, #tpu.memory_space<vmem>>, vector<1x1x16xf32>,
            %add3A_3156 = arith.constant 160 : i32
            %add3A_3157 = arith.addi %mul3A_2787, %add3A_3156 : i32
            %swap3A_3158 = arith.index_cast %select_n3A_2596 : i32 to index
            %swap3A_3159 = arith.index_cast %select_n3A_2769 : i32 to index
            %swap3A_3160 = arith.index_cast %add3A_3157 : i32 to index
            %swap3A_3161 = tpu.vector_load %arg7[%swap3A_3158, %swap3A_3159, %swap3A_3160] {strides = array<i32>} : memref<2x48x512xf32, #tpu.memory_space<vmem>>, vector<1x1x16xf32>,
            %swap3A_3162 = vector.shape_cast %swap3A_3161 : vector<1x1x16xf32> to vector<16xf32>
            %swap3A_3163 = vector.shape_cast %select_n3A_3055 : vector<16xf32> to vector<1x1x16xf32>
            tpu.vector_store %arg7[%swap3A_3158, %swap3A_3159, %swap3A_3160], %swap3A_3163 {strides = array<i32>} : memref<2x48x512xf32, #tpu.memory_space<vmem>>, vector<1x1x16xf32>,
            %add3A_3164 = arith.constant 176 : i32
            %add3A_3165 = arith.addi %mul3A_2787, %add3A_3164 : i32
            %swap3A_3166 = arith.index_cast %select_n3A_2596 : i32 to index
            %swap3A_3167 = arith.index_cast %select_n3A_2769 : i32 to index
            %swap3A_3168 = arith.index_cast %add3A_3165 : i32 to index
            %swap3A_3169 = tpu.vector_load %arg7[%swap3A_3166, %swap3A_3167, %swap3A_3168] {strides = array<i32>} : memref<2x48x512xf32, #tpu.memory_space<vmem>>, vector<1x1x16xf32>,
            %swap3A_3170 = vector.shape_cast %swap3A_3169 : vector<1x1x16xf32> to vector<16xf32>
            %swap3A_3171 = vector.shape_cast %select_n3A_3059 : vector<16xf32> to vector<1x1x16xf32>
            tpu.vector_store %arg7[%swap3A_3166, %swap3A_3167, %swap3A_3168], %swap3A_3171 {strides = array<i32>} : memref<2x48x512xf32, #tpu.memory_space<vmem>>, vector<1x1x16xf32>,
            %add3A_3172 = arith.constant 192 : i32
            %add3A_3173 = arith.addi %mul3A_2787, %add3A_3172 : i32
            %swap3A_3174 = arith.index_cast %select_n3A_2596 : i32 to index
            %swap3A_3175 = arith.index_cast %select_n3A_2769 : i32 to index
            %swap3A_3176 = arith.index_cast %add3A_3173 : i32 to index
            %swap3A_3177 = tpu.vector_load %arg7[%swap3A_3174, %swap3A_3175, %swap3A_3176] {strides = array<i32>} : memref<2x48x512xf32, #tpu.memory_space<vmem>>, vector<1x1x16xf32>,
            %swap3A_3178 = vector.shape_cast %swap3A_3177 : vector<1x1x16xf32> to vector<16xf32>
            %swap3A_3179 = vector.shape_cast %select_n3A_3063 : vector<16xf32> to vector<1x1x16xf32>
            tpu.vector_store %arg7[%swap3A_3174, %swap3A_3175, %swap3A_3176], %swap3A_3179 {strides = array<i32>} : memref<2x48x512xf32, #tpu.memory_space<vmem>>, vector<1x1x16xf32>,
            %add3A_3180 = arith.constant 208 : i32
            %add3A_3181 = arith.addi %mul3A_2787, %add3A_3180 : i32
            %swap3A_3182 = arith.index_cast %select_n3A_2596 : i32 to index
            %swap3A_3183 = arith.index_cast %select_n3A_2769 : i32 to index
            %swap3A_3184 = arith.index_cast %add3A_3181 : i32 to index
            %swap3A_3185 = tpu.vector_load %arg7[%swap3A_3182, %swap3A_3183, %swap3A_3184] {strides = array<i32>} : memref<2x48x512xf32, #tpu.memory_space<vmem>>, vector<1x1x16xf32>,
            %swap3A_3186 = vector.shape_cast %swap3A_3185 : vector<1x1x16xf32> to vector<16xf32>
            %swap3A_3187 = vector.shape_cast %select_n3A_3067 : vector<16xf32> to vector<1x1x16xf32>
            tpu.vector_store %arg7[%swap3A_3182, %swap3A_3183, %swap3A_3184], %swap3A_3187 {strides = array<i32>} : memref<2x48x512xf32, #tpu.memory_space<vmem>>, vector<1x1x16xf32>,
            %add3A_3188 = arith.constant 224 : i32
            %add3A_3189 = arith.addi %mul3A_2787, %add3A_3188 : i32
            %swap3A_3190 = arith.index_cast %select_n3A_2596 : i32 to index
            %swap3A_3191 = arith.index_cast %select_n3A_2769 : i32 to index
            %swap3A_3192 = arith.index_cast %add3A_3189 : i32 to index
            %swap3A_3193 = tpu.vector_load %arg7[%swap3A_3190, %swap3A_3191, %swap3A_3192] {strides = array<i32>} : memref<2x48x512xf32, #tpu.memory_space<vmem>>, vector<1x1x16xf32>,
            %swap3A_3194 = vector.shape_cast %swap3A_3193 : vector<1x1x16xf32> to vector<16xf32>
            %swap3A_3195 = vector.shape_cast %select_n3A_3071 : vector<16xf32> to vector<1x1x16xf32>
            tpu.vector_store %arg7[%swap3A_3190, %swap3A_3191, %swap3A_3192], %swap3A_3195 {strides = array<i32>} : memref<2x48x512xf32, #tpu.memory_space<vmem>>, vector<1x1x16xf32>,
            %add3A_3196 = arith.constant 240 : i32
            %add3A_3197 = arith.addi %mul3A_2787, %add3A_3196 : i32
            %swap3A_3198 = arith.index_cast %select_n3A_2596 : i32 to index
            %swap3A_3199 = arith.index_cast %select_n3A_2769 : i32 to index
            %swap3A_3200 = arith.index_cast %add3A_3197 : i32 to index
            %swap3A_3201 = tpu.vector_load %arg7[%swap3A_3198, %swap3A_3199, %swap3A_3200] {strides = array<i32>} : memref<2x48x512xf32, #tpu.memory_space<vmem>>, vector<1x1x16xf32>,
            %swap3A_3202 = vector.shape_cast %swap3A_3201 : vector<1x1x16xf32> to vector<16xf32>
            %swap3A_3203 = vector.shape_cast %select_n3A_3075 : vector<16xf32> to vector<1x1x16xf32>
            tpu.vector_store %arg7[%swap3A_3198, %swap3A_3199, %swap3A_3200], %swap3A_3203 {strides = array<i32>} : memref<2x48x512xf32, #tpu.memory_space<vmem>>, vector<1x1x16xf32>,
          }
          %scan3A_2741 = arith.constant 96 : i32
        }
      } else {
      }
      %dma_start3A_2640 = arith.constant 0 : i32
      %dma_start3A_2641 = arith.constant 0 : i32
      %dma_start3A_2642 = tpu.memref_slice %arg7[%select_n3A_2596, %dma_start3A_2640, %dma_start3A_2641] : memref<2x48x512xf32, #tpu.memory_space<vmem>> -> memref<1x48x512xf32, #tpu.memory_space<vmem>>
      %dma_start3A_2643 = tpu.memref_squeeze %dma_start3A_2642 : memref<1x48x512xf32, #tpu.memory_space<vmem>> -> memref<48x512xf32, #tpu.memory_space<vmem>>
      %dma_start3A_2644 = arith.constant 0 : i32
      %dma_start3A_2645 = tpu.memref_slice %arg5[%add3A_2587, %mul3A_2, %dma_start3A_2644] : memref<5x1536x512xf32, #tpu.memory_space<hbm>> -> memref<1x48x512xf32, #tpu.memory_space<hbm>>
      %dma_start3A_2646 = tpu.memref_squeeze %dma_start3A_2645 : memref<1x48x512xf32, #tpu.memory_space<hbm>> -> memref<48x512xf32, #tpu.memory_space<hbm>>
      %dma_start3A_2647 = tpu.memref_slice %arg15[%select_n3A_2596] : memref<2x!tpu.dma_semaphore, #tpu.memory_space<semaphore_mem>> -> memref<1x!tpu.dma_semaphore, #tpu.memory_space<semaphore_mem>>
      %dma_start3A_2648 = tpu.memref_squeeze %dma_start3A_2647 : memref<1x!tpu.dma_semaphore, #tpu.memory_space<semaphore_mem>> -> memref<!tpu.dma_semaphore, #tpu.memory_space<semaphore_mem>>
      %dma_start3A_2649 = arith.constant 0 : i32
      %dma_start3A_2650 = tpu.memref_slice %arg5[%add3A_2587, %mul3A_2, %dma_start3A_2649] : memref<5x1536x512xf32, #tpu.memory_space<hbm>> -> memref<1x48x512xf32, #tpu.memory_space<hbm>>
      %dma_start3A_2651 = tpu.memref_squeeze %dma_start3A_2650 : memref<1x48x512xf32, #tpu.memory_space<hbm>> -> memref<48x512xf32, #tpu.memory_space<hbm>>
      %dma_start3A_2652 = arith.constant 0 : i32
      %dma_start3A_2653 = arith.constant 0 : i32
      %dma_start3A_2654 = tpu.memref_slice %arg7[%select_n3A_2596, %dma_start3A_2652, %dma_start3A_2653] : memref<2x48x512xf32, #tpu.memory_space<vmem>> -> memref<1x48x512xf32, #tpu.memory_space<vmem>>
      %dma_start3A_2655 = tpu.memref_squeeze %dma_start3A_2654 : memref<1x48x512xf32, #tpu.memory_space<vmem>> -> memref<48x512xf32, #tpu.memory_space<vmem>>
      tpu.enqueue_dma source(%dma_start3A_2655 : memref<48x512xf32, #tpu.memory_space<vmem>>) target(%dma_start3A_2651 : memref<48x512xf32, #tpu.memory_space<hbm>>) target_semaphore(%dma_start3A_2648 : memref<!tpu.dma_semaphore, #tpu.memory_space<semaphore_mem>>)
    }
    %scan3A_2564 = arith.constant 5 : i32
    %dma_wait3A = arith.constant 0 : i32
    %dma_wait3A_2565 = arith.constant 4 : i32
    %dma_wait3A_2566 = arith.constant 0 : i32
    %dma_wait3A_2567 = arith.constant 0 : i32
    %dma_wait3A_2568 = arith.constant 0 : i32
    %dma_wait3A_2569 = tpu.memref_slice %arg7[%dma_wait3A, %dma_wait3A_2567, %dma_wait3A_2568] : memref<2x48x512xf32, #tpu.memory_space<vmem>> -> memref<1x48x512xf32, #tpu.memory_space<vmem>>
    %dma_wait3A_2570 = tpu.memref_squeeze %dma_wait3A_2569 : memref<1x48x512xf32, #tpu.memory_space<vmem>> -> memref<48x512xf32, #tpu.memory_space<vmem>>
    %dma_wait3A_2571 = arith.constant 0 : i32
    %dma_wait3A_2572 = tpu.memref_slice %arg5[%dma_wait3A_2565, %mul3A_2, %dma_wait3A_2571] : memref<5x1536x512xf32, #tpu.memory_space<hbm>> -> memref<1x48x512xf32, #tpu.memory_space<hbm>>
    %dma_wait3A_2573 = tpu.memref_squeeze %dma_wait3A_2572 : memref<1x48x512xf32, #tpu.memory_space<hbm>> -> memref<48x512xf32, #tpu.memory_space<hbm>>
    %dma_wait3A_2574 = tpu.memref_slice %arg15[%dma_wait3A_2566] : memref<2x!tpu.dma_semaphore, #tpu.memory_space<semaphore_mem>> -> memref<1x!tpu.dma_semaphore, #tpu.memory_space<semaphore_mem>>
    %dma_wait3A_2575 = tpu.memref_squeeze %dma_wait3A_2574 : memref<1x!tpu.dma_semaphore, #tpu.memory_space<semaphore_mem>> -> memref<!tpu.dma_semaphore, #tpu.memory_space<semaphore_mem>>
    %dma_wait3A_2576 = arith.constant 0 : i32
    %dma_wait3A_2577 = tpu.memref_slice %arg5[%dma_wait3A_2565, %mul3A_2, %dma_wait3A_2576] : memref<5x1536x512xf32, #tpu.memory_space<hbm>> -> memref<1x48x512xf32, #tpu.memory_space<hbm>>
    %dma_wait3A_2578 = tpu.memref_squeeze %dma_wait3A_2577 : memref<1x48x512xf32, #tpu.memory_space<hbm>> -> memref<48x512xf32, #tpu.memory_space<hbm>>
    %dma_wait3A_2579 = arith.constant 0 : i32
    %dma_wait3A_2580 = arith.constant 0 : i32
    %dma_wait3A_2581 = tpu.memref_slice %arg7[%dma_wait3A, %dma_wait3A_2579, %dma_wait3A_2580] : memref<2x48x512xf32, #tpu.memory_space<vmem>> -> memref<1x48x512xf32, #tpu.memory_space<vmem>>
    %dma_wait3A_2582 = tpu.memref_squeeze %dma_wait3A_2581 : memref<1x48x512xf32, #tpu.memory_space<vmem>> -> memref<48x512xf32, #tpu.memory_space<vmem>>
    tpu.wait_dma2 semaphore(%dma_wait3A_2575 : memref<!tpu.dma_semaphore, #tpu.memory_space<semaphore_mem>>) src(%dma_wait3A_2582 : memref<48x512xf32, #tpu.memory_space<vmem>>) dst(%dma_wait3A_2578 : memref<48x512xf32, #tpu.memory_space<hbm>>)
    return
  }
}

module attributes {stable_mosaic.version = 14 : i64} {
  func.func @_tc_body(%arg0: i32, %arg1: memref<17xi32, #tpu.memory_space<smem>>, %arg2: memref<64xi32, #tpu.memory_space<smem>>, %arg3: memref<1x1536x512xf32, #tpu.memory_space<vmem>>, %arg4: memref<64x1536x512xf32, #tpu.memory_space<any>>, %arg5: memref<1x1536x512xf32, #tpu.memory_space<vmem>>, %arg6: memref<2x1536x512xf32, #tpu.memory_space<vmem>>, %arg7: memref<2x!tpu.dma_semaphore, #tpu.memory_space<semaphore_mem>>) attributes {dimension_semantics = [#tpu.dimension_semantics<arbitrary>], iteration_bounds = array<i64: 11>, scalar_prefetch = 2 : i64, scratch_operands = 2 : i64, tpu.core_type = #tpu.core_type<tc>, window_params = [{transform_indices = @transform_0, window_bounds = array<i64: 1, 1536, 512>}, {}, {transform_indices = @transform_2, window_bounds = array<i64: 1, 1536, 512>}]} {
    %get3A = arith.constant 0 : index
    %get3A_0 = arith.constant 0 : index
    %get3A_1 = arith.constant 0 : index
    %get3A_2 = vector.load %arg3[%get3A, %get3A_0, %get3A_1] : memref<1x1536x512xf32, #tpu.memory_space<vmem>>, vector<1x1536x512xf32>
    %get3A_3 = vector.shape_cast %get3A_2 : vector<1x1536x512xf32> to vector<1536x512xf32>
    %swap3A = arith.constant 0 : index
    %swap3A_4 = arith.constant 0 : index
    %swap3A_5 = arith.constant 0 : index
    %swap3A_6 = vector.load %arg5[%swap3A, %swap3A_4, %swap3A_5] : memref<1x1536x512xf32, #tpu.memory_space<vmem>>, vector<1x1536x512xf32>
    %swap3A_7 = vector.shape_cast %swap3A_6 : vector<1x1536x512xf32> to vector<1536x512xf32>
    %swap3A_8 = vector.shape_cast %get3A_3 : vector<1536x512xf32> to vector<1x1536x512xf32>
    tpu.vector_store %arg5[%swap3A, %swap3A_4, %swap3A_5], %swap3A_8 {strides = array<i32>} : memref<1x1536x512xf32, #tpu.memory_space<vmem>>, vector<1x1536x512xf32>,
    %get3A_9 = arith.index_cast %arg0 : i32 to index
    %get3A_10 = memref.load %arg1[%get3A_9] : memref<17xi32, #tpu.memory_space<smem>>
    %add3A = arith.constant 1 : i32
    %add3A_11 = arith.addi %arg0, %add3A : i32
    %get3A_12 = arith.index_cast %add3A_11 : i32 to index
    %get3A_13 = memref.load %arg1[%get3A_12] : memref<17xi32, #tpu.memory_space<smem>>
    %sub3A = arith.subi %get3A_13, %get3A_10 : i32
    %gt3A = arith.constant 0 : i32
    %gt3A_14 = arith.cmpi sgt, %sub3A, %gt3A : i32
    %convert_element_type3A = arith.extui %gt3A_14 : i1 to i32
    %cond3A = arith.constant 0 : i32
    %cond3A_15 = arith.cmpi ne, %convert_element_type3A, %cond3A : i32
    scf.if %cond3A_15 {
      %get3A_16 = arith.index_cast %get3A_10 : i32 to index
      %get3A_17 = memref.load %arg2[%get3A_16] : memref<64xi32, #tpu.memory_space<smem>>
      %dma_start3A = arith.constant 0 : i32
      %dma_start3A_18 = arith.constant 0 : i32
      %dma_start3A_19 = tpu.memref_slice %arg7[%dma_start3A_18] : memref<2x!tpu.dma_semaphore, #tpu.memory_space<semaphore_mem>> -> memref<1x!tpu.dma_semaphore, #tpu.memory_space<semaphore_mem>>
      %dma_start3A_20 = tpu.memref_squeeze %dma_start3A_19 : memref<1x!tpu.dma_semaphore, #tpu.memory_space<semaphore_mem>> -> memref<!tpu.dma_semaphore, #tpu.memory_space<semaphore_mem>>
      %dma_start3A_21 = arith.constant 0 : i32
      %dma_start3A_22 = arith.constant 0 : i32
      %dma_start3A_23 = tpu.memref_slice %arg6[%dma_start3A, %dma_start3A_21, %dma_start3A_22] : memref<2x1536x512xf32, #tpu.memory_space<vmem>> -> memref<1x1536x512xf32, #tpu.memory_space<vmem>>
      %dma_start3A_24 = tpu.memref_squeeze %dma_start3A_23 : memref<1x1536x512xf32, #tpu.memory_space<vmem>> -> memref<1536x512xf32, #tpu.memory_space<vmem>>
      %dma_start3A_25 = arith.constant 0 : i32
      %dma_start3A_26 = arith.constant 0 : i32
      %dma_start3A_27 = tpu.memref_slice %arg4[%get3A_17, %dma_start3A_25, %dma_start3A_26] : memref<64x1536x512xf32, #tpu.memory_space<any>> -> memref<1x1536x512xf32, #tpu.memory_space<any>>
      %dma_start3A_28 = tpu.memref_squeeze %dma_start3A_27 : memref<1x1536x512xf32, #tpu.memory_space<any>> -> memref<1536x512xf32, #tpu.memory_space<any>>
      tpu.enqueue_dma source(%dma_start3A_28 : memref<1536x512xf32, #tpu.memory_space<any>>) target(%dma_start3A_24 : memref<1536x512xf32, #tpu.memory_space<vmem>>) target_semaphore(%dma_start3A_20 : memref<!tpu.dma_semaphore, #tpu.memory_space<semaphore_mem>>)
      %while3A = arith.constant 0 : i32
      %while3A_29 = arith.constant 0 : i32
      %while3A_30 = arith.subi %sub3A, %while3A : i32
      %while3A_31 = arith.addi %while3A, %while3A_30 : i32
      %while3A_32 = arith.constant 1 : i32
      %while3A_33 = arith.divsi %while3A_30, %while3A_32 : i32
      %while3A_34 = arith.muli %while3A_33, %while3A_32 : i32
      %while3A_35 = arith.addi %while3A, %while3A_34 : i32
      %while3A_36 = arith.constant 1 : i32
      %while3A_37 = scf.for %while3A_40 = %while3A to %while3A_35 step %while3A_36 iter_args(%while3A_41 = %while3A_29) -> (i32)  : i32 {
        %rem3A = arith.constant 2 : i32
        %rem3A_42 = arith.remsi %while3A_40, %rem3A : i32
        %add3A_43 = arith.constant 1 : i32
        %add3A_44 = arith.addi %while3A_40, %add3A_43 : i32
        %lt3A = arith.cmpi slt, %add3A_44, %sub3A : i32
        %convert_element_type3A_45 = arith.extui %lt3A : i1 to i32
        %cond3A_46 = arith.constant 0 : i32
        %cond3A_47 = arith.cmpi ne, %convert_element_type3A_45, %cond3A_46 : i32
        scf.if %cond3A_47 {
          %add3A_79 = arith.addi %get3A_10, %while3A_40 : i32
          %add3A_80 = arith.constant 1 : i32
          %add3A_81 = arith.addi %add3A_79, %add3A_80 : i32
          %sub3A_82 = arith.constant 1 : i32
          %sub3A_83 = arith.subi %sub3A_82, %rem3A_42 : i32
          %get3A_84 = arith.index_cast %add3A_81 : i32 to index
          %get3A_85 = memref.load %arg2[%get3A_84] : memref<64xi32, #tpu.memory_space<smem>>
          %dma_start3A_86 = tpu.memref_slice %arg7[%sub3A_83] : memref<2x!tpu.dma_semaphore, #tpu.memory_space<semaphore_mem>> -> memref<1x!tpu.dma_semaphore, #tpu.memory_space<semaphore_mem>>
          %dma_start3A_87 = tpu.memref_squeeze %dma_start3A_86 : memref<1x!tpu.dma_semaphore, #tpu.memory_space<semaphore_mem>> -> memref<!tpu.dma_semaphore, #tpu.memory_space<semaphore_mem>>
          %dma_start3A_88 = arith.constant 0 : i32
          %dma_start3A_89 = arith.constant 0 : i32
          %dma_start3A_90 = tpu.memref_slice %arg6[%sub3A_83, %dma_start3A_88, %dma_start3A_89] : memref<2x1536x512xf32, #tpu.memory_space<vmem>> -> memref<1x1536x512xf32, #tpu.memory_space<vmem>>
          %dma_start3A_91 = tpu.memref_squeeze %dma_start3A_90 : memref<1x1536x512xf32, #tpu.memory_space<vmem>> -> memref<1536x512xf32, #tpu.memory_space<vmem>>
          %dma_start3A_92 = arith.constant 0 : i32
          %dma_start3A_93 = arith.constant 0 : i32
          %dma_start3A_94 = tpu.memref_slice %arg4[%get3A_85, %dma_start3A_92, %dma_start3A_93] : memref<64x1536x512xf32, #tpu.memory_space<any>> -> memref<1x1536x512xf32, #tpu.memory_space<any>>
          %dma_start3A_95 = tpu.memref_squeeze %dma_start3A_94 : memref<1x1536x512xf32, #tpu.memory_space<any>> -> memref<1536x512xf32, #tpu.memory_space<any>>
          tpu.enqueue_dma source(%dma_start3A_95 : memref<1536x512xf32, #tpu.memory_space<any>>) target(%dma_start3A_91 : memref<1536x512xf32, #tpu.memory_space<vmem>>) target_semaphore(%dma_start3A_87 : memref<!tpu.dma_semaphore, #tpu.memory_space<semaphore_mem>>)
        } else {
        }
        %add3A_48 = arith.addi %get3A_10, %while3A_40 : i32
        %get3A_49 = arith.index_cast %add3A_48 : i32 to index
        %get3A_50 = memref.load %arg2[%get3A_49] : memref<64xi32, #tpu.memory_space<smem>>
        %dma_wait3A = tpu.memref_slice %arg7[%rem3A_42] : memref<2x!tpu.dma_semaphore, #tpu.memory_space<semaphore_mem>> -> memref<1x!tpu.dma_semaphore, #tpu.memory_space<semaphore_mem>>
        %dma_wait3A_51 = tpu.memref_squeeze %dma_wait3A : memref<1x!tpu.dma_semaphore, #tpu.memory_space<semaphore_mem>> -> memref<!tpu.dma_semaphore, #tpu.memory_space<semaphore_mem>>
        %dma_wait3A_52 = arith.constant 0 : i32
        %dma_wait3A_53 = arith.constant 0 : i32
        %dma_wait3A_54 = tpu.memref_slice %arg6[%rem3A_42, %dma_wait3A_52, %dma_wait3A_53] : memref<2x1536x512xf32, #tpu.memory_space<vmem>> -> memref<1x1536x512xf32, #tpu.memory_space<vmem>>
        %dma_wait3A_55 = tpu.memref_squeeze %dma_wait3A_54 : memref<1x1536x512xf32, #tpu.memory_space<vmem>> -> memref<1536x512xf32, #tpu.memory_space<vmem>>
        %dma_wait3A_56 = arith.constant 0 : i32
        %dma_wait3A_57 = arith.constant 0 : i32
        %dma_wait3A_58 = tpu.memref_slice %arg4[%get3A_50, %dma_wait3A_56, %dma_wait3A_57] : memref<64x1536x512xf32, #tpu.memory_space<any>> -> memref<1x1536x512xf32, #tpu.memory_space<any>>
        %dma_wait3A_59 = tpu.memref_squeeze %dma_wait3A_58 : memref<1x1536x512xf32, #tpu.memory_space<any>> -> memref<1536x512xf32, #tpu.memory_space<any>>
        tpu.wait_dma2 semaphore(%dma_wait3A_51 : memref<!tpu.dma_semaphore, #tpu.memory_space<semaphore_mem>>) src(%dma_wait3A_59 : memref<1536x512xf32, #tpu.memory_space<any>>) dst(%dma_wait3A_55 : memref<1536x512xf32, #tpu.memory_space<vmem>>)
        %get3A_60 = arith.index_cast %rem3A_42 : i32 to index
        %get3A_61 = arith.constant 0 : index
        %get3A_62 = arith.constant 0 : index
        %get3A_63 = vector.load %arg6[%get3A_60, %get3A_61, %get3A_62] : memref<2x1536x512xf32, #tpu.memory_space<vmem>>, vector<1x1536x512xf32>
        %get3A_64 = vector.shape_cast %get3A_63 : vector<1x1536x512xf32> to vector<1536x512xf32>
        %eq3A = arith.constant 0.000000e+00 : f32
        %eq3A_65 = vector.broadcast %eq3A : f32 to vector<1536x512xf32>
        %eq3A_66 = arith.cmpf oeq, %get3A_64, %eq3A_65 : vector<1536x512xf32>
        %get3A_67 = arith.constant 0 : index
        %get3A_68 = arith.constant 0 : index
        %get3A_69 = arith.constant 0 : index
        %get3A_70 = vector.load %arg5[%get3A_67, %get3A_68, %get3A_69] : memref<1x1536x512xf32, #tpu.memory_space<vmem>>, vector<1x1536x512xf32>
        %get3A_71 = vector.shape_cast %get3A_70 : vector<1x1536x512xf32> to vector<1536x512xf32>
        %select_n3A = arith.select %eq3A_66, %get3A_71, %get3A_64 : vector<1536x512xi1>, vector<1536x512xf32>
        %swap3A_72 = arith.constant 0 : index
        %swap3A_73 = arith.constant 0 : index
        %swap3A_74 = arith.constant 0 : index
        %swap3A_75 = vector.load %arg5[%swap3A_72, %swap3A_73, %swap3A_74] : memref<1x1536x512xf32, #tpu.memory_space<vmem>>, vector<1x1536x512xf32>
        %swap3A_76 = vector.shape_cast %swap3A_75 : vector<1x1536x512xf32> to vector<1536x512xf32>
        %swap3A_77 = vector.shape_cast %select_n3A : vector<1536x512xf32> to vector<1x1536x512xf32>
        tpu.vector_store %arg5[%swap3A_72, %swap3A_73, %swap3A_74], %swap3A_77 {strides = array<i32>} : memref<1x1536x512xf32, #tpu.memory_space<vmem>>, vector<1x1536x512xf32>,
        %while3A_78 = arith.constant 0 : i32
        scf.yield %while3A_78 : i32
      }
      %while3A_38 = arith.constant 1 : i32
      %while3A_39 = scf.for %while3A_40 = %while3A_35 to %while3A_31 step %while3A_38 iter_args(%while3A_41 = %while3A_37) -> (i32)  : i32 {
        %rem3A = arith.constant 2 : i32
        %rem3A_42 = arith.remsi %while3A_40, %rem3A : i32
        %add3A_43 = arith.constant 1 : i32
        %add3A_44 = arith.addi %while3A_40, %add3A_43 : i32
        %lt3A = arith.cmpi slt, %add3A_44, %sub3A : i32
        %convert_element_type3A_45 = arith.extui %lt3A : i1 to i32
        %cond3A_46 = arith.constant 0 : i32
        %cond3A_47 = arith.cmpi ne, %convert_element_type3A_45, %cond3A_46 : i32
        scf.if %cond3A_47 {
          %add3A_79 = arith.addi %get3A_10, %while3A_40 : i32
          %add3A_80 = arith.constant 1 : i32
          %add3A_81 = arith.addi %add3A_79, %add3A_80 : i32
          %sub3A_82 = arith.constant 1 : i32
          %sub3A_83 = arith.subi %sub3A_82, %rem3A_42 : i32
          %get3A_84 = arith.index_cast %add3A_81 : i32 to index
          %get3A_85 = memref.load %arg2[%get3A_84] : memref<64xi32, #tpu.memory_space<smem>>
          %dma_start3A_86 = tpu.memref_slice %arg7[%sub3A_83] : memref<2x!tpu.dma_semaphore, #tpu.memory_space<semaphore_mem>> -> memref<1x!tpu.dma_semaphore, #tpu.memory_space<semaphore_mem>>
          %dma_start3A_87 = tpu.memref_squeeze %dma_start3A_86 : memref<1x!tpu.dma_semaphore, #tpu.memory_space<semaphore_mem>> -> memref<!tpu.dma_semaphore, #tpu.memory_space<semaphore_mem>>
          %dma_start3A_88 = arith.constant 0 : i32
          %dma_start3A_89 = arith.constant 0 : i32
          %dma_start3A_90 = tpu.memref_slice %arg6[%sub3A_83, %dma_start3A_88, %dma_start3A_89] : memref<2x1536x512xf32, #tpu.memory_space<vmem>> -> memref<1x1536x512xf32, #tpu.memory_space<vmem>>
          %dma_start3A_91 = tpu.memref_squeeze %dma_start3A_90 : memref<1x1536x512xf32, #tpu.memory_space<vmem>> -> memref<1536x512xf32, #tpu.memory_space<vmem>>
          %dma_start3A_92 = arith.constant 0 : i32
          %dma_start3A_93 = arith.constant 0 : i32
          %dma_start3A_94 = tpu.memref_slice %arg4[%get3A_85, %dma_start3A_92, %dma_start3A_93] : memref<64x1536x512xf32, #tpu.memory_space<any>> -> memref<1x1536x512xf32, #tpu.memory_space<any>>
          %dma_start3A_95 = tpu.memref_squeeze %dma_start3A_94 : memref<1x1536x512xf32, #tpu.memory_space<any>> -> memref<1536x512xf32, #tpu.memory_space<any>>
          tpu.enqueue_dma source(%dma_start3A_95 : memref<1536x512xf32, #tpu.memory_space<any>>) target(%dma_start3A_91 : memref<1536x512xf32, #tpu.memory_space<vmem>>) target_semaphore(%dma_start3A_87 : memref<!tpu.dma_semaphore, #tpu.memory_space<semaphore_mem>>)
        } else {
        }
        %add3A_48 = arith.addi %get3A_10, %while3A_40 : i32
        %get3A_49 = arith.index_cast %add3A_48 : i32 to index
        %get3A_50 = memref.load %arg2[%get3A_49] : memref<64xi32, #tpu.memory_space<smem>>
        %dma_wait3A = tpu.memref_slice %arg7[%rem3A_42] : memref<2x!tpu.dma_semaphore, #tpu.memory_space<semaphore_mem>> -> memref<1x!tpu.dma_semaphore, #tpu.memory_space<semaphore_mem>>
        %dma_wait3A_51 = tpu.memref_squeeze %dma_wait3A : memref<1x!tpu.dma_semaphore, #tpu.memory_space<semaphore_mem>> -> memref<!tpu.dma_semaphore, #tpu.memory_space<semaphore_mem>>
        %dma_wait3A_52 = arith.constant 0 : i32
        %dma_wait3A_53 = arith.constant 0 : i32
        %dma_wait3A_54 = tpu.memref_slice %arg6[%rem3A_42, %dma_wait3A_52, %dma_wait3A_53] : memref<2x1536x512xf32, #tpu.memory_space<vmem>> -> memref<1x1536x512xf32, #tpu.memory_space<vmem>>
        %dma_wait3A_55 = tpu.memref_squeeze %dma_wait3A_54 : memref<1x1536x512xf32, #tpu.memory_space<vmem>> -> memref<1536x512xf32, #tpu.memory_space<vmem>>
        %dma_wait3A_56 = arith.constant 0 : i32
        %dma_wait3A_57 = arith.constant 0 : i32
        %dma_wait3A_58 = tpu.memref_slice %arg4[%get3A_50, %dma_wait3A_56, %dma_wait3A_57] : memref<64x1536x512xf32, #tpu.memory_space<any>> -> memref<1x1536x512xf32, #tpu.memory_space<any>>
        %dma_wait3A_59 = tpu.memref_squeeze %dma_wait3A_58 : memref<1x1536x512xf32, #tpu.memory_space<any>> -> memref<1536x512xf32, #tpu.memory_space<any>>
        tpu.wait_dma2 semaphore(%dma_wait3A_51 : memref<!tpu.dma_semaphore, #tpu.memory_space<semaphore_mem>>) src(%dma_wait3A_59 : memref<1536x512xf32, #tpu.memory_space<any>>) dst(%dma_wait3A_55 : memref<1536x512xf32, #tpu.memory_space<vmem>>)
        %get3A_60 = arith.index_cast %rem3A_42 : i32 to index
        %get3A_61 = arith.constant 0 : index
        %get3A_62 = arith.constant 0 : index
        %get3A_63 = vector.load %arg6[%get3A_60, %get3A_61, %get3A_62] : memref<2x1536x512xf32, #tpu.memory_space<vmem>>, vector<1x1536x512xf32>
        %get3A_64 = vector.shape_cast %get3A_63 : vector<1x1536x512xf32> to vector<1536x512xf32>
        %eq3A = arith.constant 0.000000e+00 : f32
        %eq3A_65 = vector.broadcast %eq3A : f32 to vector<1536x512xf32>
        %eq3A_66 = arith.cmpf oeq, %get3A_64, %eq3A_65 : vector<1536x512xf32>
        %get3A_67 = arith.constant 0 : index
        %get3A_68 = arith.constant 0 : index
        %get3A_69 = arith.constant 0 : index
        %get3A_70 = vector.load %arg5[%get3A_67, %get3A_68, %get3A_69] : memref<1x1536x512xf32, #tpu.memory_space<vmem>>, vector<1x1536x512xf32>
        %get3A_71 = vector.shape_cast %get3A_70 : vector<1x1536x512xf32> to vector<1536x512xf32>
        %select_n3A = arith.select %eq3A_66, %get3A_71, %get3A_64 : vector<1536x512xi1>, vector<1536x512xf32>
        %swap3A_72 = arith.constant 0 : index
        %swap3A_73 = arith.constant 0 : index
        %swap3A_74 = arith.constant 0 : index
        %swap3A_75 = vector.load %arg5[%swap3A_72, %swap3A_73, %swap3A_74] : memref<1x1536x512xf32, #tpu.memory_space<vmem>>, vector<1x1536x512xf32>
        %swap3A_76 = vector.shape_cast %swap3A_75 : vector<1x1536x512xf32> to vector<1536x512xf32>
        %swap3A_77 = vector.shape_cast %select_n3A : vector<1536x512xf32> to vector<1x1536x512xf32>
        tpu.vector_store %arg5[%swap3A_72, %swap3A_73, %swap3A_74], %swap3A_77 {strides = array<i32>} : memref<1x1536x512xf32, #tpu.memory_space<vmem>>, vector<1x1536x512xf32>,
        %while3A_78 = arith.constant 0 : i32
        scf.yield %while3A_78 : i32
      }
    } else {
    }
    return
  }
  func.func @transform_0(%arg0: i32, %arg1: memref<17xi32, #tpu.memory_space<smem>>, %arg2: memref<64xi32, #tpu.memory_space<smem>>) -> (i32, i32, i32) {
    %c0_i32 = arith.constant 0 : i32
    %c0_i32_0 = arith.constant 0 : i32
    %c0_i32_1 = arith.constant 0 : i32
    return %arg0, %c0_i32, %c0_i32_0 : i32, i32, i32
  }
  func.func @transform_2(%arg0: i32, %arg1: memref<17xi32, #tpu.memory_space<smem>>, %arg2: memref<64xi32, #tpu.memory_space<smem>>) -> (i32, i32, i32) {
    %c0_i32 = arith.constant 0 : i32
    %c0_i32_0 = arith.constant 0 : i32
    %c0_i32_1 = arith.constant 0 : i32
    return %arg0, %c0_i32, %c0_i32_0 : i32, i32, i32
  }
}

</mosaic_0001>

<sc_bundles>
// kernel: _patch_apply.4.cloned.1.call-start
scs
__scs_entry_jumppad:
0x0: {  	(pc) =	sbr.rel $0x88, $3  }
0x1: {  	(tag) =	ssettag $0x0;
	lr =	simm.s32 $0x1  }
0x2: {  	[smem:$0x3F9E] =	sst lr;
	_ =	strace $0xD0000000  }
0x3: {  	_ = 	snop  }
0x4: {  	_ = 	snop  }
0x5: {  	_ = 	snop  }
0x6: {  	_ = 	snop  }
0x7: {  	_ = 	snop  }
__scs_overlays_trampoline_lowered:
0x8: {  	[smem:$0x3FAD] =	sst s0  }
0x9: {  	[smem:$0x3FAE] =	sst s1  }
0xa: {  	[smem:$0x3FAF] =	sst s2  }
0xb: {  	[smem:$0x3FB0] =	sst s3  }
0xc: {  	[smem:$0x3FB1] =	sst s4  }
0xd: {  	[smem:$0x3FB2] =	sst s5  }
0xe: {  	[smem:$0x3FB3] =	sst s6  }
0xf: {  	[smem:$0x3FB4] =	sst s7  }
0x10: {  	[smem:$0x3FB5] =	sst s8  }
0x11: {  	[smem:$0x3FB6] =	sst s9;
	s0 =	simm.s32 @!p0 $0x0  }
0x12: {  	s1 =	sld [smem:$0x3F9C];
	s0 =	simm.s32 @p0 $0x1  }
0x13: {  	[smem:$0x3FB7] =	sst s0;
	s0 =	simm.s32 @!p1 $0x0  }
0x14: {  	s2 =	sld [smem:$0x3F9B];
	s0 =	simm.s32 @p1 $0x1  }
0x15: {  	[smem:$0x3FB8] =	sst s0;
	s0 =	simm.s32 @!p2 $0x0  }
0x16: {  	s3 =	sld [smem:$0x3FDB];
	s0 =	simm.s32 @p2 $0x1  }
0x17: {  	s4 =	simm.s32 $0x1BF5;
	[smem:$0x3FBA] =	sst s0  }
0x18: {  	s0 =	sld [smem:$0x3F9D];
	_ =	swait.ge [sflag:s4], $0x0  }
0x19: {  	s7 =	sld [smem:$0x3F9E]  }
0x1a: {  	s8 =	sadd.s32 $0xFFFFE003, lr  }
0x1b: {  	s9 =	sadd.s32 $0xFFFFFEF7, lr;
	s5 =	simm.s32 $0xFFFFFFFF;
	p2 =	slt.u32 s8, $0xFFFFF086  }
0x1c: {  	p1 =	slt.u32 s9, $0xF7A;
	s5 =	simm.s32 @!p2 $0x0  }
0x1d: {  	s5 =	simm.s32 @p1 $0x1;
	p0 =	seq.s32 s7, s2  }
0x1e: {  	s7 =	smul.u32 @!p0 $0xF7A, s2;
	p2 =	seq.s32 @!p0 s5, $0x0  }
0x1f: {  	s9 =	smul.u32 $0xF7A, s1;
	s8 =	simm.s32 @!p0 $0x1BF5;
	p2 =	por !p2, p0  }
0x20: {  	[sflag:s8] =	ssyncset.s32 @!p0 $0xFFFFF086;
	s6 =	sadd.s32 @!p0 s3, s7;
	s7 =	simm.s32 @!p0 $0x108  }
0x21: {  	s3 =	sadd.s32 s3, s9;
	s6 =	sadd.s32 @!p0 $0x88, s6;
	s7 =	simm.s32 @p2 $0x1082  }
0x22: {  	[simem:s7], [sflag:s8] =	dma.local @!p0 [hbm:s6], $0xF7A  }
0x23: {  	s9 =	sor.u32 $0xD0000000, s2;
	s6 =	simm.s32 $0x108;
	_ =	swait.ge @!p0 [sflag:s8], $0x0  }
0x24: {  	s3 =	sadd.s32 $0x88, s3;
	s6 =	simm.s32 @!p1 $0x1082;
	[sflag:s4] =	ssyncset.s32 $0xFFFFF086  }
0x25: {  	[simem:s6], [sflag:s4] =	dma.local [hbm:s3], $0xF7A  }
0x26: {  	[smem:$0x3F9E] =	sst s1;
	(tag) =	ssettag s2;
	_ =	strace s9  }
0x27: {  	s1 =	sld [smem:$0x3FAE]  }
0x28: {  	s2 =	sld [smem:$0x3FAF]  }
0x29: {  	s4 =	sld [smem:$0x3FB1]  }
0x2a: {  	p0 =	seq.s32 s5, $0x0;
	s5 =	sld [smem:$0x3FB2]  }
0x2b: {  	s6 =	sld [smem:$0x3FB3]  }
0x2c: {  	s7 =	sld [smem:$0x3FB4]  }
0x2d: {  	s3 =	simm.s32 $0x108;
	s8 =	sld [smem:$0x3FB5]  }
0x2e: {  	s3 =	simm.s32 @!p0 $0x1082;
	s9 =	sld [smem:$0x3FB6]  }
0x2f: {  	lr =	sadd.s32 s0, s3;
	s0 =	sld [smem:$0x3FAD]  }
0x30: {  	s3 =	sld [smem:$0x3FB0]  }
0x31: {  	[smem:$0x3FB9] =	sst s10  }
0x32: {  	s10 =	sld [smem:$0x3FB7];
	_ =	sdelay $0x3  }
0x33: {  	p0 =	seq.s32 s10, $0x1;
	s10 =	sld [smem:$0x3FB9];
	_ =	sdelay $0x3  }
0x34: {  	[smem:$0x3FB9] =	sst s10  }
0x35: {  	s10 =	sld [smem:$0x3FB8];
	_ =	sdelay $0x3  }
0x36: {  	p1 =	seq.s32 s10, $0x1;
	s10 =	sld [smem:$0x3FB9];
	_ =	sdelay $0x3  }
0x37: {  	[smem:$0x3FB9] =	sst s10  }
0x38: {  	s10 =	sld [smem:$0x3FBA]  }
0x39: {  	_ = 	snop;
	(pc) =	sbr.ind lr, $3  }
0x3a: {  	_ = 	snop  }
0x3b: {  	_ = 	snop  }
0x3c: {  	p2 =	seq.s32 s10, $0x1;
	s10 =	sld [smem:$0x3FB9]  }
0x3d: {  	_ =	shalt  }
0x3e: {  	_ =	shalt  }
0x3f: {  	_ =	shalt  }
0x40: {  	_ =	shalt  }
0x41: {  	_ =	shalt  }
0x42: {  	_ =	shalt  }
0x43: {  	_ =	shalt  }
0x44: {  	_ =	shalt  }
0x45: {  	_ =	shalt  }
0x46: {  	_ =	shalt  }
0x47: {  	_ =	shalt  }
0x48: {  	_ =	shalt  }
0x49: {  	_ =	shalt  }
0x4a: {  	_ =	shalt  }
0x4b: {  	_ =	shalt  }
0x4c: {  	_ =	shalt  }
0x4d: {  	_ =	shalt  }
0x4e: {  	_ =	shalt  }
0x4f: {  	_ =	shalt  }
0x50: {  	_ =	shalt  }
0x51: {  	_ =	shalt  }
0x52: {  	_ =	shalt  }
0x53: {  	_ =	shalt  }
0x54: {  	_ =	shalt  }
0x55: {  	_ =	shalt  }
0x56: {  	_ =	shalt  }
0x57: {  	_ =	shalt  }
0x58: {  	_ =	shalt  }
0x59: {  	_ =	shalt  }
0x5a: {  	_ =	shalt  }
0x5b: {  	_ =	shalt  }
0x5c: {  	_ =	shalt  }
0x5d: {  	_ =	shalt  }
0x5e: {  	_ =	shalt  }
0x5f: {  	_ =	shalt  }
0x60: {  	_ =	shalt  }
0x61: {  	_ =	shalt  }
0x62: {  	_ =	shalt  }
0x63: {  	_ =	shalt  }
0x64: {  	_ =	shalt  }
0x65: {  	_ =	shalt  }
0x66: {  	_ =	shalt  }
0x67: {  	_ =	shalt  }
0x68: {  	_ =	shalt  }
0x69: {  	_ =	shalt  }
0x6a: {  	_ =	shalt  }
0x6b: {  	_ =	shalt  }
0x6c: {  	_ =	shalt  }
0x6d: {  	_ =	shalt  }
0x6e: {  	_ =	shalt  }
0x6f: {  	_ =	shalt  }
0x70: {  	_ =	shalt  }
0x71: {  	_ =	shalt  }
0x72: {  	_ =	shalt  }
0x73: {  	_ =	shalt  }
0x74: {  	_ =	shalt  }
0x75: {  	_ =	shalt  }
0x76: {  	_ =	shalt  }
0x77: {  	_ =	shalt  }
0x78: {  	_ =	shalt  }
0x79: {  	_ =	shalt  }
0x7a: {  	_ =	shalt  }
0x7b: {  	_ =	shalt  }
0x7c: {  	_ =	shalt  }
0x7d: {  	_ =	shalt  }
0x7e: {  	_ =	shalt  }
0x7f: {  	_ =	shalt  }
0x80: {  	_ =	shalt  }
0x81: {  	_ =	shalt  }
0x82: {  	_ =	shalt  }
0x83: {  	_ =	shalt  }
0x84: {  	_ =	shalt  }
0x85: {  	_ =	shalt  }
0x86: {  	_ =	shalt  }
0x87: {  	_ =	shalt  }
.Lfunc_end0:
.L_simem_size_0:
called_computation_lowered:
.L_overlay_start_0:
0x88: {  	s2 =	sld [smem:$0x3FD9]  }
0x89: {  	s3 =	sld [smem:$0x3FFE];
	_ =	sdelay $0x1  }
0x8a: {  	s1 =	srdreg.scid  }
0x8b: {  	s0 =	sand.u32 $0x1, s1  }
0x8c: {  	s17 =	sshll.u32 s0, $0xA;
	s2 =	sadd.s32 s3, s2  }
0x8d: {  	s2 =	sadd.s32 s2, s17  }
0x8e: {  	[smem:$0x3FC5] =	sst s2  }
0x8f: {  	_ = 	snop  }
0x90: {  	s2 =	sld [smem:$0x3FC9]  }
0x91: {  	s18 =	sld [smem:$0x3FC8]  }
0x92: {  	s4 =	sld [smem:$0x3FC7];
	(tm) =	ssettm $0x1  }
0x93: {  	s5 =	sld [smem:$0x3FFB];
	_ =	sdelay $0x3  }
0x94: {  	_ =	strace s5  }
0x95: {  	s5 =	sld [smem:$0x3FFC];
	_ =	sdelay $0x3  }
0x96: {  	_ =	strace s5  }
0x97: {  	s5 =	sld [smem:$0x3FFD];
	_ =	sdelay $0x3  }
0x98: {  	_ =	strace s5  }
0x99: {  	_ =	strace $0x8FFFFFFF  }
0x9a: {  	s19 =	sld [smem:$0x3FDB];
	_ =	sdelay $0x1  }
0x9b: {  	s6 =	simm.s32 $_scs_section_size  }
0x9c: {  	s7 =	simm.s32 $_size__tile_overlayer_lowered;
	s8 =	simm.s32 $_tile_overlayer_lowered  }
0x9d: {  	s22 =	simm.s32 $0x1BFF;
	s21 =	sshll.u32 s8, $0x1;
	s5 =	sadd.s32 s6, s19  }
0x9e: {  	s9 =	simm.s32 $0x0;
	s20 =	sshll.u32 s7, $0x1;
	s7 =	sadd.s32 s21, s5  }
0x9f: {  	[timem:s9], [sflag:s22] =	dma.local [hbm:s7], s20  }
0xa0: {  	_ =	swait.ge [sflag:s22], s20  }
0xa1: {  	s6 =	ssub.s32 $0x0, s20;
	[sflag:s22] =	ssyncset.done $0x0  }
0xa2: {  	[sflag:s22] =	ssyncadd.s32 s6;
	_ =	sdelay $0x1  }
0xa3: {  	s23 =	simm.s32 $0x1B8B  }
0xa4: {  	_ =	swait.ge [sflag:s23], $0x1  }
0xa5: {  	[sflag:s23] =	ssyncset.done $0x0  }
0xa6: {  	s25 =	simm.s32 $0x1B8E;
	s24 =	sld [smem:$0x3FFE];
	[sflag:s23] =	ssyncadd.s32 $0xFFFFFFFF  }
0xa7: {  	s26 =	simm.s32 $execute0_lowered;
	[smem:$0x3FD2] =	sst s25  }
0xa8: {  	s7 =	sshll.u32 s26, $0x1;
	_ =	strace $0x80000046;
	[dreg:$0x1] =	wrdreg $0xFFFFFFFF  }
0xa9: {  	s28 =	simm.s32 $_size_execute0_lowered;
	s5 =	sadd.s32 s5, s7;
	[dreg:$0x0] =	wrdreg $0x0  }
0xaa: {  	s7 =	sshll.u32 s28, $0x1;
	[dreg:$0x2] =	wrdreg s5  }
0xab: {  	[dreg:$0x3] =	wrdreg s7  }
0xac: {  	[dreg:$0x4] =	wrdreg $0xC0  }
0xad: {  	_ =	task [dreg:s9], $0x5FFFF  }
0xae: {  	[dreg:$0x1] =	wrdreg $0xFFFFFFFF  }
0xaf: {  	[dreg:$0x0] =	wrdreg $0x60  }
0xb0: {  	[dreg:$0x2] =	wrdreg s2  }
0xb1: {  	[dreg:$0x3] =	wrdreg s18  }
0xb2: {  	[dreg:$0x4] =	wrdreg s4  }
0xb3: {  	[dreg:$0x5] =	wrdreg s24  }
0xb4: {  	[dreg:$0x6] =	wrdreg $0x9  }
0xb5: {  	_ =	task.clear_ibuf [dreg:s9], $0x7FFFF;
	_ =	strace $0x90000046  }
0xb6: {  	s29 =	simm.s32 $0x9;
	_ =	strace $0x80000048  }
0xb7: {  	_ =	swait.ge [sflag:s29], $0x1  }
0xb8: {  	[sflag:s29] =	ssyncadd.s32 $0xFFFFFFFF  }
0xb9: {  	_ =	strace $0x90000048  }
0xba: {  	_ =	sfence  }
0xbb: {  	s30 =	sld [smem:$0x0];
	_ =	sdelay $0x2  }
0xbc: {  	s31 =	sshll.u32 s1, $0xD;
	s1 =	sshrl.u32 s1, $0x2  }
0xbd: {  	s3 =	sand.u32 $0x4000, s31;
	s1 =	sadd.s32 s1, s30  }
0xbe: {  	s0 =	sor.u32 s3, s0;
	s1 =	sshll.u32 s1, $0x11  }
0xbf: {  	s0 =	sor.u32 s1, s0  }
0xc0: {  	s0 =	sadd.s32 $0x8F2B, s0  }
0xc1: {  	[sflag:s0] =	ssyncadd.remote.s32 $0x1  }
0xc2: {  	_ =	sfence.sel $0xFFFF  }
0xc3: {  	[dreg:$0x0] =	wrdreg $0xFFFFFFFF;
	(pc) =	sbr.abs _section_cstart, $3  }
0xc4: {  	[dreg:$0x1] =	wrdreg $0xFFFFFFFF  }
0xc5: {  	_ =	task.clear_ibuf [dreg:s9], $0x2FFFF;
	_ =	strace $0x9FFFFFFF  }
0xc6: {  	(tm) =	ssettm $0x7FFFFFFF  }
0xc7: {  	_ =	shalt  }
tec
execute0_lowered:
.L_overlay_start_1:
0x0: {  	(tag) =	ssettag $0x1  }
0x1: {  	s0 =	srdreg.scid;
	s3 =	stileid.u32  }
0x2: {  	s1 =	rddreg [dreg:$0x0];
	s0 =	sand.u32 $0x1, s0;
	s3 =	sshll.u32 s3, $0x1  }
0x3: {  	s2 =	rddreg [dreg:$0x1];
	s3 =	sor.u32 s0, s3  }
0x4: {  	s5 =	rddreg [dreg:$0x3];
	s7 =	simm.s32 $0x0;
	s6 =	smul.u32 $0x6000, s3  }
.Ltmp0:
0x5: {  	s11 =	simm.s32 $0x7;
	s16 =	simm.s32 $0x5;
	(pc) =	sbr.rel .LBB2_1-.Ltmp0, $4  }
0x6: {  	s12 =	simm.s32 $0x0;
	[smem:$0x7FF] =	sst s7;
	s0 =	ssub.s32 $0x2, s0  }
0x7: {  	_ =	strace $0x80000047;
	s30 =	sshrl.u32 s0, $0x1;
	s4 =	sshrl.u32 s6, $0x3  }
0x8: {  	s0 =	ssub.s32 s0, s30;
	s9 =	sor.u32 $0x900000, s6;
	s31 =	sadd.s32 s1, s4  }
0x9: {  	s10 =	smax.u32 s0, $0x1;
	s4 =	simm.s32 $0xC080;
	s8 =	sadd.s32 $0x108000, s31  }
.LBB2_11:
0xa: {  	s12 =	sadd.s32 $0x1, s12  }
0xb: {  	p0 =	sne.s32 s12, s10  }
.Ltmp1:
0xc: {  	_ = 	snop;
	(pc) =	sbr.rel @!p0 .LBB2_12-.Ltmp1, $4  }
0xd: {  	_ = 	snop  }
0xe: {  	_ =	swait.ge [sflag:s16], $0x6000  }
0xf: {  	[sflag:s16] =	ssyncset.done $0x0  }
0x10: {  	[sflag:s16] =	ssyncadd.s32 $0xFFFFA000  }
.LBB2_1:
0x11: {  	s0 =	rddreg [dreg:$0x2]  }
0x12: {  	[tilespmem:s7], [sflag:$0x7] =	stream.linear.gather [hbm4b:s0+s7], $0x80, $0x38;
	[tilespmem:$0x18080] =	vst v63  }
0x13: {  	_ =	swait.ge [sflag:s11], $0x80  }
0x14: {  	[sflag:s11] =	ssyncset.done $0x0  }
0x15: {  	[sflag:s11] =	ssyncadd.s32 $0xFFFFFF80  }
0x16: {  	v0 =	vld [tilespmem:$0x0];
	_ =	sdelay $0x4  }
0x17: {  	(v2sf) =	vpush v0, $0x0  }
0x18: {  	(v2sf) =	vpush v0, $0x1  }
0x19: {  	(v2sf) =	vpush v0, $0x2  }
0x1a: {  	(v2sf) =	vpush v0, $0x3  }
0x1b: {  	(v2sf) =	vpush v0, $0x4  }
0x1c: {  	(v2sf) =	vpush v0, $0x5  }
0x1d: {  	(v2sf) =	vpush v0, $0x6  }
0x1e: {  	(v2sf) =	vpush v0, $0x7  }
0x1f: {  	(v2sf) =	vpush v0, $0x8  }
0x20: {  	(v2sf) =	vpush v0, $0x9  }
0x21: {  	(v2sf) =	vpush v0, $0xA  }
0x22: {  	v1 =	vld [tilespmem:$0x10];
	(v2sf) =	vpush v0, $0xB  }
0x23: {  	(v2sf) =	vpush v0, $0xC  }
0x24: {  	(v2sf) =	vpush v0, $0xD  }
0x25: {  	(v2sf) =	vpush v0, $0xE  }
0x26: {  	s13 =	spop (v2sf);
	(v2sf) =	vpush v0, $0xF  }
0x27: {  	[smem:$0x0] =	sst s13;
	s26 =	spop (v2sf);
	(v2sf) =	vpush v1, $0x0  }
0x28: {  	[smem:$0x1] =	sst s26;
	s28 =	spop (v2sf);
	(v2sf) =	vpush v1, $0x1  }
0x29: {  	[smem:$0x2] =	sst s28;
	s29 =	spop (v2sf);
	(v2sf) =	vpush v1, $0x2  }
0x2a: {  	[smem:$0x3] =	sst s29;
	s30 =	spop (v2sf);
	(v2sf) =	vpush v1, $0x3  }
0x2b: {  	[smem:$0x4] =	sst s30;
	s31 =	spop (v2sf);
	(v2sf) =	vpush v1, $0x4  }
0x2c: {  	[smem:$0x5] =	sst s31;
	s0 =	spop (v2sf);
	(v2sf) =	vpush v1, $0x5  }
0x2d: {  	[smem:$0x6] =	sst s0;
	s3 =	spop (v2sf);
	(v2sf) =	vpush v1, $0x6  }
0x2e: {  	[smem:$0x7] =	sst s3;
	s14 =	spop (v2sf);
	(v2sf) =	vpush v1, $0x7  }
0x2f: {  	[smem:$0x8] =	sst s14;
	s15 =	spop (v2sf);
	(v2sf) =	vpush v1, $0x8  }
0x30: {  	[smem:$0x9] =	sst s15;
	s17 =	spop (v2sf);
	(v2sf) =	vpush v1, $0x9  }
0x31: {  	[smem:$0xA] =	sst s17;
	s18 =	spop (v2sf);
	(v2sf) =	vpush v1, $0xA  }
0x32: {  	v62 =	vld [tilespmem:$0x20];
	[smem:$0xB] =	sst s18;
	s19 =	spop (v2sf);
	(v2sf) =	vpush v1, $0xB  }
0x33: {  	[smem:$0xC] =	sst s19;
	s20 =	spop (v2sf);
	(v2sf) =	vpush v1, $0xC  }
0x34: {  	[smem:$0xD] =	sst s20;
	s21 =	spop (v2sf);
	(v2sf) =	vpush v1, $0xD  }
0x35: {  	[smem:$0xE] =	sst s21;
	s22 =	spop (v2sf);
	(v2sf) =	vpush v1, $0xE  }
0x36: {  	[smem:$0xF] =	sst s22;
	s23 =	spop (v2sf);
	(v2sf) =	vpush v1, $0xF  }
0x37: {  	[smem:$0x10] =	sst s23;
	s24 =	spop (v2sf);
	(v2sf) =	vpush v62, $0x0  }
0x38: {  	[smem:$0x11] =	sst s24;
	s25 =	spop (v2sf);
	(v2sf) =	vpush v62, $0x1  }
0x39: {  	[smem:$0x12] =	sst s25;
	s26 =	spop (v2sf);
	(v2sf) =	vpush v62, $0x2  }
0x3a: {  	[smem:$0x13] =	sst s26;
	s28 =	spop (v2sf);
	(v2sf) =	vpush v62, $0x3  }
0x3b: {  	[smem:$0x14] =	sst s28;
	s29 =	spop (v2sf);
	(v2sf) =	vpush v62, $0x4  }
0x3c: {  	[smem:$0x15] =	sst s29;
	s30 =	spop (v2sf);
	(v2sf) =	vpush v62, $0x5  }
0x3d: {  	[smem:$0x16] =	sst s30;
	s31 =	spop (v2sf);
	(v2sf) =	vpush v62, $0x6  }
0x3e: {  	[smem:$0x17] =	sst s31;
	s0 =	spop (v2sf);
	(v2sf) =	vpush v62, $0x7  }
0x3f: {  	[smem:$0x18] =	sst s0;
	s3 =	spop (v2sf);
	(v2sf) =	vpush v62, $0x8  }
0x40: {  	[smem:$0x19] =	sst s3;
	s14 =	spop (v2sf);
	(v2sf) =	vpush v62, $0x9  }
0x41: {  	[smem:$0x1A] =	sst s14;
	s15 =	spop (v2sf);
	(v2sf) =	vpush v62, $0xA  }
0x42: {  	v63 =	vld [tilespmem:$0x30];
	[smem:$0x1B] =	sst s15;
	s17 =	spop (v2sf);
	(v2sf) =	vpush v62, $0xB  }
0x43: {  	[smem:$0x1C] =	sst s17;
	s18 =	spop (v2sf);
	(v2sf) =	vpush v62, $0xC  }
0x44: {  	[smem:$0x1D] =	sst s18;
	s19 =	spop (v2sf);
	(v2sf) =	vpush v62, $0xD  }
0x45: {  	[smem:$0x1E] =	sst s19;
	s20 =	spop (v2sf);
	(v2sf) =	vpush v62, $0xE  }
0x46: {  	(v2sf) =	vpush v62, $0xF;
	s14 =	spop (v2sf);
	[smem:$0x1F] =	sst s20  }
0x47: {  	[smem:$0x20] =	sst s14;
	s21 =	spop (v2sf);
	(v2sf) =	vpush v63, $0x0  }
0x48: {  	[smem:$0x21] =	sst s21;
	s22 =	spop (v2sf);
	(v2sf) =	vpush v63, $0x1  }
0x49: {  	[smem:$0x22] =	sst s22;
	s23 =	spop (v2sf);
	(v2sf) =	vpush v63, $0x2  }
0x4a: {  	[smem:$0x23] =	sst s23;
	s24 =	spop (v2sf);
	(v2sf) =	vpush v63, $0x3  }
0x4b: {  	[smem:$0x24] =	sst s24;
	s25 =	spop (v2sf);
	(v2sf) =	vpush v63, $0x4  }
0x4c: {  	[smem:$0x25] =	sst s25;
	s26 =	spop (v2sf);
	(v2sf) =	vpush v63, $0x5  }
0x4d: {  	[smem:$0x26] =	sst s26;
	s28 =	spop (v2sf);
	(v2sf) =	vpush v63, $0x6  }
0x4e: {  	[smem:$0x27] =	sst s28;
	s29 =	spop (v2sf);
	(v2sf) =	vpush v63, $0x7  }
0x4f: {  	[smem:$0x28] =	sst s29;
	s30 =	spop (v2sf);
	(v2sf) =	vpush v63, $0x8  }
0x50: {  	[smem:$0x29] =	sst s30;
	s31 =	spop (v2sf);
	(v2sf) =	vpush v63, $0x9  }
0x51: {  	[smem:$0x2A] =	sst s31;
	s0 =	spop (v2sf);
	(v2sf) =	vpush v63, $0xA  }
0x52: {  	[smem:$0x2B] =	sst s0;
	s3 =	spop (v2sf);
	(v2sf) =	vpush v63, $0xB  }
0x53: {  	[smem:$0x2C] =	sst s3;
	s14 =	spop (v2sf);
	(v2sf) =	vpush v63, $0xC  }
0x54: {  	[smem:$0x2D] =	sst s14;
	s15 =	spop (v2sf);
	(v2sf) =	vpush v63, $0xD  }
0x55: {  	[smem:$0x2E] =	sst s15;
	s17 =	spop (v2sf);
	(v2sf) =	vpush v63, $0xE  }
0x56: {  	[smem:$0x2F] =	sst s17;
	s18 =	spop (v2sf);
	(v2sf) =	vpush v63, $0xF  }
0x57: {  	s19 =	spop (v2sf);
	[smem:$0x30] =	sst s18  }
0x58: {  	s20 =	spop (v2sf);
	[smem:$0x31] =	sst s19  }
0x59: {  	s21 =	spop (v2sf);
	[smem:$0x32] =	sst s20  }
0x5a: {  	s22 =	spop (v2sf);
	[smem:$0x33] =	sst s21  }
0x5b: {  	s23 =	spop (v2sf);
	[smem:$0x34] =	sst s22  }
0x5c: {  	s24 =	spop (v2sf);
	[smem:$0x35] =	sst s23  }
0x5d: {  	s25 =	spop (v2sf);
	[smem:$0x36] =	sst s24  }
0x5e: {  	s26 =	spop (v2sf);
	[smem:$0x37] =	sst s25  }
0x5f: {  	s28 =	spop (v2sf);
	[smem:$0x38] =	sst s26  }
0x60: {  	s29 =	spop (v2sf);
	[smem:$0x39] =	sst s28  }
0x61: {  	s30 =	spop (v2sf);
	[smem:$0x3A] =	sst s29  }
0x62: {  	s31 =	spop (v2sf);
	[smem:$0x3B] =	sst s30  }
0x63: {  	s0 =	spop (v2sf);
	[smem:$0x3C] =	sst s31  }
0x64: {  	s3 =	spop (v2sf);
	[smem:$0x3D] =	sst s0  }
0x65: {  	[smem:$0x3E] =	sst s3;
	s14 =	spop (v2sf)  }
0x66: {  	[smem:$0x3F] =	sst s14  }
0x67: {  	[smem:$0x100] =	sst s7  }
0x68: {  	[smem:$0x101] =	sst s7  }
0x69: {  	[smem:$0x102] =	sst s7  }
0x6a: {  	[smem:$0x103] =	sst s7  }
0x6b: {  	[smem:$0x104] =	sst s7  }
0x6c: {  	[smem:$0x105] =	sst s7  }
0x6d: {  	[smem:$0x106] =	sst s7  }
0x6e: {  	[smem:$0x107] =	sst s7  }
0x6f: {  	[smem:$0x108] =	sst s7  }
0x70: {  	[smem:$0x109] =	sst s7  }
0x71: {  	[smem:$0x10A] =	sst s7  }
0x72: {  	[smem:$0x10B] =	sst s7  }
0x73: {  	[smem:$0x10C] =	sst s7  }
0x74: {  	[smem:$0x10D] =	sst s7  }
0x75: {  	[smem:$0x10E] =	sst s7  }
0x76: {  	[smem:$0x10F] =	sst s7  }
0x77: {  	[smem:$0x110] =	sst s7  }
0x78: {  	[smem:$0x180] =	sst s7  }
0x79: {  	[smem:$0x181] =	sst s7  }
0x7a: {  	[smem:$0x182] =	sst s7  }
0x7b: {  	[smem:$0x183] =	sst s7  }
0x7c: {  	[smem:$0x184] =	sst s7  }
0x7d: {  	[smem:$0x185] =	sst s7  }
0x7e: {  	[smem:$0x186] =	sst s7  }
0x7f: {  	[smem:$0x187] =	sst s7  }
0x80: {  	[smem:$0x188] =	sst s7  }
0x81: {  	[smem:$0x189] =	sst s7  }
0x82: {  	[smem:$0x18A] =	sst s7  }
0x83: {  	[smem:$0x18B] =	sst s7  }
0x84: {  	[smem:$0x18C] =	sst s7  }
0x85: {  	[smem:$0x18D] =	sst s7  }
0x86: {  	[smem:$0x18E] =	sst s7  }
0x87: {  	[smem:$0x18F] =	sst s7  }
0x88: {  	s15 =	sld [smem:$0x0];
	_ =	sdelay $0x2  }
0x89: {  	s14 =	sld [smem:s15+$0x101];
	_ =	sdelay $0x2  }
0x8a: {  	s14 =	sadd.s32 $0x1, s14  }
0x8b: {  	[smem:s15+$0x101] =	sst s14  }
0x8c: {  	s13 =	sld [smem:$0x1];
	_ =	sdelay $0x2  }
0x8d: {  	s14 =	sld [smem:s13+$0x101];
	_ =	sdelay $0x2  }
0x8e: {  	s14 =	sadd.s32 $0x1, s14  }
0x8f: {  	[smem:s13+$0x101] =	sst s14  }
0x90: {  	s13 =	sld [smem:$0x2];
	_ =	sdelay $0x2  }
0x91: {  	s14 =	sld [smem:s13+$0x101];
	_ =	sdelay $0x2  }
0x92: {  	s14 =	sadd.s32 $0x1, s14  }
0x93: {  	[smem:s13+$0x101] =	sst s14  }
0x94: {  	s13 =	sld [smem:$0x3];
	_ =	sdelay $0x2  }
0x95: {  	s14 =	sld [smem:s13+$0x101];
	_ =	sdelay $0x2  }
0x96: {  	s14 =	sadd.s32 $0x1, s14  }
0x97: {  	[smem:s13+$0x101] =	sst s14  }
0x98: {  	s13 =	sld [smem:$0x4];
	_ =	sdelay $0x2  }
0x99: {  	s14 =	sld [smem:s13+$0x101];
	_ =	sdelay $0x2  }
0x9a: {  	s14 =	sadd.s32 $0x1, s14  }
0x9b: {  	[smem:s13+$0x101] =	sst s14  }
0x9c: {  	s13 =	sld [smem:$0x5];
	_ =	sdelay $0x2  }
0x9d: {  	s14 =	sld [smem:s13+$0x101];
	_ =	sdelay $0x2  }
0x9e: {  	s14 =	sadd.s32 $0x1, s14  }
0x9f: {  	[smem:s13+$0x101] =	sst s14  }
0xa0: {  	s13 =	sld [smem:$0x6];
	_ =	sdelay $0x2  }
0xa1: {  	s14 =	sld [smem:s13+$0x101];
	_ =	sdelay $0x2  }
0xa2: {  	s14 =	sadd.s32 $0x1, s14  }
0xa3: {  	[smem:s13+$0x101] =	sst s14  }
0xa4: {  	s13 =	sld [smem:$0x7];
	_ =	sdelay $0x2  }
0xa5: {  	s14 =	sld [smem:s13+$0x101];
	_ =	sdelay $0x2  }
0xa6: {  	s14 =	sadd.s32 $0x1, s14  }
0xa7: {  	[smem:s13+$0x101] =	sst s14  }
0xa8: {  	s13 =	sld [smem:$0x8];
	_ =	sdelay $0x2  }
0xa9: {  	s14 =	sld [smem:s13+$0x101];
	_ =	sdelay $0x2  }
0xaa: {  	s14 =	sadd.s32 $0x1, s14  }
0xab: {  	[smem:s13+$0x101] =	sst s14  }
0xac: {  	s13 =	sld [smem:$0x9];
	_ =	sdelay $0x2  }
0xad: {  	s14 =	sld [smem:s13+$0x101];
	_ =	sdelay $0x2  }
0xae: {  	s14 =	sadd.s32 $0x1, s14  }
0xaf: {  	[smem:s13+$0x101] =	sst s14  }
0xb0: {  	s13 =	sld [smem:$0xA];
	_ =	sdelay $0x2  }
0xb1: {  	s14 =	sld [smem:s13+$0x101];
	_ =	sdelay $0x2  }
0xb2: {  	s14 =	sadd.s32 $0x1, s14  }
0xb3: {  	[smem:s13+$0x101] =	sst s14  }
0xb4: {  	s13 =	sld [smem:$0xB];
	_ =	sdelay $0x2  }
0xb5: {  	s14 =	sld [smem:s13+$0x101];
	_ =	sdelay $0x2  }
0xb6: {  	s14 =	sadd.s32 $0x1, s14  }
0xb7: {  	[smem:s13+$0x101] =	sst s14  }
0xb8: {  	s13 =	sld [smem:$0xC];
	_ =	sdelay $0x2  }
0xb9: {  	s14 =	sld [smem:s13+$0x101];
	_ =	sdelay $0x2  }
0xba: {  	s14 =	sadd.s32 $0x1, s14  }
0xbb: {  	[smem:s13+$0x101] =	sst s14  }
0xbc: {  	s13 =	sld [smem:$0xD];
	_ =	sdelay $0x2  }
0xbd: {  	s14 =	sld [smem:s13+$0x101];
	_ =	sdelay $0x2  }
0xbe: {  	s14 =	sadd.s32 $0x1, s14  }
0xbf: {  	[smem:s13+$0x101] =	sst s14  }
0xc0: {  	s13 =	sld [smem:$0xE];
	_ =	sdelay $0x2  }
0xc1: {  	s14 =	sld [smem:s13+$0x101];
	_ =	sdelay $0x2  }
0xc2: {  	s14 =	sadd.s32 $0x1, s14  }
0xc3: {  	[smem:s13+$0x101] =	sst s14  }
0xc4: {  	s13 =	sld [smem:$0xF];
	_ =	sdelay $0x2  }
0xc5: {  	s14 =	sld [smem:s13+$0x101];
	_ =	sdelay $0x2  }
0xc6: {  	s14 =	sadd.s32 $0x1, s14  }
0xc7: {  	[smem:s13+$0x101] =	sst s14  }
0xc8: {  	s13 =	sld [smem:$0x10];
	_ =	sdelay $0x2  }
0xc9: {  	s14 =	sld [smem:s13+$0x101];
	_ =	sdelay $0x2  }
0xca: {  	s14 =	sadd.s32 $0x1, s14  }
0xcb: {  	[smem:s13+$0x101] =	sst s14  }
0xcc: {  	s13 =	sld [smem:$0x11];
	_ =	sdelay $0x2  }
0xcd: {  	s14 =	sld [smem:s13+$0x101];
	_ =	sdelay $0x2  }
0xce: {  	s14 =	sadd.s32 $0x1, s14  }
0xcf: {  	[smem:s13+$0x101] =	sst s14  }
0xd0: {  	s13 =	sld [smem:$0x12];
	_ =	sdelay $0x2  }
0xd1: {  	s14 =	sld [smem:s13+$0x101];
	_ =	sdelay $0x2  }
0xd2: {  	s14 =	sadd.s32 $0x1, s14  }
0xd3: {  	[smem:s13+$0x101] =	sst s14  }
0xd4: {  	s13 =	sld [smem:$0x13];
	_ =	sdelay $0x2  }
0xd5: {  	s14 =	sld [smem:s13+$0x101];
	_ =	sdelay $0x2  }
0xd6: {  	s14 =	sadd.s32 $0x1, s14  }
0xd7: {  	[smem:s13+$0x101] =	sst s14  }
0xd8: {  	s13 =	sld [smem:$0x14];
	_ =	sdelay $0x2  }
0xd9: {  	s14 =	sld [smem:s13+$0x101];
	_ =	sdelay $0x2  }
0xda: {  	s14 =	sadd.s32 $0x1, s14  }
0xdb: {  	[smem:s13+$0x101] =	sst s14  }
0xdc: {  	s13 =	sld [smem:$0x15];
	_ =	sdelay $0x2  }
0xdd: {  	s14 =	sld [smem:s13+$0x101];
	_ =	sdelay $0x2  }
0xde: {  	s14 =	sadd.s32 $0x1, s14  }
0xdf: {  	[smem:s13+$0x101] =	sst s14  }
0xe0: {  	s13 =	sld [smem:$0x16];
	_ =	sdelay $0x2  }
0xe1: {  	s14 =	sld [smem:s13+$0x101];
	_ =	sdelay $0x2  }
0xe2: {  	s14 =	sadd.s32 $0x1, s14  }
0xe3: {  	[smem:s13+$0x101] =	sst s14  }
0xe4: {  	s13 =	sld [smem:$0x17];
	_ =	sdelay $0x2  }
0xe5: {  	s14 =	sld [smem:s13+$0x101];
	_ =	sdelay $0x2  }
0xe6: {  	s14 =	sadd.s32 $0x1, s14  }
0xe7: {  	[smem:s13+$0x101] =	sst s14  }
0xe8: {  	s13 =	sld [smem:$0x18];
	_ =	sdelay $0x2  }
0xe9: {  	s14 =	sld [smem:s13+$0x101];
	_ =	sdelay $0x2  }
0xea: {  	s14 =	sadd.s32 $0x1, s14  }
0xeb: {  	[smem:s13+$0x101] =	sst s14  }
0xec: {  	s13 =	sld [smem:$0x19];
	_ =	sdelay $0x2  }
0xed: {  	s14 =	sld [smem:s13+$0x101];
	_ =	sdelay $0x2  }
0xee: {  	s14 =	sadd.s32 $0x1, s14  }
0xef: {  	[smem:s13+$0x101] =	sst s14  }
0xf0: {  	s13 =	sld [smem:$0x1A];
	_ =	sdelay $0x2  }
0xf1: {  	s14 =	sld [smem:s13+$0x101];
	_ =	sdelay $0x2  }
0xf2: {  	s14 =	sadd.s32 $0x1, s14  }
0xf3: {  	[smem:s13+$0x101] =	sst s14  }
0xf4: {  	s13 =	sld [smem:$0x1B];
	_ =	sdelay $0x2  }
0xf5: {  	s14 =	sld [smem:s13+$0x101];
	_ =	sdelay $0x2  }
0xf6: {  	s14 =	sadd.s32 $0x1, s14  }
0xf7: {  	[smem:s13+$0x101] =	sst s14  }
0xf8: {  	s13 =	sld [smem:$0x1C];
	_ =	sdelay $0x2  }
0xf9: {  	s14 =	sld [smem:s13+$0x101];
	_ =	sdelay $0x2  }
0xfa: {  	s14 =	sadd.s32 $0x1, s14  }
0xfb: {  	[smem:s13+$0x101] =	sst s14  }
0xfc: {  	s13 =	sld [smem:$0x1D];
	_ =	sdelay $0x2  }
0xfd: {  	s14 =	sld [smem:s13+$0x101];
	_ =	sdelay $0x2  }
0xfe: {  	s14 =	sadd.s32 $0x1, s14  }
0xff: {  	[smem:s13+$0x101] =	sst s14  }
0x100: {  	s13 =	sld [smem:$0x1E];
	_ =	sdelay $0x2  }
0x101: {  	s14 =	sld [smem:s13+$0x101];
	_ =	sdelay $0x2  }
0x102: {  	s14 =	sadd.s32 $0x1, s14  }
0x103: {  	[smem:s13+$0x101] =	sst s14  }
0x104: {  	s13 =	sld [smem:$0x1F];
	_ =	sdelay $0x2  }
0x105: {  	s14 =	sld [smem:s13+$0x101];
	_ =	sdelay $0x2  }
0x106: {  	s14 =	sadd.s32 $0x1, s14  }
0x107: {  	[smem:s13+$0x101] =	sst s14  }
0x108: {  	s13 =	sld [smem:$0x20];
	_ =	sdelay $0x2  }
0x109: {  	s14 =	sld [smem:s13+$0x101];
	_ =	sdelay $0x2  }
0x10a: {  	s14 =	sadd.s32 $0x1, s14  }
0x10b: {  	[smem:s13+$0x101] =	sst s14  }
0x10c: {  	s13 =	sld [smem:$0x21];
	_ =	sdelay $0x2  }
0x10d: {  	s14 =	sld [smem:s13+$0x101];
	_ =	sdelay $0x2  }
0x10e: {  	s14 =	sadd.s32 $0x1, s14  }
0x10f: {  	[smem:s13+$0x101] =	sst s14  }
0x110: {  	s13 =	sld [smem:$0x22];
	_ =	sdelay $0x2  }
0x111: {  	s14 =	sld [smem:s13+$0x101];
	_ =	sdelay $0x2  }
0x112: {  	s14 =	sadd.s32 $0x1, s14  }
0x113: {  	[smem:s13+$0x101] =	sst s14  }
0x114: {  	s13 =	sld [smem:$0x23];
	_ =	sdelay $0x2  }
0x115: {  	s14 =	sld [smem:s13+$0x101];
	_ =	sdelay $0x2  }
0x116: {  	s14 =	sadd.s32 $0x1, s14  }
0x117: {  	[smem:s13+$0x101] =	sst s14  }
0x118: {  	s13 =	sld [smem:$0x24];
	_ =	sdelay $0x2  }
0x119: {  	s14 =	sld [smem:s13+$0x101];
	_ =	sdelay $0x2  }
0x11a: {  	s14 =	sadd.s32 $0x1, s14  }
0x11b: {  	[smem:s13+$0x101] =	sst s14  }
0x11c: {  	s13 =	sld [smem:$0x25];
	_ =	sdelay $0x2  }
0x11d: {  	s14 =	sld [smem:s13+$0x101];
	_ =	sdelay $0x2  }
0x11e: {  	s14 =	sadd.s32 $0x1, s14  }
0x11f: {  	[smem:s13+$0x101] =	sst s14  }
0x120: {  	s13 =	sld [smem:$0x26];
	_ =	sdelay $0x2  }
0x121: {  	s14 =	sld [smem:s13+$0x101];
	_ =	sdelay $0x2  }
0x122: {  	s14 =	sadd.s32 $0x1, s14  }
0x123: {  	[smem:s13+$0x101] =	sst s14  }
0x124: {  	s13 =	sld [smem:$0x27];
	_ =	sdelay $0x2  }
0x125: {  	s14 =	sld [smem:s13+$0x101];
	_ =	sdelay $0x2  }
0x126: {  	s14 =	sadd.s32 $0x1, s14  }
0x127: {  	[smem:s13+$0x101] =	sst s14  }
0x128: {  	s13 =	sld [smem:$0x28];
	_ =	sdelay $0x2  }
0x129: {  	s14 =	sld [smem:s13+$0x101];
	_ =	sdelay $0x2  }
0x12a: {  	s14 =	sadd.s32 $0x1, s14  }
0x12b: {  	[smem:s13+$0x101] =	sst s14  }
0x12c: {  	s13 =	sld [smem:$0x29];
	_ =	sdelay $0x2  }
0x12d: {  	s14 =	sld [smem:s13+$0x101];
	_ =	sdelay $0x2  }
0x12e: {  	s14 =	sadd.s32 $0x1, s14  }
0x12f: {  	[smem:s13+$0x101] =	sst s14  }
0x130: {  	s13 =	sld [smem:$0x2A];
	_ =	sdelay $0x2  }
0x131: {  	s14 =	sld [smem:s13+$0x101];
	_ =	sdelay $0x2  }
0x132: {  	s14 =	sadd.s32 $0x1, s14  }
0x133: {  	[smem:s13+$0x101] =	sst s14  }
0x134: {  	s13 =	sld [smem:$0x2B];
	_ =	sdelay $0x2  }
0x135: {  	s14 =	sld [smem:s13+$0x101];
	_ =	sdelay $0x2  }
0x136: {  	s14 =	sadd.s32 $0x1, s14  }
0x137: {  	[smem:s13+$0x101] =	sst s14  }
0x138: {  	s13 =	sld [smem:$0x2C];
	_ =	sdelay $0x2  }
0x139: {  	s14 =	sld [smem:s13+$0x101];
	_ =	sdelay $0x2  }
0x13a: {  	s14 =	sadd.s32 $0x1, s14  }
0x13b: {  	[smem:s13+$0x101] =	sst s14  }
0x13c: {  	s13 =	sld [smem:$0x2D];
	_ =	sdelay $0x2  }
0x13d: {  	s14 =	sld [smem:s13+$0x101];
	_ =	sdelay $0x2  }
0x13e: {  	s14 =	sadd.s32 $0x1, s14  }
0x13f: {  	[smem:s13+$0x101] =	sst s14  }
0x140: {  	s13 =	sld [smem:$0x2E];
	_ =	sdelay $0x2  }
0x141: {  	s14 =	sld [smem:s13+$0x101];
	_ =	sdelay $0x2  }
0x142: {  	s14 =	sadd.s32 $0x1, s14  }
0x143: {  	[smem:s13+$0x101] =	sst s14  }
0x144: {  	s13 =	sld [smem:$0x2F];
	_ =	sdelay $0x2  }
0x145: {  	s14 =	sld [smem:s13+$0x101];
	_ =	sdelay $0x2  }
0x146: {  	s14 =	sadd.s32 $0x1, s14  }
0x147: {  	[smem:s13+$0x101] =	sst s14  }
0x148: {  	s13 =	sld [smem:$0x30];
	_ =	sdelay $0x2  }
0x149: {  	s14 =	sld [smem:s13+$0x101];
	_ =	sdelay $0x2  }
0x14a: {  	s14 =	sadd.s32 $0x1, s14  }
0x14b: {  	[smem:s13+$0x101] =	sst s14  }
0x14c: {  	s13 =	sld [smem:$0x31];
	_ =	sdelay $0x2  }
0x14d: {  	s14 =	sld [smem:s13+$0x101];
	_ =	sdelay $0x2  }
0x14e: {  	s14 =	sadd.s32 $0x1, s14  }
0x14f: {  	[smem:s13+$0x101] =	sst s14  }
0x150: {  	s13 =	sld [smem:$0x32];
	_ =	sdelay $0x2  }
0x151: {  	s14 =	sld [smem:s13+$0x101];
	_ =	sdelay $0x2  }
0x152: {  	s14 =	sadd.s32 $0x1, s14  }
0x153: {  	[smem:s13+$0x101] =	sst s14  }
0x154: {  	s13 =	sld [smem:$0x33];
	_ =	sdelay $0x2  }
0x155: {  	s14 =	sld [smem:s13+$0x101];
	_ =	sdelay $0x2  }
0x156: {  	s14 =	sadd.s32 $0x1, s14  }
0x157: {  	[smem:s13+$0x101] =	sst s14  }
0x158: {  	s13 =	sld [smem:$0x34];
	_ =	sdelay $0x2  }
0x159: {  	s14 =	sld [smem:s13+$0x101];
	_ =	sdelay $0x2  }
0x15a: {  	s14 =	sadd.s32 $0x1, s14  }
0x15b: {  	[smem:s13+$0x101] =	sst s14  }
0x15c: {  	s13 =	sld [smem:$0x35];
	_ =	sdelay $0x2  }
0x15d: {  	s14 =	sld [smem:s13+$0x101];
	_ =	sdelay $0x2  }
0x15e: {  	s14 =	sadd.s32 $0x1, s14  }
0x15f: {  	[smem:s13+$0x101] =	sst s14  }
0x160: {  	s13 =	sld [smem:$0x36];
	_ =	sdelay $0x2  }
0x161: {  	s14 =	sld [smem:s13+$0x101];
	_ =	sdelay $0x2  }
0x162: {  	s14 =	sadd.s32 $0x1, s14  }
0x163: {  	[smem:s13+$0x101] =	sst s14  }
0x164: {  	s13 =	sld [smem:$0x37];
	_ =	sdelay $0x2  }
0x165: {  	s14 =	sld [smem:s13+$0x101];
	_ =	sdelay $0x2  }
0x166: {  	s14 =	sadd.s32 $0x1, s14  }
0x167: {  	[smem:s13+$0x101] =	sst s14  }
0x168: {  	s13 =	sld [smem:$0x38];
	_ =	sdelay $0x2  }
0x169: {  	s14 =	sld [smem:s13+$0x101];
	_ =	sdelay $0x2  }
0x16a: {  	s14 =	sadd.s32 $0x1, s14  }
0x16b: {  	[smem:s13+$0x101] =	sst s14  }
0x16c: {  	s13 =	sld [smem:$0x39];
	_ =	sdelay $0x2  }
0x16d: {  	s14 =	sld [smem:s13+$0x101];
	_ =	sdelay $0x2  }
0x16e: {  	s14 =	sadd.s32 $0x1, s14  }
0x16f: {  	[smem:s13+$0x101] =	sst s14  }
0x170: {  	s13 =	sld [smem:$0x3A];
	_ =	sdelay $0x2  }
0x171: {  	s14 =	sld [smem:s13+$0x101];
	_ =	sdelay $0x2  }
0x172: {  	s14 =	sadd.s32 $0x1, s14  }
0x173: {  	[smem:s13+$0x101] =	sst s14  }
0x174: {  	s13 =	sld [smem:$0x3B];
	_ =	sdelay $0x2  }
0x175: {  	s14 =	sld [smem:s13+$0x101];
	_ =	sdelay $0x2  }
0x176: {  	s14 =	sadd.s32 $0x1, s14  }
0x177: {  	[smem:s13+$0x101] =	sst s14  }
0x178: {  	s13 =	sld [smem:$0x3C];
	_ =	sdelay $0x2  }
0x179: {  	s14 =	sld [smem:s13+$0x101];
	_ =	sdelay $0x2  }
0x17a: {  	s14 =	sadd.s32 $0x1, s14  }
0x17b: {  	[smem:s13+$0x101] =	sst s14  }
0x17c: {  	s13 =	sld [smem:$0x3D];
	_ =	sdelay $0x2  }
0x17d: {  	s14 =	sld [smem:s13+$0x101];
	_ =	sdelay $0x2  }
0x17e: {  	s14 =	sadd.s32 $0x1, s14  }
0x17f: {  	[smem:s13+$0x101] =	sst s14  }
0x180: {  	s13 =	sld [smem:$0x3E];
	_ =	sdelay $0x2  }
0x181: {  	s14 =	sld [smem:s13+$0x101];
	_ =	sdelay $0x2  }
0x182: {  	s14 =	sadd.s32 $0x1, s14  }
0x183: {  	[smem:s13+$0x101] =	sst s14  }
0x184: {  	s13 =	sld [smem:$0x3F];
	_ =	sdelay $0x2  }
0x185: {  	s14 =	sld [smem:s13+$0x101];
	_ =	sdelay $0x2  }
0x186: {  	s14 =	sadd.s32 $0x1, s14  }
0x187: {  	[smem:s13+$0x101] =	sst s14  }
0x188: {  	s13 =	sld [smem:$0x101]  }
0x189: {  	s14 =	sld [smem:$0x100];
	_ =	sdelay $0x2  }
0x18a: {  	s13 =	sadd.s32 s13, s14  }
0x18b: {  	[smem:$0x101] =	sst s13  }
0x18c: {  	s17 =	sld [smem:$0x102];
	_ =	sdelay $0x2  }
0x18d: {  	s13 =	sadd.s32 s13, s17  }
0x18e: {  	[smem:$0x102] =	sst s13  }
0x18f: {  	s18 =	sld [smem:$0x103];
	_ =	sdelay $0x2  }
0x190: {  	s13 =	sadd.s32 s13, s18  }
0x191: {  	[smem:$0x103] =	sst s13  }
0x192: {  	s19 =	sld [smem:$0x104];
	_ =	sdelay $0x2  }
0x193: {  	s13 =	sadd.s32 s13, s19  }
0x194: {  	[smem:$0x104] =	sst s13  }
0x195: {  	s20 =	sld [smem:$0x105];
	_ =	sdelay $0x2  }
0x196: {  	s13 =	sadd.s32 s13, s20  }
0x197: {  	[smem:$0x105] =	sst s13  }
0x198: {  	s21 =	sld [smem:$0x106];
	_ =	sdelay $0x2  }
0x199: {  	s13 =	sadd.s32 s13, s21  }
0x19a: {  	[smem:$0x106] =	sst s13  }
0x19b: {  	s22 =	sld [smem:$0x107];
	_ =	sdelay $0x2  }
0x19c: {  	s13 =	sadd.s32 s13, s22  }
0x19d: {  	[smem:$0x107] =	sst s13  }
0x19e: {  	s23 =	sld [smem:$0x108];
	_ =	sdelay $0x2  }
0x19f: {  	s13 =	sadd.s32 s13, s23  }
0x1a0: {  	[smem:$0x108] =	sst s13  }
0x1a1: {  	s24 =	sld [smem:$0x109];
	_ =	sdelay $0x2  }
0x1a2: {  	s13 =	sadd.s32 s13, s24  }
0x1a3: {  	[smem:$0x109] =	sst s13  }
0x1a4: {  	s25 =	sld [smem:$0x10A];
	_ =	sdelay $0x2  }
0x1a5: {  	s13 =	sadd.s32 s13, s25  }
0x1a6: {  	[smem:$0x10A] =	sst s13  }
0x1a7: {  	s26 =	sld [smem:$0x10B];
	_ =	sdelay $0x2  }
0x1a8: {  	s13 =	sadd.s32 s13, s26  }
0x1a9: {  	[smem:$0x10B] =	sst s13  }
0x1aa: {  	s28 =	sld [smem:$0x10C];
	_ =	sdelay $0x2  }
0x1ab: {  	s13 =	sadd.s32 s13, s28  }
0x1ac: {  	[smem:$0x10C] =	sst s13  }
0x1ad: {  	s29 =	sld [smem:$0x10D];
	_ =	sdelay $0x2  }
0x1ae: {  	s13 =	sadd.s32 s13, s29  }
0x1af: {  	[smem:$0x10D] =	sst s13  }
0x1b0: {  	s30 =	sld [smem:$0x10E];
	_ =	sdelay $0x2  }
0x1b1: {  	s13 =	sadd.s32 s13, s30  }
0x1b2: {  	[smem:$0x10E] =	sst s13  }
0x1b3: {  	s31 =	sld [smem:$0x10F];
	_ =	sdelay $0x2  }
0x1b4: {  	s13 =	sadd.s32 s13, s31  }
0x1b5: {  	[smem:$0x10F] =	sst s13  }
0x1b6: {  	s0 =	sld [smem:$0x110];
	_ =	sdelay $0x2  }
0x1b7: {  	s13 =	sadd.s32 s13, s0  }
0x1b8: {  	[smem:$0x110] =	sst s13  }
0x1b9: {  	s13 =	sld [smem:$0x0];
	_ =	sdelay $0x2  }
0x1ba: {  	s3 =	sld [smem:s13+$0x100]  }
0x1bb: {  	s15 =	sld [smem:s13+$0x180];
	_ =	sdelay $0x2  }
0x1bc: {  	s14 =	sadd.s32 s15, s3  }
0x1bd: {  	[smem:s14+$0x80] =	sst s7  }
0x1be: {  	s14 =	sld [smem:s13+$0x180];
	_ =	sdelay $0x2  }
0x1bf: {  	s14 =	sadd.s32 $0x1, s14  }
0x1c0: {  	[smem:s13+$0x180] =	sst s14  }
0x1c1: {  	s13 =	sld [smem:$0x1];
	_ =	sdelay $0x2  }
0x1c2: {  	s14 =	sld [smem:s13+$0x100]  }
0x1c3: {  	s17 =	sld [smem:s13+$0x180];
	_ =	sdelay $0x2  }
0x1c4: {  	s18 =	simm.s32 $0x1;
	s14 =	sadd.s32 s17, s14  }
0x1c5: {  	[smem:s14+$0x80] =	sst s18  }
0x1c6: {  	s14 =	sld [smem:s13+$0x180];
	_ =	sdelay $0x2  }
0x1c7: {  	s14 =	sadd.s32 $0x1, s14  }
0x1c8: {  	[smem:s13+$0x180] =	sst s14  }
0x1c9: {  	s13 =	sld [smem:$0x2];
	_ =	sdelay $0x2  }
0x1ca: {  	s14 =	sld [smem:s13+$0x100]  }
0x1cb: {  	s19 =	sld [smem:s13+$0x180];
	_ =	sdelay $0x2  }
0x1cc: {  	s20 =	simm.s32 $0x2;
	s14 =	sadd.s32 s19, s14  }
0x1cd: {  	[smem:s14+$0x80] =	sst s20  }
0x1ce: {  	s14 =	sld [smem:s13+$0x180];
	_ =	sdelay $0x2  }
0x1cf: {  	s14 =	sadd.s32 $0x1, s14  }
0x1d0: {  	[smem:s13+$0x180] =	sst s14  }
0x1d1: {  	s13 =	sld [smem:$0x3];
	_ =	sdelay $0x2  }
0x1d2: {  	s14 =	sld [smem:s13+$0x100]  }
0x1d3: {  	s21 =	sld [smem:s13+$0x180];
	_ =	sdelay $0x2  }
0x1d4: {  	s22 =	simm.s32 $0x3;
	s14 =	sadd.s32 s21, s14  }
0x1d5: {  	[smem:s14+$0x80] =	sst s22  }
0x1d6: {  	s14 =	sld [smem:s13+$0x180];
	_ =	sdelay $0x2  }
0x1d7: {  	s14 =	sadd.s32 $0x1, s14  }
0x1d8: {  	[smem:s13+$0x180] =	sst s14  }
0x1d9: {  	s13 =	sld [smem:$0x4];
	_ =	sdelay $0x2  }
0x1da: {  	s14 =	sld [smem:s13+$0x100]  }
0x1db: {  	s23 =	sld [smem:s13+$0x180];
	_ =	sdelay $0x2  }
0x1dc: {  	s24 =	simm.s32 $0x4;
	s14 =	sadd.s32 s23, s14  }
0x1dd: {  	[smem:s14+$0x80] =	sst s24  }
0x1de: {  	s14 =	sld [smem:s13+$0x180];
	_ =	sdelay $0x2  }
0x1df: {  	s14 =	sadd.s32 $0x1, s14  }
0x1e0: {  	[smem:s13+$0x180] =	sst s14  }
0x1e1: {  	s13 =	sld [smem:$0x5];
	_ =	sdelay $0x2  }
0x1e2: {  	s14 =	sld [smem:s13+$0x100]  }
0x1e3: {  	s25 =	sld [smem:s13+$0x180];
	_ =	sdelay $0x2  }
0x1e4: {  	s14 =	sadd.s32 s25, s14  }
0x1e5: {  	[smem:s14+$0x80] =	sst s16  }
0x1e6: {  	s14 =	sld [smem:s13+$0x180];
	_ =	sdelay $0x2  }
0x1e7: {  	s14 =	sadd.s32 $0x1, s14  }
0x1e8: {  	[smem:s13+$0x180] =	sst s14  }
0x1e9: {  	s13 =	sld [smem:$0x6];
	_ =	sdelay $0x2  }
0x1ea: {  	s14 =	sld [smem:s13+$0x100]  }
0x1eb: {  	s26 =	sld [smem:s13+$0x180];
	_ =	sdelay $0x2  }
0x1ec: {  	s28 =	simm.s32 $0x6;
	s14 =	sadd.s32 s26, s14  }
0x1ed: {  	[smem:s14+$0x80] =	sst s28  }
0x1ee: {  	s14 =	sld [smem:s13+$0x180];
	_ =	sdelay $0x2  }
0x1ef: {  	s14 =	sadd.s32 $0x1, s14  }
0x1f0: {  	[smem:s13+$0x180] =	sst s14  }
0x1f1: {  	s13 =	sld [smem:$0x7];
	_ =	sdelay $0x2  }
0x1f2: {  	s14 =	sld [smem:s13+$0x100]  }
0x1f3: {  	s29 =	sld [smem:s13+$0x180];
	_ =	sdelay $0x2  }
0x1f4: {  	s14 =	sadd.s32 s29, s14  }
0x1f5: {  	[smem:s14+$0x80] =	sst s11  }
0x1f6: {  	s14 =	sld [smem:s13+$0x180];
	_ =	sdelay $0x2  }
0x1f7: {  	s14 =	sadd.s32 $0x1, s14  }
0x1f8: {  	[smem:s13+$0x180] =	sst s14  }
0x1f9: {  	s13 =	sld [smem:$0x8];
	_ =	sdelay $0x2  }
0x1fa: {  	s14 =	sld [smem:s13+$0x100]  }
0x1fb: {  	s30 =	sld [smem:s13+$0x180];
	_ =	sdelay $0x2  }
0x1fc: {  	s31 =	simm.s32 $0x8;
	s14 =	sadd.s32 s30, s14  }
0x1fd: {  	[smem:s14+$0x80] =	sst s31  }
0x1fe: {  	s14 =	sld [smem:s13+$0x180];
	_ =	sdelay $0x2  }
0x1ff: {  	s14 =	sadd.s32 $0x1, s14  }
0x200: {  	[smem:s13+$0x180] =	sst s14  }
0x201: {  	s13 =	sld [smem:$0x9];
	_ =	sdelay $0x2  }
0x202: {  	s14 =	sld [smem:s13+$0x100]  }
0x203: {  	s3 =	sld [smem:s13+$0x180];
	_ =	sdelay $0x2  }
0x204: {  	s15 =	simm.s32 $0x9;
	s14 =	sadd.s32 s3, s14  }
0x205: {  	[smem:s14+$0x80] =	sst s15  }
0x206: {  	s14 =	sld [smem:s13+$0x180];
	_ =	sdelay $0x2  }
0x207: {  	s14 =	sadd.s32 $0x1, s14  }
0x208: {  	[smem:s13+$0x180] =	sst s14  }
0x209: {  	s13 =	sld [smem:$0xA];
	_ =	sdelay $0x2  }
0x20a: {  	s14 =	sld [smem:s13+$0x100]  }
0x20b: {  	s17 =	sld [smem:s13+$0x180];
	_ =	sdelay $0x2  }
0x20c: {  	s18 =	simm.s32 $0xA;
	s14 =	sadd.s32 s17, s14  }
0x20d: {  	[smem:s14+$0x80] =	sst s18  }
0x20e: {  	s14 =	sld [smem:s13+$0x180];
	_ =	sdelay $0x2  }
0x20f: {  	s14 =	sadd.s32 $0x1, s14  }
0x210: {  	[smem:s13+$0x180] =	sst s14  }
0x211: {  	s13 =	sld [smem:$0xB];
	_ =	sdelay $0x2  }
0x212: {  	s14 =	sld [smem:s13+$0x100]  }
0x213: {  	s19 =	sld [smem:s13+$0x180];
	_ =	sdelay $0x2  }
0x214: {  	s20 =	simm.s32 $0xB;
	s14 =	sadd.s32 s19, s14  }
0x215: {  	[smem:s14+$0x80] =	sst s20  }
0x216: {  	s14 =	sld [smem:s13+$0x180];
	_ =	sdelay $0x2  }
0x217: {  	s14 =	sadd.s32 $0x1, s14  }
0x218: {  	[smem:s13+$0x180] =	sst s14  }
0x219: {  	s13 =	sld [smem:$0xC];
	_ =	sdelay $0x2  }
0x21a: {  	s14 =	sld [smem:s13+$0x100]  }
0x21b: {  	s21 =	sld [smem:s13+$0x180];
	_ =	sdelay $0x2  }
0x21c: {  	s22 =	simm.s32 $0xC;
	s14 =	sadd.s32 s21, s14  }
0x21d: {  	[smem:s14+$0x80] =	sst s22  }
0x21e: {  	s14 =	sld [smem:s13+$0x180];
	_ =	sdelay $0x2  }
0x21f: {  	s14 =	sadd.s32 $0x1, s14  }
0x220: {  	[smem:s13+$0x180] =	sst s14  }
0x221: {  	s13 =	sld [smem:$0xD];
	_ =	sdelay $0x2  }
0x222: {  	s14 =	sld [smem:s13+$0x100]  }
0x223: {  	s23 =	sld [smem:s13+$0x180];
	_ =	sdelay $0x2  }
0x224: {  	s24 =	simm.s32 $0xD;
	s14 =	sadd.s32 s23, s14  }
0x225: {  	[smem:s14+$0x80] =	sst s24  }
0x226: {  	s14 =	sld [smem:s13+$0x180];
	_ =	sdelay $0x2  }
0x227: {  	s14 =	sadd.s32 $0x1, s14  }
0x228: {  	[smem:s13+$0x180] =	sst s14  }
0x229: {  	s13 =	sld [smem:$0xE];
	_ =	sdelay $0x2  }
0x22a: {  	s14 =	sld [smem:s13+$0x100]  }
0x22b: {  	s25 =	sld [smem:s13+$0x180];
	_ =	sdelay $0x2  }
0x22c: {  	s26 =	simm.s32 $0xE;
	s14 =	sadd.s32 s25, s14  }
0x22d: {  	[smem:s14+$0x80] =	sst s26  }
0x22e: {  	s14 =	sld [smem:s13+$0x180];
	_ =	sdelay $0x2  }
0x22f: {  	s14 =	sadd.s32 $0x1, s14  }
0x230: {  	[smem:s13+$0x180] =	sst s14  }
0x231: {  	s13 =	sld [smem:$0xF];
	_ =	sdelay $0x2  }
0x232: {  	s14 =	sld [smem:s13+$0x100]  }
0x233: {  	s28 =	sld [smem:s13+$0x180];
	_ =	sdelay $0x2  }
0x234: {  	s29 =	simm.s32 $0xF;
	s14 =	sadd.s32 s28, s14  }
0x235: {  	[smem:s14+$0x80] =	sst s29  }
0x236: {  	s14 =	sld [smem:s13+$0x180];
	_ =	sdelay $0x2  }
0x237: {  	s14 =	sadd.s32 $0x1, s14  }
0x238: {  	[smem:s13+$0x180] =	sst s14  }
0x239: {  	s13 =	sld [smem:$0x10];
	_ =	sdelay $0x2  }
0x23a: {  	s14 =	sld [smem:s13+$0x100]  }
0x23b: {  	s30 =	sld [smem:s13+$0x180];
	_ =	sdelay $0x2  }
0x23c: {  	s31 =	simm.s32 $0x10;
	s14 =	sadd.s32 s30, s14  }
0x23d: {  	[smem:s14+$0x80] =	sst s31  }
0x23e: {  	s14 =	sld [smem:s13+$0x180];
	_ =	sdelay $0x2  }
0x23f: {  	s14 =	sadd.s32 $0x1, s14  }
0x240: {  	[smem:s13+$0x180] =	sst s14  }
0x241: {  	s13 =	sld [smem:$0x11];
	_ =	sdelay $0x2  }
0x242: {  	s14 =	sld [smem:s13+$0x100]  }
0x243: {  	s3 =	sld [smem:s13+$0x180];
	_ =	sdelay $0x2  }
0x244: {  	s15 =	simm.s32 $0x11;
	s14 =	sadd.s32 s3, s14  }
0x245: {  	[smem:s14+$0x80] =	sst s15  }
0x246: {  	s14 =	sld [smem:s13+$0x180];
	_ =	sdelay $0x2  }
0x247: {  	s14 =	sadd.s32 $0x1, s14  }
0x248: {  	[smem:s13+$0x180] =	sst s14  }
0x249: {  	s13 =	sld [smem:$0x12];
	_ =	sdelay $0x2  }
0x24a: {  	s14 =	sld [smem:s13+$0x100]  }
0x24b: {  	s17 =	sld [smem:s13+$0x180];
	_ =	sdelay $0x2  }
0x24c: {  	s18 =	simm.s32 $0x12;
	s14 =	sadd.s32 s17, s14  }
0x24d: {  	[smem:s14+$0x80] =	sst s18  }
0x24e: {  	s14 =	sld [smem:s13+$0x180];
	_ =	sdelay $0x2  }
0x24f: {  	s14 =	sadd.s32 $0x1, s14  }
0x250: {  	[smem:s13+$0x180] =	sst s14  }
0x251: {  	s13 =	sld [smem:$0x13];
	_ =	sdelay $0x2  }
0x252: {  	s14 =	sld [smem:s13+$0x100]  }
0x253: {  	s19 =	sld [smem:s13+$0x180];
	_ =	sdelay $0x2  }
0x254: {  	s20 =	simm.s32 $0x13;
	s14 =	sadd.s32 s19, s14  }
0x255: {  	[smem:s14+$0x80] =	sst s20  }
0x256: {  	s14 =	sld [smem:s13+$0x180];
	_ =	sdelay $0x2  }
0x257: {  	s14 =	sadd.s32 $0x1, s14  }
0x258: {  	[smem:s13+$0x180] =	sst s14  }
0x259: {  	s13 =	sld [smem:$0x14];
	_ =	sdelay $0x2  }
0x25a: {  	s14 =	sld [smem:s13+$0x100]  }
0x25b: {  	s21 =	sld [smem:s13+$0x180];
	_ =	sdelay $0x2  }
0x25c: {  	s22 =	simm.s32 $0x14;
	s14 =	sadd.s32 s21, s14  }
0x25d: {  	[smem:s14+$0x80] =	sst s22  }
0x25e: {  	s14 =	sld [smem:s13+$0x180];
	_ =	sdelay $0x2  }
0x25f: {  	s14 =	sadd.s32 $0x1, s14  }
0x260: {  	[smem:s13+$0x180] =	sst s14  }
0x261: {  	s13 =	sld [smem:$0x15];
	_ =	sdelay $0x2  }
0x262: {  	s14 =	sld [smem:s13+$0x100]  }
0x263: {  	s23 =	sld [smem:s13+$0x180];
	_ =	sdelay $0x2  }
0x264: {  	s24 =	simm.s32 $0x15;
	s14 =	sadd.s32 s23, s14  }
0x265: {  	[smem:s14+$0x80] =	sst s24  }
0x266: {  	s14 =	sld [smem:s13+$0x180];
	_ =	sdelay $0x2  }
0x267: {  	s14 =	sadd.s32 $0x1, s14  }
0x268: {  	[smem:s13+$0x180] =	sst s14  }
0x269: {  	s13 =	sld [smem:$0x16];
	_ =	sdelay $0x2  }
0x26a: {  	s14 =	sld [smem:s13+$0x100]  }
0x26b: {  	s25 =	sld [smem:s13+$0x180];
	_ =	sdelay $0x2  }
0x26c: {  	s26 =	simm.s32 $0x16;
	s14 =	sadd.s32 s25, s14  }
0x26d: {  	[smem:s14+$0x80] =	sst s26  }
0x26e: {  	s14 =	sld [smem:s13+$0x180];
	_ =	sdelay $0x2  }
0x26f: {  	s14 =	sadd.s32 $0x1, s14  }
0x270: {  	[smem:s13+$0x180] =	sst s14  }
0x271: {  	s13 =	sld [smem:$0x17];
	_ =	sdelay $0x2  }
0x272: {  	s14 =	sld [smem:s13+$0x100]  }
0x273: {  	s28 =	sld [smem:s13+$0x180];
	_ =	sdelay $0x2  }
0x274: {  	s29 =	simm.s32 $0x17;
	s14 =	sadd.s32 s28, s14  }
0x275: {  	[smem:s14+$0x80] =	sst s29  }
0x276: {  	s14 =	sld [smem:s13+$0x180];
	_ =	sdelay $0x2  }
0x277: {  	s14 =	sadd.s32 $0x1, s14  }
0x278: {  	[smem:s13+$0x180] =	sst s14  }
0x279: {  	s13 =	sld [smem:$0x18];
	_ =	sdelay $0x2  }
0x27a: {  	s14 =	sld [smem:s13+$0x100]  }
0x27b: {  	s30 =	sld [smem:s13+$0x180];
	_ =	sdelay $0x2  }
0x27c: {  	s31 =	simm.s32 $0x18;
	s14 =	sadd.s32 s30, s14  }
0x27d: {  	[smem:s14+$0x80] =	sst s31  }
0x27e: {  	s14 =	sld [smem:s13+$0x180];
	_ =	sdelay $0x2  }
0x27f: {  	s14 =	sadd.s32 $0x1, s14  }
0x280: {  	[smem:s13+$0x180] =	sst s14  }
0x281: {  	s13 =	sld [smem:$0x19];
	_ =	sdelay $0x2  }
0x282: {  	s14 =	sld [smem:s13+$0x100]  }
0x283: {  	s3 =	sld [smem:s13+$0x180];
	_ =	sdelay $0x2  }
0x284: {  	s15 =	simm.s32 $0x19;
	s14 =	sadd.s32 s3, s14  }
0x285: {  	[smem:s14+$0x80] =	sst s15  }
0x286: {  	s14 =	sld [smem:s13+$0x180];
	_ =	sdelay $0x2  }
0x287: {  	s14 =	sadd.s32 $0x1, s14  }
0x288: {  	[smem:s13+$0x180] =	sst s14  }
0x289: {  	s13 =	sld [smem:$0x1A];
	_ =	sdelay $0x2  }
0x28a: {  	s14 =	sld [smem:s13+$0x100]  }
0x28b: {  	s17 =	sld [smem:s13+$0x180];
	_ =	sdelay $0x2  }
0x28c: {  	s18 =	simm.s32 $0x1A;
	s14 =	sadd.s32 s17, s14  }
0x28d: {  	[smem:s14+$0x80] =	sst s18  }
0x28e: {  	s14 =	sld [smem:s13+$0x180];
	_ =	sdelay $0x2  }
0x28f: {  	s14 =	sadd.s32 $0x1, s14  }
0x290: {  	[smem:s13+$0x180] =	sst s14  }
0x291: {  	s13 =	sld [smem:$0x1B];
	_ =	sdelay $0x2  }
0x292: {  	s14 =	sld [smem:s13+$0x100]  }
0x293: {  	s19 =	sld [smem:s13+$0x180];
	_ =	sdelay $0x2  }
0x294: {  	s20 =	simm.s32 $0x1B;
	s14 =	sadd.s32 s19, s14  }
0x295: {  	[smem:s14+$0x80] =	sst s20  }
0x296: {  	s14 =	sld [smem:s13+$0x180];
	_ =	sdelay $0x2  }
0x297: {  	s14 =	sadd.s32 $0x1, s14  }
0x298: {  	[smem:s13+$0x180] =	sst s14  }
0x299: {  	s13 =	sld [smem:$0x1C];
	_ =	sdelay $0x2  }
0x29a: {  	s14 =	sld [smem:s13+$0x100]  }
0x29b: {  	s21 =	sld [smem:s13+$0x180];
	_ =	sdelay $0x2  }
0x29c: {  	s22 =	simm.s32 $0x1C;
	s14 =	sadd.s32 s21, s14  }
0x29d: {  	[smem:s14+$0x80] =	sst s22  }
0x29e: {  	s14 =	sld [smem:s13+$0x180];
	_ =	sdelay $0x2  }
0x29f: {  	s14 =	sadd.s32 $0x1, s14  }
0x2a0: {  	[smem:s13+$0x180] =	sst s14  }
0x2a1: {  	s13 =	sld [smem:$0x1D];
	_ =	sdelay $0x2  }
0x2a2: {  	s14 =	sld [smem:s13+$0x100]  }
0x2a3: {  	s23 =	sld [smem:s13+$0x180];
	_ =	sdelay $0x2  }
0x2a4: {  	s24 =	simm.s32 $0x1D;
	s14 =	sadd.s32 s23, s14  }
0x2a5: {  	[smem:s14+$0x80] =	sst s24  }
0x2a6: {  	s14 =	sld [smem:s13+$0x180];
	_ =	sdelay $0x2  }
0x2a7: {  	s14 =	sadd.s32 $0x1, s14  }
0x2a8: {  	[smem:s13+$0x180] =	sst s14  }
0x2a9: {  	s13 =	sld [smem:$0x1E];
	_ =	sdelay $0x2  }
0x2aa: {  	s14 =	sld [smem:s13+$0x100]  }
0x2ab: {  	s25 =	sld [smem:s13+$0x180];
	_ =	sdelay $0x2  }
0x2ac: {  	s26 =	simm.s32 $0x1E;
	s14 =	sadd.s32 s25, s14  }
0x2ad: {  	[smem:s14+$0x80] =	sst s26  }
0x2ae: {  	s14 =	sld [smem:s13+$0x180];
	_ =	sdelay $0x2  }
0x2af: {  	s14 =	sadd.s32 $0x1, s14  }
0x2b0: {  	[smem:s13+$0x180] =	sst s14  }
0x2b1: {  	s13 =	sld [smem:$0x1F];
	_ =	sdelay $0x2  }
0x2b2: {  	s14 =	sld [smem:s13+$0x100]  }
0x2b3: {  	s28 =	sld [smem:s13+$0x180];
	_ =	sdelay $0x2  }
0x2b4: {  	s29 =	simm.s32 $0x1F;
	s14 =	sadd.s32 s28, s14  }
0x2b5: {  	[smem:s14+$0x80] =	sst s29  }
0x2b6: {  	s14 =	sld [smem:s13+$0x180];
	_ =	sdelay $0x2  }
0x2b7: {  	s14 =	sadd.s32 $0x1, s14  }
0x2b8: {  	[smem:s13+$0x180] =	sst s14  }
0x2b9: {  	s13 =	sld [smem:$0x20];
	_ =	sdelay $0x2  }
0x2ba: {  	s14 =	sld [smem:s13+$0x100]  }
0x2bb: {  	s30 =	sld [smem:s13+$0x180];
	_ =	sdelay $0x2  }
0x2bc: {  	s31 =	simm.s32 $0x20;
	s14 =	sadd.s32 s30, s14  }
0x2bd: {  	[smem:s14+$0x80] =	sst s31  }
0x2be: {  	s14 =	sld [smem:s13+$0x180];
	_ =	sdelay $0x2  }
0x2bf: {  	s14 =	sadd.s32 $0x1, s14  }
0x2c0: {  	[smem:s13+$0x180] =	sst s14  }
0x2c1: {  	s13 =	sld [smem:$0x21];
	_ =	sdelay $0x2  }
0x2c2: {  	s14 =	sld [smem:s13+$0x100]  }
0x2c3: {  	s3 =	sld [smem:s13+$0x180];
	_ =	sdelay $0x2  }
0x2c4: {  	s15 =	simm.s32 $0x21;
	s14 =	sadd.s32 s3, s14  }
0x2c5: {  	[smem:s14+$0x80] =	sst s15  }
0x2c6: {  	s14 =	sld [smem:s13+$0x180];
	_ =	sdelay $0x2  }
0x2c7: {  	s14 =	sadd.s32 $0x1, s14  }
0x2c8: {  	[smem:s13+$0x180] =	sst s14  }
0x2c9: {  	s13 =	sld [smem:$0x22];
	_ =	sdelay $0x2  }
0x2ca: {  	s14 =	sld [smem:s13+$0x100]  }
0x2cb: {  	s17 =	sld [smem:s13+$0x180];
	_ =	sdelay $0x2  }
0x2cc: {  	s18 =	simm.s32 $0x22;
	s14 =	sadd.s32 s17, s14  }
0x2cd: {  	[smem:s14+$0x80] =	sst s18  }
0x2ce: {  	s14 =	sld [smem:s13+$0x180];
	_ =	sdelay $0x2  }
0x2cf: {  	s14 =	sadd.s32 $0x1, s14  }
0x2d0: {  	[smem:s13+$0x180] =	sst s14  }
0x2d1: {  	s13 =	sld [smem:$0x23];
	_ =	sdelay $0x2  }
0x2d2: {  	s14 =	sld [smem:s13+$0x100]  }
0x2d3: {  	s19 =	sld [smem:s13+$0x180];
	_ =	sdelay $0x2  }
0x2d4: {  	s20 =	simm.s32 $0x23;
	s14 =	sadd.s32 s19, s14  }
0x2d5: {  	[smem:s14+$0x80] =	sst s20  }
0x2d6: {  	s14 =	sld [smem:s13+$0x180];
	_ =	sdelay $0x2  }
0x2d7: {  	s14 =	sadd.s32 $0x1, s14  }
0x2d8: {  	[smem:s13+$0x180] =	sst s14  }
0x2d9: {  	s13 =	sld [smem:$0x24];
	_ =	sdelay $0x2  }
0x2da: {  	s14 =	sld [smem:s13+$0x100]  }
0x2db: {  	s21 =	sld [smem:s13+$0x180];
	_ =	sdelay $0x2  }
0x2dc: {  	s22 =	simm.s32 $0x24;
	s14 =	sadd.s32 s21, s14  }
0x2dd: {  	[smem:s14+$0x80] =	sst s22  }
0x2de: {  	s14 =	sld [smem:s13+$0x180];
	_ =	sdelay $0x2  }
0x2df: {  	s14 =	sadd.s32 $0x1, s14  }
0x2e0: {  	[smem:s13+$0x180] =	sst s14  }
0x2e1: {  	s13 =	sld [smem:$0x25];
	_ =	sdelay $0x2  }
0x2e2: {  	s14 =	sld [smem:s13+$0x100]  }
0x2e3: {  	s23 =	sld [smem:s13+$0x180];
	_ =	sdelay $0x2  }
0x2e4: {  	s24 =	simm.s32 $0x25;
	s14 =	sadd.s32 s23, s14  }
0x2e5: {  	[smem:s14+$0x80] =	sst s24  }
0x2e6: {  	s14 =	sld [smem:s13+$0x180];
	_ =	sdelay $0x2  }
0x2e7: {  	s14 =	sadd.s32 $0x1, s14  }
0x2e8: {  	[smem:s13+$0x180] =	sst s14  }
0x2e9: {  	s13 =	sld [smem:$0x26];
	_ =	sdelay $0x2  }
0x2ea: {  	s14 =	sld [smem:s13+$0x100]  }
0x2eb: {  	s25 =	sld [smem:s13+$0x180];
	_ =	sdelay $0x2  }
0x2ec: {  	s26 =	simm.s32 $0x26;
	s14 =	sadd.s32 s25, s14  }
0x2ed: {  	[smem:s14+$0x80] =	sst s26  }
0x2ee: {  	s14 =	sld [smem:s13+$0x180];
	_ =	sdelay $0x2  }
0x2ef: {  	s14 =	sadd.s32 $0x1, s14  }
0x2f0: {  	[smem:s13+$0x180] =	sst s14  }
0x2f1: {  	s13 =	sld [smem:$0x27];
	_ =	sdelay $0x2  }
0x2f2: {  	s14 =	sld [smem:s13+$0x100]  }
0x2f3: {  	s28 =	sld [smem:s13+$0x180];
	_ =	sdelay $0x2  }
0x2f4: {  	s29 =	simm.s32 $0x27;
	s14 =	sadd.s32 s28, s14  }
0x2f5: {  	[smem:s14+$0x80] =	sst s29  }
0x2f6: {  	s14 =	sld [smem:s13+$0x180];
	_ =	sdelay $0x2  }
0x2f7: {  	s14 =	sadd.s32 $0x1, s14  }
0x2f8: {  	[smem:s13+$0x180] =	sst s14  }
0x2f9: {  	s13 =	sld [smem:$0x28];
	_ =	sdelay $0x2  }
0x2fa: {  	s14 =	sld [smem:s13+$0x100]  }
0x2fb: {  	s30 =	sld [smem:s13+$0x180];
	_ =	sdelay $0x2  }
0x2fc: {  	s31 =	simm.s32 $0x28;
	s14 =	sadd.s32 s30, s14  }
0x2fd: {  	[smem:s14+$0x80] =	sst s31  }
0x2fe: {  	s14 =	sld [smem:s13+$0x180];
	_ =	sdelay $0x2  }
0x2ff: {  	s14 =	sadd.s32 $0x1, s14  }
0x300: {  	[smem:s13+$0x180] =	sst s14  }
0x301: {  	s13 =	sld [smem:$0x29];
	_ =	sdelay $0x2  }
0x302: {  	s14 =	sld [smem:s13+$0x100]  }
0x303: {  	s3 =	sld [smem:s13+$0x180];
	_ =	sdelay $0x2  }
0x304: {  	s15 =	simm.s32 $0x29;
	s14 =	sadd.s32 s3, s14  }
0x305: {  	[smem:s14+$0x80] =	sst s15  }
0x306: {  	s14 =	sld [smem:s13+$0x180];
	_ =	sdelay $0x2  }
0x307: {  	s14 =	sadd.s32 $0x1, s14  }
0x308: {  	[smem:s13+$0x180] =	sst s14  }
0x309: {  	s13 =	sld [smem:$0x2A];
	_ =	sdelay $0x2  }
0x30a: {  	s14 =	sld [smem:s13+$0x100]  }
0x30b: {  	s17 =	sld [smem:s13+$0x180];
	_ =	sdelay $0x2  }
0x30c: {  	s18 =	simm.s32 $0x2A;
	s14 =	sadd.s32 s17, s14  }
0x30d: {  	[smem:s14+$0x80] =	sst s18  }
0x30e: {  	s14 =	sld [smem:s13+$0x180];
	_ =	sdelay $0x2  }
0x30f: {  	s14 =	sadd.s32 $0x1, s14  }
0x310: {  	[smem:s13+$0x180] =	sst s14  }
0x311: {  	s13 =	sld [smem:$0x2B];
	_ =	sdelay $0x2  }
0x312: {  	s14 =	sld [smem:s13+$0x100]  }
0x313: {  	s19 =	sld [smem:s13+$0x180];
	_ =	sdelay $0x2  }
0x314: {  	s20 =	simm.s32 $0x2B;
	s14 =	sadd.s32 s19, s14  }
0x315: {  	[smem:s14+$0x80] =	sst s20  }
0x316: {  	s14 =	sld [smem:s13+$0x180];
	_ =	sdelay $0x2  }
0x317: {  	s14 =	sadd.s32 $0x1, s14  }
0x318: {  	[smem:s13+$0x180] =	sst s14  }
0x319: {  	s13 =	sld [smem:$0x2C];
	_ =	sdelay $0x2  }
0x31a: {  	s14 =	sld [smem:s13+$0x100]  }
0x31b: {  	s21 =	sld [smem:s13+$0x180];
	_ =	sdelay $0x2  }
0x31c: {  	s22 =	simm.s32 $0x2C;
	s14 =	sadd.s32 s21, s14  }
0x31d: {  	[smem:s14+$0x80] =	sst s22  }
0x31e: {  	s14 =	sld [smem:s13+$0x180];
	_ =	sdelay $0x2  }
0x31f: {  	s14 =	sadd.s32 $0x1, s14  }
0x320: {  	[smem:s13+$0x180] =	sst s14  }
0x321: {  	s13 =	sld [smem:$0x2D];
	_ =	sdelay $0x2  }
0x322: {  	s14 =	sld [smem:s13+$0x100]  }
0x323: {  	s23 =	sld [smem:s13+$0x180];
	_ =	sdelay $0x2  }
0x324: {  	s24 =	simm.s32 $0x2D;
	s14 =	sadd.s32 s23, s14  }
0x325: {  	[smem:s14+$0x80] =	sst s24  }
0x326: {  	s14 =	sld [smem:s13+$0x180];
	_ =	sdelay $0x2  }
0x327: {  	s14 =	sadd.s32 $0x1, s14  }
0x328: {  	[smem:s13+$0x180] =	sst s14  }
0x329: {  	s13 =	sld [smem:$0x2E];
	_ =	sdelay $0x2  }
0x32a: {  	s14 =	sld [smem:s13+$0x100]  }
0x32b: {  	s25 =	sld [smem:s13+$0x180];
	_ =	sdelay $0x2  }
0x32c: {  	s26 =	simm.s32 $0x2E;
	s14 =	sadd.s32 s25, s14  }
0x32d: {  	[smem:s14+$0x80] =	sst s26  }
0x32e: {  	s14 =	sld [smem:s13+$0x180];
	_ =	sdelay $0x2  }
0x32f: {  	s14 =	sadd.s32 $0x1, s14  }
0x330: {  	[smem:s13+$0x180] =	sst s14  }
0x331: {  	s13 =	sld [smem:$0x2F];
	_ =	sdelay $0x2  }
0x332: {  	s14 =	sld [smem:s13+$0x100]  }
0x333: {  	s28 =	sld [smem:s13+$0x180];
	_ =	sdelay $0x2  }
0x334: {  	s29 =	simm.s32 $0x2F;
	s14 =	sadd.s32 s28, s14  }
0x335: {  	[smem:s14+$0x80] =	sst s29  }
0x336: {  	s14 =	sld [smem:s13+$0x180];
	_ =	sdelay $0x2  }
0x337: {  	s14 =	sadd.s32 $0x1, s14  }
0x338: {  	[smem:s13+$0x180] =	sst s14  }
0x339: {  	s13 =	sld [smem:$0x30];
	_ =	sdelay $0x2  }
0x33a: {  	s14 =	sld [smem:s13+$0x100]  }
0x33b: {  	s30 =	sld [smem:s13+$0x180];
	_ =	sdelay $0x2  }
0x33c: {  	s31 =	simm.s32 $0x30;
	s14 =	sadd.s32 s30, s14  }
0x33d: {  	[smem:s14+$0x80] =	sst s31  }
0x33e: {  	s14 =	sld [smem:s13+$0x180];
	_ =	sdelay $0x2  }
0x33f: {  	s14 =	sadd.s32 $0x1, s14  }
0x340: {  	[smem:s13+$0x180] =	sst s14  }
0x341: {  	s13 =	sld [smem:$0x31];
	_ =	sdelay $0x2  }
0x342: {  	s14 =	sld [smem:s13+$0x100]  }
0x343: {  	s3 =	sld [smem:s13+$0x180];
	_ =	sdelay $0x2  }
0x344: {  	s15 =	simm.s32 $0x31;
	s14 =	sadd.s32 s3, s14  }
0x345: {  	[smem:s14+$0x80] =	sst s15  }
0x346: {  	s14 =	sld [smem:s13+$0x180];
	_ =	sdelay $0x2  }
0x347: {  	s14 =	sadd.s32 $0x1, s14  }
0x348: {  	[smem:s13+$0x180] =	sst s14  }
0x349: {  	s13 =	sld [smem:$0x32];
	_ =	sdelay $0x2  }
0x34a: {  	s14 =	sld [smem:s13+$0x100]  }
0x34b: {  	s17 =	sld [smem:s13+$0x180];
	_ =	sdelay $0x2  }
0x34c: {  	s18 =	simm.s32 $0x32;
	s14 =	sadd.s32 s17, s14  }
0x34d: {  	[smem:s14+$0x80] =	sst s18  }
0x34e: {  	s14 =	sld [smem:s13+$0x180];
	_ =	sdelay $0x2  }
0x34f: {  	s14 =	sadd.s32 $0x1, s14  }
0x350: {  	[smem:s13+$0x180] =	sst s14  }
0x351: {  	s13 =	sld [smem:$0x33];
	_ =	sdelay $0x2  }
0x352: {  	s14 =	sld [smem:s13+$0x100]  }
0x353: {  	s19 =	sld [smem:s13+$0x180];
	_ =	sdelay $0x2  }
0x354: {  	s20 =	simm.s32 $0x33;
	s14 =	sadd.s32 s19, s14  }
0x355: {  	[smem:s14+$0x80] =	sst s20  }
0x356: {  	s14 =	sld [smem:s13+$0x180];
	_ =	sdelay $0x2  }
0x357: {  	s14 =	sadd.s32 $0x1, s14  }
0x358: {  	[smem:s13+$0x180] =	sst s14  }
0x359: {  	s13 =	sld [smem:$0x34];
	_ =	sdelay $0x2  }
0x35a: {  	s14 =	sld [smem:s13+$0x100]  }
0x35b: {  	s21 =	sld [smem:s13+$0x180];
	_ =	sdelay $0x2  }
0x35c: {  	s22 =	simm.s32 $0x34;
	s14 =	sadd.s32 s21, s14  }
0x35d: {  	[smem:s14+$0x80] =	sst s22  }
0x35e: {  	s14 =	sld [smem:s13+$0x180];
	_ =	sdelay $0x2  }
0x35f: {  	s14 =	sadd.s32 $0x1, s14  }
0x360: {  	[smem:s13+$0x180] =	sst s14  }
0x361: {  	s13 =	sld [smem:$0x35];
	_ =	sdelay $0x2  }
0x362: {  	s14 =	sld [smem:s13+$0x100]  }
0x363: {  	s23 =	sld [smem:s13+$0x180];
	_ =	sdelay $0x2  }
0x364: {  	s24 =	simm.s32 $0x35;
	s14 =	sadd.s32 s23, s14  }
0x365: {  	[smem:s14+$0x80] =	sst s24  }
0x366: {  	s14 =	sld [smem:s13+$0x180];
	_ =	sdelay $0x2  }
0x367: {  	s14 =	sadd.s32 $0x1, s14  }
0x368: {  	[smem:s13+$0x180] =	sst s14  }
0x369: {  	s13 =	sld [smem:$0x36];
	_ =	sdelay $0x2  }
0x36a: {  	s14 =	sld [smem:s13+$0x100]  }
0x36b: {  	s25 =	sld [smem:s13+$0x180];
	_ =	sdelay $0x2  }
0x36c: {  	s26 =	simm.s32 $0x36;
	s14 =	sadd.s32 s25, s14  }
0x36d: {  	[smem:s14+$0x80] =	sst s26  }
0x36e: {  	s14 =	sld [smem:s13+$0x180];
	_ =	sdelay $0x2  }
0x36f: {  	s14 =	sadd.s32 $0x1, s14  }
0x370: {  	[smem:s13+$0x180] =	sst s14  }
0x371: {  	s13 =	sld [smem:$0x37];
	_ =	sdelay $0x2  }
0x372: {  	s14 =	sld [smem:s13+$0x100]  }
0x373: {  	s28 =	sld [smem:s13+$0x180];
	_ =	sdelay $0x2  }
0x374: {  	s29 =	simm.s32 $0x37;
	s14 =	sadd.s32 s28, s14  }
0x375: {  	[smem:s14+$0x80] =	sst s29  }
0x376: {  	s14 =	sld [smem:s13+$0x180];
	_ =	sdelay $0x2  }
0x377: {  	s14 =	sadd.s32 $0x1, s14  }
0x378: {  	[smem:s13+$0x180] =	sst s14  }
0x379: {  	s13 =	sld [smem:$0x38];
	_ =	sdelay $0x2  }
0x37a: {  	s14 =	sld [smem:s13+$0x100]  }
0x37b: {  	s30 =	sld [smem:s13+$0x180];
	_ =	sdelay $0x2  }
0x37c: {  	s31 =	simm.s32 $0x38;
	s14 =	sadd.s32 s30, s14  }
0x37d: {  	[smem:s14+$0x80] =	sst s31  }
0x37e: {  	s14 =	sld [smem:s13+$0x180];
	_ =	sdelay $0x2  }
0x37f: {  	s14 =	sadd.s32 $0x1, s14  }
0x380: {  	[smem:s13+$0x180] =	sst s14  }
0x381: {  	s13 =	sld [smem:$0x39];
	_ =	sdelay $0x2  }
0x382: {  	s14 =	sld [smem:s13+$0x100]  }
0x383: {  	s3 =	sld [smem:s13+$0x180];
	_ =	sdelay $0x2  }
0x384: {  	s17 =	simm.s32 $0x39;
	s14 =	sadd.s32 s3, s14  }
0x385: {  	[smem:s14+$0x80] =	sst s17  }
0x386: {  	s14 =	sld [smem:s13+$0x180];
	_ =	sdelay $0x2  }
0x387: {  	s14 =	sadd.s32 $0x1, s14  }
0x388: {  	[smem:s13+$0x180] =	sst s14  }
0x389: {  	s13 =	sld [smem:$0x3A];
	_ =	sdelay $0x2  }
0x38a: {  	s14 =	sld [smem:s13+$0x100]  }
0x38b: {  	s18 =	sld [smem:s13+$0x180];
	_ =	sdelay $0x2  }
0x38c: {  	s19 =	simm.s32 $0x3A;
	s14 =	sadd.s32 s18, s14  }
0x38d: {  	[smem:s14+$0x80] =	sst s19  }
0x38e: {  	s14 =	sld [smem:s13+$0x180];
	_ =	sdelay $0x2  }
0x38f: {  	s14 =	sadd.s32 $0x1, s14  }
0x390: {  	[smem:s13+$0x180] =	sst s14  }
0x391: {  	s13 =	sld [smem:$0x3B];
	_ =	sdelay $0x2  }
0x392: {  	s14 =	sld [smem:s13+$0x100]  }
0x393: {  	s20 =	sld [smem:s13+$0x180];
	_ =	sdelay $0x2  }
0x394: {  	s21 =	simm.s32 $0x3B;
	s14 =	sadd.s32 s20, s14  }
0x395: {  	[smem:s14+$0x80] =	sst s21  }
0x396: {  	s14 =	sld [smem:s13+$0x180];
	_ =	sdelay $0x2  }
0x397: {  	s14 =	sadd.s32 $0x1, s14  }
0x398: {  	[smem:s13+$0x180] =	sst s14  }
0x399: {  	s13 =	sld [smem:$0x3C];
	_ =	sdelay $0x2  }
0x39a: {  	s14 =	sld [smem:s13+$0x100]  }
0x39b: {  	s22 =	sld [smem:s13+$0x180];
	_ =	sdelay $0x2  }
0x39c: {  	s23 =	simm.s32 $0x3C;
	s14 =	sadd.s32 s22, s14  }
0x39d: {  	[smem:s14+$0x80] =	sst s23  }
0x39e: {  	s14 =	sld [smem:s13+$0x180];
	_ =	sdelay $0x2  }
0x39f: {  	s14 =	sadd.s32 $0x1, s14  }
0x3a0: {  	[smem:s13+$0x180] =	sst s14  }
0x3a1: {  	s13 =	sld [smem:$0x3D];
	_ =	sdelay $0x2  }
0x3a2: {  	s14 =	sld [smem:s13+$0x100]  }
0x3a3: {  	s24 =	sld [smem:s13+$0x180];
	_ =	sdelay $0x2  }
0x3a4: {  	s25 =	simm.s32 $0x3D;
	s14 =	sadd.s32 s24, s14  }
0x3a5: {  	[smem:s14+$0x80] =	sst s25  }
0x3a6: {  	s14 =	sld [smem:s13+$0x180];
	_ =	sdelay $0x2  }
0x3a7: {  	s14 =	sadd.s32 $0x1, s14  }
0x3a8: {  	[smem:s13+$0x180] =	sst s14  }
0x3a9: {  	s13 =	sld [smem:$0x3E];
	_ =	sdelay $0x2  }
0x3aa: {  	s14 =	sld [smem:s13+$0x100]  }
0x3ab: {  	s26 =	sld [smem:s13+$0x180];
	_ =	sdelay $0x2  }
0x3ac: {  	s28 =	simm.s32 $0x3E;
	s14 =	sadd.s32 s26, s14  }
0x3ad: {  	[smem:s14+$0x80] =	sst s28  }
0x3ae: {  	s14 =	sld [smem:s13+$0x180];
	_ =	sdelay $0x2  }
0x3af: {  	s14 =	sadd.s32 $0x1, s14  }
0x3b0: {  	[smem:s13+$0x180] =	sst s14  }
0x3b1: {  	s13 =	sld [smem:$0x3F];
	_ =	sdelay $0x2  }
0x3b2: {  	s14 =	sld [smem:s13+$0x100]  }
0x3b3: {  	s29 =	sld [smem:s13+$0x180];
	_ =	sdelay $0x2  }
0x3b4: {  	s30 =	simm.s32 $0x3F;
	s14 =	sadd.s32 s29, s14  }
0x3b5: {  	[smem:s14+$0x80] =	sst s30  }
.Ltmp2:
0x3b6: {  	s14 =	sld [smem:s13+$0x180];
	(pc) =	sbr.rel .LBB2_2-.Ltmp2, $4  }
0x3b7: {  	s31 =	simm.s32 $0x80  }
0x3b8: {  	[tilespmem:s31], [sflag:$0x1] =	stream.linear.gather [hbm4b:s8+s7], $0x6000, $0x38;
	[tilespmem:$0x18080] =	vst v63  }
0x3b9: {  	s14 =	sadd.s32 $0x1, s14  }
0x3ba: {  	[smem:s13+$0x180] =	sst s14;
	s13 =	simm.s32 $0x0  }
.LBB2_10:
0x3bb: {  	s0 =	smul.u32 $0xC0000, s13;
	p0 =	slt.u32 s15, $0x5  }
.Ltmp3:
0x3bc: {  	_ = 	snop;
	(pc) =	sbr.rel @!p0 .LBB2_11-.Ltmp3, $4  }
0x3bd: {  	s0 =	sadd.s32 s6, s0  }
0x3be: {  	s0 =	sshrl.u32 s0, $0x3  }
0x3bf: {  	s3 =	sadd.s32 $0x5, s14;
	s13 =	smov.u32 s15;
	s0 =	sadd.s32 s5, s0  }
0x3c0: {  	[hbm4b:s0+s7] =	stream.linear.scatter [tilespmem:s17], [sflag:s3], $0x6000, $0x38;
	[tilespmem:$0x18080] =	vst v63  }
.LBB2_2:
0x3c1: {  	p0 =	seq.s32 s13, $0x0  }
0x3c2: {  	p1 =	seq.s32 @!p0 s13, $0x4  }
0x3c3: {  	s14 =	sand.u32 $0x1, s13;
	p1 =	por p0, !p1  }
.Ltmp4:
0x3c4: {  	s17 =	sxor.u32 $0x1, s14;
	(pc) =	sbr.rel @!p1 .LBB2_4-.Ltmp4, $4  }
0x3c5: {  	s15 =	sadd.s32 @!p0 $0x5, s17  }
0x3c6: {  	_ =	swait.ge @!p0 [sflag:s15], $0x6000  }
0x3c7: {  	[sflag:s15] =	ssyncset.done @!p0 $0x0  }
0x3c8: {  	[sflag:s15] =	ssyncadd.s32 @!p0 $0xFFFFA000;
	s15 =	simm.s32 @!p0 $0x5  }
0x3c9: {  	s15 =	smul.u32 $0xC0000, s13  }
0x3ca: {  	s18 =	smul.u32 $0x18000, s17  }
0x3cb: {  	s15 =	sadd.s32 s15, s9  }
0x3cc: {  	s18 =	sshrl.u32 s18, $0x2;
	s15 =	sshrl.u32 s15, $0x3  }
0x3cd: {  	s31 =	sadd.s32 $0x1, s17;
	s18 =	sor.u32 $0x80, s18;
	s15 =	sadd.s32 s1, s15  }
0x3ce: {  	[tilespmem:s18], [sflag:s31] =	stream.linear.gather [hbm4b:s15+s7], $0x6000, $0x38;
	[tilespmem:$0x18080] =	vst v63  }
0x3cf: {  	s15 =	sadd.s32 @!p0 $0x1, s13  }
0x3d0: {  	s15 =	simm.s32 @p0 $0x1  }
.LBB2_4:
0x3d1: {  	s17 =	sadd.s32 $0x1, s14  }
0x3d2: {  	_ =	swait.ge [sflag:s17], $0x6000  }
0x3d3: {  	[sflag:s17] =	ssyncset.done $0x0  }
0x3d4: {  	[sflag:s17] =	ssyncadd.s32 $0xFFFFA000  }
0x3d5: {  	s20 =	sld [smem:s13+$0x10B]  }
0x3d6: {  	s17 =	sld [smem:s13+$0x10C];
	_ =	sdelay $0x2  }
0x3d7: {  	s18 =	ssub.s32 s17, s20  }
0x3d8: {  	p0 =	slt.s32 s18, $0x1  }
.Ltmp5:
0x3d9: {  	_ = 	snop;
	(pc) =	sbr.rel @p0 .LBB2_10-.Ltmp5, $3  }
0x3da: {  	s19 =	smul.u32 $0x18000, s14;
	_ =	sdelay $0x1  }
0x3db: {  	s31 =	sshrl.u32 s19, $0x2  }
0x3dc: {  	s17 =	sor.u32 $0x80, s31  }
0x3dd: {  	s19 =	sld [smem:s20+$0x80];
	_ =	sdelay $0x2  }
0x3de: {  	s19 =	smul.u32 $0xC0000, s19;
	_ =	sdelay $0x1  }
0x3df: {  	s19 =	sadd.s32 s6, s19  }
0x3e0: {  	s19 =	sshrl.u32 s19, $0x3  }
0x3e1: {  	s21 =	sadd.s32 s2, s19;
	s19 =	simm.s32 $0x0  }
0x3e2: {  	[tilespmem:s4], [sflag:$0x3] =	stream.linear.gather [hbm4b:s21+s19], $0x6000, $0x38;
	[tilespmem:$0x18080] =	vst v63  }
0x3e3: {  	s20 =	sadd.s32 $0x80, s20;
	s21 =	simm.s32 $0x0  }
.LBB2_7:
0x3e4: {  	s22 =	smov.u32 s21;
	s21 =	sadd.s32 $0x1, s21  }
0x3e5: {  	p0 =	sge.s32 s21, s18  }
0x3e6: {  	s23 =	sadd.s32 @!p0 s22, s20  }
0x3e7: {  	s23 =	sld @!p0 [smem:s23+$0x1];
	_ =	sdelay $0x1  }
0x3e8: {  	s24 =	sand.u32 $0x1, s22  }
0x3e9: {  	s22 =	smul.u32 @!p0 $0xC0000, s23;
	s23 =	sxor.u32 @!p0 $0x1, s24  }
0x3ea: {  	s25 =	smul.u32 @!p0 $0x18000, s23  }
0x3eb: {  	s3 =	simm.s32 $0x0;
	s22 =	sadd.s32 @!p0 s6, s22  }
0x3ec: {  	s26 =	simm.s32 @!p0 $0x0;
	s25 =	sshrl.u32 @!p0 s25, $0x2;
	s22 =	sshrl.u32 @!p0 s22, $0x3  }
0x3ed: {  	s23 =	sadd.s32 @!p0 $0x3, s23;
	s25 =	sadd.s32 @!p0 $0xC080, s25;
	s22 =	sadd.s32 @!p0 s2, s22  }
0x3ee: {  	[tilespmem:s25], [sflag:s23] =	stream.linear.gather @!p0 [hbm4b:s22+s26], $0x6000, $0x38;
	[tilespmem:$0x18080] =	vst v63  }
0x3ef: {  	s28 =	sand.u32 $0x800, s19;
	s22 =	sadd.s32 $0x3, s24;
	s26 =	sand.u32 $0x7000, s3  }
0x3f0: {  	s25 =	simm.s32 $0x0;
	_ =	swait.ge [sflag:s22], $0x6000;
	s30 =	sadd.s32 s26, s17  }
0x3f1: {  	s25 =	sand.u32 $0x380, s25;
	[sflag:s22] =	ssyncset.done $0x0;
	s0 =	sadd.s32 s28, s30  }
0x3f2: {  	[sflag:s22] =	ssyncadd.s32 $0xFFFFA000;
	s23 =	sadd.s32 s25, s0  }
0x3f3: {  	v13 =	vld [tilespmem:s23+$0x0]  }
0x3f4: {  	v12 =	vld [tilespmem:s23+$0x10]  }
0x3f5: {  	v11 =	vld [tilespmem:s23+$0x20]  }
0x3f6: {  	v10 =	vld [tilespmem:s23+$0x30]  }
0x3f7: {  	v8 =	vld [tilespmem:s23+$0x40]  }
0x3f8: {  	s29 =	sor.u32 $0x400, s28;
	v9 =	vld [tilespmem:s23+$0x50]  }
0x3f9: {  	s3 =	sadd.s32 s29, s30;
	v7 =	vld [tilespmem:s23+$0x60]  }
0x3fa: {  	s22 =	sadd.s32 s25, s3;
	v6 =	vld [tilespmem:s23+$0x70]  }
0x3fb: {  	s24 =	smul.u32 $0x18000, s24;
	v5 =	vld [tilespmem:s22+$0x0]  }
0x3fc: {  	v4 =	vld [tilespmem:s22+$0x10]  }
0x3fd: {  	s24 =	sshrl.u32 s24, $0x2;
	v3 =	vld [tilespmem:s22+$0x20]  }
0x3fe: {  	s24 =	sadd.s32 $0xC080, s24;
	v2 =	vld [tilespmem:s22+$0x30]  }
0x3ff: {  	s30 =	sadd.s32 s26, s24;
	v1 =	vld [tilespmem:s22+$0x40]  }
0x400: {  	v0 =	vld [tilespmem:s22+$0x50];
	s26 =	sadd.s32 s28, s30  }
0x401: {  	v14 =	vld [tilespmem:s22+$0x70];
	s31 =	sadd.s32 s25, s26  }
0x402: {  	v18 =	vld [tilespmem:s31+$0x0]  }
0x403: {  	v17 =	vld [tilespmem:s31+$0x10]  }
0x404: {  	v16 =	vld [tilespmem:s31+$0x20]  }
0x405: {  	s28 =	simm.s32 $0x0;
	s26 =	simm.s32 $0x1;
	v15 =	vld [tilespmem:s31+$0x30]  }
.LBB2_8:
0x406: {  	p0 =	seq.s32 s26, $0x5F;
	v19 =	vld [tilespmem:s31+$0x40]  }
0x407: {  	v20 =	vld [tilespmem:s31+$0x50];
	vm0 =	veq.f32 v18, $0.0e+00  }
0x408: {  	s29 =	sadd.s32 s29, s30;
	v21 =	vld [tilespmem:s31+$0x60];
	v13 =	vsel vm0, v13, v18;
	vm0 =	veq.f32 v17, $0.0e+00  }
0x409: {  	s29 =	sadd.s32 s25, s29;
	v18 =	vld [tilespmem:s31+$0x70];
	v12 =	vsel vm0, v12, v17;
	vm0 =	veq.f32 v16, $0.0e+00  }
0x40a: {  	v17 =	vld [tilespmem:s29+$0x70];
	v11 =	vsel vm0, v11, v16;
	vm0 =	veq.f32 v15, $0.0e+00  }
0x40b: {  	v16 =	vld [tilespmem:s29+$0x0];
	v10 =	vsel vm0, v10, v15;
	vm0 =	veq.f32 v19, $0.0e+00  }
0x40c: {  	v15 =	vld [tilespmem:s29+$0x10];
	v8 =	vsel vm0, v8, v19;
	vm0 =	veq.f32 v20, $0.0e+00  }
0x40d: {  	v19 =	vld [tilespmem:s29+$0x20];
	v9 =	vsel vm0, v9, v20;
	vm0 =	veq.f32 v21, $0.0e+00  }
0x40e: {  	s25 =	sshll.u32 s26, $0x8;
	v20 =	vld [tilespmem:s29+$0x30];
	v7 =	vsel vm0, v7, v21;
	vm0 =	veq.f32 v18, $0.0e+00  }
0x40f: {  	s28 =	sadd.s32 $0x800, s28;
	s30 =	sand.u32 $0x7000, s25;
	v21 =	vld [tilespmem:s29+$0x40];
	v6 =	vsel vm0, v6, v18;
	vm0 =	veq.f32 v17, $0.0e+00  }
0x410: {  	s25 =	sshll.u32 s26, $0x6;
	s31 =	sand.u32 $0x800, s28;
	s3 =	sadd.s32 s30, s17;
	v18 =	vld [tilespmem:s29+$0x50];
	vm1 =	veq.f32 v16, $0.0e+00;
	v14 =	vsel vm0, v14, v17  }
0x411: {  	s25 =	sand.u32 $0x380, s25;
	s0 =	sadd.s32 s31, s3;
	v17 =	vld [tilespmem:s29+$0x60];
	v5 =	vsel vm1, v5, v16;
	vm0 =	veq.f32 v15, $0.0e+00;
	[tilespmem:s22+$0x70] =	vst v14  }
0x412: {  	s0 =	sadd.s32 s25, s0;
	v14 =	vld [tilespmem:s22+$0x60];
	v4 =	vsel vm0, v4, v15;
	vm0 =	veq.f32 v19, $0.0e+00;
	[tilespmem:s23+$0x0] =	vst v13  }
0x413: {  	v13 =	vld [tilespmem:s0+$0x0];
	v3 =	vsel vm0, v3, v19;
	vm0 =	veq.f32 v20, $0.0e+00;
	[tilespmem:s23+$0x10] =	vst v12  }
0x414: {  	v12 =	vld [tilespmem:s0+$0x10];
	v2 =	vsel vm0, v2, v20;
	vm0 =	veq.f32 v21, $0.0e+00;
	[tilespmem:s23+$0x20] =	vst v11  }
0x415: {  	v11 =	vld [tilespmem:s0+$0x20];
	v1 =	vsel vm0, v1, v21;
	vm0 =	veq.f32 v18, $0.0e+00;
	[tilespmem:s23+$0x30] =	vst v10  }
0x416: {  	v10 =	vld [tilespmem:s0+$0x30];
	v0 =	vsel vm0, v0, v18;
	vm0 =	veq.f32 v17, $0.0e+00;
	[tilespmem:s23+$0x40] =	vst v8  }
0x417: {  	v8 =	vld [tilespmem:s0+$0x40];
	v14 =	vsel vm0, v14, v17;
	[tilespmem:s23+$0x50] =	vst v9  }
0x418: {  	s29 =	sor.u32 $0x400, s31;
	v9 =	vld [tilespmem:s0+$0x50];
	[tilespmem:s23+$0x60] =	vst v7  }
0x419: {  	s3 =	sadd.s32 s29, s3;
	v7 =	vld [tilespmem:s0+$0x60];
	[tilespmem:s23+$0x70] =	vst v6;
	s23 =	smov.u32 s0  }
0x41a: {  	s0 =	sadd.s32 s25, s3;
	v6 =	vld [tilespmem:s23+$0x70];
	[tilespmem:s22+$0x0] =	vst v5  }
0x41b: {  	v5 =	vld [tilespmem:s0+$0x0];
	[tilespmem:s22+$0x10] =	vst v4  }
0x41c: {  	v4 =	vld [tilespmem:s0+$0x10];
	[tilespmem:s22+$0x20] =	vst v3  }
0x41d: {  	v3 =	vld [tilespmem:s0+$0x20];
	[tilespmem:s22+$0x30] =	vst v2  }
0x41e: {  	v2 =	vld [tilespmem:s0+$0x30];
	[tilespmem:s22+$0x40] =	vst v1  }
0x41f: {  	s30 =	sadd.s32 s30, s24;
	v1 =	vld [tilespmem:s0+$0x40];
	[tilespmem:s22+$0x50] =	vst v0  }
0x420: {  	s3 =	sadd.s32 s31, s30;
	v0 =	vld [tilespmem:s0+$0x50];
	[tilespmem:s22+$0x60] =	vst v14;
	s22 =	smov.u32 s0  }
.Ltmp6:
0x421: {  	s31 =	sadd.s32 s25, s3;
	v14 =	vld [tilespmem:s22+$0x70];
	(pc) =	sbr.rel @!p0 .LBB2_8-.Ltmp6, $4  }
0x422: {  	v18 =	vld [tilespmem:s31+$0x0]  }
0x423: {  	v17 =	vld [tilespmem:s31+$0x10]  }
0x424: {  	v16 =	vld [tilespmem:s31+$0x20]  }
0x425: {  	s26 =	sadd.s32 $0x1, s26;
	v15 =	vld [tilespmem:s31+$0x30]  }
0x426: {  	v19 =	vld [tilespmem:s31+$0x40]  }
0x427: {  	v20 =	vld [tilespmem:s31+$0x50]  }
0x428: {  	v21 =	vld [tilespmem:s31+$0x60];
	s0 =	sadd.s32 s29, s30  }
0x429: {  	v22 =	vld [tilespmem:s31+$0x70];
	s0 =	sadd.s32 s25, s0  }
0x42a: {  	v23 =	vld [tilespmem:s0+$0x70]  }
0x42b: {  	v24 =	vld [tilespmem:s0+$0x0]  }
0x42c: {  	v25 =	vld [tilespmem:s0+$0x10]  }
0x42d: {  	v26 =	vld [tilespmem:s0+$0x20]  }
0x42e: {  	v27 =	vld [tilespmem:s0+$0x30]  }
0x42f: {  	vm13 =	veq.f32 v18, $0.0e+00;
	v28 =	vld [tilespmem:s0+$0x40]  }
0x430: {  	v29 =	vld [tilespmem:s0+$0x50];
	v13 =	vsel vm13, v13, v18;
	vm14 =	veq.f32 v17, $0.0e+00  }
0x431: {  	v61 =	vld [tilespmem:s0+$0x60];
	v12 =	vsel vm14, v12, v17;
	[tilespmem:s23+$0x0] =	vst v13;
	vm15 =	veq.f32 v16, $0.0e+00  }
0x432: {  	v11 =	vsel vm15, v11, v16;
	[tilespmem:s23+$0x10] =	vst v12;
	vm4 =	veq.f32 v15, $0.0e+00  }
0x433: {  	v10 =	vsel vm4, v10, v15;
	[tilespmem:s23+$0x20] =	vst v11;
	vm5 =	veq.f32 v19, $0.0e+00  }
0x434: {  	vm6 =	veq.f32 v20, $0.0e+00;
	v8 =	vsel vm5, v8, v19;
	[tilespmem:s23+$0x30] =	vst v10  }
0x435: {  	vm7 =	veq.f32 v21, $0.0e+00;
	v9 =	vsel vm6, v9, v20;
	[tilespmem:s23+$0x40] =	vst v8  }
0x436: {  	vm8 =	veq.f32 v22, $0.0e+00;
	v7 =	vsel vm7, v7, v21;
	[tilespmem:s23+$0x50] =	vst v9  }
0x437: {  	v6 =	vsel vm8, v6, v22;
	vm0 =	veq.f32 v23, $0.0e+00;
	[tilespmem:s23+$0x60] =	vst v7  }
0x438: {  	vm9 =	veq.f32 v24, $0.0e+00;
	[tilespmem:s23+$0x70] =	vst v6;
	v14 =	vsel vm0, v14, v23  }
0x439: {  	vm10 =	veq.f32 v25, $0.0e+00;
	v5 =	vsel vm9, v5, v24;
	[tilespmem:s22+$0x70] =	vst v14  }
0x43a: {  	v62 =	vld [tilespmem:s22+$0x60];
	vm11 =	veq.f32 v26, $0.0e+00;
	v4 =	vsel vm10, v4, v25;
	[tilespmem:s22+$0x0] =	vst v5  }
0x43b: {  	vm12 =	veq.f32 v27, $0.0e+00;
	v3 =	vsel vm11, v3, v26;
	[tilespmem:s22+$0x10] =	vst v4  }
0x43c: {  	vm13 =	veq.f32 v28, $0.0e+00;
	v2 =	vsel vm12, v2, v27;
	[tilespmem:s22+$0x20] =	vst v3  }
0x43d: {  	vm14 =	veq.f32 v29, $0.0e+00;
	v1 =	vsel vm13, v1, v28;
	[tilespmem:s22+$0x30] =	vst v2  }
0x43e: {  	vm15 =	veq.f32 v61, $0.0e+00;
	v0 =	vsel vm14, v0, v29;
	[tilespmem:s22+$0x40] =	vst v1  }
0x43f: {  	v63 =	vsel vm15, v62, v61;
	[tilespmem:s22+$0x50] =	vst v0  }
0x440: {  	[tilespmem:s22+$0x60] =	vst v63  }
0x441: {  	p0 =	seq.s32 s21, s18  }
.Ltmp7:
0x442: {  	_ = 	snop;
	(pc) =	sbr.rel @!p0 .LBB2_7-.Ltmp7, $4  }
.Ltmp8:
0x443: {  	_ = 	snop;
	(pc) =	sbr.rel @p0 .LBB2_10-.Ltmp8, $4  }
0x444: {  	_ = 	snop  }
0x445: {  	_ = 	snop  }
0x446: {  	_ = 	snop  }
0x447: {  	_ = 	snop  }
.LBB2_12:
0x448: {  	_ =	sfence.sel $0x180000  }
0x449: {  	[bflag:$0x0] =	sbarrier.arrive $0xFFFF  }
0x44a: {  	_ =	strace $0x90000047  }
0x44b: {  	s0 =	stileid.u32;
	[bflag:$0x2] =	sbarrier.arrive $0xFFFF  }
0x44c: {  	p0 =	sne.s32 s0, $0x0;
	s0 =	rddreg [dreg:$0x4]  }
0x44d: {  	s0 =	sadd.s32 @!p0 $0x100000, s0  }
0x44e: {  	[sflag:s0] =	ssyncadd.tile.s32 @!p0 $0x1;
	_ =	shalt  }
.Lfunc_end2:
_tile_overlayer_lowered:
.L_overlay_start_2:
0x44f: {  	(tag) =	ssettag $0x2  }
0x450: {  	s0 =	rddreg [dreg:$0x0];
	s2 =	stileid.u32  }
0x451: {  	s1 =	rddreg [dreg:$0x1];
	p0 =	sne.s32 s2, $0x0  }
0x452: {  	s3 =	rddreg [dreg:$0x2];
	[bflag:$0x3] =	sbarrier.arrive $0xFFFF;
	s2 =	simm.s32 @!p0 $0x1C07  }
0x453: {  	[timem:s3], [sflag:s2] =	dma.local @!p0 [hbm:s0], s1  }
0x454: {  	s0 =	simm.s32 @!p0 $0x7  }
0x455: {  	_ =	swait.ge @!p0 [sflag:s0], s1  }
0x456: {  	s1 =	ssub.s32 @!p0 $0x0, s1;
	[sflag:s0] =	ssyncset.done @!p0 $0x0  }
0x457: {  	[sflag:s0] =	ssyncadd.s32 @!p0 s1  }
0x458: {  	[bflag:$0x3] =	sbarrier.arrive $0xFFFF  }
0x459: {  	_ =	shalt  }

</sc_bundles>
